<compile_context>
chip_gen: v7x
topology: tpu7x:2x2x1
jax: 0.10.2.dev20260603
libtpu: 0.0.44.dev20260713+nightly
codegen_flags: <defaults>
</compile_context>

<pallas_src>
import functools

import jax
import jax.numpy as jnp
from jax import lax
from jax.experimental import pallas as pl
from jax.experimental.pallas import tpu as pltpu
from jax.experimental.pallas import tpu_sc as plsc

N = 100000
D = 128
H = 64
G = 1000

NTILES = 16
CHUNK = 6272
NP = NTILES * CHUNK
NVEC = CHUNK // 16
GP = 1024
ROWS = GP // 16

MLP_BLK = 2048
MLP_GRID = NP // MLP_BLK


def _mlp_body(x_ref, w1_ref, b1_ref, w2_ref, b2_ref, whaT_ref, bhaT_ref,
              ha_ref):
    xb = x_ref[...]
    h1 = jnp.maximum(
        jnp.dot(xb, w1_ref[...], preferred_element_type=jnp.float32)
        + b1_ref[...], 0.0)
    h2 = jnp.maximum(
        jnp.dot(h1, w2_ref[...], preferred_element_type=jnp.float32)
        + b2_ref[...], 0.0)
    haT = lax.dot_general(
        whaT_ref[...], h2, (((1,), (1,)), ((), ())),
        preferred_element_type=jnp.float32) + bhaT_ref[...]
    ha_ref[...] = haT


def _run_mlp(x, W1, b1, W2, b2, WhaT, bhaT):
    full = lambda s: pl.BlockSpec(s, lambda i: (0, 0))
    return pl.pallas_call(
        _mlp_body,
        grid=(MLP_GRID,),
        in_specs=[
            pl.BlockSpec((MLP_BLK, D), lambda i: (i, 0)),
            full((D, H)),
            full((1, H)),
            full((H, H)),
            full((1, H)),
            full((2, H)),
            full((2, 1)),
        ],
        out_specs=pl.BlockSpec((2, MLP_BLK), lambda i: (0, i)),
        out_shape=jax.ShapeDtypeStruct((2, NP), jnp.float32),
    )(x, W1, b1, W2, b2, WhaT, bhaT)


def _combine(sRow, sComb, tmp, slice128, slot):
    for r in range(NTILES):
        pltpu.sync_copy(sRow.at[pl.ds(GP * r + 128 * slot, 128)],
                        tmp.at[pl.ds(128 * r, 128)])
    for v in range(8):
        acc = tmp[pl.ds(16 * v, 16)]
        for r in range(1, NTILES):
            acc = acc + tmp[pl.ds(128 * r + 16 * v, 16)]
        slice128[pl.ds(16 * v, 16)] = acc
    pltpu.sync_copy(slice128, sComb.at[pl.ds(128 * slot, 128)])


def _seg_body(h_hbm, aug_hbm, deg_hbm, b_hbm, out_hbm,
              hb, eb, augb, degb, bb, deltab,
              E, Hs, C, Dl, Ef, Hf, Cf, Df,
              Lb, Bb, tmp, slice128,
              sE, sH, sC, sD, sEc, sHc, sCc, sDc):
    wid = lax.axis_index("s")
    base = wid * CHUNK

    zeros16 = jnp.zeros((16,), jnp.float32)
    ones16 = jnp.full((16,), 1.0, jnp.float32)
    iota16 = lax.iota(jnp.int32, 16)

    pltpu.sync_copy(h_hbm.at[pl.ds(base, CHUNK)], hb)
    pltpu.sync_copy(aug_hbm.at[pl.ds(base, CHUNK)], augb)
    pltpu.sync_copy(deg_hbm.at[pl.ds(base, CHUNK)], degb)
    pltpu.sync_copy(b_hbm.at[pl.ds(base, CHUNK)], bb)

    def zloop(r, _):
        s = r * 16
        E[pl.ds(s, 16)] = zeros16
        Hs[pl.ds(s, 16)] = zeros16
        C[pl.ds(s, 16)] = zeros16
        Dl[pl.ds(s, 16)] = zeros16
        return 0
    lax.fori_loop(0, ROWS, zloop, 0)

    def passa(i, _):
        s = i * 16
        b = bb[pl.ds(s, 16)]
        hv = hb[pl.ds(s, 16)]
        ev = jnp.exp(hv / 5.0)
        eb[pl.ds(s, 16)] = ev
        plsc.addupdate_scatter(E, [b], ev)
        plsc.addupdate_scatter(Hs, [b], hv)
        plsc.addupdate_scatter(C, [b], ones16)
        return 0
    lax.fori_loop(0, NVEC, passa, 0)

    pltpu.sync_copy(E, sE.at[pl.ds(GP * wid, GP)])
    pltpu.sync_copy(Hs, sH.at[pl.ds(GP * wid, GP)])
    pltpu.sync_copy(C, sC.at[pl.ds(GP * wid, GP)])
    plsc.subcore_barrier()

    @pl.when(wid < 8)
    def _():
        _combine(sE, sEc, tmp, slice128, wid)
        _combine(sC, sCc, tmp, slice128, wid)

    @pl.when(wid >= 8)
    def _():
        _combine(sH, sHc, tmp, slice128, wid - 8)

    plsc.subcore_barrier()
    pltpu.sync_copy(sEc, Ef)
    pltpu.sync_copy(sHc, Hf)
    pltpu.sync_copy(sCc, Cf)

    def passb(i, _):
        s = i * 16
        b = bb[pl.ds(s, 16)]
        hp = plsc.load_gather(Hf, [b])
        delta = jnp.abs(hp - augb[pl.ds(s, 16)]) / (degb[pl.ds(s, 16)] + 1.0)
        deltab[pl.ds(s, 16)] = delta
        plsc.addupdate_scatter(Dl, [b], delta)
        return 0
    lax.fori_loop(0, NVEC, passb, 0)

    pltpu.sync_copy(Dl, sD.at[pl.ds(GP * wid, GP)])
    plsc.subcore_barrier()

    @pl.when(wid < 8)
    def _():
        _combine(sD, sDc, tmp, slice128, wid)

    plsc.subcore_barrier()
    pltpu.sync_copy(sDc, Df)

    def passc(i, _):
        s = i * 16
        b = bb[pl.ds(s, 16)]
        Ev = plsc.load_gather(Ef, [b])
        Cv = plsc.load_gather(Cf, [b])
        Dv = plsc.load_gather(Df, [b])
        Lv = eb[pl.ds(s, 16)] / Ev
        avg = Dv / jnp.maximum(Cv, 1.0)
        delta = deltab[pl.ds(s, 16)]
        Lb[pl.ds(s, 16)] = Lv
        Bb[pl.ds(s, 16)] = jnp.where(delta >= avg, 1.0, 0.0)
        return 0
    lax.fori_loop(0, NVEC, passc, 0)

    pltpu.sync_copy(Lb, out_hbm.at[0, pl.ds(base, CHUNK)])
    pltpu.sync_copy(Bb, out_hbm.at[1, pl.ds(base, CHUNK)])


def _run_seg(h, aug, deg, b32):
    mesh = plsc.VectorSubcoreMesh(
        core_axis_name="c", subcore_axis_name="s", num_cores=1)
    f32 = jnp.float32
    kern = functools.partial(
        pl.kernel,
        out_type=jax.ShapeDtypeStruct((2, NP), f32),
        mesh=mesh,
        compiler_params=pltpu.CompilerParams(
            needs_layout_passes=False, use_tc_tiling_on_sc=False),
        scratch_types=[
            pltpu.VMEM((CHUNK,), f32),
            pltpu.VMEM((CHUNK,), f32),
            pltpu.VMEM((CHUNK,), f32),
            pltpu.VMEM((CHUNK,), f32),
            pltpu.VMEM((CHUNK,), jnp.int32),
            pltpu.VMEM((CHUNK,), f32),
            pltpu.VMEM((GP,), f32),
            pltpu.VMEM((GP,), f32),
            pltpu.VMEM((GP,), f32),
            pltpu.VMEM((GP,), f32),
            pltpu.VMEM((GP,), f32),
            pltpu.VMEM((GP,), f32),
            pltpu.VMEM((GP,), f32),
            pltpu.VMEM((GP,), f32),
            pltpu.VMEM((CHUNK,), f32),
            pltpu.VMEM((CHUNK,), f32),
            pltpu.VMEM((NTILES * 128,), f32),
            pltpu.VMEM((128,), f32),
            pltpu.VMEM_SHARED((NTILES * GP,), f32),
            pltpu.VMEM_SHARED((NTILES * GP,), f32),
            pltpu.VMEM_SHARED((NTILES * GP,), f32),
            pltpu.VMEM_SHARED((NTILES * GP,), f32),
            pltpu.VMEM_SHARED((GP,), f32),
            pltpu.VMEM_SHARED((GP,), f32),
            pltpu.VMEM_SHARED((GP,), f32),
            pltpu.VMEM_SHARED((GP,), f32),
        ],
    )(_seg_body)
    return kern(h, aug, deg, b32)


def kernel(x, batch, degree, W1, b1, W2, b2, Wh, bh, Wa, ba):
    WhaT = jnp.concatenate([Wh, Wa], axis=1).T
    bhaT = jnp.concatenate([bh, ba]).reshape(2, 1)
    ha = _run_mlp(x, W1, b1.reshape(1, H), W2, b2.reshape(1, H),
                  WhaT, bhaT)
    pad = NP - N
    b32 = jnp.pad(batch.astype(jnp.int32), (0, pad), constant_values=G)
    degp = jnp.pad(degree, (0, pad))
    out = _run_seg(ha[0], ha[1], degp, b32)
    return out[:, :N].T

# --- scband reference (transcript-rebuilt; emitter-appended) ---
"""Pipeline reference for scband-generator-72069551227427 (READ-ONLY COPY).

The authoritative reference and input builder live on the scoring server;
editing this copy changes nothing except your own understanding.
"""

import jax, jax.numpy as jnp
import numpy as np

N = 100000
D = 128
H = 64
G = 1000


def _xavier(key, fan_in, fan_out):
    s = (6.0 / (fan_in + fan_out)) ** 0.5
    return jax.random.uniform(key, (fan_in, fan_out), minval=-s, maxval=s, dtype=jnp.float32)


def setup_inputs(seed: int = 0) -> dict:
    key = jax.random.key(seed)
    ks = jax.random.split(key, 8)
    x = jax.random.normal(ks[0], (N, D), dtype=jnp.float32)
    batch = jnp.sort(jax.random.randint(ks[1], (N,), 0, G)).astype(jnp.int64)
    degree = jax.random.uniform(ks[2], (N,), dtype=jnp.float32) * 10.0
    W1 = _xavier(ks[3], D, H)
    b1 = jnp.zeros((H,), dtype=jnp.float32)
    W2 = _xavier(ks[4], H, H)
    b2 = jnp.zeros((H,), dtype=jnp.float32)
    Wh = _xavier(ks[5], H, 1)
    bh = jnp.zeros((1,), dtype=jnp.float32)
    Wa = _xavier(ks[6], H, 1)
    ba = jnp.zeros((1,), dtype=jnp.float32)
    return {"x": x, "batch": batch, "degree": degree, "W1": W1, "b1": b1, "W2": W2, "b2": b2, "Wh": Wh, "bh": bh, "Wa": Wa, "ba": ba}


def _segment_softmax(v, seg, num_segments):
    m = jax.ops.segment_max(v, seg, num_segments=num_segments)
    m = jnp.where(jnp.isfinite(m), m, 0.0)
    e = jnp.exp(v - m[seg])
    s = jax.ops.segment_sum(e, seg, num_segments=num_segments)
    return e / s[seg]


def reference(x, batch, degree, W1, b1, W2, b2, Wh, bh, Wa, ba):
    # Explainer encoder (3-layer MLP) producing per-node scalar h and augmented score aug_h
    h1 = jax.nn.relu(x @ W1 + b1)
    h2 = jax.nn.relu(h1 @ W2 + b2)
    h = h2 @ Wh + bh        # [N, 1]
    aug_h = h2 @ Wa + ba    # [N, 1]
    # Node_Lipschitz
    L = _segment_softmax(h / 5.0, batch, G)                       # softmax(h/5, batch)
    hp = jax.ops.segment_sum(h, batch, num_segments=G)            # global_add_pool -> [G, 1]
    hp = hp.reshape(-1)                                           # [G]
    aug = jnp.squeeze(aug_h)                                      # [N]
    delta_h = jnp.abs(hp[batch] - aug) / (degree + 1.0)           # [N]
    counts = jax.ops.segment_sum(jnp.ones((N, 1), dtype=jnp.float32), batch, num_segments=G)
    sums = jax.ops.segment_sum(delta_h.reshape(-1, 1), batch, num_segments=G)
    avg_delta_h = (sums / jnp.maximum(counts, 1.0)).reshape(-1)   # global_mean_pool -> [G]
    bool_L = (delta_h >= avg_delta_h[batch]).astype(jnp.float32).reshape(-1, 1)
    return jnp.concatenate([L, bool_L], axis=1)                   # [N, 2]

if __name__ == "__main__":
    import jax
    _d = setup_inputs()
    print(jax.jit(kernel)(*tuple(_d.values())))

</pallas_src>

<mosaic_0001>
#map = affine_map<(d0, d1) -> (0)>
#map1 = affine_map<(d0, d1) -> (0, 0)>
module attributes {stable_mosaic.version = 14 : i64} {
  func.func @_seg_body(%arg0: i32, %arg1: i32, %arg2: memref<100352xf32, #tpu.memory_space<hbm>>, %arg3: memref<100352xf32, #tpu.memory_space<hbm>>, %arg4: memref<100352xf32, #tpu.memory_space<hbm>>, %arg5: memref<100352xi32, #tpu.memory_space<hbm>>, %arg6: memref<2x100352xf32, #tpu.memory_space<hbm>>, %arg7: memref<6272xf32, #tpu.memory_space<vmem>>, %arg8: memref<6272xf32, #tpu.memory_space<vmem>>, %arg9: memref<6272xf32, #tpu.memory_space<vmem>>, %arg10: memref<6272xf32, #tpu.memory_space<vmem>>, %arg11: memref<6272xi32, #tpu.memory_space<vmem>>, %arg12: memref<6272xf32, #tpu.memory_space<vmem>>, %arg13: memref<1024xf32, #tpu.memory_space<vmem>>, %arg14: memref<1024xf32, #tpu.memory_space<vmem>>, %arg15: memref<1024xf32, #tpu.memory_space<vmem>>, %arg16: memref<1024xf32, #tpu.memory_space<vmem>>, %arg17: memref<1024xf32, #tpu.memory_space<vmem>>, %arg18: memref<1024xf32, #tpu.memory_space<vmem>>, %arg19: memref<1024xf32, #tpu.memory_space<vmem>>, %arg20: memref<1024xf32, #tpu.memory_space<vmem>>, %arg21: memref<6272xf32, #tpu.memory_space<vmem>>, %arg22: memref<6272xf32, #tpu.memory_space<vmem>>, %arg23: memref<2048xf32, #tpu.memory_space<vmem>>, %arg24: memref<128xf32, #tpu.memory_space<vmem>>, %arg25: memref<16384xf32, #tpu.memory_space<vmem_shared>>, %arg26: memref<16384xf32, #tpu.memory_space<vmem_shared>>, %arg27: memref<16384xf32, #tpu.memory_space<vmem_shared>>, %arg28: memref<16384xf32, #tpu.memory_space<vmem_shared>>, %arg29: memref<1024xf32, #tpu.memory_space<vmem_shared>>, %arg30: memref<1024xf32, #tpu.memory_space<vmem_shared>>, %arg31: memref<1024xf32, #tpu.memory_space<vmem_shared>>, %arg32: memref<1024xf32, #tpu.memory_space<vmem_shared>>) attributes {dimension_semantics = [#tpu.dimension_semantics<core_parallel>, #tpu.dimension_semantics<subcore_parallel>], iteration_bounds = array<i64: 1, 16>, scalar_prefetch = 0 : i64, scratch_operands = 26 : i64, tpu.core_type = #tpu.core_type<sc_vector_subcore>, window_params = [{transform_indices = #map}, {transform_indices = #map}, {transform_indices = #map}, {transform_indices = #map}, {transform_indices = #map1}]} {
    %mul3A = arith.constant 6272 : i32
    %mul3A_0 = arith.muli %arg1, %mul3A : i32
    %broadcast_in_dim3A = arith.constant 0.000000e+00 : f32
    %broadcast_in_dim3A_1 = vector.broadcast %broadcast_in_dim3A : f32 to vector<16xf32>
    %broadcast_in_dim3A_2 = arith.constant 1.000000e+00 : f32
    %broadcast_in_dim3A_3 = vector.broadcast %broadcast_in_dim3A_2 : f32 to vector<16xf32>
    %iota3A = tpu.iota {dimensions = array<i32: 0>} : vector<16xi32>
    "tpu.region"() ({
      %run_scoped3A_54 = tpu.sem_alloc : memref<!tpu.dma_semaphore, #tpu.memory_space<semaphore_mem>>
      %dma_start3A = tpu.memref_slice %arg2[%mul3A_0] : memref<100352xf32, #tpu.memory_space<hbm>> -> memref<6272xf32, #tpu.memory_space<hbm>>
      %dma_start3A_55 = tpu.memref_slice %arg2[%mul3A_0] : memref<100352xf32, #tpu.memory_space<hbm>> -> memref<6272xf32, #tpu.memory_space<hbm>>
      tpu.enqueue_dma source(%dma_start3A_55 : memref<6272xf32, #tpu.memory_space<hbm>>) target(%arg7 : memref<6272xf32, #tpu.memory_space<vmem>>) target_semaphore(%run_scoped3A_54 : memref<!tpu.dma_semaphore, #tpu.memory_space<semaphore_mem>>)
      %dma_wait3A = tpu.memref_slice %arg2[%mul3A_0] : memref<100352xf32, #tpu.memory_space<hbm>> -> memref<6272xf32, #tpu.memory_space<hbm>>
      %dma_wait3A_56 = tpu.memref_slice %arg2[%mul3A_0] : memref<100352xf32, #tpu.memory_space<hbm>> -> memref<6272xf32, #tpu.memory_space<hbm>>
      tpu.wait_dma2 semaphore(%run_scoped3A_54 : memref<!tpu.dma_semaphore, #tpu.memory_space<semaphore_mem>>) src(%dma_wait3A_56 : memref<6272xf32, #tpu.memory_space<hbm>>) dst(%arg7 : memref<6272xf32, #tpu.memory_space<vmem>>)
      tpu.yield
    }) : () -> ()
    "tpu.region"() ({
      %run_scoped3A_54 = tpu.sem_alloc : memref<!tpu.dma_semaphore, #tpu.memory_space<semaphore_mem>>
      %dma_start3A = tpu.memref_slice %arg3[%mul3A_0] : memref<100352xf32, #tpu.memory_space<hbm>> -> memref<6272xf32, #tpu.memory_space<hbm>>
      %dma_start3A_55 = tpu.memref_slice %arg3[%mul3A_0] : memref<100352xf32, #tpu.memory_space<hbm>> -> memref<6272xf32, #tpu.memory_space<hbm>>
      tpu.enqueue_dma source(%dma_start3A_55 : memref<6272xf32, #tpu.memory_space<hbm>>) target(%arg9 : memref<6272xf32, #tpu.memory_space<vmem>>) target_semaphore(%run_scoped3A_54 : memref<!tpu.dma_semaphore, #tpu.memory_space<semaphore_mem>>)
      %dma_wait3A = tpu.memref_slice %arg3[%mul3A_0] : memref<100352xf32, #tpu.memory_space<hbm>> -> memref<6272xf32, #tpu.memory_space<hbm>>
      %dma_wait3A_56 = tpu.memref_slice %arg3[%mul3A_0] : memref<100352xf32, #tpu.memory_space<hbm>> -> memref<6272xf32, #tpu.memory_space<hbm>>
      tpu.wait_dma2 semaphore(%run_scoped3A_54 : memref<!tpu.dma_semaphore, #tpu.memory_space<semaphore_mem>>) src(%dma_wait3A_56 : memref<6272xf32, #tpu.memory_space<hbm>>) dst(%arg9 : memref<6272xf32, #tpu.memory_space<vmem>>)
      tpu.yield
    }) : () -> ()
    "tpu.region"() ({
      %run_scoped3A_54 = tpu.sem_alloc : memref<!tpu.dma_semaphore, #tpu.memory_space<semaphore_mem>>
      %dma_start3A = tpu.memref_slice %arg4[%mul3A_0] : memref<100352xf32, #tpu.memory_space<hbm>> -> memref<6272xf32, #tpu.memory_space<hbm>>
      %dma_start3A_55 = tpu.memref_slice %arg4[%mul3A_0] : memref<100352xf32, #tpu.memory_space<hbm>> -> memref<6272xf32, #tpu.memory_space<hbm>>
      tpu.enqueue_dma source(%dma_start3A_55 : memref<6272xf32, #tpu.memory_space<hbm>>) target(%arg10 : memref<6272xf32, #tpu.memory_space<vmem>>) target_semaphore(%run_scoped3A_54 : memref<!tpu.dma_semaphore, #tpu.memory_space<semaphore_mem>>)
      %dma_wait3A = tpu.memref_slice %arg4[%mul3A_0] : memref<100352xf32, #tpu.memory_space<hbm>> -> memref<6272xf32, #tpu.memory_space<hbm>>
      %dma_wait3A_56 = tpu.memref_slice %arg4[%mul3A_0] : memref<100352xf32, #tpu.memory_space<hbm>> -> memref<6272xf32, #tpu.memory_space<hbm>>
      tpu.wait_dma2 semaphore(%run_scoped3A_54 : memref<!tpu.dma_semaphore, #tpu.memory_space<semaphore_mem>>) src(%dma_wait3A_56 : memref<6272xf32, #tpu.memory_space<hbm>>) dst(%arg10 : memref<6272xf32, #tpu.memory_space<vmem>>)
      tpu.yield
    }) : () -> ()
    "tpu.region"() ({
      %run_scoped3A_54 = tpu.sem_alloc : memref<!tpu.dma_semaphore, #tpu.memory_space<semaphore_mem>>
      %dma_start3A = tpu.memref_slice %arg5[%mul3A_0] : memref<100352xi32, #tpu.memory_space<hbm>> -> memref<6272xi32, #tpu.memory_space<hbm>>
      %dma_start3A_55 = tpu.memref_slice %arg5[%mul3A_0] : memref<100352xi32, #tpu.memory_space<hbm>> -> memref<6272xi32, #tpu.memory_space<hbm>>
      tpu.enqueue_dma source(%dma_start3A_55 : memref<6272xi32, #tpu.memory_space<hbm>>) target(%arg11 : memref<6272xi32, #tpu.memory_space<vmem>>) target_semaphore(%run_scoped3A_54 : memref<!tpu.dma_semaphore, #tpu.memory_space<semaphore_mem>>)
      %dma_wait3A = tpu.memref_slice %arg5[%mul3A_0] : memref<100352xi32, #tpu.memory_space<hbm>> -> memref<6272xi32, #tpu.memory_space<hbm>>
      %dma_wait3A_56 = tpu.memref_slice %arg5[%mul3A_0] : memref<100352xi32, #tpu.memory_space<hbm>> -> memref<6272xi32, #tpu.memory_space<hbm>>
      tpu.wait_dma2 semaphore(%run_scoped3A_54 : memref<!tpu.dma_semaphore, #tpu.memory_space<semaphore_mem>>) src(%dma_wait3A_56 : memref<6272xi32, #tpu.memory_space<hbm>>) dst(%arg11 : memref<6272xi32, #tpu.memory_space<vmem>>)
      tpu.yield
    }) : () -> ()
    %scan3A = arith.constant 0 : i32
    %scan3A_4 = arith.constant 0 : i32
    %scan3A_5 = arith.constant 64 : i32
    %scan3A_6 = arith.addi %scan3A_4, %scan3A_5 : i32
    %scan3A_7 = arith.constant 1 : i32
    %scan3A_8 = scf.for %scan3A_54 = %scan3A_4 to %scan3A_6 step %scan3A_7 iter_args(%scan3A_55 = %scan3A) -> (i32)  : i32 {
      %mul3A_56 = arith.constant 16 : i32
      %mul3A_57 = arith.muli %scan3A_54, %mul3A_56 : i32
      %swap3A = arith.index_cast %mul3A_57 : i32 to index
      %swap3A_58 = tpu.vector_load %arg13[%swap3A] {strides = array<i32>} : memref<1024xf32, #tpu.memory_space<vmem>>, vector<16xf32>,
      tpu.vector_store %arg13[%swap3A], %broadcast_in_dim3A_1 {strides = array<i32>} : memref<1024xf32, #tpu.memory_space<vmem>>, vector<16xf32>,
      %swap3A_59 = arith.index_cast %mul3A_57 : i32 to index
      %swap3A_60 = tpu.vector_load %arg14[%swap3A_59] {strides = array<i32>} : memref<1024xf32, #tpu.memory_space<vmem>>, vector<16xf32>,
      tpu.vector_store %arg14[%swap3A_59], %broadcast_in_dim3A_1 {strides = array<i32>} : memref<1024xf32, #tpu.memory_space<vmem>>, vector<16xf32>,
      %swap3A_61 = arith.index_cast %mul3A_57 : i32 to index
      %swap3A_62 = tpu.vector_load %arg15[%swap3A_61] {strides = array<i32>} : memref<1024xf32, #tpu.memory_space<vmem>>, vector<16xf32>,
      tpu.vector_store %arg15[%swap3A_61], %broadcast_in_dim3A_1 {strides = array<i32>} : memref<1024xf32, #tpu.memory_space<vmem>>, vector<16xf32>,
      %swap3A_63 = arith.index_cast %mul3A_57 : i32 to index
      %swap3A_64 = tpu.vector_load %arg16[%swap3A_63] {strides = array<i32>} : memref<1024xf32, #tpu.memory_space<vmem>>, vector<16xf32>,
      tpu.vector_store %arg16[%swap3A_63], %broadcast_in_dim3A_1 {strides = array<i32>} : memref<1024xf32, #tpu.memory_space<vmem>>, vector<16xf32>,
      %scan3A_65 = arith.constant 0 : i32
      scf.yield %scan3A_65 : i32
    }
    %scan3A_9 = arith.constant 64 : i32
    %scan3A_10 = arith.constant 0 : i32
    %scan3A_11 = arith.constant 0 : i32
    %scan3A_12 = arith.constant 392 : i32
    %scan3A_13 = arith.addi %scan3A_11, %scan3A_12 : i32
    %scan3A_14 = arith.constant 1 : i32
    %scan3A_15 = scf.for %scan3A_54 = %scan3A_11 to %scan3A_13 step %scan3A_14 iter_args(%scan3A_55 = %scan3A_10) -> (i32)  : i32 {
      %mul3A_56 = arith.constant 16 : i32
      %mul3A_57 = arith.muli %scan3A_54, %mul3A_56 : i32
      %get3A = arith.index_cast %mul3A_57 : i32 to index
      %get3A_58 = tpu.vector_load %arg11[%get3A] {strides = array<i32>} : memref<6272xi32, #tpu.memory_space<vmem>>, vector<16xi32>,
      %get3A_59 = arith.index_cast %mul3A_57 : i32 to index
      %get3A_60 = tpu.vector_load %arg7[%get3A_59] {strides = array<i32>} : memref<6272xf32, #tpu.memory_space<vmem>>, vector<16xf32>,
      %div3A = arith.constant 5.000000e+00 : f32
      %div3A_61 = vector.broadcast %div3A : f32 to vector<16xf32>
      %div3A_62 = arith.divf %get3A_60, %div3A_61 : vector<16xf32>
      %exp3A = math.exp %div3A_62 : vector<16xf32>
      %swap3A = arith.index_cast %mul3A_57 : i32 to index
      %swap3A_63 = tpu.vector_load %arg8[%swap3A] {strides = array<i32>} : memref<6272xf32, #tpu.memory_space<vmem>>, vector<16xf32>,
      tpu.vector_store %arg8[%swap3A], %exp3A {strides = array<i32>} : memref<6272xf32, #tpu.memory_space<vmem>>, vector<16xf32>,
      tpu.vector_store_idx %arg13[%get3A_58], %exp3A {add = true} : memref<1024xf32, #tpu.memory_space<vmem>>[vector<16xi32>], vector<16xf32>,
      tpu.vector_store_idx %arg14[%get3A_58], %get3A_60 {add = true} : memref<1024xf32, #tpu.memory_space<vmem>>[vector<16xi32>], vector<16xf32>,
      tpu.vector_store_idx %arg15[%get3A_58], %broadcast_in_dim3A_3 {add = true} : memref<1024xf32, #tpu.memory_space<vmem>>[vector<16xi32>], vector<16xf32>,
      %scan3A_64 = arith.constant 0 : i32
      scf.yield %scan3A_64 : i32
    }
    %scan3A_16 = arith.constant 392 : i32
    %mul3A_17 = arith.constant 1024 : i32
    %mul3A_18 = arith.muli %mul3A_17, %arg1 : i32
    "tpu.region"() ({
      %run_scoped3A_54 = tpu.sem_alloc : memref<!tpu.dma_semaphore, #tpu.memory_space<semaphore_mem>>
      %dma_start3A = tpu.memref_slice %arg25[%mul3A_18] : memref<16384xf32, #tpu.memory_space<vmem_shared>> -> memref<1024xf32, #tpu.memory_space<vmem_shared>>
      %dma_start3A_55 = tpu.memref_slice %arg25[%mul3A_18] : memref<16384xf32, #tpu.memory_space<vmem_shared>> -> memref<1024xf32, #tpu.memory_space<vmem_shared>>
      tpu.enqueue_dma source(%arg13 : memref<1024xf32, #tpu.memory_space<vmem>>) target(%dma_start3A_55 : memref<1024xf32, #tpu.memory_space<vmem_shared>>) target_semaphore(%run_scoped3A_54 : memref<!tpu.dma_semaphore, #tpu.memory_space<semaphore_mem>>)
      %dma_wait3A = tpu.memref_slice %arg25[%mul3A_18] : memref<16384xf32, #tpu.memory_space<vmem_shared>> -> memref<1024xf32, #tpu.memory_space<vmem_shared>>
      %dma_wait3A_56 = tpu.memref_slice %arg25[%mul3A_18] : memref<16384xf32, #tpu.memory_space<vmem_shared>> -> memref<1024xf32, #tpu.memory_space<vmem_shared>>
      tpu.wait_dma2 semaphore(%run_scoped3A_54 : memref<!tpu.dma_semaphore, #tpu.memory_space<semaphore_mem>>) src(%arg13 : memref<1024xf32, #tpu.memory_space<vmem>>) dst(%dma_wait3A_56 : memref<1024xf32, #tpu.memory_space<vmem_shared>>)
      tpu.yield
    }) : () -> ()
    %mul3A_19 = arith.constant 1024 : i32
    %mul3A_20 = arith.muli %mul3A_19, %arg1 : i32
    "tpu.region"() ({
      %run_scoped3A_54 = tpu.sem_alloc : memref<!tpu.dma_semaphore, #tpu.memory_space<semaphore_mem>>
      %dma_start3A = tpu.memref_slice %arg26[%mul3A_20] : memref<16384xf32, #tpu.memory_space<vmem_shared>> -> memref<1024xf32, #tpu.memory_space<vmem_shared>>
      %dma_start3A_55 = tpu.memref_slice %arg26[%mul3A_20] : memref<16384xf32, #tpu.memory_space<vmem_shared>> -> memref<1024xf32, #tpu.memory_space<vmem_shared>>
      tpu.enqueue_dma source(%arg14 : memref<1024xf32, #tpu.memory_space<vmem>>) target(%dma_start3A_55 : memref<1024xf32, #tpu.memory_space<vmem_shared>>) target_semaphore(%run_scoped3A_54 : memref<!tpu.dma_semaphore, #tpu.memory_space<semaphore_mem>>)
      %dma_wait3A = tpu.memref_slice %arg26[%mul3A_20] : memref<16384xf32, #tpu.memory_space<vmem_shared>> -> memref<1024xf32, #tpu.memory_space<vmem_shared>>
      %dma_wait3A_56 = tpu.memref_slice %arg26[%mul3A_20] : memref<16384xf32, #tpu.memory_space<vmem_shared>> -> memref<1024xf32, #tpu.memory_space<vmem_shared>>
      tpu.wait_dma2 semaphore(%run_scoped3A_54 : memref<!tpu.dma_semaphore, #tpu.memory_space<semaphore_mem>>) src(%arg14 : memref<1024xf32, #tpu.memory_space<vmem>>) dst(%dma_wait3A_56 : memref<1024xf32, #tpu.memory_space<vmem_shared>>)
      tpu.yield
    }) : () -> ()
    %mul3A_21 = arith.constant 1024 : i32
    %mul3A_22 = arith.muli %mul3A_21, %arg1 : i32
    "tpu.region"() ({
      %run_scoped3A_54 = tpu.sem_alloc : memref<!tpu.dma_semaphore, #tpu.memory_space<semaphore_mem>>
      %dma_start3A = tpu.memref_slice %arg27[%mul3A_22] : memref<16384xf32, #tpu.memory_space<vmem_shared>> -> memref<1024xf32, #tpu.memory_space<vmem_shared>>
      %dma_start3A_55 = tpu.memref_slice %arg27[%mul3A_22] : memref<16384xf32, #tpu.memory_space<vmem_shared>> -> memref<1024xf32, #tpu.memory_space<vmem_shared>>
      tpu.enqueue_dma source(%arg15 : memref<1024xf32, #tpu.memory_space<vmem>>) target(%dma_start3A_55 : memref<1024xf32, #tpu.memory_space<vmem_shared>>) target_semaphore(%run_scoped3A_54 : memref<!tpu.dma_semaphore, #tpu.memory_space<semaphore_mem>>)
      %dma_wait3A = tpu.memref_slice %arg27[%mul3A_22] : memref<16384xf32, #tpu.memory_space<vmem_shared>> -> memref<1024xf32, #tpu.memory_space<vmem_shared>>
      %dma_wait3A_56 = tpu.memref_slice %arg27[%mul3A_22] : memref<16384xf32, #tpu.memory_space<vmem_shared>> -> memref<1024xf32, #tpu.memory_space<vmem_shared>>
      tpu.wait_dma2 semaphore(%run_scoped3A_54 : memref<!tpu.dma_semaphore, #tpu.memory_space<semaphore_mem>>) src(%arg15 : memref<1024xf32, #tpu.memory_space<vmem>>) dst(%dma_wait3A_56 : memref<1024xf32, #tpu.memory_space<vmem_shared>>)
      tpu.yield
    }) : () -> ()
    %barrier3A = arith.constant 0 : index
    tpu.barrier barrier_id(%barrier3A)
    %lt3A = arith.constant 8 : i32
    %lt3A_23 = arith.cmpi slt, %arg1, %lt3A : i32
    %convert_element_type3A = arith.extui %lt3A_23 : i1 to i32
    %cond3A = arith.constant 0 : i32
    %cond3A_24 = arith.cmpi ne, %convert_element_type3A, %cond3A : i32
    scf.if %cond3A_24 {
      %mul3A_54 = arith.constant 128 : i32
      %mul3A_55 = arith.muli %mul3A_54, %arg1 : i32
      %add3A = arith.constant 0 : i32
      %add3A_56 = arith.addi %add3A, %mul3A_55 : i32
      "tpu.region"() ({
        %run_scoped3A_967 = tpu.sem_alloc : memref<!tpu.dma_semaphore, #tpu.memory_space<semaphore_mem>>
        %dma_start3A = arith.constant 0 : i32
        %dma_start3A_968 = tpu.memref_slice %arg23[%dma_start3A] : memref<2048xf32, #tpu.memory_space<vmem>> -> memref<128xf32, #tpu.memory_space<vmem>>
        %dma_start3A_969 = tpu.memref_slice %arg25[%add3A_56] : memref<16384xf32, #tpu.memory_space<vmem_shared>> -> memref<128xf32, #tpu.memory_space<vmem_shared>>
        %dma_start3A_970 = arith.constant 0 : i32
        %dma_start3A_971 = tpu.memref_slice %arg23[%dma_start3A_970] : memref<2048xf32, #tpu.memory_space<vmem>> -> memref<128xf32, #tpu.memory_space<vmem>>
        %dma_start3A_972 = tpu.memref_slice %arg25[%add3A_56] : memref<16384xf32, #tpu.memory_space<vmem_shared>> -> memref<128xf32, #tpu.memory_space<vmem_shared>>
        tpu.enqueue_dma source(%dma_start3A_972 : memref<128xf32, #tpu.memory_space<vmem_shared>>) target(%dma_start3A_971 : memref<128xf32, #tpu.memory_space<vmem>>) target_semaphore(%run_scoped3A_967 : memref<!tpu.dma_semaphore, #tpu.memory_space<semaphore_mem>>)
        %dma_wait3A = arith.constant 0 : i32
        %dma_wait3A_973 = tpu.memref_slice %arg23[%dma_wait3A] : memref<2048xf32, #tpu.memory_space<vmem>> -> memref<128xf32, #tpu.memory_space<vmem>>
        %dma_wait3A_974 = tpu.memref_slice %arg25[%add3A_56] : memref<16384xf32, #tpu.memory_space<vmem_shared>> -> memref<128xf32, #tpu.memory_space<vmem_shared>>
        %dma_wait3A_975 = arith.constant 0 : i32
        %dma_wait3A_976 = tpu.memref_slice %arg23[%dma_wait3A_975] : memref<2048xf32, #tpu.memory_space<vmem>> -> memref<128xf32, #tpu.memory_space<vmem>>
        %dma_wait3A_977 = tpu.memref_slice %arg25[%add3A_56] : memref<16384xf32, #tpu.memory_space<vmem_shared>> -> memref<128xf32, #tpu.memory_space<vmem_shared>>
        tpu.wait_dma2 semaphore(%run_scoped3A_967 : memref<!tpu.dma_semaphore, #tpu.memory_space<semaphore_mem>>) src(%dma_wait3A_977 : memref<128xf32, #tpu.memory_space<vmem_shared>>) dst(%dma_wait3A_976 : memref<128xf32, #tpu.memory_space<vmem>>)
        tpu.yield
      }) : () -> ()
      %mul3A_57 = arith.constant 128 : i32
      %mul3A_58 = arith.muli %mul3A_57, %arg1 : i32
      %add3A_59 = arith.constant 1024 : i32
      %add3A_60 = arith.addi %add3A_59, %mul3A_58 : i32
      "tpu.region"() ({
        %run_scoped3A_967 = tpu.sem_alloc : memref<!tpu.dma_semaphore, #tpu.memory_space<semaphore_mem>>
        %dma_start3A = arith.constant 128 : i32
        %dma_start3A_968 = tpu.memref_slice %arg23[%dma_start3A] : memref<2048xf32, #tpu.memory_space<vmem>> -> memref<128xf32, #tpu.memory_space<vmem>>
        %dma_start3A_969 = tpu.memref_slice %arg25[%add3A_60] : memref<16384xf32, #tpu.memory_space<vmem_shared>> -> memref<128xf32, #tpu.memory_space<vmem_shared>>
        %dma_start3A_970 = arith.constant 128 : i32
        %dma_start3A_971 = tpu.memref_slice %arg23[%dma_start3A_970] : memref<2048xf32, #tpu.memory_space<vmem>> -> memref<128xf32, #tpu.memory_space<vmem>>
        %dma_start3A_972 = tpu.memref_slice %arg25[%add3A_60] : memref<16384xf32, #tpu.memory_space<vmem_shared>> -> memref<128xf32, #tpu.memory_space<vmem_shared>>
        tpu.enqueue_dma source(%dma_start3A_972 : memref<128xf32, #tpu.memory_space<vmem_shared>>) target(%dma_start3A_971 : memref<128xf32, #tpu.memory_space<vmem>>) target_semaphore(%run_scoped3A_967 : memref<!tpu.dma_semaphore, #tpu.memory_space<semaphore_mem>>)
        %dma_wait3A = arith.constant 128 : i32
        %dma_wait3A_973 = tpu.memref_slice %arg23[%dma_wait3A] : memref<2048xf32, #tpu.memory_space<vmem>> -> memref<128xf32, #tpu.memory_space<vmem>>
        %dma_wait3A_974 = tpu.memref_slice %arg25[%add3A_60] : memref<16384xf32, #tpu.memory_space<vmem_shared>> -> memref<128xf32, #tpu.memory_space<vmem_shared>>
        %dma_wait3A_975 = arith.constant 128 : i32
        %dma_wait3A_976 = tpu.memref_slice %arg23[%dma_wait3A_975] : memref<2048xf32, #tpu.memory_space<vmem>> -> memref<128xf32, #tpu.memory_space<vmem>>
        %dma_wait3A_977 = tpu.memref_slice %arg25[%add3A_60] : memref<16384xf32, #tpu.memory_space<vmem_shared>> -> memref<128xf32, #tpu.memory_space<vmem_shared>>
        tpu.wait_dma2 semaphore(%run_scoped3A_967 : memref<!tpu.dma_semaphore, #tpu.memory_space<semaphore_mem>>) src(%dma_wait3A_977 : memref<128xf32, #tpu.memory_space<vmem_shared>>) dst(%dma_wait3A_976 : memref<128xf32, #tpu.memory_space<vmem>>)
        tpu.yield
      }) : () -> ()
      %mul3A_61 = arith.constant 128 : i32
      %mul3A_62 = arith.muli %mul3A_61, %arg1 : i32
      %add3A_63 = arith.constant 2048 : i32
      %add3A_64 = arith.addi %add3A_63, %mul3A_62 : i32
      "tpu.region"() ({
        %run_scoped3A_967 = tpu.sem_alloc : memref<!tpu.dma_semaphore, #tpu.memory_space<semaphore_mem>>
        %dma_start3A = arith.constant 256 : i32
        %dma_start3A_968 = tpu.memref_slice %arg23[%dma_start3A] : memref<2048xf32, #tpu.memory_space<vmem>> -> memref<128xf32, #tpu.memory_space<vmem>>
        %dma_start3A_969 = tpu.memref_slice %arg25[%add3A_64] : memref<16384xf32, #tpu.memory_space<vmem_shared>> -> memref<128xf32, #tpu.memory_space<vmem_shared>>
        %dma_start3A_970 = arith.constant 256 : i32
        %dma_start3A_971 = tpu.memref_slice %arg23[%dma_start3A_970] : memref<2048xf32, #tpu.memory_space<vmem>> -> memref<128xf32, #tpu.memory_space<vmem>>
        %dma_start3A_972 = tpu.memref_slice %arg25[%add3A_64] : memref<16384xf32, #tpu.memory_space<vmem_shared>> -> memref<128xf32, #tpu.memory_space<vmem_shared>>
        tpu.enqueue_dma source(%dma_start3A_972 : memref<128xf32, #tpu.memory_space<vmem_shared>>) target(%dma_start3A_971 : memref<128xf32, #tpu.memory_space<vmem>>) target_semaphore(%run_scoped3A_967 : memref<!tpu.dma_semaphore, #tpu.memory_space<semaphore_mem>>)
        %dma_wait3A = arith.constant 256 : i32
        %dma_wait3A_973 = tpu.memref_slice %arg23[%dma_wait3A] : memref<2048xf32, #tpu.memory_space<vmem>> -> memref<128xf32, #tpu.memory_space<vmem>>
        %dma_wait3A_974 = tpu.memref_slice %arg25[%add3A_64] : memref<16384xf32, #tpu.memory_space<vmem_shared>> -> memref<128xf32, #tpu.memory_space<vmem_shared>>
        %dma_wait3A_975 = arith.constant 256 : i32
        %dma_wait3A_976 = tpu.memref_slice %arg23[%dma_wait3A_975] : memref<2048xf32, #tpu.memory_space<vmem>> -> memref<128xf32, #tpu.memory_space<vmem>>
        %dma_wait3A_977 = tpu.memref_slice %arg25[%add3A_64] : memref<16384xf32, #tpu.memory_space<vmem_shared>> -> memref<128xf32, #tpu.memory_space<vmem_shared>>
        tpu.wait_dma2 semaphore(%run_scoped3A_967 : memref<!tpu.dma_semaphore, #tpu.memory_space<semaphore_mem>>) src(%dma_wait3A_977 : memref<128xf32, #tpu.memory_space<vmem_shared>>) dst(%dma_wait3A_976 : memref<128xf32, #tpu.memory_space<vmem>>)
        tpu.yield
      }) : () -> ()
      %mul3A_65 = arith.constant 128 : i32
      %mul3A_66 = arith.muli %mul3A_65, %arg1 : i32
      %add3A_67 = arith.constant 3072 : i32
      %add3A_68 = arith.addi %add3A_67, %mul3A_66 : i32
      "tpu.region"() ({
        %run_scoped3A_967 = tpu.sem_alloc : memref<!tpu.dma_semaphore, #tpu.memory_space<semaphore_mem>>
        %dma_start3A = arith.constant 384 : i32
        %dma_start3A_968 = tpu.memref_slice %arg23[%dma_start3A] : memref<2048xf32, #tpu.memory_space<vmem>> -> memref<128xf32, #tpu.memory_space<vmem>>
        %dma_start3A_969 = tpu.memref_slice %arg25[%add3A_68] : memref<16384xf32, #tpu.memory_space<vmem_shared>> -> memref<128xf32, #tpu.memory_space<vmem_shared>>
        %dma_start3A_970 = arith.constant 384 : i32
        %dma_start3A_971 = tpu.memref_slice %arg23[%dma_start3A_970] : memref<2048xf32, #tpu.memory_space<vmem>> -> memref<128xf32, #tpu.memory_space<vmem>>
        %dma_start3A_972 = tpu.memref_slice %arg25[%add3A_68] : memref<16384xf32, #tpu.memory_space<vmem_shared>> -> memref<128xf32, #tpu.memory_space<vmem_shared>>
        tpu.enqueue_dma source(%dma_start3A_972 : memref<128xf32, #tpu.memory_space<vmem_shared>>) target(%dma_start3A_971 : memref<128xf32, #tpu.memory_space<vmem>>) target_semaphore(%run_scoped3A_967 : memref<!tpu.dma_semaphore, #tpu.memory_space<semaphore_mem>>)
        %dma_wait3A = arith.constant 384 : i32
        %dma_wait3A_973 = tpu.memref_slice %arg23[%dma_wait3A] : memref<2048xf32, #tpu.memory_space<vmem>> -> memref<128xf32, #tpu.memory_space<vmem>>
        %dma_wait3A_974 = tpu.memref_slice %arg25[%add3A_68] : memref<16384xf32, #tpu.memory_space<vmem_shared>> -> memref<128xf32, #tpu.memory_space<vmem_shared>>
        %dma_wait3A_975 = arith.constant 384 : i32
        %dma_wait3A_976 = tpu.memref_slice %arg23[%dma_wait3A_975] : memref<2048xf32, #tpu.memory_space<vmem>> -> memref<128xf32, #tpu.memory_space<vmem>>
        %dma_wait3A_977 = tpu.memref_slice %arg25[%add3A_68] : memref<16384xf32, #tpu.memory_space<vmem_shared>> -> memref<128xf32, #tpu.memory_space<vmem_shared>>
        tpu.wait_dma2 semaphore(%run_scoped3A_967 : memref<!tpu.dma_semaphore, #tpu.memory_space<semaphore_mem>>) src(%dma_wait3A_977 : memref<128xf32, #tpu.memory_space<vmem_shared>>) dst(%dma_wait3A_976 : memref<128xf32, #tpu.memory_space<vmem>>)
        tpu.yield
      }) : () -> ()
      %mul3A_69 = arith.constant 128 : i32
      %mul3A_70 = arith.muli %mul3A_69, %arg1 : i32
      %add3A_71 = arith.constant 4096 : i32
      %add3A_72 = arith.addi %add3A_71, %mul3A_70 : i32
      "tpu.region"() ({
        %run_scoped3A_967 = tpu.sem_alloc : memref<!tpu.dma_semaphore, #tpu.memory_space<semaphore_mem>>
        %dma_start3A = arith.constant 512 : i32
        %dma_start3A_968 = tpu.memref_slice %arg23[%dma_start3A] : memref<2048xf32, #tpu.memory_space<vmem>> -> memref<128xf32, #tpu.memory_space<vmem>>
        %dma_start3A_969 = tpu.memref_slice %arg25[%add3A_72] : memref<16384xf32, #tpu.memory_space<vmem_shared>> -> memref<128xf32, #tpu.memory_space<vmem_shared>>
        %dma_start3A_970 = arith.constant 512 : i32
        %dma_start3A_971 = tpu.memref_slice %arg23[%dma_start3A_970] : memref<2048xf32, #tpu.memory_space<vmem>> -> memref<128xf32, #tpu.memory_space<vmem>>
        %dma_start3A_972 = tpu.memref_slice %arg25[%add3A_72] : memref<16384xf32, #tpu.memory_space<vmem_shared>> -> memref<128xf32, #tpu.memory_space<vmem_shared>>
        tpu.enqueue_dma source(%dma_start3A_972 : memref<128xf32, #tpu.memory_space<vmem_shared>>) target(%dma_start3A_971 : memref<128xf32, #tpu.memory_space<vmem>>) target_semaphore(%run_scoped3A_967 : memref<!tpu.dma_semaphore, #tpu.memory_space<semaphore_mem>>)
        %dma_wait3A = arith.constant 512 : i32
        %dma_wait3A_973 = tpu.memref_slice %arg23[%dma_wait3A] : memref<2048xf32, #tpu.memory_space<vmem>> -> memref<128xf32, #tpu.memory_space<vmem>>
        %dma_wait3A_974 = tpu.memref_slice %arg25[%add3A_72] : memref<16384xf32, #tpu.memory_space<vmem_shared>> -> memref<128xf32, #tpu.memory_space<vmem_shared>>
        %dma_wait3A_975 = arith.constant 512 : i32
        %dma_wait3A_976 = tpu.memref_slice %arg23[%dma_wait3A_975] : memref<2048xf32, #tpu.memory_space<vmem>> -> memref<128xf32, #tpu.memory_space<vmem>>
        %dma_wait3A_977 = tpu.memref_slice %arg25[%add3A_72] : memref<16384xf32, #tpu.memory_space<vmem_shared>> -> memref<128xf32, #tpu.memory_space<vmem_shared>>
        tpu.wait_dma2 semaphore(%run_scoped3A_967 : memref<!tpu.dma_semaphore, #tpu.memory_space<semaphore_mem>>) src(%dma_wait3A_977 : memref<128xf32, #tpu.memory_space<vmem_shared>>) dst(%dma_wait3A_976 : memref<128xf32, #tpu.memory_space<vmem>>)
        tpu.yield
      }) : () -> ()
      %mul3A_73 = arith.constant 128 : i32
      %mul3A_74 = arith.muli %mul3A_73, %arg1 : i32
      %add3A_75 = arith.constant 5120 : i32
      %add3A_76 = arith.addi %add3A_75, %mul3A_74 : i32
      "tpu.region"() ({
        %run_scoped3A_967 = tpu.sem_alloc : memref<!tpu.dma_semaphore, #tpu.memory_space<semaphore_mem>>
        %dma_start3A = arith.constant 640 : i32
        %dma_start3A_968 = tpu.memref_slice %arg23[%dma_start3A] : memref<2048xf32, #tpu.memory_space<vmem>> -> memref<128xf32, #tpu.memory_space<vmem>>
        %dma_start3A_969 = tpu.memref_slice %arg25[%add3A_76] : memref<16384xf32, #tpu.memory_space<vmem_shared>> -> memref<128xf32, #tpu.memory_space<vmem_shared>>
        %dma_start3A_970 = arith.constant 640 : i32
        %dma_start3A_971 = tpu.memref_slice %arg23[%dma_start3A_970] : memref<2048xf32, #tpu.memory_space<vmem>> -> memref<128xf32, #tpu.memory_space<vmem>>
        %dma_start3A_972 = tpu.memref_slice %arg25[%add3A_76] : memref<16384xf32, #tpu.memory_space<vmem_shared>> -> memref<128xf32, #tpu.memory_space<vmem_shared>>
        tpu.enqueue_dma source(%dma_start3A_972 : memref<128xf32, #tpu.memory_space<vmem_shared>>) target(%dma_start3A_971 : memref<128xf32, #tpu.memory_space<vmem>>) target_semaphore(%run_scoped3A_967 : memref<!tpu.dma_semaphore, #tpu.memory_space<semaphore_mem>>)
        %dma_wait3A = arith.constant 640 : i32
        %dma_wait3A_973 = tpu.memref_slice %arg23[%dma_wait3A] : memref<2048xf32, #tpu.memory_space<vmem>> -> memref<128xf32, #tpu.memory_space<vmem>>
        %dma_wait3A_974 = tpu.memref_slice %arg25[%add3A_76] : memref<16384xf32, #tpu.memory_space<vmem_shared>> -> memref<128xf32, #tpu.memory_space<vmem_shared>>
        %dma_wait3A_975 = arith.constant 640 : i32
        %dma_wait3A_976 = tpu.memref_slice %arg23[%dma_wait3A_975] : memref<2048xf32, #tpu.memory_space<vmem>> -> memref<128xf32, #tpu.memory_space<vmem>>
        %dma_wait3A_977 = tpu.memref_slice %arg25[%add3A_76] : memref<16384xf32, #tpu.memory_space<vmem_shared>> -> memref<128xf32, #tpu.memory_space<vmem_shared>>
        tpu.wait_dma2 semaphore(%run_scoped3A_967 : memref<!tpu.dma_semaphore, #tpu.memory_space<semaphore_mem>>) src(%dma_wait3A_977 : memref<128xf32, #tpu.memory_space<vmem_shared>>) dst(%dma_wait3A_976 : memref<128xf32, #tpu.memory_space<vmem>>)
        tpu.yield
      }) : () -> ()
      %mul3A_77 = arith.constant 128 : i32
      %mul3A_78 = arith.muli %mul3A_77, %arg1 : i32
      %add3A_79 = arith.constant 6144 : i32
      %add3A_80 = arith.addi %add3A_79, %mul3A_78 : i32
      "tpu.region"() ({
        %run_scoped3A_967 = tpu.sem_alloc : memref<!tpu.dma_semaphore, #tpu.memory_space<semaphore_mem>>
        %dma_start3A = arith.constant 768 : i32
        %dma_start3A_968 = tpu.memref_slice %arg23[%dma_start3A] : memref<2048xf32, #tpu.memory_space<vmem>> -> memref<128xf32, #tpu.memory_space<vmem>>
        %dma_start3A_969 = tpu.memref_slice %arg25[%add3A_80] : memref<16384xf32, #tpu.memory_space<vmem_shared>> -> memref<128xf32, #tpu.memory_space<vmem_shared>>
        %dma_start3A_970 = arith.constant 768 : i32
        %dma_start3A_971 = tpu.memref_slice %arg23[%dma_start3A_970] : memref<2048xf32, #tpu.memory_space<vmem>> -> memref<128xf32, #tpu.memory_space<vmem>>
        %dma_start3A_972 = tpu.memref_slice %arg25[%add3A_80] : memref<16384xf32, #tpu.memory_space<vmem_shared>> -> memref<128xf32, #tpu.memory_space<vmem_shared>>
        tpu.enqueue_dma source(%dma_start3A_972 : memref<128xf32, #tpu.memory_space<vmem_shared>>) target(%dma_start3A_971 : memref<128xf32, #tpu.memory_space<vmem>>) target_semaphore(%run_scoped3A_967 : memref<!tpu.dma_semaphore, #tpu.memory_space<semaphore_mem>>)
        %dma_wait3A = arith.constant 768 : i32
        %dma_wait3A_973 = tpu.memref_slice %arg23[%dma_wait3A] : memref<2048xf32, #tpu.memory_space<vmem>> -> memref<128xf32, #tpu.memory_space<vmem>>
        %dma_wait3A_974 = tpu.memref_slice %arg25[%add3A_80] : memref<16384xf32, #tpu.memory_space<vmem_shared>> -> memref<128xf32, #tpu.memory_space<vmem_shared>>
        %dma_wait3A_975 = arith.constant 768 : i32
        %dma_wait3A_976 = tpu.memref_slice %arg23[%dma_wait3A_975] : memref<2048xf32, #tpu.memory_space<vmem>> -> memref<128xf32, #tpu.memory_space<vmem>>
        %dma_wait3A_977 = tpu.memref_slice %arg25[%add3A_80] : memref<16384xf32, #tpu.memory_space<vmem_shared>> -> memref<128xf32, #tpu.memory_space<vmem_shared>>
        tpu.wait_dma2 semaphore(%run_scoped3A_967 : memref<!tpu.dma_semaphore, #tpu.memory_space<semaphore_mem>>) src(%dma_wait3A_977 : memref<128xf32, #tpu.memory_space<vmem_shared>>) dst(%dma_wait3A_976 : memref<128xf32, #tpu.memory_space<vmem>>)
        tpu.yield
      }) : () -> ()
      %mul3A_81 = arith.constant 128 : i32
      %mul3A_82 = arith.muli %mul3A_81, %arg1 : i32
      %add3A_83 = arith.constant 7168 : i32
      %add3A_84 = arith.addi %add3A_83, %mul3A_82 : i32
      "tpu.region"() ({
        %run_scoped3A_967 = tpu.sem_alloc : memref<!tpu.dma_semaphore, #tpu.memory_space<semaphore_mem>>
        %dma_start3A = arith.constant 896 : i32
        %dma_start3A_968 = tpu.memref_slice %arg23[%dma_start3A] : memref<2048xf32, #tpu.memory_space<vmem>> -> memref<128xf32, #tpu.memory_space<vmem>>
        %dma_start3A_969 = tpu.memref_slice %arg25[%add3A_84] : memref<16384xf32, #tpu.memory_space<vmem_shared>> -> memref<128xf32, #tpu.memory_space<vmem_shared>>
        %dma_start3A_970 = arith.constant 896 : i32
        %dma_start3A_971 = tpu.memref_slice %arg23[%dma_start3A_970] : memref<2048xf32, #tpu.memory_space<vmem>> -> memref<128xf32, #tpu.memory_space<vmem>>
        %dma_start3A_972 = tpu.memref_slice %arg25[%add3A_84] : memref<16384xf32, #tpu.memory_space<vmem_shared>> -> memref<128xf32, #tpu.memory_space<vmem_shared>>
        tpu.enqueue_dma source(%dma_start3A_972 : memref<128xf32, #tpu.memory_space<vmem_shared>>) target(%dma_start3A_971 : memref<128xf32, #tpu.memory_space<vmem>>) target_semaphore(%run_scoped3A_967 : memref<!tpu.dma_semaphore, #tpu.memory_space<semaphore_mem>>)
        %dma_wait3A = arith.constant 896 : i32
        %dma_wait3A_973 = tpu.memref_slice %arg23[%dma_wait3A] : memref<2048xf32, #tpu.memory_space<vmem>> -> memref<128xf32, #tpu.memory_space<vmem>>
        %dma_wait3A_974 = tpu.memref_slice %arg25[%add3A_84] : memref<16384xf32, #tpu.memory_space<vmem_shared>> -> memref<128xf32, #tpu.memory_space<vmem_shared>>
        %dma_wait3A_975 = arith.constant 896 : i32
        %dma_wait3A_976 = tpu.memref_slice %arg23[%dma_wait3A_975] : memref<2048xf32, #tpu.memory_space<vmem>> -> memref<128xf32, #tpu.memory_space<vmem>>
        %dma_wait3A_977 = tpu.memref_slice %arg25[%add3A_84] : memref<16384xf32, #tpu.memory_space<vmem_shared>> -> memref<128xf32, #tpu.memory_space<vmem_shared>>
        tpu.wait_dma2 semaphore(%run_scoped3A_967 : memref<!tpu.dma_semaphore, #tpu.memory_space<semaphore_mem>>) src(%dma_wait3A_977 : memref<128xf32, #tpu.memory_space<vmem_shared>>) dst(%dma_wait3A_976 : memref<128xf32, #tpu.memory_space<vmem>>)
        tpu.yield
      }) : () -> ()
      %mul3A_85 = arith.constant 128 : i32
      %mul3A_86 = arith.muli %mul3A_85, %arg1 : i32
      %add3A_87 = arith.constant 8192 : i32
      %add3A_88 = arith.addi %add3A_87, %mul3A_86 : i32
      "tpu.region"() ({
        %run_scoped3A_967 = tpu.sem_alloc : memref<!tpu.dma_semaphore, #tpu.memory_space<semaphore_mem>>
        %dma_start3A = arith.constant 1024 : i32
        %dma_start3A_968 = tpu.memref_slice %arg23[%dma_start3A] : memref<2048xf32, #tpu.memory_space<vmem>> -> memref<128xf32, #tpu.memory_space<vmem>>
        %dma_start3A_969 = tpu.memref_slice %arg25[%add3A_88] : memref<16384xf32, #tpu.memory_space<vmem_shared>> -> memref<128xf32, #tpu.memory_space<vmem_shared>>
        %dma_start3A_970 = arith.constant 1024 : i32
        %dma_start3A_971 = tpu.memref_slice %arg23[%dma_start3A_970] : memref<2048xf32, #tpu.memory_space<vmem>> -> memref<128xf32, #tpu.memory_space<vmem>>
        %dma_start3A_972 = tpu.memref_slice %arg25[%add3A_88] : memref<16384xf32, #tpu.memory_space<vmem_shared>> -> memref<128xf32, #tpu.memory_space<vmem_shared>>
        tpu.enqueue_dma source(%dma_start3A_972 : memref<128xf32, #tpu.memory_space<vmem_shared>>) target(%dma_start3A_971 : memref<128xf32, #tpu.memory_space<vmem>>) target_semaphore(%run_scoped3A_967 : memref<!tpu.dma_semaphore, #tpu.memory_space<semaphore_mem>>)
        %dma_wait3A = arith.constant 1024 : i32
        %dma_wait3A_973 = tpu.memref_slice %arg23[%dma_wait3A] : memref<2048xf32, #tpu.memory_space<vmem>> -> memref<128xf32, #tpu.memory_space<vmem>>
        %dma_wait3A_974 = tpu.memref_slice %arg25[%add3A_88] : memref<16384xf32, #tpu.memory_space<vmem_shared>> -> memref<128xf32, #tpu.memory_space<vmem_shared>>
        %dma_wait3A_975 = arith.constant 1024 : i32
        %dma_wait3A_976 = tpu.memref_slice %arg23[%dma_wait3A_975] : memref<2048xf32, #tpu.memory_space<vmem>> -> memref<128xf32, #tpu.memory_space<vmem>>
        %dma_wait3A_977 = tpu.memref_slice %arg25[%add3A_88] : memref<16384xf32, #tpu.memory_space<vmem_shared>> -> memref<128xf32, #tpu.memory_space<vmem_shared>>
        tpu.wait_dma2 semaphore(%run_scoped3A_967 : memref<!tpu.dma_semaphore, #tpu.memory_space<semaphore_mem>>) src(%dma_wait3A_977 : memref<128xf32, #tpu.memory_space<vmem_shared>>) dst(%dma_wait3A_976 : memref<128xf32, #tpu.memory_space<vmem>>)
        tpu.yield
      }) : () -> ()
      %mul3A_89 = arith.constant 128 : i32
      %mul3A_90 = arith.muli %mul3A_89, %arg1 : i32
      %add3A_91 = arith.constant 9216 : i32
      %add3A_92 = arith.addi %add3A_91, %mul3A_90 : i32
      "tpu.region"() ({
        %run_scoped3A_967 = tpu.sem_alloc : memref<!tpu.dma_semaphore, #tpu.memory_space<semaphore_mem>>
        %dma_start3A = arith.constant 1152 : i32
        %dma_start3A_968 = tpu.memref_slice %arg23[%dma_start3A] : memref<2048xf32, #tpu.memory_space<vmem>> -> memref<128xf32, #tpu.memory_space<vmem>>
        %dma_start3A_969 = tpu.memref_slice %arg25[%add3A_92] : memref<16384xf32, #tpu.memory_space<vmem_shared>> -> memref<128xf32, #tpu.memory_space<vmem_shared>>
        %dma_start3A_970 = arith.constant 1152 : i32
        %dma_start3A_971 = tpu.memref_slice %arg23[%dma_start3A_970] : memref<2048xf32, #tpu.memory_space<vmem>> -> memref<128xf32, #tpu.memory_space<vmem>>
        %dma_start3A_972 = tpu.memref_slice %arg25[%add3A_92] : memref<16384xf32, #tpu.memory_space<vmem_shared>> -> memref<128xf32, #tpu.memory_space<vmem_shared>>
        tpu.enqueue_dma source(%dma_start3A_972 : memref<128xf32, #tpu.memory_space<vmem_shared>>) target(%dma_start3A_971 : memref<128xf32, #tpu.memory_space<vmem>>) target_semaphore(%run_scoped3A_967 : memref<!tpu.dma_semaphore, #tpu.memory_space<semaphore_mem>>)
        %dma_wait3A = arith.constant 1152 : i32
        %dma_wait3A_973 = tpu.memref_slice %arg23[%dma_wait3A] : memref<2048xf32, #tpu.memory_space<vmem>> -> memref<128xf32, #tpu.memory_space<vmem>>
        %dma_wait3A_974 = tpu.memref_slice %arg25[%add3A_92] : memref<16384xf32, #tpu.memory_space<vmem_shared>> -> memref<128xf32, #tpu.memory_space<vmem_shared>>
        %dma_wait3A_975 = arith.constant 1152 : i32
        %dma_wait3A_976 = tpu.memref_slice %arg23[%dma_wait3A_975] : memref<2048xf32, #tpu.memory_space<vmem>> -> memref<128xf32, #tpu.memory_space<vmem>>
        %dma_wait3A_977 = tpu.memref_slice %arg25[%add3A_92] : memref<16384xf32, #tpu.memory_space<vmem_shared>> -> memref<128xf32, #tpu.memory_space<vmem_shared>>
        tpu.wait_dma2 semaphore(%run_scoped3A_967 : memref<!tpu.dma_semaphore, #tpu.memory_space<semaphore_mem>>) src(%dma_wait3A_977 : memref<128xf32, #tpu.memory_space<vmem_shared>>) dst(%dma_wait3A_976 : memref<128xf32, #tpu.memory_space<vmem>>)
        tpu.yield
      }) : () -> ()
      %mul3A_93 = arith.constant 128 : i32
      %mul3A_94 = arith.muli %mul3A_93, %arg1 : i32
      %add3A_95 = arith.constant 10240 : i32
      %add3A_96 = arith.addi %add3A_95, %mul3A_94 : i32
      "tpu.region"() ({
        %run_scoped3A_967 = tpu.sem_alloc : memref<!tpu.dma_semaphore, #tpu.memory_space<semaphore_mem>>
        %dma_start3A = arith.constant 1280 : i32
        %dma_start3A_968 = tpu.memref_slice %arg23[%dma_start3A] : memref<2048xf32, #tpu.memory_space<vmem>> -> memref<128xf32, #tpu.memory_space<vmem>>
        %dma_start3A_969 = tpu.memref_slice %arg25[%add3A_96] : memref<16384xf32, #tpu.memory_space<vmem_shared>> -> memref<128xf32, #tpu.memory_space<vmem_shared>>
        %dma_start3A_970 = arith.constant 1280 : i32
        %dma_start3A_971 = tpu.memref_slice %arg23[%dma_start3A_970] : memref<2048xf32, #tpu.memory_space<vmem>> -> memref<128xf32, #tpu.memory_space<vmem>>
        %dma_start3A_972 = tpu.memref_slice %arg25[%add3A_96] : memref<16384xf32, #tpu.memory_space<vmem_shared>> -> memref<128xf32, #tpu.memory_space<vmem_shared>>
        tpu.enqueue_dma source(%dma_start3A_972 : memref<128xf32, #tpu.memory_space<vmem_shared>>) target(%dma_start3A_971 : memref<128xf32, #tpu.memory_space<vmem>>) target_semaphore(%run_scoped3A_967 : memref<!tpu.dma_semaphore, #tpu.memory_space<semaphore_mem>>)
        %dma_wait3A = arith.constant 1280 : i32
        %dma_wait3A_973 = tpu.memref_slice %arg23[%dma_wait3A] : memref<2048xf32, #tpu.memory_space<vmem>> -> memref<128xf32, #tpu.memory_space<vmem>>
        %dma_wait3A_974 = tpu.memref_slice %arg25[%add3A_96] : memref<16384xf32, #tpu.memory_space<vmem_shared>> -> memref<128xf32, #tpu.memory_space<vmem_shared>>
        %dma_wait3A_975 = arith.constant 1280 : i32
        %dma_wait3A_976 = tpu.memref_slice %arg23[%dma_wait3A_975] : memref<2048xf32, #tpu.memory_space<vmem>> -> memref<128xf32, #tpu.memory_space<vmem>>
        %dma_wait3A_977 = tpu.memref_slice %arg25[%add3A_96] : memref<16384xf32, #tpu.memory_space<vmem_shared>> -> memref<128xf32, #tpu.memory_space<vmem_shared>>
        tpu.wait_dma2 semaphore(%run_scoped3A_967 : memref<!tpu.dma_semaphore, #tpu.memory_space<semaphore_mem>>) src(%dma_wait3A_977 : memref<128xf32, #tpu.memory_space<vmem_shared>>) dst(%dma_wait3A_976 : memref<128xf32, #tpu.memory_space<vmem>>)
        tpu.yield
      }) : () -> ()
      %mul3A_97 = arith.constant 128 : i32
      %mul3A_98 = arith.muli %mul3A_97, %arg1 : i32
      %add3A_99 = arith.constant 11264 : i32
      %add3A_100 = arith.addi %add3A_99, %mul3A_98 : i32
      "tpu.region"() ({
        %run_scoped3A_967 = tpu.sem_alloc : memref<!tpu.dma_semaphore, #tpu.memory_space<semaphore_mem>>
        %dma_start3A = arith.constant 1408 : i32
        %dma_start3A_968 = tpu.memref_slice %arg23[%dma_start3A] : memref<2048xf32, #tpu.memory_space<vmem>> -> memref<128xf32, #tpu.memory_space<vmem>>
        %dma_start3A_969 = tpu.memref_slice %arg25[%add3A_100] : memref<16384xf32, #tpu.memory_space<vmem_shared>> -> memref<128xf32, #tpu.memory_space<vmem_shared>>
        %dma_start3A_970 = arith.constant 1408 : i32
        %dma_start3A_971 = tpu.memref_slice %arg23[%dma_start3A_970] : memref<2048xf32, #tpu.memory_space<vmem>> -> memref<128xf32, #tpu.memory_space<vmem>>
        %dma_start3A_972 = tpu.memref_slice %arg25[%add3A_100] : memref<16384xf32, #tpu.memory_space<vmem_shared>> -> memref<128xf32, #tpu.memory_space<vmem_shared>>
        tpu.enqueue_dma source(%dma_start3A_972 : memref<128xf32, #tpu.memory_space<vmem_shared>>) target(%dma_start3A_971 : memref<128xf32, #tpu.memory_space<vmem>>) target_semaphore(%run_scoped3A_967 : memref<!tpu.dma_semaphore, #tpu.memory_space<semaphore_mem>>)
        %dma_wait3A = arith.constant 1408 : i32
        %dma_wait3A_973 = tpu.memref_slice %arg23[%dma_wait3A] : memref<2048xf32, #tpu.memory_space<vmem>> -> memref<128xf32, #tpu.memory_space<vmem>>
        %dma_wait3A_974 = tpu.memref_slice %arg25[%add3A_100] : memref<16384xf32, #tpu.memory_space<vmem_shared>> -> memref<128xf32, #tpu.memory_space<vmem_shared>>
        %dma_wait3A_975 = arith.constant 1408 : i32
        %dma_wait3A_976 = tpu.memref_slice %arg23[%dma_wait3A_975] : memref<2048xf32, #tpu.memory_space<vmem>> -> memref<128xf32, #tpu.memory_space<vmem>>
        %dma_wait3A_977 = tpu.memref_slice %arg25[%add3A_100] : memref<16384xf32, #tpu.memory_space<vmem_shared>> -> memref<128xf32, #tpu.memory_space<vmem_shared>>
        tpu.wait_dma2 semaphore(%run_scoped3A_967 : memref<!tpu.dma_semaphore, #tpu.memory_space<semaphore_mem>>) src(%dma_wait3A_977 : memref<128xf32, #tpu.memory_space<vmem_shared>>) dst(%dma_wait3A_976 : memref<128xf32, #tpu.memory_space<vmem>>)
        tpu.yield
      }) : () -> ()
      %mul3A_101 = arith.constant 128 : i32
      %mul3A_102 = arith.muli %mul3A_101, %arg1 : i32
      %add3A_103 = arith.constant 12288 : i32
      %add3A_104 = arith.addi %add3A_103, %mul3A_102 : i32
      "tpu.region"() ({
        %run_scoped3A_967 = tpu.sem_alloc : memref<!tpu.dma_semaphore, #tpu.memory_space<semaphore_mem>>
        %dma_start3A = arith.constant 1536 : i32
        %dma_start3A_968 = tpu.memref_slice %arg23[%dma_start3A] : memref<2048xf32, #tpu.memory_space<vmem>> -> memref<128xf32, #tpu.memory_space<vmem>>
        %dma_start3A_969 = tpu.memref_slice %arg25[%add3A_104] : memref<16384xf32, #tpu.memory_space<vmem_shared>> -> memref<128xf32, #tpu.memory_space<vmem_shared>>
        %dma_start3A_970 = arith.constant 1536 : i32
        %dma_start3A_971 = tpu.memref_slice %arg23[%dma_start3A_970] : memref<2048xf32, #tpu.memory_space<vmem>> -> memref<128xf32, #tpu.memory_space<vmem>>
        %dma_start3A_972 = tpu.memref_slice %arg25[%add3A_104] : memref<16384xf32, #tpu.memory_space<vmem_shared>> -> memref<128xf32, #tpu.memory_space<vmem_shared>>
        tpu.enqueue_dma source(%dma_start3A_972 : memref<128xf32, #tpu.memory_space<vmem_shared>>) target(%dma_start3A_971 : memref<128xf32, #tpu.memory_space<vmem>>) target_semaphore(%run_scoped3A_967 : memref<!tpu.dma_semaphore, #tpu.memory_space<semaphore_mem>>)
        %dma_wait3A = arith.constant 1536 : i32
        %dma_wait3A_973 = tpu.memref_slice %arg23[%dma_wait3A] : memref<2048xf32, #tpu.memory_space<vmem>> -> memref<128xf32, #tpu.memory_space<vmem>>
        %dma_wait3A_974 = tpu.memref_slice %arg25[%add3A_104] : memref<16384xf32, #tpu.memory_space<vmem_shared>> -> memref<128xf32, #tpu.memory_space<vmem_shared>>
        %dma_wait3A_975 = arith.constant 1536 : i32
        %dma_wait3A_976 = tpu.memref_slice %arg23[%dma_wait3A_975] : memref<2048xf32, #tpu.memory_space<vmem>> -> memref<128xf32, #tpu.memory_space<vmem>>
        %dma_wait3A_977 = tpu.memref_slice %arg25[%add3A_104] : memref<16384xf32, #tpu.memory_space<vmem_shared>> -> memref<128xf32, #tpu.memory_space<vmem_shared>>
        tpu.wait_dma2 semaphore(%run_scoped3A_967 : memref<!tpu.dma_semaphore, #tpu.memory_space<semaphore_mem>>) src(%dma_wait3A_977 : memref<128xf32, #tpu.memory_space<vmem_shared>>) dst(%dma_wait3A_976 : memref<128xf32, #tpu.memory_space<vmem>>)
        tpu.yield
      }) : () -> ()
      %mul3A_105 = arith.constant 128 : i32
      %mul3A_106 = arith.muli %mul3A_105, %arg1 : i32
      %add3A_107 = arith.constant 13312 : i32
      %add3A_108 = arith.addi %add3A_107, %mul3A_106 : i32
      "tpu.region"() ({
        %run_scoped3A_967 = tpu.sem_alloc : memref<!tpu.dma_semaphore, #tpu.memory_space<semaphore_mem>>
        %dma_start3A = arith.constant 1664 : i32
        %dma_start3A_968 = tpu.memref_slice %arg23[%dma_start3A] : memref<2048xf32, #tpu.memory_space<vmem>> -> memref<128xf32, #tpu.memory_space<vmem>>
        %dma_start3A_969 = tpu.memref_slice %arg25[%add3A_108] : memref<16384xf32, #tpu.memory_space<vmem_shared>> -> memref<128xf32, #tpu.memory_space<vmem_shared>>
        %dma_start3A_970 = arith.constant 1664 : i32
        %dma_start3A_971 = tpu.memref_slice %arg23[%dma_start3A_970] : memref<2048xf32, #tpu.memory_space<vmem>> -> memref<128xf32, #tpu.memory_space<vmem>>
        %dma_start3A_972 = tpu.memref_slice %arg25[%add3A_108] : memref<16384xf32, #tpu.memory_space<vmem_shared>> -> memref<128xf32, #tpu.memory_space<vmem_shared>>
        tpu.enqueue_dma source(%dma_start3A_972 : memref<128xf32, #tpu.memory_space<vmem_shared>>) target(%dma_start3A_971 : memref<128xf32, #tpu.memory_space<vmem>>) target_semaphore(%run_scoped3A_967 : memref<!tpu.dma_semaphore, #tpu.memory_space<semaphore_mem>>)
        %dma_wait3A = arith.constant 1664 : i32
        %dma_wait3A_973 = tpu.memref_slice %arg23[%dma_wait3A] : memref<2048xf32, #tpu.memory_space<vmem>> -> memref<128xf32, #tpu.memory_space<vmem>>
        %dma_wait3A_974 = tpu.memref_slice %arg25[%add3A_108] : memref<16384xf32, #tpu.memory_space<vmem_shared>> -> memref<128xf32, #tpu.memory_space<vmem_shared>>
        %dma_wait3A_975 = arith.constant 1664 : i32
        %dma_wait3A_976 = tpu.memref_slice %arg23[%dma_wait3A_975] : memref<2048xf32, #tpu.memory_space<vmem>> -> memref<128xf32, #tpu.memory_space<vmem>>
        %dma_wait3A_977 = tpu.memref_slice %arg25[%add3A_108] : memref<16384xf32, #tpu.memory_space<vmem_shared>> -> memref<128xf32, #tpu.memory_space<vmem_shared>>
        tpu.wait_dma2 semaphore(%run_scoped3A_967 : memref<!tpu.dma_semaphore, #tpu.memory_space<semaphore_mem>>) src(%dma_wait3A_977 : memref<128xf32, #tpu.memory_space<vmem_shared>>) dst(%dma_wait3A_976 : memref<128xf32, #tpu.memory_space<vmem>>)
        tpu.yield
      }) : () -> ()
      %mul3A_109 = arith.constant 128 : i32
      %mul3A_110 = arith.muli %mul3A_109, %arg1 : i32
      %add3A_111 = arith.constant 14336 : i32
      %add3A_112 = arith.addi %add3A_111, %mul3A_110 : i32
      "tpu.region"() ({
        %run_scoped3A_967 = tpu.sem_alloc : memref<!tpu.dma_semaphore, #tpu.memory_space<semaphore_mem>>
        %dma_start3A = arith.constant 1792 : i32
        %dma_start3A_968 = tpu.memref_slice %arg23[%dma_start3A] : memref<2048xf32, #tpu.memory_space<vmem>> -> memref<128xf32, #tpu.memory_space<vmem>>
        %dma_start3A_969 = tpu.memref_slice %arg25[%add3A_112] : memref<16384xf32, #tpu.memory_space<vmem_shared>> -> memref<128xf32, #tpu.memory_space<vmem_shared>>
        %dma_start3A_970 = arith.constant 1792 : i32
        %dma_start3A_971 = tpu.memref_slice %arg23[%dma_start3A_970] : memref<2048xf32, #tpu.memory_space<vmem>> -> memref<128xf32, #tpu.memory_space<vmem>>
        %dma_start3A_972 = tpu.memref_slice %arg25[%add3A_112] : memref<16384xf32, #tpu.memory_space<vmem_shared>> -> memref<128xf32, #tpu.memory_space<vmem_shared>>
        tpu.enqueue_dma source(%dma_start3A_972 : memref<128xf32, #tpu.memory_space<vmem_shared>>) target(%dma_start3A_971 : memref<128xf32, #tpu.memory_space<vmem>>) target_semaphore(%run_scoped3A_967 : memref<!tpu.dma_semaphore, #tpu.memory_space<semaphore_mem>>)
        %dma_wait3A = arith.constant 1792 : i32
        %dma_wait3A_973 = tpu.memref_slice %arg23[%dma_wait3A] : memref<2048xf32, #tpu.memory_space<vmem>> -> memref<128xf32, #tpu.memory_space<vmem>>
        %dma_wait3A_974 = tpu.memref_slice %arg25[%add3A_112] : memref<16384xf32, #tpu.memory_space<vmem_shared>> -> memref<128xf32, #tpu.memory_space<vmem_shared>>
        %dma_wait3A_975 = arith.constant 1792 : i32
        %dma_wait3A_976 = tpu.memref_slice %arg23[%dma_wait3A_975] : memref<2048xf32, #tpu.memory_space<vmem>> -> memref<128xf32, #tpu.memory_space<vmem>>
        %dma_wait3A_977 = tpu.memref_slice %arg25[%add3A_112] : memref<16384xf32, #tpu.memory_space<vmem_shared>> -> memref<128xf32, #tpu.memory_space<vmem_shared>>
        tpu.wait_dma2 semaphore(%run_scoped3A_967 : memref<!tpu.dma_semaphore, #tpu.memory_space<semaphore_mem>>) src(%dma_wait3A_977 : memref<128xf32, #tpu.memory_space<vmem_shared>>) dst(%dma_wait3A_976 : memref<128xf32, #tpu.memory_space<vmem>>)
        tpu.yield
      }) : () -> ()
      %mul3A_113 = arith.constant 128 : i32
      %mul3A_114 = arith.muli %mul3A_113, %arg1 : i32
      %add3A_115 = arith.constant 15360 : i32
      %add3A_116 = arith.addi %add3A_115, %mul3A_114 : i32
      "tpu.region"() ({
        %run_scoped3A_967 = tpu.sem_alloc : memref<!tpu.dma_semaphore, #tpu.memory_space<semaphore_mem>>
        %dma_start3A = arith.constant 1920 : i32
        %dma_start3A_968 = tpu.memref_slice %arg23[%dma_start3A] : memref<2048xf32, #tpu.memory_space<vmem>> -> memref<128xf32, #tpu.memory_space<vmem>>
        %dma_start3A_969 = tpu.memref_slice %arg25[%add3A_116] : memref<16384xf32, #tpu.memory_space<vmem_shared>> -> memref<128xf32, #tpu.memory_space<vmem_shared>>
        %dma_start3A_970 = arith.constant 1920 : i32
        %dma_start3A_971 = tpu.memref_slice %arg23[%dma_start3A_970] : memref<2048xf32, #tpu.memory_space<vmem>> -> memref<128xf32, #tpu.memory_space<vmem>>
        %dma_start3A_972 = tpu.memref_slice %arg25[%add3A_116] : memref<16384xf32, #tpu.memory_space<vmem_shared>> -> memref<128xf32, #tpu.memory_space<vmem_shared>>
        tpu.enqueue_dma source(%dma_start3A_972 : memref<128xf32, #tpu.memory_space<vmem_shared>>) target(%dma_start3A_971 : memref<128xf32, #tpu.memory_space<vmem>>) target_semaphore(%run_scoped3A_967 : memref<!tpu.dma_semaphore, #tpu.memory_space<semaphore_mem>>)
        %dma_wait3A = arith.constant 1920 : i32
        %dma_wait3A_973 = tpu.memref_slice %arg23[%dma_wait3A] : memref<2048xf32, #tpu.memory_space<vmem>> -> memref<128xf32, #tpu.memory_space<vmem>>
        %dma_wait3A_974 = tpu.memref_slice %arg25[%add3A_116] : memref<16384xf32, #tpu.memory_space<vmem_shared>> -> memref<128xf32, #tpu.memory_space<vmem_shared>>
        %dma_wait3A_975 = arith.constant 1920 : i32
        %dma_wait3A_976 = tpu.memref_slice %arg23[%dma_wait3A_975] : memref<2048xf32, #tpu.memory_space<vmem>> -> memref<128xf32, #tpu.memory_space<vmem>>
        %dma_wait3A_977 = tpu.memref_slice %arg25[%add3A_116] : memref<16384xf32, #tpu.memory_space<vmem_shared>> -> memref<128xf32, #tpu.memory_space<vmem_shared>>
        tpu.wait_dma2 semaphore(%run_scoped3A_967 : memref<!tpu.dma_semaphore, #tpu.memory_space<semaphore_mem>>) src(%dma_wait3A_977 : memref<128xf32, #tpu.memory_space<vmem_shared>>) dst(%dma_wait3A_976 : memref<128xf32, #tpu.memory_space<vmem>>)
        tpu.yield
      }) : () -> ()
      %get3A = arith.constant 0 : index
      %get3A_117 = tpu.vector_load %arg23[%get3A] {strides = array<i32>} : memref<2048xf32, #tpu.memory_space<vmem>>, vector<16xf32>,
      %get3A_118 = arith.constant 128 : index
      %get3A_119 = tpu.vector_load %arg23[%get3A_118] {strides = array<i32>} : memref<2048xf32, #tpu.memory_space<vmem>>, vector<16xf32>,
      %add3A_120 = arith.addf %get3A_117, %get3A_119 : vector<16xf32>
      %get3A_121 = arith.constant 256 : index
      %get3A_122 = tpu.vector_load %arg23[%get3A_121] {strides = array<i32>} : memref<2048xf32, #tpu.memory_space<vmem>>, vector<16xf32>,
      %add3A_123 = arith.addf %add3A_120, %get3A_122 : vector<16xf32>
      %get3A_124 = arith.constant 384 : index
      %get3A_125 = tpu.vector_load %arg23[%get3A_124] {strides = array<i32>} : memref<2048xf32, #tpu.memory_space<vmem>>, vector<16xf32>,
      %add3A_126 = arith.addf %add3A_123, %get3A_125 : vector<16xf32>
      %get3A_127 = arith.constant 512 : index
      %get3A_128 = tpu.vector_load %arg23[%get3A_127] {strides = array<i32>} : memref<2048xf32, #tpu.memory_space<vmem>>, vector<16xf32>,
      %add3A_129 = arith.addf %add3A_126, %get3A_128 : vector<16xf32>
      %get3A_130 = arith.constant 640 : index
      %get3A_131 = tpu.vector_load %arg23[%get3A_130] {strides = array<i32>} : memref<2048xf32, #tpu.memory_space<vmem>>, vector<16xf32>,
      %add3A_132 = arith.addf %add3A_129, %get3A_131 : vector<16xf32>
      %get3A_133 = arith.constant 768 : index
      %get3A_134 = tpu.vector_load %arg23[%get3A_133] {strides = array<i32>} : memref<2048xf32, #tpu.memory_space<vmem>>, vector<16xf32>,
      %add3A_135 = arith.addf %add3A_132, %get3A_134 : vector<16xf32>
      %get3A_136 = arith.constant 896 : index
      %get3A_137 = tpu.vector_load %arg23[%get3A_136] {strides = array<i32>} : memref<2048xf32, #tpu.memory_space<vmem>>, vector<16xf32>,
      %add3A_138 = arith.addf %add3A_135, %get3A_137 : vector<16xf32>
      %get3A_139 = arith.constant 1024 : index
      %get3A_140 = tpu.vector_load %arg23[%get3A_139] {strides = array<i32>} : memref<2048xf32, #tpu.memory_space<vmem>>, vector<16xf32>,
      %add3A_141 = arith.addf %add3A_138, %get3A_140 : vector<16xf32>
      %get3A_142 = arith.constant 1152 : index
      %get3A_143 = tpu.vector_load %arg23[%get3A_142] {strides = array<i32>} : memref<2048xf32, #tpu.memory_space<vmem>>, vector<16xf32>,
      %add3A_144 = arith.addf %add3A_141, %get3A_143 : vector<16xf32>
      %get3A_145 = arith.constant 1280 : index
      %get3A_146 = tpu.vector_load %arg23[%get3A_145] {strides = array<i32>} : memref<2048xf32, #tpu.memory_space<vmem>>, vector<16xf32>,
      %add3A_147 = arith.addf %add3A_144, %get3A_146 : vector<16xf32>
      %get3A_148 = arith.constant 1408 : index
      %get3A_149 = tpu.vector_load %arg23[%get3A_148] {strides = array<i32>} : memref<2048xf32, #tpu.memory_space<vmem>>, vector<16xf32>,
      %add3A_150 = arith.addf %add3A_147, %get3A_149 : vector<16xf32>
      %get3A_151 = arith.constant 1536 : index
      %get3A_152 = tpu.vector_load %arg23[%get3A_151] {strides = array<i32>} : memref<2048xf32, #tpu.memory_space<vmem>>, vector<16xf32>,
      %add3A_153 = arith.addf %add3A_150, %get3A_152 : vector<16xf32>
      %get3A_154 = arith.constant 1664 : index
      %get3A_155 = tpu.vector_load %arg23[%get3A_154] {strides = array<i32>} : memref<2048xf32, #tpu.memory_space<vmem>>, vector<16xf32>,
      %add3A_156 = arith.addf %add3A_153, %get3A_155 : vector<16xf32>
      %get3A_157 = arith.constant 1792 : index
      %get3A_158 = tpu.vector_load %arg23[%get3A_157] {strides = array<i32>} : memref<2048xf32, #tpu.memory_space<vmem>>, vector<16xf32>,
      %add3A_159 = arith.addf %add3A_156, %get3A_158 : vector<16xf32>
      %get3A_160 = arith.constant 1920 : index
      %get3A_161 = tpu.vector_load %arg23[%get3A_160] {strides = array<i32>} : memref<2048xf32, #tpu.memory_space<vmem>>, vector<16xf32>,
      %add3A_162 = arith.addf %add3A_159, %get3A_161 : vector<16xf32>
      %swap3A = arith.constant 0 : index
      %swap3A_163 = tpu.vector_load %arg24[%swap3A] {strides = array<i32>} : memref<128xf32, #tpu.memory_space<vmem>>, vector<16xf32>,
      tpu.vector_store %arg24[%swap3A], %add3A_162 {strides = array<i32>} : memref<128xf32, #tpu.memory_space<vmem>>, vector<16xf32>,
      %get3A_164 = arith.constant 16 : index
      %get3A_165 = tpu.vector_load %arg23[%get3A_164] {strides = array<i32>} : memref<2048xf32, #tpu.memory_space<vmem>>, vector<16xf32>,
      %get3A_166 = arith.constant 144 : index
      %get3A_167 = tpu.vector_load %arg23[%get3A_166] {strides = array<i32>} : memref<2048xf32, #tpu.memory_space<vmem>>, vector<16xf32>,
      %add3A_168 = arith.addf %get3A_165, %get3A_167 : vector<16xf32>
      %get3A_169 = arith.constant 272 : index
      %get3A_170 = tpu.vector_load %arg23[%get3A_169] {strides = array<i32>} : memref<2048xf32, #tpu.memory_space<vmem>>, vector<16xf32>,
      %add3A_171 = arith.addf %add3A_168, %get3A_170 : vector<16xf32>
      %get3A_172 = arith.constant 400 : index
      %get3A_173 = tpu.vector_load %arg23[%get3A_172] {strides = array<i32>} : memref<2048xf32, #tpu.memory_space<vmem>>, vector<16xf32>,
      %add3A_174 = arith.addf %add3A_171, %get3A_173 : vector<16xf32>
      %get3A_175 = arith.constant 528 : index
      %get3A_176 = tpu.vector_load %arg23[%get3A_175] {strides = array<i32>} : memref<2048xf32, #tpu.memory_space<vmem>>, vector<16xf32>,
      %add3A_177 = arith.addf %add3A_174, %get3A_176 : vector<16xf32>
      %get3A_178 = arith.constant 656 : index
      %get3A_179 = tpu.vector_load %arg23[%get3A_178] {strides = array<i32>} : memref<2048xf32, #tpu.memory_space<vmem>>, vector<16xf32>,
      %add3A_180 = arith.addf %add3A_177, %get3A_179 : vector<16xf32>
      %get3A_181 = arith.constant 784 : index
      %get3A_182 = tpu.vector_load %arg23[%get3A_181] {strides = array<i32>} : memref<2048xf32, #tpu.memory_space<vmem>>, vector<16xf32>,
      %add3A_183 = arith.addf %add3A_180, %get3A_182 : vector<16xf32>
      %get3A_184 = arith.constant 912 : index
      %get3A_185 = tpu.vector_load %arg23[%get3A_184] {strides = array<i32>} : memref<2048xf32, #tpu.memory_space<vmem>>, vector<16xf32>,
      %add3A_186 = arith.addf %add3A_183, %get3A_185 : vector<16xf32>
      %get3A_187 = arith.constant 1040 : index
      %get3A_188 = tpu.vector_load %arg23[%get3A_187] {strides = array<i32>} : memref<2048xf32, #tpu.memory_space<vmem>>, vector<16xf32>,
      %add3A_189 = arith.addf %add3A_186, %get3A_188 : vector<16xf32>
      %get3A_190 = arith.constant 1168 : index
      %get3A_191 = tpu.vector_load %arg23[%get3A_190] {strides = array<i32>} : memref<2048xf32, #tpu.memory_space<vmem>>, vector<16xf32>,
      %add3A_192 = arith.addf %add3A_189, %get3A_191 : vector<16xf32>
      %get3A_193 = arith.constant 1296 : index
      %get3A_194 = tpu.vector_load %arg23[%get3A_193] {strides = array<i32>} : memref<2048xf32, #tpu.memory_space<vmem>>, vector<16xf32>,
      %add3A_195 = arith.addf %add3A_192, %get3A_194 : vector<16xf32>
      %get3A_196 = arith.constant 1424 : index
      %get3A_197 = tpu.vector_load %arg23[%get3A_196] {strides = array<i32>} : memref<2048xf32, #tpu.memory_space<vmem>>, vector<16xf32>,
      %add3A_198 = arith.addf %add3A_195, %get3A_197 : vector<16xf32>
      %get3A_199 = arith.constant 1552 : index
      %get3A_200 = tpu.vector_load %arg23[%get3A_199] {strides = array<i32>} : memref<2048xf32, #tpu.memory_space<vmem>>, vector<16xf32>,
      %add3A_201 = arith.addf %add3A_198, %get3A_200 : vector<16xf32>
      %get3A_202 = arith.constant 1680 : index
      %get3A_203 = tpu.vector_load %arg23[%get3A_202] {strides = array<i32>} : memref<2048xf32, #tpu.memory_space<vmem>>, vector<16xf32>,
      %add3A_204 = arith.addf %add3A_201, %get3A_203 : vector<16xf32>
      %get3A_205 = arith.constant 1808 : index
      %get3A_206 = tpu.vector_load %arg23[%get3A_205] {strides = array<i32>} : memref<2048xf32, #tpu.memory_space<vmem>>, vector<16xf32>,
      %add3A_207 = arith.addf %add3A_204, %get3A_206 : vector<16xf32>
      %get3A_208 = arith.constant 1936 : index
      %get3A_209 = tpu.vector_load %arg23[%get3A_208] {strides = array<i32>} : memref<2048xf32, #tpu.memory_space<vmem>>, vector<16xf32>,
      %add3A_210 = arith.addf %add3A_207, %get3A_209 : vector<16xf32>
      %swap3A_211 = arith.constant 16 : index
      %swap3A_212 = tpu.vector_load %arg24[%swap3A_211] {strides = array<i32>} : memref<128xf32, #tpu.memory_space<vmem>>, vector<16xf32>,
      tpu.vector_store %arg24[%swap3A_211], %add3A_210 {strides = array<i32>} : memref<128xf32, #tpu.memory_space<vmem>>, vector<16xf32>,
      %get3A_213 = arith.constant 32 : index
      %get3A_214 = tpu.vector_load %arg23[%get3A_213] {strides = array<i32>} : memref<2048xf32, #tpu.memory_space<vmem>>, vector<16xf32>,
      %get3A_215 = arith.constant 160 : index
      %get3A_216 = tpu.vector_load %arg23[%get3A_215] {strides = array<i32>} : memref<2048xf32, #tpu.memory_space<vmem>>, vector<16xf32>,
      %add3A_217 = arith.addf %get3A_214, %get3A_216 : vector<16xf32>
      %get3A_218 = arith.constant 288 : index
      %get3A_219 = tpu.vector_load %arg23[%get3A_218] {strides = array<i32>} : memref<2048xf32, #tpu.memory_space<vmem>>, vector<16xf32>,
      %add3A_220 = arith.addf %add3A_217, %get3A_219 : vector<16xf32>
      %get3A_221 = arith.constant 416 : index
      %get3A_222 = tpu.vector_load %arg23[%get3A_221] {strides = array<i32>} : memref<2048xf32, #tpu.memory_space<vmem>>, vector<16xf32>,
      %add3A_223 = arith.addf %add3A_220, %get3A_222 : vector<16xf32>
      %get3A_224 = arith.constant 544 : index
      %get3A_225 = tpu.vector_load %arg23[%get3A_224] {strides = array<i32>} : memref<2048xf32, #tpu.memory_space<vmem>>, vector<16xf32>,
      %add3A_226 = arith.addf %add3A_223, %get3A_225 : vector<16xf32>
      %get3A_227 = arith.constant 672 : index
      %get3A_228 = tpu.vector_load %arg23[%get3A_227] {strides = array<i32>} : memref<2048xf32, #tpu.memory_space<vmem>>, vector<16xf32>,
      %add3A_229 = arith.addf %add3A_226, %get3A_228 : vector<16xf32>
      %get3A_230 = arith.constant 800 : index
      %get3A_231 = tpu.vector_load %arg23[%get3A_230] {strides = array<i32>} : memref<2048xf32, #tpu.memory_space<vmem>>, vector<16xf32>,
      %add3A_232 = arith.addf %add3A_229, %get3A_231 : vector<16xf32>
      %get3A_233 = arith.constant 928 : index
      %get3A_234 = tpu.vector_load %arg23[%get3A_233] {strides = array<i32>} : memref<2048xf32, #tpu.memory_space<vmem>>, vector<16xf32>,
      %add3A_235 = arith.addf %add3A_232, %get3A_234 : vector<16xf32>
      %get3A_236 = arith.constant 1056 : index
      %get3A_237 = tpu.vector_load %arg23[%get3A_236] {strides = array<i32>} : memref<2048xf32, #tpu.memory_space<vmem>>, vector<16xf32>,
      %add3A_238 = arith.addf %add3A_235, %get3A_237 : vector<16xf32>
      %get3A_239 = arith.constant 1184 : index
      %get3A_240 = tpu.vector_load %arg23[%get3A_239] {strides = array<i32>} : memref<2048xf32, #tpu.memory_space<vmem>>, vector<16xf32>,
      %add3A_241 = arith.addf %add3A_238, %get3A_240 : vector<16xf32>
      %get3A_242 = arith.constant 1312 : index
      %get3A_243 = tpu.vector_load %arg23[%get3A_242] {strides = array<i32>} : memref<2048xf32, #tpu.memory_space<vmem>>, vector<16xf32>,
      %add3A_244 = arith.addf %add3A_241, %get3A_243 : vector<16xf32>
      %get3A_245 = arith.constant 1440 : index
      %get3A_246 = tpu.vector_load %arg23[%get3A_245] {strides = array<i32>} : memref<2048xf32, #tpu.memory_space<vmem>>, vector<16xf32>,
      %add3A_247 = arith.addf %add3A_244, %get3A_246 : vector<16xf32>
      %get3A_248 = arith.constant 1568 : index
      %get3A_249 = tpu.vector_load %arg23[%get3A_248] {strides = array<i32>} : memref<2048xf32, #tpu.memory_space<vmem>>, vector<16xf32>,
      %add3A_250 = arith.addf %add3A_247, %get3A_249 : vector<16xf32>
      %get3A_251 = arith.constant 1696 : index
      %get3A_252 = tpu.vector_load %arg23[%get3A_251] {strides = array<i32>} : memref<2048xf32, #tpu.memory_space<vmem>>, vector<16xf32>,
      %add3A_253 = arith.addf %add3A_250, %get3A_252 : vector<16xf32>
      %get3A_254 = arith.constant 1824 : index
      %get3A_255 = tpu.vector_load %arg23[%get3A_254] {strides = array<i32>} : memref<2048xf32, #tpu.memory_space<vmem>>, vector<16xf32>,
      %add3A_256 = arith.addf %add3A_253, %get3A_255 : vector<16xf32>
      %get3A_257 = arith.constant 1952 : index
      %get3A_258 = tpu.vector_load %arg23[%get3A_257] {strides = array<i32>} : memref<2048xf32, #tpu.memory_space<vmem>>, vector<16xf32>,
      %add3A_259 = arith.addf %add3A_256, %get3A_258 : vector<16xf32>
      %swap3A_260 = arith.constant 32 : index
      %swap3A_261 = tpu.vector_load %arg24[%swap3A_260] {strides = array<i32>} : memref<128xf32, #tpu.memory_space<vmem>>, vector<16xf32>,
      tpu.vector_store %arg24[%swap3A_260], %add3A_259 {strides = array<i32>} : memref<128xf32, #tpu.memory_space<vmem>>, vector<16xf32>,
      %get3A_262 = arith.constant 48 : index
      %get3A_263 = tpu.vector_load %arg23[%get3A_262] {strides = array<i32>} : memref<2048xf32, #tpu.memory_space<vmem>>, vector<16xf32>,
      %get3A_264 = arith.constant 176 : index
      %get3A_265 = tpu.vector_load %arg23[%get3A_264] {strides = array<i32>} : memref<2048xf32, #tpu.memory_space<vmem>>, vector<16xf32>,
      %add3A_266 = arith.addf %get3A_263, %get3A_265 : vector<16xf32>
      %get3A_267 = arith.constant 304 : index
      %get3A_268 = tpu.vector_load %arg23[%get3A_267] {strides = array<i32>} : memref<2048xf32, #tpu.memory_space<vmem>>, vector<16xf32>,
      %add3A_269 = arith.addf %add3A_266, %get3A_268 : vector<16xf32>
      %get3A_270 = arith.constant 432 : index
      %get3A_271 = tpu.vector_load %arg23[%get3A_270] {strides = array<i32>} : memref<2048xf32, #tpu.memory_space<vmem>>, vector<16xf32>,
      %add3A_272 = arith.addf %add3A_269, %get3A_271 : vector<16xf32>
      %get3A_273 = arith.constant 560 : index
      %get3A_274 = tpu.vector_load %arg23[%get3A_273] {strides = array<i32>} : memref<2048xf32, #tpu.memory_space<vmem>>, vector<16xf32>,
      %add3A_275 = arith.addf %add3A_272, %get3A_274 : vector<16xf32>
      %get3A_276 = arith.constant 688 : index
      %get3A_277 = tpu.vector_load %arg23[%get3A_276] {strides = array<i32>} : memref<2048xf32, #tpu.memory_space<vmem>>, vector<16xf32>,
      %add3A_278 = arith.addf %add3A_275, %get3A_277 : vector<16xf32>
      %get3A_279 = arith.constant 816 : index
      %get3A_280 = tpu.vector_load %arg23[%get3A_279] {strides = array<i32>} : memref<2048xf32, #tpu.memory_space<vmem>>, vector<16xf32>,
      %add3A_281 = arith.addf %add3A_278, %get3A_280 : vector<16xf32>
      %get3A_282 = arith.constant 944 : index
      %get3A_283 = tpu.vector_load %arg23[%get3A_282] {strides = array<i32>} : memref<2048xf32, #tpu.memory_space<vmem>>, vector<16xf32>,
      %add3A_284 = arith.addf %add3A_281, %get3A_283 : vector<16xf32>
      %get3A_285 = arith.constant 1072 : index
      %get3A_286 = tpu.vector_load %arg23[%get3A_285] {strides = array<i32>} : memref<2048xf32, #tpu.memory_space<vmem>>, vector<16xf32>,
      %add3A_287 = arith.addf %add3A_284, %get3A_286 : vector<16xf32>
      %get3A_288 = arith.constant 1200 : index
      %get3A_289 = tpu.vector_load %arg23[%get3A_288] {strides = array<i32>} : memref<2048xf32, #tpu.memory_space<vmem>>, vector<16xf32>,
      %add3A_290 = arith.addf %add3A_287, %get3A_289 : vector<16xf32>
      %get3A_291 = arith.constant 1328 : index
      %get3A_292 = tpu.vector_load %arg23[%get3A_291] {strides = array<i32>} : memref<2048xf32, #tpu.memory_space<vmem>>, vector<16xf32>,
      %add3A_293 = arith.addf %add3A_290, %get3A_292 : vector<16xf32>
      %get3A_294 = arith.constant 1456 : index
      %get3A_295 = tpu.vector_load %arg23[%get3A_294] {strides = array<i32>} : memref<2048xf32, #tpu.memory_space<vmem>>, vector<16xf32>,
      %add3A_296 = arith.addf %add3A_293, %get3A_295 : vector<16xf32>
      %get3A_297 = arith.constant 1584 : index
      %get3A_298 = tpu.vector_load %arg23[%get3A_297] {strides = array<i32>} : memref<2048xf32, #tpu.memory_space<vmem>>, vector<16xf32>,
      %add3A_299 = arith.addf %add3A_296, %get3A_298 : vector<16xf32>
      %get3A_300 = arith.constant 1712 : index
      %get3A_301 = tpu.vector_load %arg23[%get3A_300] {strides = array<i32>} : memref<2048xf32, #tpu.memory_space<vmem>>, vector<16xf32>,
      %add3A_302 = arith.addf %add3A_299, %get3A_301 : vector<16xf32>
      %get3A_303 = arith.constant 1840 : index
      %get3A_304 = tpu.vector_load %arg23[%get3A_303] {strides = array<i32>} : memref<2048xf32, #tpu.memory_space<vmem>>, vector<16xf32>,
      %add3A_305 = arith.addf %add3A_302, %get3A_304 : vector<16xf32>
      %get3A_306 = arith.constant 1968 : index
      %get3A_307 = tpu.vector_load %arg23[%get3A_306] {strides = array<i32>} : memref<2048xf32, #tpu.memory_space<vmem>>, vector<16xf32>,
      %add3A_308 = arith.addf %add3A_305, %get3A_307 : vector<16xf32>
      %swap3A_309 = arith.constant 48 : index
      %swap3A_310 = tpu.vector_load %arg24[%swap3A_309] {strides = array<i32>} : memref<128xf32, #tpu.memory_space<vmem>>, vector<16xf32>,
      tpu.vector_store %arg24[%swap3A_309], %add3A_308 {strides = array<i32>} : memref<128xf32, #tpu.memory_space<vmem>>, vector<16xf32>,
      %get3A_311 = arith.constant 64 : index
      %get3A_312 = tpu.vector_load %arg23[%get3A_311] {strides = array<i32>} : memref<2048xf32, #tpu.memory_space<vmem>>, vector<16xf32>,
      %get3A_313 = arith.constant 192 : index
      %get3A_314 = tpu.vector_load %arg23[%get3A_313] {strides = array<i32>} : memref<2048xf32, #tpu.memory_space<vmem>>, vector<16xf32>,
      %add3A_315 = arith.addf %get3A_312, %get3A_314 : vector<16xf32>
      %get3A_316 = arith.constant 320 : index
      %get3A_317 = tpu.vector_load %arg23[%get3A_316] {strides = array<i32>} : memref<2048xf32, #tpu.memory_space<vmem>>, vector<16xf32>,
      %add3A_318 = arith.addf %add3A_315, %get3A_317 : vector<16xf32>
      %get3A_319 = arith.constant 448 : index
      %get3A_320 = tpu.vector_load %arg23[%get3A_319] {strides = array<i32>} : memref<2048xf32, #tpu.memory_space<vmem>>, vector<16xf32>,
      %add3A_321 = arith.addf %add3A_318, %get3A_320 : vector<16xf32>
      %get3A_322 = arith.constant 576 : index
      %get3A_323 = tpu.vector_load %arg23[%get3A_322] {strides = array<i32>} : memref<2048xf32, #tpu.memory_space<vmem>>, vector<16xf32>,
      %add3A_324 = arith.addf %add3A_321, %get3A_323 : vector<16xf32>
      %get3A_325 = arith.constant 704 : index
      %get3A_326 = tpu.vector_load %arg23[%get3A_325] {strides = array<i32>} : memref<2048xf32, #tpu.memory_space<vmem>>, vector<16xf32>,
      %add3A_327 = arith.addf %add3A_324, %get3A_326 : vector<16xf32>
      %get3A_328 = arith.constant 832 : index
      %get3A_329 = tpu.vector_load %arg23[%get3A_328] {strides = array<i32>} : memref<2048xf32, #tpu.memory_space<vmem>>, vector<16xf32>,
      %add3A_330 = arith.addf %add3A_327, %get3A_329 : vector<16xf32>
      %get3A_331 = arith.constant 960 : index
      %get3A_332 = tpu.vector_load %arg23[%get3A_331] {strides = array<i32>} : memref<2048xf32, #tpu.memory_space<vmem>>, vector<16xf32>,
      %add3A_333 = arith.addf %add3A_330, %get3A_332 : vector<16xf32>
      %get3A_334 = arith.constant 1088 : index
      %get3A_335 = tpu.vector_load %arg23[%get3A_334] {strides = array<i32>} : memref<2048xf32, #tpu.memory_space<vmem>>, vector<16xf32>,
      %add3A_336 = arith.addf %add3A_333, %get3A_335 : vector<16xf32>
      %get3A_337 = arith.constant 1216 : index
      %get3A_338 = tpu.vector_load %arg23[%get3A_337] {strides = array<i32>} : memref<2048xf32, #tpu.memory_space<vmem>>, vector<16xf32>,
      %add3A_339 = arith.addf %add3A_336, %get3A_338 : vector<16xf32>
      %get3A_340 = arith.constant 1344 : index
      %get3A_341 = tpu.vector_load %arg23[%get3A_340] {strides = array<i32>} : memref<2048xf32, #tpu.memory_space<vmem>>, vector<16xf32>,
      %add3A_342 = arith.addf %add3A_339, %get3A_341 : vector<16xf32>
      %get3A_343 = arith.constant 1472 : index
      %get3A_344 = tpu.vector_load %arg23[%get3A_343] {strides = array<i32>} : memref<2048xf32, #tpu.memory_space<vmem>>, vector<16xf32>,
      %add3A_345 = arith.addf %add3A_342, %get3A_344 : vector<16xf32>
      %get3A_346 = arith.constant 1600 : index
      %get3A_347 = tpu.vector_load %arg23[%get3A_346] {strides = array<i32>} : memref<2048xf32, #tpu.memory_space<vmem>>, vector<16xf32>,
      %add3A_348 = arith.addf %add3A_345, %get3A_347 : vector<16xf32>
      %get3A_349 = arith.constant 1728 : index
      %get3A_350 = tpu.vector_load %arg23[%get3A_349] {strides = array<i32>} : memref<2048xf32, #tpu.memory_space<vmem>>, vector<16xf32>,
      %add3A_351 = arith.addf %add3A_348, %get3A_350 : vector<16xf32>
      %get3A_352 = arith.constant 1856 : index
      %get3A_353 = tpu.vector_load %arg23[%get3A_352] {strides = array<i32>} : memref<2048xf32, #tpu.memory_space<vmem>>, vector<16xf32>,
      %add3A_354 = arith.addf %add3A_351, %get3A_353 : vector<16xf32>
      %get3A_355 = arith.constant 1984 : index
      %get3A_356 = tpu.vector_load %arg23[%get3A_355] {strides = array<i32>} : memref<2048xf32, #tpu.memory_space<vmem>>, vector<16xf32>,
      %add3A_357 = arith.addf %add3A_354, %get3A_356 : vector<16xf32>
      %swap3A_358 = arith.constant 64 : index
      %swap3A_359 = tpu.vector_load %arg24[%swap3A_358] {strides = array<i32>} : memref<128xf32, #tpu.memory_space<vmem>>, vector<16xf32>,
      tpu.vector_store %arg24[%swap3A_358], %add3A_357 {strides = array<i32>} : memref<128xf32, #tpu.memory_space<vmem>>, vector<16xf32>,
      %get3A_360 = arith.constant 80 : index
      %get3A_361 = tpu.vector_load %arg23[%get3A_360] {strides = array<i32>} : memref<2048xf32, #tpu.memory_space<vmem>>, vector<16xf32>,
      %get3A_362 = arith.constant 208 : index
      %get3A_363 = tpu.vector_load %arg23[%get3A_362] {strides = array<i32>} : memref<2048xf32, #tpu.memory_space<vmem>>, vector<16xf32>,
      %add3A_364 = arith.addf %get3A_361, %get3A_363 : vector<16xf32>
      %get3A_365 = arith.constant 336 : index
      %get3A_366 = tpu.vector_load %arg23[%get3A_365] {strides = array<i32>} : memref<2048xf32, #tpu.memory_space<vmem>>, vector<16xf32>,
      %add3A_367 = arith.addf %add3A_364, %get3A_366 : vector<16xf32>
      %get3A_368 = arith.constant 464 : index
      %get3A_369 = tpu.vector_load %arg23[%get3A_368] {strides = array<i32>} : memref<2048xf32, #tpu.memory_space<vmem>>, vector<16xf32>,
      %add3A_370 = arith.addf %add3A_367, %get3A_369 : vector<16xf32>
      %get3A_371 = arith.constant 592 : index
      %get3A_372 = tpu.vector_load %arg23[%get3A_371] {strides = array<i32>} : memref<2048xf32, #tpu.memory_space<vmem>>, vector<16xf32>,
      %add3A_373 = arith.addf %add3A_370, %get3A_372 : vector<16xf32>
      %get3A_374 = arith.constant 720 : index
      %get3A_375 = tpu.vector_load %arg23[%get3A_374] {strides = array<i32>} : memref<2048xf32, #tpu.memory_space<vmem>>, vector<16xf32>,
      %add3A_376 = arith.addf %add3A_373, %get3A_375 : vector<16xf32>
      %get3A_377 = arith.constant 848 : index
      %get3A_378 = tpu.vector_load %arg23[%get3A_377] {strides = array<i32>} : memref<2048xf32, #tpu.memory_space<vmem>>, vector<16xf32>,
      %add3A_379 = arith.addf %add3A_376, %get3A_378 : vector<16xf32>
      %get3A_380 = arith.constant 976 : index
      %get3A_381 = tpu.vector_load %arg23[%get3A_380] {strides = array<i32>} : memref<2048xf32, #tpu.memory_space<vmem>>, vector<16xf32>,
      %add3A_382 = arith.addf %add3A_379, %get3A_381 : vector<16xf32>
      %get3A_383 = arith.constant 1104 : index
      %get3A_384 = tpu.vector_load %arg23[%get3A_383] {strides = array<i32>} : memref<2048xf32, #tpu.memory_space<vmem>>, vector<16xf32>,
      %add3A_385 = arith.addf %add3A_382, %get3A_384 : vector<16xf32>
      %get3A_386 = arith.constant 1232 : index
      %get3A_387 = tpu.vector_load %arg23[%get3A_386] {strides = array<i32>} : memref<2048xf32, #tpu.memory_space<vmem>>, vector<16xf32>,
      %add3A_388 = arith.addf %add3A_385, %get3A_387 : vector<16xf32>
      %get3A_389 = arith.constant 1360 : index
      %get3A_390 = tpu.vector_load %arg23[%get3A_389] {strides = array<i32>} : memref<2048xf32, #tpu.memory_space<vmem>>, vector<16xf32>,
      %add3A_391 = arith.addf %add3A_388, %get3A_390 : vector<16xf32>
      %get3A_392 = arith.constant 1488 : index
      %get3A_393 = tpu.vector_load %arg23[%get3A_392] {strides = array<i32>} : memref<2048xf32, #tpu.memory_space<vmem>>, vector<16xf32>,
      %add3A_394 = arith.addf %add3A_391, %get3A_393 : vector<16xf32>
      %get3A_395 = arith.constant 1616 : index
      %get3A_396 = tpu.vector_load %arg23[%get3A_395] {strides = array<i32>} : memref<2048xf32, #tpu.memory_space<vmem>>, vector<16xf32>,
      %add3A_397 = arith.addf %add3A_394, %get3A_396 : vector<16xf32>
      %get3A_398 = arith.constant 1744 : index
      %get3A_399 = tpu.vector_load %arg23[%get3A_398] {strides = array<i32>} : memref<2048xf32, #tpu.memory_space<vmem>>, vector<16xf32>,
      %add3A_400 = arith.addf %add3A_397, %get3A_399 : vector<16xf32>
      %get3A_401 = arith.constant 1872 : index
      %get3A_402 = tpu.vector_load %arg23[%get3A_401] {strides = array<i32>} : memref<2048xf32, #tpu.memory_space<vmem>>, vector<16xf32>,
      %add3A_403 = arith.addf %add3A_400, %get3A_402 : vector<16xf32>
      %get3A_404 = arith.constant 2000 : index
      %get3A_405 = tpu.vector_load %arg23[%get3A_404] {strides = array<i32>} : memref<2048xf32, #tpu.memory_space<vmem>>, vector<16xf32>,
      %add3A_406 = arith.addf %add3A_403, %get3A_405 : vector<16xf32>
      %swap3A_407 = arith.constant 80 : index
      %swap3A_408 = tpu.vector_load %arg24[%swap3A_407] {strides = array<i32>} : memref<128xf32, #tpu.memory_space<vmem>>, vector<16xf32>,
      tpu.vector_store %arg24[%swap3A_407], %add3A_406 {strides = array<i32>} : memref<128xf32, #tpu.memory_space<vmem>>, vector<16xf32>,
      %get3A_409 = arith.constant 96 : index
      %get3A_410 = tpu.vector_load %arg23[%get3A_409] {strides = array<i32>} : memref<2048xf32, #tpu.memory_space<vmem>>, vector<16xf32>,
      %get3A_411 = arith.constant 224 : index
      %get3A_412 = tpu.vector_load %arg23[%get3A_411] {strides = array<i32>} : memref<2048xf32, #tpu.memory_space<vmem>>, vector<16xf32>,
      %add3A_413 = arith.addf %get3A_410, %get3A_412 : vector<16xf32>
      %get3A_414 = arith.constant 352 : index
      %get3A_415 = tpu.vector_load %arg23[%get3A_414] {strides = array<i32>} : memref<2048xf32, #tpu.memory_space<vmem>>, vector<16xf32>,
      %add3A_416 = arith.addf %add3A_413, %get3A_415 : vector<16xf32>
      %get3A_417 = arith.constant 480 : index
      %get3A_418 = tpu.vector_load %arg23[%get3A_417] {strides = array<i32>} : memref<2048xf32, #tpu.memory_space<vmem>>, vector<16xf32>,
      %add3A_419 = arith.addf %add3A_416, %get3A_418 : vector<16xf32>
      %get3A_420 = arith.constant 608 : index
      %get3A_421 = tpu.vector_load %arg23[%get3A_420] {strides = array<i32>} : memref<2048xf32, #tpu.memory_space<vmem>>, vector<16xf32>,
      %add3A_422 = arith.addf %add3A_419, %get3A_421 : vector<16xf32>
      %get3A_423 = arith.constant 736 : index
      %get3A_424 = tpu.vector_load %arg23[%get3A_423] {strides = array<i32>} : memref<2048xf32, #tpu.memory_space<vmem>>, vector<16xf32>,
      %add3A_425 = arith.addf %add3A_422, %get3A_424 : vector<16xf32>
      %get3A_426 = arith.constant 864 : index
      %get3A_427 = tpu.vector_load %arg23[%get3A_426] {strides = array<i32>} : memref<2048xf32, #tpu.memory_space<vmem>>, vector<16xf32>,
      %add3A_428 = arith.addf %add3A_425, %get3A_427 : vector<16xf32>
      %get3A_429 = arith.constant 992 : index
      %get3A_430 = tpu.vector_load %arg23[%get3A_429] {strides = array<i32>} : memref<2048xf32, #tpu.memory_space<vmem>>, vector<16xf32>,
      %add3A_431 = arith.addf %add3A_428, %get3A_430 : vector<16xf32>
      %get3A_432 = arith.constant 1120 : index
      %get3A_433 = tpu.vector_load %arg23[%get3A_432] {strides = array<i32>} : memref<2048xf32, #tpu.memory_space<vmem>>, vector<16xf32>,
      %add3A_434 = arith.addf %add3A_431, %get3A_433 : vector<16xf32>
      %get3A_435 = arith.constant 1248 : index
      %get3A_436 = tpu.vector_load %arg23[%get3A_435] {strides = array<i32>} : memref<2048xf32, #tpu.memory_space<vmem>>, vector<16xf32>,
      %add3A_437 = arith.addf %add3A_434, %get3A_436 : vector<16xf32>
      %get3A_438 = arith.constant 1376 : index
      %get3A_439 = tpu.vector_load %arg23[%get3A_438] {strides = array<i32>} : memref<2048xf32, #tpu.memory_space<vmem>>, vector<16xf32>,
      %add3A_440 = arith.addf %add3A_437, %get3A_439 : vector<16xf32>
      %get3A_441 = arith.constant 1504 : index
      %get3A_442 = tpu.vector_load %arg23[%get3A_441] {strides = array<i32>} : memref<2048xf32, #tpu.memory_space<vmem>>, vector<16xf32>,
      %add3A_443 = arith.addf %add3A_440, %get3A_442 : vector<16xf32>
      %get3A_444 = arith.constant 1632 : index
      %get3A_445 = tpu.vector_load %arg23[%get3A_444] {strides = array<i32>} : memref<2048xf32, #tpu.memory_space<vmem>>, vector<16xf32>,
      %add3A_446 = arith.addf %add3A_443, %get3A_445 : vector<16xf32>
      %get3A_447 = arith.constant 1760 : index
      %get3A_448 = tpu.vector_load %arg23[%get3A_447] {strides = array<i32>} : memref<2048xf32, #tpu.memory_space<vmem>>, vector<16xf32>,
      %add3A_449 = arith.addf %add3A_446, %get3A_448 : vector<16xf32>
      %get3A_450 = arith.constant 1888 : index
      %get3A_451 = tpu.vector_load %arg23[%get3A_450] {strides = array<i32>} : memref<2048xf32, #tpu.memory_space<vmem>>, vector<16xf32>,
      %add3A_452 = arith.addf %add3A_449, %get3A_451 : vector<16xf32>
      %get3A_453 = arith.constant 2016 : index
      %get3A_454 = tpu.vector_load %arg23[%get3A_453] {strides = array<i32>} : memref<2048xf32, #tpu.memory_space<vmem>>, vector<16xf32>,
      %add3A_455 = arith.addf %add3A_452, %get3A_454 : vector<16xf32>
      %swap3A_456 = arith.constant 96 : index
      %swap3A_457 = tpu.vector_load %arg24[%swap3A_456] {strides = array<i32>} : memref<128xf32, #tpu.memory_space<vmem>>, vector<16xf32>,
      tpu.vector_store %arg24[%swap3A_456], %add3A_455 {strides = array<i32>} : memref<128xf32, #tpu.memory_space<vmem>>, vector<16xf32>,
      %get3A_458 = arith.constant 112 : index
      %get3A_459 = tpu.vector_load %arg23[%get3A_458] {strides = array<i32>} : memref<2048xf32, #tpu.memory_space<vmem>>, vector<16xf32>,
      %get3A_460 = arith.constant 240 : index
      %get3A_461 = tpu.vector_load %arg23[%get3A_460] {strides = array<i32>} : memref<2048xf32, #tpu.memory_space<vmem>>, vector<16xf32>,
      %add3A_462 = arith.addf %get3A_459, %get3A_461 : vector<16xf32>
      %get3A_463 = arith.constant 368 : index
      %get3A_464 = tpu.vector_load %arg23[%get3A_463] {strides = array<i32>} : memref<2048xf32, #tpu.memory_space<vmem>>, vector<16xf32>,
      %add3A_465 = arith.addf %add3A_462, %get3A_464 : vector<16xf32>
      %get3A_466 = arith.constant 496 : index
      %get3A_467 = tpu.vector_load %arg23[%get3A_466] {strides = array<i32>} : memref<2048xf32, #tpu.memory_space<vmem>>, vector<16xf32>,
      %add3A_468 = arith.addf %add3A_465, %get3A_467 : vector<16xf32>
      %get3A_469 = arith.constant 624 : index
      %get3A_470 = tpu.vector_load %arg23[%get3A_469] {strides = array<i32>} : memref<2048xf32, #tpu.memory_space<vmem>>, vector<16xf32>,
      %add3A_471 = arith.addf %add3A_468, %get3A_470 : vector<16xf32>
      %get3A_472 = arith.constant 752 : index
      %get3A_473 = tpu.vector_load %arg23[%get3A_472] {strides = array<i32>} : memref<2048xf32, #tpu.memory_space<vmem>>, vector<16xf32>,
      %add3A_474 = arith.addf %add3A_471, %get3A_473 : vector<16xf32>
      %get3A_475 = arith.constant 880 : index
      %get3A_476 = tpu.vector_load %arg23[%get3A_475] {strides = array<i32>} : memref<2048xf32, #tpu.memory_space<vmem>>, vector<16xf32>,
      %add3A_477 = arith.addf %add3A_474, %get3A_476 : vector<16xf32>
      %get3A_478 = arith.constant 1008 : index
      %get3A_479 = tpu.vector_load %arg23[%get3A_478] {strides = array<i32>} : memref<2048xf32, #tpu.memory_space<vmem>>, vector<16xf32>,
      %add3A_480 = arith.addf %add3A_477, %get3A_479 : vector<16xf32>
      %get3A_481 = arith.constant 1136 : index
      %get3A_482 = tpu.vector_load %arg23[%get3A_481] {strides = array<i32>} : memref<2048xf32, #tpu.memory_space<vmem>>, vector<16xf32>,
      %add3A_483 = arith.addf %add3A_480, %get3A_482 : vector<16xf32>
      %get3A_484 = arith.constant 1264 : index
      %get3A_485 = tpu.vector_load %arg23[%get3A_484] {strides = array<i32>} : memref<2048xf32, #tpu.memory_space<vmem>>, vector<16xf32>,
      %add3A_486 = arith.addf %add3A_483, %get3A_485 : vector<16xf32>
      %get3A_487 = arith.constant 1392 : index
      %get3A_488 = tpu.vector_load %arg23[%get3A_487] {strides = array<i32>} : memref<2048xf32, #tpu.memory_space<vmem>>, vector<16xf32>,
      %add3A_489 = arith.addf %add3A_486, %get3A_488 : vector<16xf32>
      %get3A_490 = arith.constant 1520 : index
      %get3A_491 = tpu.vector_load %arg23[%get3A_490] {strides = array<i32>} : memref<2048xf32, #tpu.memory_space<vmem>>, vector<16xf32>,
      %add3A_492 = arith.addf %add3A_489, %get3A_491 : vector<16xf32>
      %get3A_493 = arith.constant 1648 : index
      %get3A_494 = tpu.vector_load %arg23[%get3A_493] {strides = array<i32>} : memref<2048xf32, #tpu.memory_space<vmem>>, vector<16xf32>,
      %add3A_495 = arith.addf %add3A_492, %get3A_494 : vector<16xf32>
      %get3A_496 = arith.constant 1776 : index
      %get3A_497 = tpu.vector_load %arg23[%get3A_496] {strides = array<i32>} : memref<2048xf32, #tpu.memory_space<vmem>>, vector<16xf32>,
      %add3A_498 = arith.addf %add3A_495, %get3A_497 : vector<16xf32>
      %get3A_499 = arith.constant 1904 : index
      %get3A_500 = tpu.vector_load %arg23[%get3A_499] {strides = array<i32>} : memref<2048xf32, #tpu.memory_space<vmem>>, vector<16xf32>,
      %add3A_501 = arith.addf %add3A_498, %get3A_500 : vector<16xf32>
      %get3A_502 = arith.constant 2032 : index
      %get3A_503 = tpu.vector_load %arg23[%get3A_502] {strides = array<i32>} : memref<2048xf32, #tpu.memory_space<vmem>>, vector<16xf32>,
      %add3A_504 = arith.addf %add3A_501, %get3A_503 : vector<16xf32>
      %swap3A_505 = arith.constant 112 : index
      %swap3A_506 = tpu.vector_load %arg24[%swap3A_505] {strides = array<i32>} : memref<128xf32, #tpu.memory_space<vmem>>, vector<16xf32>,
      tpu.vector_store %arg24[%swap3A_505], %add3A_504 {strides = array<i32>} : memref<128xf32, #tpu.memory_space<vmem>>, vector<16xf32>,
      %mul3A_507 = arith.constant 128 : i32
      %mul3A_508 = arith.muli %mul3A_507, %arg1 : i32
      "tpu.region"() ({
        %run_scoped3A_967 = tpu.sem_alloc : memref<!tpu.dma_semaphore, #tpu.memory_space<semaphore_mem>>
        %dma_start3A = tpu.memref_slice %arg29[%mul3A_508] : memref<1024xf32, #tpu.memory_space<vmem_shared>> -> memref<128xf32, #tpu.memory_space<vmem_shared>>
        %dma_start3A_968 = tpu.memref_slice %arg29[%mul3A_508] : memref<1024xf32, #tpu.memory_space<vmem_shared>> -> memref<128xf32, #tpu.memory_space<vmem_shared>>
        tpu.enqueue_dma source(%arg24 : memref<128xf32, #tpu.memory_space<vmem>>) target(%dma_start3A_968 : memref<128xf32, #tpu.memory_space<vmem_shared>>) target_semaphore(%run_scoped3A_967 : memref<!tpu.dma_semaphore, #tpu.memory_space<semaphore_mem>>)
        %dma_wait3A = tpu.memref_slice %arg29[%mul3A_508] : memref<1024xf32, #tpu.memory_space<vmem_shared>> -> memref<128xf32, #tpu.memory_space<vmem_shared>>
        %dma_wait3A_969 = tpu.memref_slice %arg29[%mul3A_508] : memref<1024xf32, #tpu.memory_space<vmem_shared>> -> memref<128xf32, #tpu.memory_space<vmem_shared>>
        tpu.wait_dma2 semaphore(%run_scoped3A_967 : memref<!tpu.dma_semaphore, #tpu.memory_space<semaphore_mem>>) src(%arg24 : memref<128xf32, #tpu.memory_space<vmem>>) dst(%dma_wait3A_969 : memref<128xf32, #tpu.memory_space<vmem_shared>>)
        tpu.yield
      }) : () -> ()
      %mul3A_509 = arith.constant 128 : i32
      %mul3A_510 = arith.muli %mul3A_509, %arg1 : i32
      %add3A_511 = arith.constant 0 : i32
      %add3A_512 = arith.addi %add3A_511, %mul3A_510 : i32
      "tpu.region"() ({
        %run_scoped3A_967 = tpu.sem_alloc : memref<!tpu.dma_semaphore, #tpu.memory_space<semaphore_mem>>
        %dma_start3A = arith.constant 0 : i32
        %dma_start3A_968 = tpu.memref_slice %arg23[%dma_start3A] : memref<2048xf32, #tpu.memory_space<vmem>> -> memref<128xf32, #tpu.memory_space<vmem>>
        %dma_start3A_969 = tpu.memref_slice %arg27[%add3A_512] : memref<16384xf32, #tpu.memory_space<vmem_shared>> -> memref<128xf32, #tpu.memory_space<vmem_shared>>
        %dma_start3A_970 = arith.constant 0 : i32
        %dma_start3A_971 = tpu.memref_slice %arg23[%dma_start3A_970] : memref<2048xf32, #tpu.memory_space<vmem>> -> memref<128xf32, #tpu.memory_space<vmem>>
        %dma_start3A_972 = tpu.memref_slice %arg27[%add3A_512] : memref<16384xf32, #tpu.memory_space<vmem_shared>> -> memref<128xf32, #tpu.memory_space<vmem_shared>>
        tpu.enqueue_dma source(%dma_start3A_972 : memref<128xf32, #tpu.memory_space<vmem_shared>>) target(%dma_start3A_971 : memref<128xf32, #tpu.memory_space<vmem>>) target_semaphore(%run_scoped3A_967 : memref<!tpu.dma_semaphore, #tpu.memory_space<semaphore_mem>>)
        %dma_wait3A = arith.constant 0 : i32
        %dma_wait3A_973 = tpu.memref_slice %arg23[%dma_wait3A] : memref<2048xf32, #tpu.memory_space<vmem>> -> memref<128xf32, #tpu.memory_space<vmem>>
        %dma_wait3A_974 = tpu.memref_slice %arg27[%add3A_512] : memref<16384xf32, #tpu.memory_space<vmem_shared>> -> memref<128xf32, #tpu.memory_space<vmem_shared>>
        %dma_wait3A_975 = arith.constant 0 : i32
        %dma_wait3A_976 = tpu.memref_slice %arg23[%dma_wait3A_975] : memref<2048xf32, #tpu.memory_space<vmem>> -> memref<128xf32, #tpu.memory_space<vmem>>
        %dma_wait3A_977 = tpu.memref_slice %arg27[%add3A_512] : memref<16384xf32, #tpu.memory_space<vmem_shared>> -> memref<128xf32, #tpu.memory_space<vmem_shared>>
        tpu.wait_dma2 semaphore(%run_scoped3A_967 : memref<!tpu.dma_semaphore, #tpu.memory_space<semaphore_mem>>) src(%dma_wait3A_977 : memref<128xf32, #tpu.memory_space<vmem_shared>>) dst(%dma_wait3A_976 : memref<128xf32, #tpu.memory_space<vmem>>)
        tpu.yield
      }) : () -> ()
      %mul3A_513 = arith.constant 128 : i32
      %mul3A_514 = arith.muli %mul3A_513, %arg1 : i32
      %add3A_515 = arith.constant 1024 : i32
      %add3A_516 = arith.addi %add3A_515, %mul3A_514 : i32
      "tpu.region"() ({
        %run_scoped3A_967 = tpu.sem_alloc : memref<!tpu.dma_semaphore, #tpu.memory_space<semaphore_mem>>
        %dma_start3A = arith.constant 128 : i32
        %dma_start3A_968 = tpu.memref_slice %arg23[%dma_start3A] : memref<2048xf32, #tpu.memory_space<vmem>> -> memref<128xf32, #tpu.memory_space<vmem>>
        %dma_start3A_969 = tpu.memref_slice %arg27[%add3A_516] : memref<16384xf32, #tpu.memory_space<vmem_shared>> -> memref<128xf32, #tpu.memory_space<vmem_shared>>
        %dma_start3A_970 = arith.constant 128 : i32
        %dma_start3A_971 = tpu.memref_slice %arg23[%dma_start3A_970] : memref<2048xf32, #tpu.memory_space<vmem>> -> memref<128xf32, #tpu.memory_space<vmem>>
        %dma_start3A_972 = tpu.memref_slice %arg27[%add3A_516] : memref<16384xf32, #tpu.memory_space<vmem_shared>> -> memref<128xf32, #tpu.memory_space<vmem_shared>>
        tpu.enqueue_dma source(%dma_start3A_972 : memref<128xf32, #tpu.memory_space<vmem_shared>>) target(%dma_start3A_971 : memref<128xf32, #tpu.memory_space<vmem>>) target_semaphore(%run_scoped3A_967 : memref<!tpu.dma_semaphore, #tpu.memory_space<semaphore_mem>>)
        %dma_wait3A = arith.constant 128 : i32
        %dma_wait3A_973 = tpu.memref_slice %arg23[%dma_wait3A] : memref<2048xf32, #tpu.memory_space<vmem>> -> memref<128xf32, #tpu.memory_space<vmem>>
        %dma_wait3A_974 = tpu.memref_slice %arg27[%add3A_516] : memref<16384xf32, #tpu.memory_space<vmem_shared>> -> memref<128xf32, #tpu.memory_space<vmem_shared>>
        %dma_wait3A_975 = arith.constant 128 : i32
        %dma_wait3A_976 = tpu.memref_slice %arg23[%dma_wait3A_975] : memref<2048xf32, #tpu.memory_space<vmem>> -> memref<128xf32, #tpu.memory_space<vmem>>
        %dma_wait3A_977 = tpu.memref_slice %arg27[%add3A_516] : memref<16384xf32, #tpu.memory_space<vmem_shared>> -> memref<128xf32, #tpu.memory_space<vmem_shared>>
        tpu.wait_dma2 semaphore(%run_scoped3A_967 : memref<!tpu.dma_semaphore, #tpu.memory_space<semaphore_mem>>) src(%dma_wait3A_977 : memref<128xf32, #tpu.memory_space<vmem_shared>>) dst(%dma_wait3A_976 : memref<128xf32, #tpu.memory_space<vmem>>)
        tpu.yield
      }) : () -> ()
      %mul3A_517 = arith.constant 128 : i32
      %mul3A_518 = arith.muli %mul3A_517, %arg1 : i32
      %add3A_519 = arith.constant 2048 : i32
      %add3A_520 = arith.addi %add3A_519, %mul3A_518 : i32
      "tpu.region"() ({
        %run_scoped3A_967 = tpu.sem_alloc : memref<!tpu.dma_semaphore, #tpu.memory_space<semaphore_mem>>
        %dma_start3A = arith.constant 256 : i32
        %dma_start3A_968 = tpu.memref_slice %arg23[%dma_start3A] : memref<2048xf32, #tpu.memory_space<vmem>> -> memref<128xf32, #tpu.memory_space<vmem>>
        %dma_start3A_969 = tpu.memref_slice %arg27[%add3A_520] : memref<16384xf32, #tpu.memory_space<vmem_shared>> -> memref<128xf32, #tpu.memory_space<vmem_shared>>
        %dma_start3A_970 = arith.constant 256 : i32
        %dma_start3A_971 = tpu.memref_slice %arg23[%dma_start3A_970] : memref<2048xf32, #tpu.memory_space<vmem>> -> memref<128xf32, #tpu.memory_space<vmem>>
        %dma_start3A_972 = tpu.memref_slice %arg27[%add3A_520] : memref<16384xf32, #tpu.memory_space<vmem_shared>> -> memref<128xf32, #tpu.memory_space<vmem_shared>>
        tpu.enqueue_dma source(%dma_start3A_972 : memref<128xf32, #tpu.memory_space<vmem_shared>>) target(%dma_start3A_971 : memref<128xf32, #tpu.memory_space<vmem>>) target_semaphore(%run_scoped3A_967 : memref<!tpu.dma_semaphore, #tpu.memory_space<semaphore_mem>>)
        %dma_wait3A = arith.constant 256 : i32
        %dma_wait3A_973 = tpu.memref_slice %arg23[%dma_wait3A] : memref<2048xf32, #tpu.memory_space<vmem>> -> memref<128xf32, #tpu.memory_space<vmem>>
        %dma_wait3A_974 = tpu.memref_slice %arg27[%add3A_520] : memref<16384xf32, #tpu.memory_space<vmem_shared>> -> memref<128xf32, #tpu.memory_space<vmem_shared>>
        %dma_wait3A_975 = arith.constant 256 : i32
        %dma_wait3A_976 = tpu.memref_slice %arg23[%dma_wait3A_975] : memref<2048xf32, #tpu.memory_space<vmem>> -> memref<128xf32, #tpu.memory_space<vmem>>
        %dma_wait3A_977 = tpu.memref_slice %arg27[%add3A_520] : memref<16384xf32, #tpu.memory_space<vmem_shared>> -> memref<128xf32, #tpu.memory_space<vmem_shared>>
        tpu.wait_dma2 semaphore(%run_scoped3A_967 : memref<!tpu.dma_semaphore, #tpu.memory_space<semaphore_mem>>) src(%dma_wait3A_977 : memref<128xf32, #tpu.memory_space<vmem_shared>>) dst(%dma_wait3A_976 : memref<128xf32, #tpu.memory_space<vmem>>)
        tpu.yield
      }) : () -> ()
      %mul3A_521 = arith.constant 128 : i32
      %mul3A_522 = arith.muli %mul3A_521, %arg1 : i32
      %add3A_523 = arith.constant 3072 : i32
      %add3A_524 = arith.addi %add3A_523, %mul3A_522 : i32
      "tpu.region"() ({
        %run_scoped3A_967 = tpu.sem_alloc : memref<!tpu.dma_semaphore, #tpu.memory_space<semaphore_mem>>
        %dma_start3A = arith.constant 384 : i32
        %dma_start3A_968 = tpu.memref_slice %arg23[%dma_start3A] : memref<2048xf32, #tpu.memory_space<vmem>> -> memref<128xf32, #tpu.memory_space<vmem>>
        %dma_start3A_969 = tpu.memref_slice %arg27[%add3A_524] : memref<16384xf32, #tpu.memory_space<vmem_shared>> -> memref<128xf32, #tpu.memory_space<vmem_shared>>
        %dma_start3A_970 = arith.constant 384 : i32
        %dma_start3A_971 = tpu.memref_slice %arg23[%dma_start3A_970] : memref<2048xf32, #tpu.memory_space<vmem>> -> memref<128xf32, #tpu.memory_space<vmem>>
        %dma_start3A_972 = tpu.memref_slice %arg27[%add3A_524] : memref<16384xf32, #tpu.memory_space<vmem_shared>> -> memref<128xf32, #tpu.memory_space<vmem_shared>>
        tpu.enqueue_dma source(%dma_start3A_972 : memref<128xf32, #tpu.memory_space<vmem_shared>>) target(%dma_start3A_971 : memref<128xf32, #tpu.memory_space<vmem>>) target_semaphore(%run_scoped3A_967 : memref<!tpu.dma_semaphore, #tpu.memory_space<semaphore_mem>>)
        %dma_wait3A = arith.constant 384 : i32
        %dma_wait3A_973 = tpu.memref_slice %arg23[%dma_wait3A] : memref<2048xf32, #tpu.memory_space<vmem>> -> memref<128xf32, #tpu.memory_space<vmem>>
        %dma_wait3A_974 = tpu.memref_slice %arg27[%add3A_524] : memref<16384xf32, #tpu.memory_space<vmem_shared>> -> memref<128xf32, #tpu.memory_space<vmem_shared>>
        %dma_wait3A_975 = arith.constant 384 : i32
        %dma_wait3A_976 = tpu.memref_slice %arg23[%dma_wait3A_975] : memref<2048xf32, #tpu.memory_space<vmem>> -> memref<128xf32, #tpu.memory_space<vmem>>
        %dma_wait3A_977 = tpu.memref_slice %arg27[%add3A_524] : memref<16384xf32, #tpu.memory_space<vmem_shared>> -> memref<128xf32, #tpu.memory_space<vmem_shared>>
        tpu.wait_dma2 semaphore(%run_scoped3A_967 : memref<!tpu.dma_semaphore, #tpu.memory_space<semaphore_mem>>) src(%dma_wait3A_977 : memref<128xf32, #tpu.memory_space<vmem_shared>>) dst(%dma_wait3A_976 : memref<128xf32, #tpu.memory_space<vmem>>)
        tpu.yield
      }) : () -> ()
      %mul3A_525 = arith.constant 128 : i32
      %mul3A_526 = arith.muli %mul3A_525, %arg1 : i32
      %add3A_527 = arith.constant 4096 : i32
      %add3A_528 = arith.addi %add3A_527, %mul3A_526 : i32
      "tpu.region"() ({
        %run_scoped3A_967 = tpu.sem_alloc : memref<!tpu.dma_semaphore, #tpu.memory_space<semaphore_mem>>
        %dma_start3A = arith.constant 512 : i32
        %dma_start3A_968 = tpu.memref_slice %arg23[%dma_start3A] : memref<2048xf32, #tpu.memory_space<vmem>> -> memref<128xf32, #tpu.memory_space<vmem>>
        %dma_start3A_969 = tpu.memref_slice %arg27[%add3A_528] : memref<16384xf32, #tpu.memory_space<vmem_shared>> -> memref<128xf32, #tpu.memory_space<vmem_shared>>
        %dma_start3A_970 = arith.constant 512 : i32
        %dma_start3A_971 = tpu.memref_slice %arg23[%dma_start3A_970] : memref<2048xf32, #tpu.memory_space<vmem>> -> memref<128xf32, #tpu.memory_space<vmem>>
        %dma_start3A_972 = tpu.memref_slice %arg27[%add3A_528] : memref<16384xf32, #tpu.memory_space<vmem_shared>> -> memref<128xf32, #tpu.memory_space<vmem_shared>>
        tpu.enqueue_dma source(%dma_start3A_972 : memref<128xf32, #tpu.memory_space<vmem_shared>>) target(%dma_start3A_971 : memref<128xf32, #tpu.memory_space<vmem>>) target_semaphore(%run_scoped3A_967 : memref<!tpu.dma_semaphore, #tpu.memory_space<semaphore_mem>>)
        %dma_wait3A = arith.constant 512 : i32
        %dma_wait3A_973 = tpu.memref_slice %arg23[%dma_wait3A] : memref<2048xf32, #tpu.memory_space<vmem>> -> memref<128xf32, #tpu.memory_space<vmem>>
        %dma_wait3A_974 = tpu.memref_slice %arg27[%add3A_528] : memref<16384xf32, #tpu.memory_space<vmem_shared>> -> memref<128xf32, #tpu.memory_space<vmem_shared>>
        %dma_wait3A_975 = arith.constant 512 : i32
        %dma_wait3A_976 = tpu.memref_slice %arg23[%dma_wait3A_975] : memref<2048xf32, #tpu.memory_space<vmem>> -> memref<128xf32, #tpu.memory_space<vmem>>
        %dma_wait3A_977 = tpu.memref_slice %arg27[%add3A_528] : memref<16384xf32, #tpu.memory_space<vmem_shared>> -> memref<128xf32, #tpu.memory_space<vmem_shared>>
        tpu.wait_dma2 semaphore(%run_scoped3A_967 : memref<!tpu.dma_semaphore, #tpu.memory_space<semaphore_mem>>) src(%dma_wait3A_977 : memref<128xf32, #tpu.memory_space<vmem_shared>>) dst(%dma_wait3A_976 : memref<128xf32, #tpu.memory_space<vmem>>)
        tpu.yield
      }) : () -> ()
      %mul3A_529 = arith.constant 128 : i32
      %mul3A_530 = arith.muli %mul3A_529, %arg1 : i32
      %add3A_531 = arith.constant 5120 : i32
      %add3A_532 = arith.addi %add3A_531, %mul3A_530 : i32
      "tpu.region"() ({
        %run_scoped3A_967 = tpu.sem_alloc : memref<!tpu.dma_semaphore, #tpu.memory_space<semaphore_mem>>
        %dma_start3A = arith.constant 640 : i32
        %dma_start3A_968 = tpu.memref_slice %arg23[%dma_start3A] : memref<2048xf32, #tpu.memory_space<vmem>> -> memref<128xf32, #tpu.memory_space<vmem>>
        %dma_start3A_969 = tpu.memref_slice %arg27[%add3A_532] : memref<16384xf32, #tpu.memory_space<vmem_shared>> -> memref<128xf32, #tpu.memory_space<vmem_shared>>
        %dma_start3A_970 = arith.constant 640 : i32
        %dma_start3A_971 = tpu.memref_slice %arg23[%dma_start3A_970] : memref<2048xf32, #tpu.memory_space<vmem>> -> memref<128xf32, #tpu.memory_space<vmem>>
        %dma_start3A_972 = tpu.memref_slice %arg27[%add3A_532] : memref<16384xf32, #tpu.memory_space<vmem_shared>> -> memref<128xf32, #tpu.memory_space<vmem_shared>>
        tpu.enqueue_dma source(%dma_start3A_972 : memref<128xf32, #tpu.memory_space<vmem_shared>>) target(%dma_start3A_971 : memref<128xf32, #tpu.memory_space<vmem>>) target_semaphore(%run_scoped3A_967 : memref<!tpu.dma_semaphore, #tpu.memory_space<semaphore_mem>>)
        %dma_wait3A = arith.constant 640 : i32
        %dma_wait3A_973 = tpu.memref_slice %arg23[%dma_wait3A] : memref<2048xf32, #tpu.memory_space<vmem>> -> memref<128xf32, #tpu.memory_space<vmem>>
        %dma_wait3A_974 = tpu.memref_slice %arg27[%add3A_532] : memref<16384xf32, #tpu.memory_space<vmem_shared>> -> memref<128xf32, #tpu.memory_space<vmem_shared>>
        %dma_wait3A_975 = arith.constant 640 : i32
        %dma_wait3A_976 = tpu.memref_slice %arg23[%dma_wait3A_975] : memref<2048xf32, #tpu.memory_space<vmem>> -> memref<128xf32, #tpu.memory_space<vmem>>
        %dma_wait3A_977 = tpu.memref_slice %arg27[%add3A_532] : memref<16384xf32, #tpu.memory_space<vmem_shared>> -> memref<128xf32, #tpu.memory_space<vmem_shared>>
        tpu.wait_dma2 semaphore(%run_scoped3A_967 : memref<!tpu.dma_semaphore, #tpu.memory_space<semaphore_mem>>) src(%dma_wait3A_977 : memref<128xf32, #tpu.memory_space<vmem_shared>>) dst(%dma_wait3A_976 : memref<128xf32, #tpu.memory_space<vmem>>)
        tpu.yield
      }) : () -> ()
      %mul3A_533 = arith.constant 128 : i32
      %mul3A_534 = arith.muli %mul3A_533, %arg1 : i32
      %add3A_535 = arith.constant 6144 : i32
      %add3A_536 = arith.addi %add3A_535, %mul3A_534 : i32
      "tpu.region"() ({
        %run_scoped3A_967 = tpu.sem_alloc : memref<!tpu.dma_semaphore, #tpu.memory_space<semaphore_mem>>
        %dma_start3A = arith.constant 768 : i32
        %dma_start3A_968 = tpu.memref_slice %arg23[%dma_start3A] : memref<2048xf32, #tpu.memory_space<vmem>> -> memref<128xf32, #tpu.memory_space<vmem>>
        %dma_start3A_969 = tpu.memref_slice %arg27[%add3A_536] : memref<16384xf32, #tpu.memory_space<vmem_shared>> -> memref<128xf32, #tpu.memory_space<vmem_shared>>
        %dma_start3A_970 = arith.constant 768 : i32
        %dma_start3A_971 = tpu.memref_slice %arg23[%dma_start3A_970] : memref<2048xf32, #tpu.memory_space<vmem>> -> memref<128xf32, #tpu.memory_space<vmem>>
        %dma_start3A_972 = tpu.memref_slice %arg27[%add3A_536] : memref<16384xf32, #tpu.memory_space<vmem_shared>> -> memref<128xf32, #tpu.memory_space<vmem_shared>>
        tpu.enqueue_dma source(%dma_start3A_972 : memref<128xf32, #tpu.memory_space<vmem_shared>>) target(%dma_start3A_971 : memref<128xf32, #tpu.memory_space<vmem>>) target_semaphore(%run_scoped3A_967 : memref<!tpu.dma_semaphore, #tpu.memory_space<semaphore_mem>>)
        %dma_wait3A = arith.constant 768 : i32
        %dma_wait3A_973 = tpu.memref_slice %arg23[%dma_wait3A] : memref<2048xf32, #tpu.memory_space<vmem>> -> memref<128xf32, #tpu.memory_space<vmem>>
        %dma_wait3A_974 = tpu.memref_slice %arg27[%add3A_536] : memref<16384xf32, #tpu.memory_space<vmem_shared>> -> memref<128xf32, #tpu.memory_space<vmem_shared>>
        %dma_wait3A_975 = arith.constant 768 : i32
        %dma_wait3A_976 = tpu.memref_slice %arg23[%dma_wait3A_975] : memref<2048xf32, #tpu.memory_space<vmem>> -> memref<128xf32, #tpu.memory_space<vmem>>
        %dma_wait3A_977 = tpu.memref_slice %arg27[%add3A_536] : memref<16384xf32, #tpu.memory_space<vmem_shared>> -> memref<128xf32, #tpu.memory_space<vmem_shared>>
        tpu.wait_dma2 semaphore(%run_scoped3A_967 : memref<!tpu.dma_semaphore, #tpu.memory_space<semaphore_mem>>) src(%dma_wait3A_977 : memref<128xf32, #tpu.memory_space<vmem_shared>>) dst(%dma_wait3A_976 : memref<128xf32, #tpu.memory_space<vmem>>)
        tpu.yield
      }) : () -> ()
      %mul3A_537 = arith.constant 128 : i32
      %mul3A_538 = arith.muli %mul3A_537, %arg1 : i32
      %add3A_539 = arith.constant 7168 : i32
      %add3A_540 = arith.addi %add3A_539, %mul3A_538 : i32
      "tpu.region"() ({
        %run_scoped3A_967 = tpu.sem_alloc : memref<!tpu.dma_semaphore, #tpu.memory_space<semaphore_mem>>
        %dma_start3A = arith.constant 896 : i32
        %dma_start3A_968 = tpu.memref_slice %arg23[%dma_start3A] : memref<2048xf32, #tpu.memory_space<vmem>> -> memref<128xf32, #tpu.memory_space<vmem>>
        %dma_start3A_969 = tpu.memref_slice %arg27[%add3A_540] : memref<16384xf32, #tpu.memory_space<vmem_shared>> -> memref<128xf32, #tpu.memory_space<vmem_shared>>
        %dma_start3A_970 = arith.constant 896 : i32
        %dma_start3A_971 = tpu.memref_slice %arg23[%dma_start3A_970] : memref<2048xf32, #tpu.memory_space<vmem>> -> memref<128xf32, #tpu.memory_space<vmem>>
        %dma_start3A_972 = tpu.memref_slice %arg27[%add3A_540] : memref<16384xf32, #tpu.memory_space<vmem_shared>> -> memref<128xf32, #tpu.memory_space<vmem_shared>>
        tpu.enqueue_dma source(%dma_start3A_972 : memref<128xf32, #tpu.memory_space<vmem_shared>>) target(%dma_start3A_971 : memref<128xf32, #tpu.memory_space<vmem>>) target_semaphore(%run_scoped3A_967 : memref<!tpu.dma_semaphore, #tpu.memory_space<semaphore_mem>>)
        %dma_wait3A = arith.constant 896 : i32
        %dma_wait3A_973 = tpu.memref_slice %arg23[%dma_wait3A] : memref<2048xf32, #tpu.memory_space<vmem>> -> memref<128xf32, #tpu.memory_space<vmem>>
        %dma_wait3A_974 = tpu.memref_slice %arg27[%add3A_540] : memref<16384xf32, #tpu.memory_space<vmem_shared>> -> memref<128xf32, #tpu.memory_space<vmem_shared>>
        %dma_wait3A_975 = arith.constant 896 : i32
        %dma_wait3A_976 = tpu.memref_slice %arg23[%dma_wait3A_975] : memref<2048xf32, #tpu.memory_space<vmem>> -> memref<128xf32, #tpu.memory_space<vmem>>
        %dma_wait3A_977 = tpu.memref_slice %arg27[%add3A_540] : memref<16384xf32, #tpu.memory_space<vmem_shared>> -> memref<128xf32, #tpu.memory_space<vmem_shared>>
        tpu.wait_dma2 semaphore(%run_scoped3A_967 : memref<!tpu.dma_semaphore, #tpu.memory_space<semaphore_mem>>) src(%dma_wait3A_977 : memref<128xf32, #tpu.memory_space<vmem_shared>>) dst(%dma_wait3A_976 : memref<128xf32, #tpu.memory_space<vmem>>)
        tpu.yield
      }) : () -> ()
      %mul3A_541 = arith.constant 128 : i32
      %mul3A_542 = arith.muli %mul3A_541, %arg1 : i32
      %add3A_543 = arith.constant 8192 : i32
      %add3A_544 = arith.addi %add3A_543, %mul3A_542 : i32
      "tpu.region"() ({
        %run_scoped3A_967 = tpu.sem_alloc : memref<!tpu.dma_semaphore, #tpu.memory_space<semaphore_mem>>
        %dma_start3A = arith.constant 1024 : i32
        %dma_start3A_968 = tpu.memref_slice %arg23[%dma_start3A] : memref<2048xf32, #tpu.memory_space<vmem>> -> memref<128xf32, #tpu.memory_space<vmem>>
        %dma_start3A_969 = tpu.memref_slice %arg27[%add3A_544] : memref<16384xf32, #tpu.memory_space<vmem_shared>> -> memref<128xf32, #tpu.memory_space<vmem_shared>>
        %dma_start3A_970 = arith.constant 1024 : i32
        %dma_start3A_971 = tpu.memref_slice %arg23[%dma_start3A_970] : memref<2048xf32, #tpu.memory_space<vmem>> -> memref<128xf32, #tpu.memory_space<vmem>>
        %dma_start3A_972 = tpu.memref_slice %arg27[%add3A_544] : memref<16384xf32, #tpu.memory_space<vmem_shared>> -> memref<128xf32, #tpu.memory_space<vmem_shared>>
        tpu.enqueue_dma source(%dma_start3A_972 : memref<128xf32, #tpu.memory_space<vmem_shared>>) target(%dma_start3A_971 : memref<128xf32, #tpu.memory_space<vmem>>) target_semaphore(%run_scoped3A_967 : memref<!tpu.dma_semaphore, #tpu.memory_space<semaphore_mem>>)
        %dma_wait3A = arith.constant 1024 : i32
        %dma_wait3A_973 = tpu.memref_slice %arg23[%dma_wait3A] : memref<2048xf32, #tpu.memory_space<vmem>> -> memref<128xf32, #tpu.memory_space<vmem>>
        %dma_wait3A_974 = tpu.memref_slice %arg27[%add3A_544] : memref<16384xf32, #tpu.memory_space<vmem_shared>> -> memref<128xf32, #tpu.memory_space<vmem_shared>>
        %dma_wait3A_975 = arith.constant 1024 : i32
        %dma_wait3A_976 = tpu.memref_slice %arg23[%dma_wait3A_975] : memref<2048xf32, #tpu.memory_space<vmem>> -> memref<128xf32, #tpu.memory_space<vmem>>
        %dma_wait3A_977 = tpu.memref_slice %arg27[%add3A_544] : memref<16384xf32, #tpu.memory_space<vmem_shared>> -> memref<128xf32, #tpu.memory_space<vmem_shared>>
        tpu.wait_dma2 semaphore(%run_scoped3A_967 : memref<!tpu.dma_semaphore, #tpu.memory_space<semaphore_mem>>) src(%dma_wait3A_977 : memref<128xf32, #tpu.memory_space<vmem_shared>>) dst(%dma_wait3A_976 : memref<128xf32, #tpu.memory_space<vmem>>)
        tpu.yield
      }) : () -> ()
      %mul3A_545 = arith.constant 128 : i32
      %mul3A_546 = arith.muli %mul3A_545, %arg1 : i32
      %add3A_547 = arith.constant 9216 : i32
      %add3A_548 = arith.addi %add3A_547, %mul3A_546 : i32
      "tpu.region"() ({
        %run_scoped3A_967 = tpu.sem_alloc : memref<!tpu.dma_semaphore, #tpu.memory_space<semaphore_mem>>
        %dma_start3A = arith.constant 1152 : i32
        %dma_start3A_968 = tpu.memref_slice %arg23[%dma_start3A] : memref<2048xf32, #tpu.memory_space<vmem>> -> memref<128xf32, #tpu.memory_space<vmem>>
        %dma_start3A_969 = tpu.memref_slice %arg27[%add3A_548] : memref<16384xf32, #tpu.memory_space<vmem_shared>> -> memref<128xf32, #tpu.memory_space<vmem_shared>>
        %dma_start3A_970 = arith.constant 1152 : i32
        %dma_start3A_971 = tpu.memref_slice %arg23[%dma_start3A_970] : memref<2048xf32, #tpu.memory_space<vmem>> -> memref<128xf32, #tpu.memory_space<vmem>>
        %dma_start3A_972 = tpu.memref_slice %arg27[%add3A_548] : memref<16384xf32, #tpu.memory_space<vmem_shared>> -> memref<128xf32, #tpu.memory_space<vmem_shared>>
        tpu.enqueue_dma source(%dma_start3A_972 : memref<128xf32, #tpu.memory_space<vmem_shared>>) target(%dma_start3A_971 : memref<128xf32, #tpu.memory_space<vmem>>) target_semaphore(%run_scoped3A_967 : memref<!tpu.dma_semaphore, #tpu.memory_space<semaphore_mem>>)
        %dma_wait3A = arith.constant 1152 : i32
        %dma_wait3A_973 = tpu.memref_slice %arg23[%dma_wait3A] : memref<2048xf32, #tpu.memory_space<vmem>> -> memref<128xf32, #tpu.memory_space<vmem>>
        %dma_wait3A_974 = tpu.memref_slice %arg27[%add3A_548] : memref<16384xf32, #tpu.memory_space<vmem_shared>> -> memref<128xf32, #tpu.memory_space<vmem_shared>>
        %dma_wait3A_975 = arith.constant 1152 : i32
        %dma_wait3A_976 = tpu.memref_slice %arg23[%dma_wait3A_975] : memref<2048xf32, #tpu.memory_space<vmem>> -> memref<128xf32, #tpu.memory_space<vmem>>
        %dma_wait3A_977 = tpu.memref_slice %arg27[%add3A_548] : memref<16384xf32, #tpu.memory_space<vmem_shared>> -> memref<128xf32, #tpu.memory_space<vmem_shared>>
        tpu.wait_dma2 semaphore(%run_scoped3A_967 : memref<!tpu.dma_semaphore, #tpu.memory_space<semaphore_mem>>) src(%dma_wait3A_977 : memref<128xf32, #tpu.memory_space<vmem_shared>>) dst(%dma_wait3A_976 : memref<128xf32, #tpu.memory_space<vmem>>)
        tpu.yield
      }) : () -> ()
      %mul3A_549 = arith.constant 128 : i32
      %mul3A_550 = arith.muli %mul3A_549, %arg1 : i32
      %add3A_551 = arith.constant 10240 : i32
      %add3A_552 = arith.addi %add3A_551, %mul3A_550 : i32
      "tpu.region"() ({
        %run_scoped3A_967 = tpu.sem_alloc : memref<!tpu.dma_semaphore, #tpu.memory_space<semaphore_mem>>
        %dma_start3A = arith.constant 1280 : i32
        %dma_start3A_968 = tpu.memref_slice %arg23[%dma_start3A] : memref<2048xf32, #tpu.memory_space<vmem>> -> memref<128xf32, #tpu.memory_space<vmem>>
        %dma_start3A_969 = tpu.memref_slice %arg27[%add3A_552] : memref<16384xf32, #tpu.memory_space<vmem_shared>> -> memref<128xf32, #tpu.memory_space<vmem_shared>>
        %dma_start3A_970 = arith.constant 1280 : i32
        %dma_start3A_971 = tpu.memref_slice %arg23[%dma_start3A_970] : memref<2048xf32, #tpu.memory_space<vmem>> -> memref<128xf32, #tpu.memory_space<vmem>>
        %dma_start3A_972 = tpu.memref_slice %arg27[%add3A_552] : memref<16384xf32, #tpu.memory_space<vmem_shared>> -> memref<128xf32, #tpu.memory_space<vmem_shared>>
        tpu.enqueue_dma source(%dma_start3A_972 : memref<128xf32, #tpu.memory_space<vmem_shared>>) target(%dma_start3A_971 : memref<128xf32, #tpu.memory_space<vmem>>) target_semaphore(%run_scoped3A_967 : memref<!tpu.dma_semaphore, #tpu.memory_space<semaphore_mem>>)
        %dma_wait3A = arith.constant 1280 : i32
        %dma_wait3A_973 = tpu.memref_slice %arg23[%dma_wait3A] : memref<2048xf32, #tpu.memory_space<vmem>> -> memref<128xf32, #tpu.memory_space<vmem>>
        %dma_wait3A_974 = tpu.memref_slice %arg27[%add3A_552] : memref<16384xf32, #tpu.memory_space<vmem_shared>> -> memref<128xf32, #tpu.memory_space<vmem_shared>>
        %dma_wait3A_975 = arith.constant 1280 : i32
        %dma_wait3A_976 = tpu.memref_slice %arg23[%dma_wait3A_975] : memref<2048xf32, #tpu.memory_space<vmem>> -> memref<128xf32, #tpu.memory_space<vmem>>
        %dma_wait3A_977 = tpu.memref_slice %arg27[%add3A_552] : memref<16384xf32, #tpu.memory_space<vmem_shared>> -> memref<128xf32, #tpu.memory_space<vmem_shared>>
        tpu.wait_dma2 semaphore(%run_scoped3A_967 : memref<!tpu.dma_semaphore, #tpu.memory_space<semaphore_mem>>) src(%dma_wait3A_977 : memref<128xf32, #tpu.memory_space<vmem_shared>>) dst(%dma_wait3A_976 : memref<128xf32, #tpu.memory_space<vmem>>)
        tpu.yield
      }) : () -> ()
      %mul3A_553 = arith.constant 128 : i32
      %mul3A_554 = arith.muli %mul3A_553, %arg1 : i32
      %add3A_555 = arith.constant 11264 : i32
      %add3A_556 = arith.addi %add3A_555, %mul3A_554 : i32
      "tpu.region"() ({
        %run_scoped3A_967 = tpu.sem_alloc : memref<!tpu.dma_semaphore, #tpu.memory_space<semaphore_mem>>
        %dma_start3A = arith.constant 1408 : i32
        %dma_start3A_968 = tpu.memref_slice %arg23[%dma_start3A] : memref<2048xf32, #tpu.memory_space<vmem>> -> memref<128xf32, #tpu.memory_space<vmem>>
        %dma_start3A_969 = tpu.memref_slice %arg27[%add3A_556] : memref<16384xf32, #tpu.memory_space<vmem_shared>> -> memref<128xf32, #tpu.memory_space<vmem_shared>>
        %dma_start3A_970 = arith.constant 1408 : i32
        %dma_start3A_971 = tpu.memref_slice %arg23[%dma_start3A_970] : memref<2048xf32, #tpu.memory_space<vmem>> -> memref<128xf32, #tpu.memory_space<vmem>>
        %dma_start3A_972 = tpu.memref_slice %arg27[%add3A_556] : memref<16384xf32, #tpu.memory_space<vmem_shared>> -> memref<128xf32, #tpu.memory_space<vmem_shared>>
        tpu.enqueue_dma source(%dma_start3A_972 : memref<128xf32, #tpu.memory_space<vmem_shared>>) target(%dma_start3A_971 : memref<128xf32, #tpu.memory_space<vmem>>) target_semaphore(%run_scoped3A_967 : memref<!tpu.dma_semaphore, #tpu.memory_space<semaphore_mem>>)
        %dma_wait3A = arith.constant 1408 : i32
        %dma_wait3A_973 = tpu.memref_slice %arg23[%dma_wait3A] : memref<2048xf32, #tpu.memory_space<vmem>> -> memref<128xf32, #tpu.memory_space<vmem>>
        %dma_wait3A_974 = tpu.memref_slice %arg27[%add3A_556] : memref<16384xf32, #tpu.memory_space<vmem_shared>> -> memref<128xf32, #tpu.memory_space<vmem_shared>>
        %dma_wait3A_975 = arith.constant 1408 : i32
        %dma_wait3A_976 = tpu.memref_slice %arg23[%dma_wait3A_975] : memref<2048xf32, #tpu.memory_space<vmem>> -> memref<128xf32, #tpu.memory_space<vmem>>
        %dma_wait3A_977 = tpu.memref_slice %arg27[%add3A_556] : memref<16384xf32, #tpu.memory_space<vmem_shared>> -> memref<128xf32, #tpu.memory_space<vmem_shared>>
        tpu.wait_dma2 semaphore(%run_scoped3A_967 : memref<!tpu.dma_semaphore, #tpu.memory_space<semaphore_mem>>) src(%dma_wait3A_977 : memref<128xf32, #tpu.memory_space<vmem_shared>>) dst(%dma_wait3A_976 : memref<128xf32, #tpu.memory_space<vmem>>)
        tpu.yield
      }) : () -> ()
      %mul3A_557 = arith.constant 128 : i32
      %mul3A_558 = arith.muli %mul3A_557, %arg1 : i32
      %add3A_559 = arith.constant 12288 : i32
      %add3A_560 = arith.addi %add3A_559, %mul3A_558 : i32
      "tpu.region"() ({
        %run_scoped3A_967 = tpu.sem_alloc : memref<!tpu.dma_semaphore, #tpu.memory_space<semaphore_mem>>
        %dma_start3A = arith.constant 1536 : i32
        %dma_start3A_968 = tpu.memref_slice %arg23[%dma_start3A] : memref<2048xf32, #tpu.memory_space<vmem>> -> memref<128xf32, #tpu.memory_space<vmem>>
        %dma_start3A_969 = tpu.memref_slice %arg27[%add3A_560] : memref<16384xf32, #tpu.memory_space<vmem_shared>> -> memref<128xf32, #tpu.memory_space<vmem_shared>>
        %dma_start3A_970 = arith.constant 1536 : i32
        %dma_start3A_971 = tpu.memref_slice %arg23[%dma_start3A_970] : memref<2048xf32, #tpu.memory_space<vmem>> -> memref<128xf32, #tpu.memory_space<vmem>>
        %dma_start3A_972 = tpu.memref_slice %arg27[%add3A_560] : memref<16384xf32, #tpu.memory_space<vmem_shared>> -> memref<128xf32, #tpu.memory_space<vmem_shared>>
        tpu.enqueue_dma source(%dma_start3A_972 : memref<128xf32, #tpu.memory_space<vmem_shared>>) target(%dma_start3A_971 : memref<128xf32, #tpu.memory_space<vmem>>) target_semaphore(%run_scoped3A_967 : memref<!tpu.dma_semaphore, #tpu.memory_space<semaphore_mem>>)
        %dma_wait3A = arith.constant 1536 : i32
        %dma_wait3A_973 = tpu.memref_slice %arg23[%dma_wait3A] : memref<2048xf32, #tpu.memory_space<vmem>> -> memref<128xf32, #tpu.memory_space<vmem>>
        %dma_wait3A_974 = tpu.memref_slice %arg27[%add3A_560] : memref<16384xf32, #tpu.memory_space<vmem_shared>> -> memref<128xf32, #tpu.memory_space<vmem_shared>>
        %dma_wait3A_975 = arith.constant 1536 : i32
        %dma_wait3A_976 = tpu.memref_slice %arg23[%dma_wait3A_975] : memref<2048xf32, #tpu.memory_space<vmem>> -> memref<128xf32, #tpu.memory_space<vmem>>
        %dma_wait3A_977 = tpu.memref_slice %arg27[%add3A_560] : memref<16384xf32, #tpu.memory_space<vmem_shared>> -> memref<128xf32, #tpu.memory_space<vmem_shared>>
        tpu.wait_dma2 semaphore(%run_scoped3A_967 : memref<!tpu.dma_semaphore, #tpu.memory_space<semaphore_mem>>) src(%dma_wait3A_977 : memref<128xf32, #tpu.memory_space<vmem_shared>>) dst(%dma_wait3A_976 : memref<128xf32, #tpu.memory_space<vmem>>)
        tpu.yield
      }) : () -> ()
      %mul3A_561 = arith.constant 128 : i32
      %mul3A_562 = arith.muli %mul3A_561, %arg1 : i32
      %add3A_563 = arith.constant 13312 : i32
      %add3A_564 = arith.addi %add3A_563, %mul3A_562 : i32
      "tpu.region"() ({
        %run_scoped3A_967 = tpu.sem_alloc : memref<!tpu.dma_semaphore, #tpu.memory_space<semaphore_mem>>
        %dma_start3A = arith.constant 1664 : i32
        %dma_start3A_968 = tpu.memref_slice %arg23[%dma_start3A] : memref<2048xf32, #tpu.memory_space<vmem>> -> memref<128xf32, #tpu.memory_space<vmem>>
        %dma_start3A_969 = tpu.memref_slice %arg27[%add3A_564] : memref<16384xf32, #tpu.memory_space<vmem_shared>> -> memref<128xf32, #tpu.memory_space<vmem_shared>>
        %dma_start3A_970 = arith.constant 1664 : i32
        %dma_start3A_971 = tpu.memref_slice %arg23[%dma_start3A_970] : memref<2048xf32, #tpu.memory_space<vmem>> -> memref<128xf32, #tpu.memory_space<vmem>>
        %dma_start3A_972 = tpu.memref_slice %arg27[%add3A_564] : memref<16384xf32, #tpu.memory_space<vmem_shared>> -> memref<128xf32, #tpu.memory_space<vmem_shared>>
        tpu.enqueue_dma source(%dma_start3A_972 : memref<128xf32, #tpu.memory_space<vmem_shared>>) target(%dma_start3A_971 : memref<128xf32, #tpu.memory_space<vmem>>) target_semaphore(%run_scoped3A_967 : memref<!tpu.dma_semaphore, #tpu.memory_space<semaphore_mem>>)
        %dma_wait3A = arith.constant 1664 : i32
        %dma_wait3A_973 = tpu.memref_slice %arg23[%dma_wait3A] : memref<2048xf32, #tpu.memory_space<vmem>> -> memref<128xf32, #tpu.memory_space<vmem>>
        %dma_wait3A_974 = tpu.memref_slice %arg27[%add3A_564] : memref<16384xf32, #tpu.memory_space<vmem_shared>> -> memref<128xf32, #tpu.memory_space<vmem_shared>>
        %dma_wait3A_975 = arith.constant 1664 : i32
        %dma_wait3A_976 = tpu.memref_slice %arg23[%dma_wait3A_975] : memref<2048xf32, #tpu.memory_space<vmem>> -> memref<128xf32, #tpu.memory_space<vmem>>
        %dma_wait3A_977 = tpu.memref_slice %arg27[%add3A_564] : memref<16384xf32, #tpu.memory_space<vmem_shared>> -> memref<128xf32, #tpu.memory_space<vmem_shared>>
        tpu.wait_dma2 semaphore(%run_scoped3A_967 : memref<!tpu.dma_semaphore, #tpu.memory_space<semaphore_mem>>) src(%dma_wait3A_977 : memref<128xf32, #tpu.memory_space<vmem_shared>>) dst(%dma_wait3A_976 : memref<128xf32, #tpu.memory_space<vmem>>)
        tpu.yield
      }) : () -> ()
      %mul3A_565 = arith.constant 128 : i32
      %mul3A_566 = arith.muli %mul3A_565, %arg1 : i32
      %add3A_567 = arith.constant 14336 : i32
      %add3A_568 = arith.addi %add3A_567, %mul3A_566 : i32
      "tpu.region"() ({
        %run_scoped3A_967 = tpu.sem_alloc : memref<!tpu.dma_semaphore, #tpu.memory_space<semaphore_mem>>
        %dma_start3A = arith.constant 1792 : i32
        %dma_start3A_968 = tpu.memref_slice %arg23[%dma_start3A] : memref<2048xf32, #tpu.memory_space<vmem>> -> memref<128xf32, #tpu.memory_space<vmem>>
        %dma_start3A_969 = tpu.memref_slice %arg27[%add3A_568] : memref<16384xf32, #tpu.memory_space<vmem_shared>> -> memref<128xf32, #tpu.memory_space<vmem_shared>>
        %dma_start3A_970 = arith.constant 1792 : i32
        %dma_start3A_971 = tpu.memref_slice %arg23[%dma_start3A_970] : memref<2048xf32, #tpu.memory_space<vmem>> -> memref<128xf32, #tpu.memory_space<vmem>>
        %dma_start3A_972 = tpu.memref_slice %arg27[%add3A_568] : memref<16384xf32, #tpu.memory_space<vmem_shared>> -> memref<128xf32, #tpu.memory_space<vmem_shared>>
        tpu.enqueue_dma source(%dma_start3A_972 : memref<128xf32, #tpu.memory_space<vmem_shared>>) target(%dma_start3A_971 : memref<128xf32, #tpu.memory_space<vmem>>) target_semaphore(%run_scoped3A_967 : memref<!tpu.dma_semaphore, #tpu.memory_space<semaphore_mem>>)
        %dma_wait3A = arith.constant 1792 : i32
        %dma_wait3A_973 = tpu.memref_slice %arg23[%dma_wait3A] : memref<2048xf32, #tpu.memory_space<vmem>> -> memref<128xf32, #tpu.memory_space<vmem>>
        %dma_wait3A_974 = tpu.memref_slice %arg27[%add3A_568] : memref<16384xf32, #tpu.memory_space<vmem_shared>> -> memref<128xf32, #tpu.memory_space<vmem_shared>>
        %dma_wait3A_975 = arith.constant 1792 : i32
        %dma_wait3A_976 = tpu.memref_slice %arg23[%dma_wait3A_975] : memref<2048xf32, #tpu.memory_space<vmem>> -> memref<128xf32, #tpu.memory_space<vmem>>
        %dma_wait3A_977 = tpu.memref_slice %arg27[%add3A_568] : memref<16384xf32, #tpu.memory_space<vmem_shared>> -> memref<128xf32, #tpu.memory_space<vmem_shared>>
        tpu.wait_dma2 semaphore(%run_scoped3A_967 : memref<!tpu.dma_semaphore, #tpu.memory_space<semaphore_mem>>) src(%dma_wait3A_977 : memref<128xf32, #tpu.memory_space<vmem_shared>>) dst(%dma_wait3A_976 : memref<128xf32, #tpu.memory_space<vmem>>)
        tpu.yield
      }) : () -> ()
      %mul3A_569 = arith.constant 128 : i32
      %mul3A_570 = arith.muli %mul3A_569, %arg1 : i32
      %add3A_571 = arith.constant 15360 : i32
      %add3A_572 = arith.addi %add3A_571, %mul3A_570 : i32
      "tpu.region"() ({
        %run_scoped3A_967 = tpu.sem_alloc : memref<!tpu.dma_semaphore, #tpu.memory_space<semaphore_mem>>
        %dma_start3A = arith.constant 1920 : i32
        %dma_start3A_968 = tpu.memref_slice %arg23[%dma_start3A] : memref<2048xf32, #tpu.memory_space<vmem>> -> memref<128xf32, #tpu.memory_space<vmem>>
        %dma_start3A_969 = tpu.memref_slice %arg27[%add3A_572] : memref<16384xf32, #tpu.memory_space<vmem_shared>> -> memref<128xf32, #tpu.memory_space<vmem_shared>>
        %dma_start3A_970 = arith.constant 1920 : i32
        %dma_start3A_971 = tpu.memref_slice %arg23[%dma_start3A_970] : memref<2048xf32, #tpu.memory_space<vmem>> -> memref<128xf32, #tpu.memory_space<vmem>>
        %dma_start3A_972 = tpu.memref_slice %arg27[%add3A_572] : memref<16384xf32, #tpu.memory_space<vmem_shared>> -> memref<128xf32, #tpu.memory_space<vmem_shared>>
        tpu.enqueue_dma source(%dma_start3A_972 : memref<128xf32, #tpu.memory_space<vmem_shared>>) target(%dma_start3A_971 : memref<128xf32, #tpu.memory_space<vmem>>) target_semaphore(%run_scoped3A_967 : memref<!tpu.dma_semaphore, #tpu.memory_space<semaphore_mem>>)
        %dma_wait3A = arith.constant 1920 : i32
        %dma_wait3A_973 = tpu.memref_slice %arg23[%dma_wait3A] : memref<2048xf32, #tpu.memory_space<vmem>> -> memref<128xf32, #tpu.memory_space<vmem>>
        %dma_wait3A_974 = tpu.memref_slice %arg27[%add3A_572] : memref<16384xf32, #tpu.memory_space<vmem_shared>> -> memref<128xf32, #tpu.memory_space<vmem_shared>>
        %dma_wait3A_975 = arith.constant 1920 : i32
        %dma_wait3A_976 = tpu.memref_slice %arg23[%dma_wait3A_975] : memref<2048xf32, #tpu.memory_space<vmem>> -> memref<128xf32, #tpu.memory_space<vmem>>
        %dma_wait3A_977 = tpu.memref_slice %arg27[%add3A_572] : memref<16384xf32, #tpu.memory_space<vmem_shared>> -> memref<128xf32, #tpu.memory_space<vmem_shared>>
        tpu.wait_dma2 semaphore(%run_scoped3A_967 : memref<!tpu.dma_semaphore, #tpu.memory_space<semaphore_mem>>) src(%dma_wait3A_977 : memref<128xf32, #tpu.memory_space<vmem_shared>>) dst(%dma_wait3A_976 : memref<128xf32, #tpu.memory_space<vmem>>)
        tpu.yield
      }) : () -> ()
      %get3A_573 = arith.constant 0 : index
      %get3A_574 = tpu.vector_load %arg23[%get3A_573] {strides = array<i32>} : memref<2048xf32, #tpu.memory_space<vmem>>, vector<16xf32>,
      %get3A_575 = arith.constant 128 : index
      %get3A_576 = tpu.vector_load %arg23[%get3A_575] {strides = array<i32>} : memref<2048xf32, #tpu.memory_space<vmem>>, vector<16xf32>,
      %add3A_577 = arith.addf %get3A_574, %get3A_576 : vector<16xf32>
      %get3A_578 = arith.constant 256 : index
      %get3A_579 = tpu.vector_load %arg23[%get3A_578] {strides = array<i32>} : memref<2048xf32, #tpu.memory_space<vmem>>, vector<16xf32>,
      %add3A_580 = arith.addf %add3A_577, %get3A_579 : vector<16xf32>
      %get3A_581 = arith.constant 384 : index
      %get3A_582 = tpu.vector_load %arg23[%get3A_581] {strides = array<i32>} : memref<2048xf32, #tpu.memory_space<vmem>>, vector<16xf32>,
      %add3A_583 = arith.addf %add3A_580, %get3A_582 : vector<16xf32>
      %get3A_584 = arith.constant 512 : index
      %get3A_585 = tpu.vector_load %arg23[%get3A_584] {strides = array<i32>} : memref<2048xf32, #tpu.memory_space<vmem>>, vector<16xf32>,
      %add3A_586 = arith.addf %add3A_583, %get3A_585 : vector<16xf32>
      %get3A_587 = arith.constant 640 : index
      %get3A_588 = tpu.vector_load %arg23[%get3A_587] {strides = array<i32>} : memref<2048xf32, #tpu.memory_space<vmem>>, vector<16xf32>,
      %add3A_589 = arith.addf %add3A_586, %get3A_588 : vector<16xf32>
      %get3A_590 = arith.constant 768 : index
      %get3A_591 = tpu.vector_load %arg23[%get3A_590] {strides = array<i32>} : memref<2048xf32, #tpu.memory_space<vmem>>, vector<16xf32>,
      %add3A_592 = arith.addf %add3A_589, %get3A_591 : vector<16xf32>
      %get3A_593 = arith.constant 896 : index
      %get3A_594 = tpu.vector_load %arg23[%get3A_593] {strides = array<i32>} : memref<2048xf32, #tpu.memory_space<vmem>>, vector<16xf32>,
      %add3A_595 = arith.addf %add3A_592, %get3A_594 : vector<16xf32>
      %get3A_596 = arith.constant 1024 : index
      %get3A_597 = tpu.vector_load %arg23[%get3A_596] {strides = array<i32>} : memref<2048xf32, #tpu.memory_space<vmem>>, vector<16xf32>,
      %add3A_598 = arith.addf %add3A_595, %get3A_597 : vector<16xf32>
      %get3A_599 = arith.constant 1152 : index
      %get3A_600 = tpu.vector_load %arg23[%get3A_599] {strides = array<i32>} : memref<2048xf32, #tpu.memory_space<vmem>>, vector<16xf32>,
      %add3A_601 = arith.addf %add3A_598, %get3A_600 : vector<16xf32>
      %get3A_602 = arith.constant 1280 : index
      %get3A_603 = tpu.vector_load %arg23[%get3A_602] {strides = array<i32>} : memref<2048xf32, #tpu.memory_space<vmem>>, vector<16xf32>,
      %add3A_604 = arith.addf %add3A_601, %get3A_603 : vector<16xf32>
      %get3A_605 = arith.constant 1408 : index
      %get3A_606 = tpu.vector_load %arg23[%get3A_605] {strides = array<i32>} : memref<2048xf32, #tpu.memory_space<vmem>>, vector<16xf32>,
      %add3A_607 = arith.addf %add3A_604, %get3A_606 : vector<16xf32>
      %get3A_608 = arith.constant 1536 : index
      %get3A_609 = tpu.vector_load %arg23[%get3A_608] {strides = array<i32>} : memref<2048xf32, #tpu.memory_space<vmem>>, vector<16xf32>,
      %add3A_610 = arith.addf %add3A_607, %get3A_609 : vector<16xf32>
      %get3A_611 = arith.constant 1664 : index
      %get3A_612 = tpu.vector_load %arg23[%get3A_611] {strides = array<i32>} : memref<2048xf32, #tpu.memory_space<vmem>>, vector<16xf32>,
      %add3A_613 = arith.addf %add3A_610, %get3A_612 : vector<16xf32>
      %get3A_614 = arith.constant 1792 : index
      %get3A_615 = tpu.vector_load %arg23[%get3A_614] {strides = array<i32>} : memref<2048xf32, #tpu.memory_space<vmem>>, vector<16xf32>,
      %add3A_616 = arith.addf %add3A_613, %get3A_615 : vector<16xf32>
      %get3A_617 = arith.constant 1920 : index
      %get3A_618 = tpu.vector_load %arg23[%get3A_617] {strides = array<i32>} : memref<2048xf32, #tpu.memory_space<vmem>>, vector<16xf32>,
      %add3A_619 = arith.addf %add3A_616, %get3A_618 : vector<16xf32>
      %swap3A_620 = arith.constant 0 : index
      %swap3A_621 = tpu.vector_load %arg24[%swap3A_620] {strides = array<i32>} : memref<128xf32, #tpu.memory_space<vmem>>, vector<16xf32>,
      tpu.vector_store %arg24[%swap3A_620], %add3A_619 {strides = array<i32>} : memref<128xf32, #tpu.memory_space<vmem>>, vector<16xf32>,
      %get3A_622 = arith.constant 16 : index
      %get3A_623 = tpu.vector_load %arg23[%get3A_622] {strides = array<i32>} : memref<2048xf32, #tpu.memory_space<vmem>>, vector<16xf32>,
      %get3A_624 = arith.constant 144 : index
      %get3A_625 = tpu.vector_load %arg23[%get3A_624] {strides = array<i32>} : memref<2048xf32, #tpu.memory_space<vmem>>, vector<16xf32>,
      %add3A_626 = arith.addf %get3A_623, %get3A_625 : vector<16xf32>
      %get3A_627 = arith.constant 272 : index
      %get3A_628 = tpu.vector_load %arg23[%get3A_627] {strides = array<i32>} : memref<2048xf32, #tpu.memory_space<vmem>>, vector<16xf32>,
      %add3A_629 = arith.addf %add3A_626, %get3A_628 : vector<16xf32>
      %get3A_630 = arith.constant 400 : index
      %get3A_631 = tpu.vector_load %arg23[%get3A_630] {strides = array<i32>} : memref<2048xf32, #tpu.memory_space<vmem>>, vector<16xf32>,
      %add3A_632 = arith.addf %add3A_629, %get3A_631 : vector<16xf32>
      %get3A_633 = arith.constant 528 : index
      %get3A_634 = tpu.vector_load %arg23[%get3A_633] {strides = array<i32>} : memref<2048xf32, #tpu.memory_space<vmem>>, vector<16xf32>,
      %add3A_635 = arith.addf %add3A_632, %get3A_634 : vector<16xf32>
      %get3A_636 = arith.constant 656 : index
      %get3A_637 = tpu.vector_load %arg23[%get3A_636] {strides = array<i32>} : memref<2048xf32, #tpu.memory_space<vmem>>, vector<16xf32>,
      %add3A_638 = arith.addf %add3A_635, %get3A_637 : vector<16xf32>
      %get3A_639 = arith.constant 784 : index
      %get3A_640 = tpu.vector_load %arg23[%get3A_639] {strides = array<i32>} : memref<2048xf32, #tpu.memory_space<vmem>>, vector<16xf32>,
      %add3A_641 = arith.addf %add3A_638, %get3A_640 : vector<16xf32>
      %get3A_642 = arith.constant 912 : index
      %get3A_643 = tpu.vector_load %arg23[%get3A_642] {strides = array<i32>} : memref<2048xf32, #tpu.memory_space<vmem>>, vector<16xf32>,
      %add3A_644 = arith.addf %add3A_641, %get3A_643 : vector<16xf32>
      %get3A_645 = arith.constant 1040 : index
      %get3A_646 = tpu.vector_load %arg23[%get3A_645] {strides = array<i32>} : memref<2048xf32, #tpu.memory_space<vmem>>, vector<16xf32>,
      %add3A_647 = arith.addf %add3A_644, %get3A_646 : vector<16xf32>
      %get3A_648 = arith.constant 1168 : index
      %get3A_649 = tpu.vector_load %arg23[%get3A_648] {strides = array<i32>} : memref<2048xf32, #tpu.memory_space<vmem>>, vector<16xf32>,
      %add3A_650 = arith.addf %add3A_647, %get3A_649 : vector<16xf32>
      %get3A_651 = arith.constant 1296 : index
      %get3A_652 = tpu.vector_load %arg23[%get3A_651] {strides = array<i32>} : memref<2048xf32, #tpu.memory_space<vmem>>, vector<16xf32>,
      %add3A_653 = arith.addf %add3A_650, %get3A_652 : vector<16xf32>
      %get3A_654 = arith.constant 1424 : index
      %get3A_655 = tpu.vector_load %arg23[%get3A_654] {strides = array<i32>} : memref<2048xf32, #tpu.memory_space<vmem>>, vector<16xf32>,
      %add3A_656 = arith.addf %add3A_653, %get3A_655 : vector<16xf32>
      %get3A_657 = arith.constant 1552 : index
      %get3A_658 = tpu.vector_load %arg23[%get3A_657] {strides = array<i32>} : memref<2048xf32, #tpu.memory_space<vmem>>, vector<16xf32>,
      %add3A_659 = arith.addf %add3A_656, %get3A_658 : vector<16xf32>
      %get3A_660 = arith.constant 1680 : index
      %get3A_661 = tpu.vector_load %arg23[%get3A_660] {strides = array<i32>} : memref<2048xf32, #tpu.memory_space<vmem>>, vector<16xf32>,
      %add3A_662 = arith.addf %add3A_659, %get3A_661 : vector<16xf32>
      %get3A_663 = arith.constant 1808 : index
      %get3A_664 = tpu.vector_load %arg23[%get3A_663] {strides = array<i32>} : memref<2048xf32, #tpu.memory_space<vmem>>, vector<16xf32>,
      %add3A_665 = arith.addf %add3A_662, %get3A_664 : vector<16xf32>
      %get3A_666 = arith.constant 1936 : index
      %get3A_667 = tpu.vector_load %arg23[%get3A_666] {strides = array<i32>} : memref<2048xf32, #tpu.memory_space<vmem>>, vector<16xf32>,
      %add3A_668 = arith.addf %add3A_665, %get3A_667 : vector<16xf32>
      %swap3A_669 = arith.constant 16 : index
      %swap3A_670 = tpu.vector_load %arg24[%swap3A_669] {strides = array<i32>} : memref<128xf32, #tpu.memory_space<vmem>>, vector<16xf32>,
      tpu.vector_store %arg24[%swap3A_669], %add3A_668 {strides = array<i32>} : memref<128xf32, #tpu.memory_space<vmem>>, vector<16xf32>,
      %get3A_671 = arith.constant 32 : index
      %get3A_672 = tpu.vector_load %arg23[%get3A_671] {strides = array<i32>} : memref<2048xf32, #tpu.memory_space<vmem>>, vector<16xf32>,
      %get3A_673 = arith.constant 160 : index
      %get3A_674 = tpu.vector_load %arg23[%get3A_673] {strides = array<i32>} : memref<2048xf32, #tpu.memory_space<vmem>>, vector<16xf32>,
      %add3A_675 = arith.addf %get3A_672, %get3A_674 : vector<16xf32>
      %get3A_676 = arith.constant 288 : index
      %get3A_677 = tpu.vector_load %arg23[%get3A_676] {strides = array<i32>} : memref<2048xf32, #tpu.memory_space<vmem>>, vector<16xf32>,
      %add3A_678 = arith.addf %add3A_675, %get3A_677 : vector<16xf32>
      %get3A_679 = arith.constant 416 : index
      %get3A_680 = tpu.vector_load %arg23[%get3A_679] {strides = array<i32>} : memref<2048xf32, #tpu.memory_space<vmem>>, vector<16xf32>,
      %add3A_681 = arith.addf %add3A_678, %get3A_680 : vector<16xf32>
      %get3A_682 = arith.constant 544 : index
      %get3A_683 = tpu.vector_load %arg23[%get3A_682] {strides = array<i32>} : memref<2048xf32, #tpu.memory_space<vmem>>, vector<16xf32>,
      %add3A_684 = arith.addf %add3A_681, %get3A_683 : vector<16xf32>
      %get3A_685 = arith.constant 672 : index
      %get3A_686 = tpu.vector_load %arg23[%get3A_685] {strides = array<i32>} : memref<2048xf32, #tpu.memory_space<vmem>>, vector<16xf32>,
      %add3A_687 = arith.addf %add3A_684, %get3A_686 : vector<16xf32>
      %get3A_688 = arith.constant 800 : index
      %get3A_689 = tpu.vector_load %arg23[%get3A_688] {strides = array<i32>} : memref<2048xf32, #tpu.memory_space<vmem>>, vector<16xf32>,
      %add3A_690 = arith.addf %add3A_687, %get3A_689 : vector<16xf32>
      %get3A_691 = arith.constant 928 : index
      %get3A_692 = tpu.vector_load %arg23[%get3A_691] {strides = array<i32>} : memref<2048xf32, #tpu.memory_space<vmem>>, vector<16xf32>,
      %add3A_693 = arith.addf %add3A_690, %get3A_692 : vector<16xf32>
      %get3A_694 = arith.constant 1056 : index
      %get3A_695 = tpu.vector_load %arg23[%get3A_694] {strides = array<i32>} : memref<2048xf32, #tpu.memory_space<vmem>>, vector<16xf32>,
      %add3A_696 = arith.addf %add3A_693, %get3A_695 : vector<16xf32>
      %get3A_697 = arith.constant 1184 : index
      %get3A_698 = tpu.vector_load %arg23[%get3A_697] {strides = array<i32>} : memref<2048xf32, #tpu.memory_space<vmem>>, vector<16xf32>,
      %add3A_699 = arith.addf %add3A_696, %get3A_698 : vector<16xf32>
      %get3A_700 = arith.constant 1312 : index
      %get3A_701 = tpu.vector_load %arg23[%get3A_700] {strides = array<i32>} : memref<2048xf32, #tpu.memory_space<vmem>>, vector<16xf32>,
      %add3A_702 = arith.addf %add3A_699, %get3A_701 : vector<16xf32>
      %get3A_703 = arith.constant 1440 : index
      %get3A_704 = tpu.vector_load %arg23[%get3A_703] {strides = array<i32>} : memref<2048xf32, #tpu.memory_space<vmem>>, vector<16xf32>,
      %add3A_705 = arith.addf %add3A_702, %get3A_704 : vector<16xf32>
      %get3A_706 = arith.constant 1568 : index
      %get3A_707 = tpu.vector_load %arg23[%get3A_706] {strides = array<i32>} : memref<2048xf32, #tpu.memory_space<vmem>>, vector<16xf32>,
      %add3A_708 = arith.addf %add3A_705, %get3A_707 : vector<16xf32>
      %get3A_709 = arith.constant 1696 : index
      %get3A_710 = tpu.vector_load %arg23[%get3A_709] {strides = array<i32>} : memref<2048xf32, #tpu.memory_space<vmem>>, vector<16xf32>,
      %add3A_711 = arith.addf %add3A_708, %get3A_710 : vector<16xf32>
      %get3A_712 = arith.constant 1824 : index
      %get3A_713 = tpu.vector_load %arg23[%get3A_712] {strides = array<i32>} : memref<2048xf32, #tpu.memory_space<vmem>>, vector<16xf32>,
      %add3A_714 = arith.addf %add3A_711, %get3A_713 : vector<16xf32>
      %get3A_715 = arith.constant 1952 : index
      %get3A_716 = tpu.vector_load %arg23[%get3A_715] {strides = array<i32>} : memref<2048xf32, #tpu.memory_space<vmem>>, vector<16xf32>,
      %add3A_717 = arith.addf %add3A_714, %get3A_716 : vector<16xf32>
      %swap3A_718 = arith.constant 32 : index
      %swap3A_719 = tpu.vector_load %arg24[%swap3A_718] {strides = array<i32>} : memref<128xf32, #tpu.memory_space<vmem>>, vector<16xf32>,
      tpu.vector_store %arg24[%swap3A_718], %add3A_717 {strides = array<i32>} : memref<128xf32, #tpu.memory_space<vmem>>, vector<16xf32>,
      %get3A_720 = arith.constant 48 : index
      %get3A_721 = tpu.vector_load %arg23[%get3A_720] {strides = array<i32>} : memref<2048xf32, #tpu.memory_space<vmem>>, vector<16xf32>,
      %get3A_722 = arith.constant 176 : index
      %get3A_723 = tpu.vector_load %arg23[%get3A_722] {strides = array<i32>} : memref<2048xf32, #tpu.memory_space<vmem>>, vector<16xf32>,
      %add3A_724 = arith.addf %get3A_721, %get3A_723 : vector<16xf32>
      %get3A_725 = arith.constant 304 : index
      %get3A_726 = tpu.vector_load %arg23[%get3A_725] {strides = array<i32>} : memref<2048xf32, #tpu.memory_space<vmem>>, vector<16xf32>,
      %add3A_727 = arith.addf %add3A_724, %get3A_726 : vector<16xf32>
      %get3A_728 = arith.constant 432 : index
      %get3A_729 = tpu.vector_load %arg23[%get3A_728] {strides = array<i32>} : memref<2048xf32, #tpu.memory_space<vmem>>, vector<16xf32>,
      %add3A_730 = arith.addf %add3A_727, %get3A_729 : vector<16xf32>
      %get3A_731 = arith.constant 560 : index
      %get3A_732 = tpu.vector_load %arg23[%get3A_731] {strides = array<i32>} : memref<2048xf32, #tpu.memory_space<vmem>>, vector<16xf32>,
      %add3A_733 = arith.addf %add3A_730, %get3A_732 : vector<16xf32>
      %get3A_734 = arith.constant 688 : index
      %get3A_735 = tpu.vector_load %arg23[%get3A_734] {strides = array<i32>} : memref<2048xf32, #tpu.memory_space<vmem>>, vector<16xf32>,
      %add3A_736 = arith.addf %add3A_733, %get3A_735 : vector<16xf32>
      %get3A_737 = arith.constant 816 : index
      %get3A_738 = tpu.vector_load %arg23[%get3A_737] {strides = array<i32>} : memref<2048xf32, #tpu.memory_space<vmem>>, vector<16xf32>,
      %add3A_739 = arith.addf %add3A_736, %get3A_738 : vector<16xf32>
      %get3A_740 = arith.constant 944 : index
      %get3A_741 = tpu.vector_load %arg23[%get3A_740] {strides = array<i32>} : memref<2048xf32, #tpu.memory_space<vmem>>, vector<16xf32>,
      %add3A_742 = arith.addf %add3A_739, %get3A_741 : vector<16xf32>
      %get3A_743 = arith.constant 1072 : index
      %get3A_744 = tpu.vector_load %arg23[%get3A_743] {strides = array<i32>} : memref<2048xf32, #tpu.memory_space<vmem>>, vector<16xf32>,
      %add3A_745 = arith.addf %add3A_742, %get3A_744 : vector<16xf32>
      %get3A_746 = arith.constant 1200 : index
      %get3A_747 = tpu.vector_load %arg23[%get3A_746] {strides = array<i32>} : memref<2048xf32, #tpu.memory_space<vmem>>, vector<16xf32>,
      %add3A_748 = arith.addf %add3A_745, %get3A_747 : vector<16xf32>
      %get3A_749 = arith.constant 1328 : index
      %get3A_750 = tpu.vector_load %arg23[%get3A_749] {strides = array<i32>} : memref<2048xf32, #tpu.memory_space<vmem>>, vector<16xf32>,
      %add3A_751 = arith.addf %add3A_748, %get3A_750 : vector<16xf32>
      %get3A_752 = arith.constant 1456 : index
      %get3A_753 = tpu.vector_load %arg23[%get3A_752] {strides = array<i32>} : memref<2048xf32, #tpu.memory_space<vmem>>, vector<16xf32>,
      %add3A_754 = arith.addf %add3A_751, %get3A_753 : vector<16xf32>
      %get3A_755 = arith.constant 1584 : index
      %get3A_756 = tpu.vector_load %arg23[%get3A_755] {strides = array<i32>} : memref<2048xf32, #tpu.memory_space<vmem>>, vector<16xf32>,
      %add3A_757 = arith.addf %add3A_754, %get3A_756 : vector<16xf32>
      %get3A_758 = arith.constant 1712 : index
      %get3A_759 = tpu.vector_load %arg23[%get3A_758] {strides = array<i32>} : memref<2048xf32, #tpu.memory_space<vmem>>, vector<16xf32>,
      %add3A_760 = arith.addf %add3A_757, %get3A_759 : vector<16xf32>
      %get3A_761 = arith.constant 1840 : index
      %get3A_762 = tpu.vector_load %arg23[%get3A_761] {strides = array<i32>} : memref<2048xf32, #tpu.memory_space<vmem>>, vector<16xf32>,
      %add3A_763 = arith.addf %add3A_760, %get3A_762 : vector<16xf32>
      %get3A_764 = arith.constant 1968 : index
      %get3A_765 = tpu.vector_load %arg23[%get3A_764] {strides = array<i32>} : memref<2048xf32, #tpu.memory_space<vmem>>, vector<16xf32>,
      %add3A_766 = arith.addf %add3A_763, %get3A_765 : vector<16xf32>
      %swap3A_767 = arith.constant 48 : index
      %swap3A_768 = tpu.vector_load %arg24[%swap3A_767] {strides = array<i32>} : memref<128xf32, #tpu.memory_space<vmem>>, vector<16xf32>,
      tpu.vector_store %arg24[%swap3A_767], %add3A_766 {strides = array<i32>} : memref<128xf32, #tpu.memory_space<vmem>>, vector<16xf32>,
      %get3A_769 = arith.constant 64 : index
      %get3A_770 = tpu.vector_load %arg23[%get3A_769] {strides = array<i32>} : memref<2048xf32, #tpu.memory_space<vmem>>, vector<16xf32>,
      %get3A_771 = arith.constant 192 : index
      %get3A_772 = tpu.vector_load %arg23[%get3A_771] {strides = array<i32>} : memref<2048xf32, #tpu.memory_space<vmem>>, vector<16xf32>,
      %add3A_773 = arith.addf %get3A_770, %get3A_772 : vector<16xf32>
      %get3A_774 = arith.constant 320 : index
      %get3A_775 = tpu.vector_load %arg23[%get3A_774] {strides = array<i32>} : memref<2048xf32, #tpu.memory_space<vmem>>, vector<16xf32>,
      %add3A_776 = arith.addf %add3A_773, %get3A_775 : vector<16xf32>
      %get3A_777 = arith.constant 448 : index
      %get3A_778 = tpu.vector_load %arg23[%get3A_777] {strides = array<i32>} : memref<2048xf32, #tpu.memory_space<vmem>>, vector<16xf32>,
      %add3A_779 = arith.addf %add3A_776, %get3A_778 : vector<16xf32>
      %get3A_780 = arith.constant 576 : index
      %get3A_781 = tpu.vector_load %arg23[%get3A_780] {strides = array<i32>} : memref<2048xf32, #tpu.memory_space<vmem>>, vector<16xf32>,
      %add3A_782 = arith.addf %add3A_779, %get3A_781 : vector<16xf32>
      %get3A_783 = arith.constant 704 : index
      %get3A_784 = tpu.vector_load %arg23[%get3A_783] {strides = array<i32>} : memref<2048xf32, #tpu.memory_space<vmem>>, vector<16xf32>,
      %add3A_785 = arith.addf %add3A_782, %get3A_784 : vector<16xf32>
      %get3A_786 = arith.constant 832 : index
      %get3A_787 = tpu.vector_load %arg23[%get3A_786] {strides = array<i32>} : memref<2048xf32, #tpu.memory_space<vmem>>, vector<16xf32>,
      %add3A_788 = arith.addf %add3A_785, %get3A_787 : vector<16xf32>
      %get3A_789 = arith.constant 960 : index
      %get3A_790 = tpu.vector_load %arg23[%get3A_789] {strides = array<i32>} : memref<2048xf32, #tpu.memory_space<vmem>>, vector<16xf32>,
      %add3A_791 = arith.addf %add3A_788, %get3A_790 : vector<16xf32>
      %get3A_792 = arith.constant 1088 : index
      %get3A_793 = tpu.vector_load %arg23[%get3A_792] {strides = array<i32>} : memref<2048xf32, #tpu.memory_space<vmem>>, vector<16xf32>,
      %add3A_794 = arith.addf %add3A_791, %get3A_793 : vector<16xf32>
      %get3A_795 = arith.constant 1216 : index
      %get3A_796 = tpu.vector_load %arg23[%get3A_795] {strides = array<i32>} : memref<2048xf32, #tpu.memory_space<vmem>>, vector<16xf32>,
      %add3A_797 = arith.addf %add3A_794, %get3A_796 : vector<16xf32>
      %get3A_798 = arith.constant 1344 : index
      %get3A_799 = tpu.vector_load %arg23[%get3A_798] {strides = array<i32>} : memref<2048xf32, #tpu.memory_space<vmem>>, vector<16xf32>,
      %add3A_800 = arith.addf %add3A_797, %get3A_799 : vector<16xf32>
      %get3A_801 = arith.constant 1472 : index
      %get3A_802 = tpu.vector_load %arg23[%get3A_801] {strides = array<i32>} : memref<2048xf32, #tpu.memory_space<vmem>>, vector<16xf32>,
      %add3A_803 = arith.addf %add3A_800, %get3A_802 : vector<16xf32>
      %get3A_804 = arith.constant 1600 : index
      %get3A_805 = tpu.vector_load %arg23[%get3A_804] {strides = array<i32>} : memref<2048xf32, #tpu.memory_space<vmem>>, vector<16xf32>,
      %add3A_806 = arith.addf %add3A_803, %get3A_805 : vector<16xf32>
      %get3A_807 = arith.constant 1728 : index
      %get3A_808 = tpu.vector_load %arg23[%get3A_807] {strides = array<i32>} : memref<2048xf32, #tpu.memory_space<vmem>>, vector<16xf32>,
      %add3A_809 = arith.addf %add3A_806, %get3A_808 : vector<16xf32>
      %get3A_810 = arith.constant 1856 : index
      %get3A_811 = tpu.vector_load %arg23[%get3A_810] {strides = array<i32>} : memref<2048xf32, #tpu.memory_space<vmem>>, vector<16xf32>,
      %add3A_812 = arith.addf %add3A_809, %get3A_811 : vector<16xf32>
      %get3A_813 = arith.constant 1984 : index
      %get3A_814 = tpu.vector_load %arg23[%get3A_813] {strides = array<i32>} : memref<2048xf32, #tpu.memory_space<vmem>>, vector<16xf32>,
      %add3A_815 = arith.addf %add3A_812, %get3A_814 : vector<16xf32>
      %swap3A_816 = arith.constant 64 : index
      %swap3A_817 = tpu.vector_load %arg24[%swap3A_816] {strides = array<i32>} : memref<128xf32, #tpu.memory_space<vmem>>, vector<16xf32>,
      tpu.vector_store %arg24[%swap3A_816], %add3A_815 {strides = array<i32>} : memref<128xf32, #tpu.memory_space<vmem>>, vector<16xf32>,
      %get3A_818 = arith.constant 80 : index
      %get3A_819 = tpu.vector_load %arg23[%get3A_818] {strides = array<i32>} : memref<2048xf32, #tpu.memory_space<vmem>>, vector<16xf32>,
      %get3A_820 = arith.constant 208 : index
      %get3A_821 = tpu.vector_load %arg23[%get3A_820] {strides = array<i32>} : memref<2048xf32, #tpu.memory_space<vmem>>, vector<16xf32>,
      %add3A_822 = arith.addf %get3A_819, %get3A_821 : vector<16xf32>
      %get3A_823 = arith.constant 336 : index
      %get3A_824 = tpu.vector_load %arg23[%get3A_823] {strides = array<i32>} : memref<2048xf32, #tpu.memory_space<vmem>>, vector<16xf32>,
      %add3A_825 = arith.addf %add3A_822, %get3A_824 : vector<16xf32>
      %get3A_826 = arith.constant 464 : index
      %get3A_827 = tpu.vector_load %arg23[%get3A_826] {strides = array<i32>} : memref<2048xf32, #tpu.memory_space<vmem>>, vector<16xf32>,
      %add3A_828 = arith.addf %add3A_825, %get3A_827 : vector<16xf32>
      %get3A_829 = arith.constant 592 : index
      %get3A_830 = tpu.vector_load %arg23[%get3A_829] {strides = array<i32>} : memref<2048xf32, #tpu.memory_space<vmem>>, vector<16xf32>,
      %add3A_831 = arith.addf %add3A_828, %get3A_830 : vector<16xf32>
      %get3A_832 = arith.constant 720 : index
      %get3A_833 = tpu.vector_load %arg23[%get3A_832] {strides = array<i32>} : memref<2048xf32, #tpu.memory_space<vmem>>, vector<16xf32>,
      %add3A_834 = arith.addf %add3A_831, %get3A_833 : vector<16xf32>
      %get3A_835 = arith.constant 848 : index
      %get3A_836 = tpu.vector_load %arg23[%get3A_835] {strides = array<i32>} : memref<2048xf32, #tpu.memory_space<vmem>>, vector<16xf32>,
      %add3A_837 = arith.addf %add3A_834, %get3A_836 : vector<16xf32>
      %get3A_838 = arith.constant 976 : index
      %get3A_839 = tpu.vector_load %arg23[%get3A_838] {strides = array<i32>} : memref<2048xf32, #tpu.memory_space<vmem>>, vector<16xf32>,
      %add3A_840 = arith.addf %add3A_837, %get3A_839 : vector<16xf32>
      %get3A_841 = arith.constant 1104 : index
      %get3A_842 = tpu.vector_load %arg23[%get3A_841] {strides = array<i32>} : memref<2048xf32, #tpu.memory_space<vmem>>, vector<16xf32>,
      %add3A_843 = arith.addf %add3A_840, %get3A_842 : vector<16xf32>
      %get3A_844 = arith.constant 1232 : index
      %get3A_845 = tpu.vector_load %arg23[%get3A_844] {strides = array<i32>} : memref<2048xf32, #tpu.memory_space<vmem>>, vector<16xf32>,
      %add3A_846 = arith.addf %add3A_843, %get3A_845 : vector<16xf32>
      %get3A_847 = arith.constant 1360 : index
      %get3A_848 = tpu.vector_load %arg23[%get3A_847] {strides = array<i32>} : memref<2048xf32, #tpu.memory_space<vmem>>, vector<16xf32>,
      %add3A_849 = arith.addf %add3A_846, %get3A_848 : vector<16xf32>
      %get3A_850 = arith.constant 1488 : index
      %get3A_851 = tpu.vector_load %arg23[%get3A_850] {strides = array<i32>} : memref<2048xf32, #tpu.memory_space<vmem>>, vector<16xf32>,
      %add3A_852 = arith.addf %add3A_849, %get3A_851 : vector<16xf32>
      %get3A_853 = arith.constant 1616 : index
      %get3A_854 = tpu.vector_load %arg23[%get3A_853] {strides = array<i32>} : memref<2048xf32, #tpu.memory_space<vmem>>, vector<16xf32>,
      %add3A_855 = arith.addf %add3A_852, %get3A_854 : vector<16xf32>
      %get3A_856 = arith.constant 1744 : index
      %get3A_857 = tpu.vector_load %arg23[%get3A_856] {strides = array<i32>} : memref<2048xf32, #tpu.memory_space<vmem>>, vector<16xf32>,
      %add3A_858 = arith.addf %add3A_855, %get3A_857 : vector<16xf32>
      %get3A_859 = arith.constant 1872 : index
      %get3A_860 = tpu.vector_load %arg23[%get3A_859] {strides = array<i32>} : memref<2048xf32, #tpu.memory_space<vmem>>, vector<16xf32>,
      %add3A_861 = arith.addf %add3A_858, %get3A_860 : vector<16xf32>
      %get3A_862 = arith.constant 2000 : index
      %get3A_863 = tpu.vector_load %arg23[%get3A_862] {strides = array<i32>} : memref<2048xf32, #tpu.memory_space<vmem>>, vector<16xf32>,
      %add3A_864 = arith.addf %add3A_861, %get3A_863 : vector<16xf32>
      %swap3A_865 = arith.constant 80 : index
      %swap3A_866 = tpu.vector_load %arg24[%swap3A_865] {strides = array<i32>} : memref<128xf32, #tpu.memory_space<vmem>>, vector<16xf32>,
      tpu.vector_store %arg24[%swap3A_865], %add3A_864 {strides = array<i32>} : memref<128xf32, #tpu.memory_space<vmem>>, vector<16xf32>,
      %get3A_867 = arith.constant 96 : index
      %get3A_868 = tpu.vector_load %arg23[%get3A_867] {strides = array<i32>} : memref<2048xf32, #tpu.memory_space<vmem>>, vector<16xf32>,
      %get3A_869 = arith.constant 224 : index
      %get3A_870 = tpu.vector_load %arg23[%get3A_869] {strides = array<i32>} : memref<2048xf32, #tpu.memory_space<vmem>>, vector<16xf32>,
      %add3A_871 = arith.addf %get3A_868, %get3A_870 : vector<16xf32>
      %get3A_872 = arith.constant 352 : index
      %get3A_873 = tpu.vector_load %arg23[%get3A_872] {strides = array<i32>} : memref<2048xf32, #tpu.memory_space<vmem>>, vector<16xf32>,
      %add3A_874 = arith.addf %add3A_871, %get3A_873 : vector<16xf32>
      %get3A_875 = arith.constant 480 : index
      %get3A_876 = tpu.vector_load %arg23[%get3A_875] {strides = array<i32>} : memref<2048xf32, #tpu.memory_space<vmem>>, vector<16xf32>,
      %add3A_877 = arith.addf %add3A_874, %get3A_876 : vector<16xf32>
      %get3A_878 = arith.constant 608 : index
      %get3A_879 = tpu.vector_load %arg23[%get3A_878] {strides = array<i32>} : memref<2048xf32, #tpu.memory_space<vmem>>, vector<16xf32>,
      %add3A_880 = arith.addf %add3A_877, %get3A_879 : vector<16xf32>
      %get3A_881 = arith.constant 736 : index
      %get3A_882 = tpu.vector_load %arg23[%get3A_881] {strides = array<i32>} : memref<2048xf32, #tpu.memory_space<vmem>>, vector<16xf32>,
      %add3A_883 = arith.addf %add3A_880, %get3A_882 : vector<16xf32>
      %get3A_884 = arith.constant 864 : index
      %get3A_885 = tpu.vector_load %arg23[%get3A_884] {strides = array<i32>} : memref<2048xf32, #tpu.memory_space<vmem>>, vector<16xf32>,
      %add3A_886 = arith.addf %add3A_883, %get3A_885 : vector<16xf32>
      %get3A_887 = arith.constant 992 : index
      %get3A_888 = tpu.vector_load %arg23[%get3A_887] {strides = array<i32>} : memref<2048xf32, #tpu.memory_space<vmem>>, vector<16xf32>,
      %add3A_889 = arith.addf %add3A_886, %get3A_888 : vector<16xf32>
      %get3A_890 = arith.constant 1120 : index
      %get3A_891 = tpu.vector_load %arg23[%get3A_890] {strides = array<i32>} : memref<2048xf32, #tpu.memory_space<vmem>>, vector<16xf32>,
      %add3A_892 = arith.addf %add3A_889, %get3A_891 : vector<16xf32>
      %get3A_893 = arith.constant 1248 : index
      %get3A_894 = tpu.vector_load %arg23[%get3A_893] {strides = array<i32>} : memref<2048xf32, #tpu.memory_space<vmem>>, vector<16xf32>,
      %add3A_895 = arith.addf %add3A_892, %get3A_894 : vector<16xf32>
      %get3A_896 = arith.constant 1376 : index
      %get3A_897 = tpu.vector_load %arg23[%get3A_896] {strides = array<i32>} : memref<2048xf32, #tpu.memory_space<vmem>>, vector<16xf32>,
      %add3A_898 = arith.addf %add3A_895, %get3A_897 : vector<16xf32>
      %get3A_899 = arith.constant 1504 : index
      %get3A_900 = tpu.vector_load %arg23[%get3A_899] {strides = array<i32>} : memref<2048xf32, #tpu.memory_space<vmem>>, vector<16xf32>,
      %add3A_901 = arith.addf %add3A_898, %get3A_900 : vector<16xf32>
      %get3A_902 = arith.constant 1632 : index
      %get3A_903 = tpu.vector_load %arg23[%get3A_902] {strides = array<i32>} : memref<2048xf32, #tpu.memory_space<vmem>>, vector<16xf32>,
      %add3A_904 = arith.addf %add3A_901, %get3A_903 : vector<16xf32>
      %get3A_905 = arith.constant 1760 : index
      %get3A_906 = tpu.vector_load %arg23[%get3A_905] {strides = array<i32>} : memref<2048xf32, #tpu.memory_space<vmem>>, vector<16xf32>,
      %add3A_907 = arith.addf %add3A_904, %get3A_906 : vector<16xf32>
      %get3A_908 = arith.constant 1888 : index
      %get3A_909 = tpu.vector_load %arg23[%get3A_908] {strides = array<i32>} : memref<2048xf32, #tpu.memory_space<vmem>>, vector<16xf32>,
      %add3A_910 = arith.addf %add3A_907, %get3A_909 : vector<16xf32>
      %get3A_911 = arith.constant 2016 : index
      %get3A_912 = tpu.vector_load %arg23[%get3A_911] {strides = array<i32>} : memref<2048xf32, #tpu.memory_space<vmem>>, vector<16xf32>,
      %add3A_913 = arith.addf %add3A_910, %get3A_912 : vector<16xf32>
      %swap3A_914 = arith.constant 96 : index
      %swap3A_915 = tpu.vector_load %arg24[%swap3A_914] {strides = array<i32>} : memref<128xf32, #tpu.memory_space<vmem>>, vector<16xf32>,
      tpu.vector_store %arg24[%swap3A_914], %add3A_913 {strides = array<i32>} : memref<128xf32, #tpu.memory_space<vmem>>, vector<16xf32>,
      %get3A_916 = arith.constant 112 : index
      %get3A_917 = tpu.vector_load %arg23[%get3A_916] {strides = array<i32>} : memref<2048xf32, #tpu.memory_space<vmem>>, vector<16xf32>,
      %get3A_918 = arith.constant 240 : index
      %get3A_919 = tpu.vector_load %arg23[%get3A_918] {strides = array<i32>} : memref<2048xf32, #tpu.memory_space<vmem>>, vector<16xf32>,
      %add3A_920 = arith.addf %get3A_917, %get3A_919 : vector<16xf32>
      %get3A_921 = arith.constant 368 : index
      %get3A_922 = tpu.vector_load %arg23[%get3A_921] {strides = array<i32>} : memref<2048xf32, #tpu.memory_space<vmem>>, vector<16xf32>,
      %add3A_923 = arith.addf %add3A_920, %get3A_922 : vector<16xf32>
      %get3A_924 = arith.constant 496 : index
      %get3A_925 = tpu.vector_load %arg23[%get3A_924] {strides = array<i32>} : memref<2048xf32, #tpu.memory_space<vmem>>, vector<16xf32>,
      %add3A_926 = arith.addf %add3A_923, %get3A_925 : vector<16xf32>
      %get3A_927 = arith.constant 624 : index
      %get3A_928 = tpu.vector_load %arg23[%get3A_927] {strides = array<i32>} : memref<2048xf32, #tpu.memory_space<vmem>>, vector<16xf32>,
      %add3A_929 = arith.addf %add3A_926, %get3A_928 : vector<16xf32>
      %get3A_930 = arith.constant 752 : index
      %get3A_931 = tpu.vector_load %arg23[%get3A_930] {strides = array<i32>} : memref<2048xf32, #tpu.memory_space<vmem>>, vector<16xf32>,
      %add3A_932 = arith.addf %add3A_929, %get3A_931 : vector<16xf32>
      %get3A_933 = arith.constant 880 : index
      %get3A_934 = tpu.vector_load %arg23[%get3A_933] {strides = array<i32>} : memref<2048xf32, #tpu.memory_space<vmem>>, vector<16xf32>,
      %add3A_935 = arith.addf %add3A_932, %get3A_934 : vector<16xf32>
      %get3A_936 = arith.constant 1008 : index
      %get3A_937 = tpu.vector_load %arg23[%get3A_936] {strides = array<i32>} : memref<2048xf32, #tpu.memory_space<vmem>>, vector<16xf32>,
      %add3A_938 = arith.addf %add3A_935, %get3A_937 : vector<16xf32>
      %get3A_939 = arith.constant 1136 : index
      %get3A_940 = tpu.vector_load %arg23[%get3A_939] {strides = array<i32>} : memref<2048xf32, #tpu.memory_space<vmem>>, vector<16xf32>,
      %add3A_941 = arith.addf %add3A_938, %get3A_940 : vector<16xf32>
      %get3A_942 = arith.constant 1264 : index
      %get3A_943 = tpu.vector_load %arg23[%get3A_942] {strides = array<i32>} : memref<2048xf32, #tpu.memory_space<vmem>>, vector<16xf32>,
      %add3A_944 = arith.addf %add3A_941, %get3A_943 : vector<16xf32>
      %get3A_945 = arith.constant 1392 : index
      %get3A_946 = tpu.vector_load %arg23[%get3A_945] {strides = array<i32>} : memref<2048xf32, #tpu.memory_space<vmem>>, vector<16xf32>,
      %add3A_947 = arith.addf %add3A_944, %get3A_946 : vector<16xf32>
      %get3A_948 = arith.constant 1520 : index
      %get3A_949 = tpu.vector_load %arg23[%get3A_948] {strides = array<i32>} : memref<2048xf32, #tpu.memory_space<vmem>>, vector<16xf32>,
      %add3A_950 = arith.addf %add3A_947, %get3A_949 : vector<16xf32>
      %get3A_951 = arith.constant 1648 : index
      %get3A_952 = tpu.vector_load %arg23[%get3A_951] {strides = array<i32>} : memref<2048xf32, #tpu.memory_space<vmem>>, vector<16xf32>,
      %add3A_953 = arith.addf %add3A_950, %get3A_952 : vector<16xf32>
      %get3A_954 = arith.constant 1776 : index
      %get3A_955 = tpu.vector_load %arg23[%get3A_954] {strides = array<i32>} : memref<2048xf32, #tpu.memory_space<vmem>>, vector<16xf32>,
      %add3A_956 = arith.addf %add3A_953, %get3A_955 : vector<16xf32>
      %get3A_957 = arith.constant 1904 : index
      %get3A_958 = tpu.vector_load %arg23[%get3A_957] {strides = array<i32>} : memref<2048xf32, #tpu.memory_space<vmem>>, vector<16xf32>,
      %add3A_959 = arith.addf %add3A_956, %get3A_958 : vector<16xf32>
      %get3A_960 = arith.constant 2032 : index
      %get3A_961 = tpu.vector_load %arg23[%get3A_960] {strides = array<i32>} : memref<2048xf32, #tpu.memory_space<vmem>>, vector<16xf32>,
      %add3A_962 = arith.addf %add3A_959, %get3A_961 : vector<16xf32>
      %swap3A_963 = arith.constant 112 : index
      %swap3A_964 = tpu.vector_load %arg24[%swap3A_963] {strides = array<i32>} : memref<128xf32, #tpu.memory_space<vmem>>, vector<16xf32>,
      tpu.vector_store %arg24[%swap3A_963], %add3A_962 {strides = array<i32>} : memref<128xf32, #tpu.memory_space<vmem>>, vector<16xf32>,
      %mul3A_965 = arith.constant 128 : i32
      %mul3A_966 = arith.muli %mul3A_965, %arg1 : i32
      "tpu.region"() ({
        %run_scoped3A_967 = tpu.sem_alloc : memref<!tpu.dma_semaphore, #tpu.memory_space<semaphore_mem>>
        %dma_start3A = tpu.memref_slice %arg31[%mul3A_966] : memref<1024xf32, #tpu.memory_space<vmem_shared>> -> memref<128xf32, #tpu.memory_space<vmem_shared>>
        %dma_start3A_968 = tpu.memref_slice %arg31[%mul3A_966] : memref<1024xf32, #tpu.memory_space<vmem_shared>> -> memref<128xf32, #tpu.memory_space<vmem_shared>>
        tpu.enqueue_dma source(%arg24 : memref<128xf32, #tpu.memory_space<vmem>>) target(%dma_start3A_968 : memref<128xf32, #tpu.memory_space<vmem_shared>>) target_semaphore(%run_scoped3A_967 : memref<!tpu.dma_semaphore, #tpu.memory_space<semaphore_mem>>)
        %dma_wait3A = tpu.memref_slice %arg31[%mul3A_966] : memref<1024xf32, #tpu.memory_space<vmem_shared>> -> memref<128xf32, #tpu.memory_space<vmem_shared>>
        %dma_wait3A_969 = tpu.memref_slice %arg31[%mul3A_966] : memref<1024xf32, #tpu.memory_space<vmem_shared>> -> memref<128xf32, #tpu.memory_space<vmem_shared>>
        tpu.wait_dma2 semaphore(%run_scoped3A_967 : memref<!tpu.dma_semaphore, #tpu.memory_space<semaphore_mem>>) src(%arg24 : memref<128xf32, #tpu.memory_space<vmem>>) dst(%dma_wait3A_969 : memref<128xf32, #tpu.memory_space<vmem_shared>>)
        tpu.yield
      }) : () -> ()
    } else {
    }
    %ge3A = arith.constant 8 : i32
    %ge3A_25 = arith.cmpi sge, %arg1, %ge3A : i32
    %convert_element_type3A_26 = arith.extui %ge3A_25 : i1 to i32
    %cond3A_27 = arith.constant 0 : i32
    %cond3A_28 = arith.cmpi ne, %convert_element_type3A_26, %cond3A_27 : i32
    scf.if %cond3A_28 {
      %sub3A = arith.constant 8 : i32
      %sub3A_54 = arith.subi %arg1, %sub3A : i32
      %mul3A_55 = arith.constant 128 : i32
      %mul3A_56 = arith.muli %mul3A_55, %sub3A_54 : i32
      %add3A = arith.constant 0 : i32
      %add3A_57 = arith.addi %add3A, %mul3A_56 : i32
      "tpu.region"() ({
        %run_scoped3A_510 = tpu.sem_alloc : memref<!tpu.dma_semaphore, #tpu.memory_space<semaphore_mem>>
        %dma_start3A = arith.constant 0 : i32
        %dma_start3A_511 = tpu.memref_slice %arg23[%dma_start3A] : memref<2048xf32, #tpu.memory_space<vmem>> -> memref<128xf32, #tpu.memory_space<vmem>>
        %dma_start3A_512 = tpu.memref_slice %arg26[%add3A_57] : memref<16384xf32, #tpu.memory_space<vmem_shared>> -> memref<128xf32, #tpu.memory_space<vmem_shared>>
        %dma_start3A_513 = arith.constant 0 : i32
        %dma_start3A_514 = tpu.memref_slice %arg23[%dma_start3A_513] : memref<2048xf32, #tpu.memory_space<vmem>> -> memref<128xf32, #tpu.memory_space<vmem>>
        %dma_start3A_515 = tpu.memref_slice %arg26[%add3A_57] : memref<16384xf32, #tpu.memory_space<vmem_shared>> -> memref<128xf32, #tpu.memory_space<vmem_shared>>
        tpu.enqueue_dma source(%dma_start3A_515 : memref<128xf32, #tpu.memory_space<vmem_shared>>) target(%dma_start3A_514 : memref<128xf32, #tpu.memory_space<vmem>>) target_semaphore(%run_scoped3A_510 : memref<!tpu.dma_semaphore, #tpu.memory_space<semaphore_mem>>)
        %dma_wait3A = arith.constant 0 : i32
        %dma_wait3A_516 = tpu.memref_slice %arg23[%dma_wait3A] : memref<2048xf32, #tpu.memory_space<vmem>> -> memref<128xf32, #tpu.memory_space<vmem>>
        %dma_wait3A_517 = tpu.memref_slice %arg26[%add3A_57] : memref<16384xf32, #tpu.memory_space<vmem_shared>> -> memref<128xf32, #tpu.memory_space<vmem_shared>>
        %dma_wait3A_518 = arith.constant 0 : i32
        %dma_wait3A_519 = tpu.memref_slice %arg23[%dma_wait3A_518] : memref<2048xf32, #tpu.memory_space<vmem>> -> memref<128xf32, #tpu.memory_space<vmem>>
        %dma_wait3A_520 = tpu.memref_slice %arg26[%add3A_57] : memref<16384xf32, #tpu.memory_space<vmem_shared>> -> memref<128xf32, #tpu.memory_space<vmem_shared>>
        tpu.wait_dma2 semaphore(%run_scoped3A_510 : memref<!tpu.dma_semaphore, #tpu.memory_space<semaphore_mem>>) src(%dma_wait3A_520 : memref<128xf32, #tpu.memory_space<vmem_shared>>) dst(%dma_wait3A_519 : memref<128xf32, #tpu.memory_space<vmem>>)
        tpu.yield
      }) : () -> ()
      %mul3A_58 = arith.constant 128 : i32
      %mul3A_59 = arith.muli %mul3A_58, %sub3A_54 : i32
      %add3A_60 = arith.constant 1024 : i32
      %add3A_61 = arith.addi %add3A_60, %mul3A_59 : i32
      "tpu.region"() ({
        %run_scoped3A_510 = tpu.sem_alloc : memref<!tpu.dma_semaphore, #tpu.memory_space<semaphore_mem>>
        %dma_start3A = arith.constant 128 : i32
        %dma_start3A_511 = tpu.memref_slice %arg23[%dma_start3A] : memref<2048xf32, #tpu.memory_space<vmem>> -> memref<128xf32, #tpu.memory_space<vmem>>
        %dma_start3A_512 = tpu.memref_slice %arg26[%add3A_61] : memref<16384xf32, #tpu.memory_space<vmem_shared>> -> memref<128xf32, #tpu.memory_space<vmem_shared>>
        %dma_start3A_513 = arith.constant 128 : i32
        %dma_start3A_514 = tpu.memref_slice %arg23[%dma_start3A_513] : memref<2048xf32, #tpu.memory_space<vmem>> -> memref<128xf32, #tpu.memory_space<vmem>>
        %dma_start3A_515 = tpu.memref_slice %arg26[%add3A_61] : memref<16384xf32, #tpu.memory_space<vmem_shared>> -> memref<128xf32, #tpu.memory_space<vmem_shared>>
        tpu.enqueue_dma source(%dma_start3A_515 : memref<128xf32, #tpu.memory_space<vmem_shared>>) target(%dma_start3A_514 : memref<128xf32, #tpu.memory_space<vmem>>) target_semaphore(%run_scoped3A_510 : memref<!tpu.dma_semaphore, #tpu.memory_space<semaphore_mem>>)
        %dma_wait3A = arith.constant 128 : i32
        %dma_wait3A_516 = tpu.memref_slice %arg23[%dma_wait3A] : memref<2048xf32, #tpu.memory_space<vmem>> -> memref<128xf32, #tpu.memory_space<vmem>>
        %dma_wait3A_517 = tpu.memref_slice %arg26[%add3A_61] : memref<16384xf32, #tpu.memory_space<vmem_shared>> -> memref<128xf32, #tpu.memory_space<vmem_shared>>
        %dma_wait3A_518 = arith.constant 128 : i32
        %dma_wait3A_519 = tpu.memref_slice %arg23[%dma_wait3A_518] : memref<2048xf32, #tpu.memory_space<vmem>> -> memref<128xf32, #tpu.memory_space<vmem>>
        %dma_wait3A_520 = tpu.memref_slice %arg26[%add3A_61] : memref<16384xf32, #tpu.memory_space<vmem_shared>> -> memref<128xf32, #tpu.memory_space<vmem_shared>>
        tpu.wait_dma2 semaphore(%run_scoped3A_510 : memref<!tpu.dma_semaphore, #tpu.memory_space<semaphore_mem>>) src(%dma_wait3A_520 : memref<128xf32, #tpu.memory_space<vmem_shared>>) dst(%dma_wait3A_519 : memref<128xf32, #tpu.memory_space<vmem>>)
        tpu.yield
      }) : () -> ()
      %mul3A_62 = arith.constant 128 : i32
      %mul3A_63 = arith.muli %mul3A_62, %sub3A_54 : i32
      %add3A_64 = arith.constant 2048 : i32
      %add3A_65 = arith.addi %add3A_64, %mul3A_63 : i32
      "tpu.region"() ({
        %run_scoped3A_510 = tpu.sem_alloc : memref<!tpu.dma_semaphore, #tpu.memory_space<semaphore_mem>>
        %dma_start3A = arith.constant 256 : i32
        %dma_start3A_511 = tpu.memref_slice %arg23[%dma_start3A] : memref<2048xf32, #tpu.memory_space<vmem>> -> memref<128xf32, #tpu.memory_space<vmem>>
        %dma_start3A_512 = tpu.memref_slice %arg26[%add3A_65] : memref<16384xf32, #tpu.memory_space<vmem_shared>> -> memref<128xf32, #tpu.memory_space<vmem_shared>>
        %dma_start3A_513 = arith.constant 256 : i32
        %dma_start3A_514 = tpu.memref_slice %arg23[%dma_start3A_513] : memref<2048xf32, #tpu.memory_space<vmem>> -> memref<128xf32, #tpu.memory_space<vmem>>
        %dma_start3A_515 = tpu.memref_slice %arg26[%add3A_65] : memref<16384xf32, #tpu.memory_space<vmem_shared>> -> memref<128xf32, #tpu.memory_space<vmem_shared>>
        tpu.enqueue_dma source(%dma_start3A_515 : memref<128xf32, #tpu.memory_space<vmem_shared>>) target(%dma_start3A_514 : memref<128xf32, #tpu.memory_space<vmem>>) target_semaphore(%run_scoped3A_510 : memref<!tpu.dma_semaphore, #tpu.memory_space<semaphore_mem>>)
        %dma_wait3A = arith.constant 256 : i32
        %dma_wait3A_516 = tpu.memref_slice %arg23[%dma_wait3A] : memref<2048xf32, #tpu.memory_space<vmem>> -> memref<128xf32, #tpu.memory_space<vmem>>
        %dma_wait3A_517 = tpu.memref_slice %arg26[%add3A_65] : memref<16384xf32, #tpu.memory_space<vmem_shared>> -> memref<128xf32, #tpu.memory_space<vmem_shared>>
        %dma_wait3A_518 = arith.constant 256 : i32
        %dma_wait3A_519 = tpu.memref_slice %arg23[%dma_wait3A_518] : memref<2048xf32, #tpu.memory_space<vmem>> -> memref<128xf32, #tpu.memory_space<vmem>>
        %dma_wait3A_520 = tpu.memref_slice %arg26[%add3A_65] : memref<16384xf32, #tpu.memory_space<vmem_shared>> -> memref<128xf32, #tpu.memory_space<vmem_shared>>
        tpu.wait_dma2 semaphore(%run_scoped3A_510 : memref<!tpu.dma_semaphore, #tpu.memory_space<semaphore_mem>>) src(%dma_wait3A_520 : memref<128xf32, #tpu.memory_space<vmem_shared>>) dst(%dma_wait3A_519 : memref<128xf32, #tpu.memory_space<vmem>>)
        tpu.yield
      }) : () -> ()
      %mul3A_66 = arith.constant 128 : i32
      %mul3A_67 = arith.muli %mul3A_66, %sub3A_54 : i32
      %add3A_68 = arith.constant 3072 : i32
      %add3A_69 = arith.addi %add3A_68, %mul3A_67 : i32
      "tpu.region"() ({
        %run_scoped3A_510 = tpu.sem_alloc : memref<!tpu.dma_semaphore, #tpu.memory_space<semaphore_mem>>
        %dma_start3A = arith.constant 384 : i32
        %dma_start3A_511 = tpu.memref_slice %arg23[%dma_start3A] : memref<2048xf32, #tpu.memory_space<vmem>> -> memref<128xf32, #tpu.memory_space<vmem>>
        %dma_start3A_512 = tpu.memref_slice %arg26[%add3A_69] : memref<16384xf32, #tpu.memory_space<vmem_shared>> -> memref<128xf32, #tpu.memory_space<vmem_shared>>
        %dma_start3A_513 = arith.constant 384 : i32
        %dma_start3A_514 = tpu.memref_slice %arg23[%dma_start3A_513] : memref<2048xf32, #tpu.memory_space<vmem>> -> memref<128xf32, #tpu.memory_space<vmem>>
        %dma_start3A_515 = tpu.memref_slice %arg26[%add3A_69] : memref<16384xf32, #tpu.memory_space<vmem_shared>> -> memref<128xf32, #tpu.memory_space<vmem_shared>>
        tpu.enqueue_dma source(%dma_start3A_515 : memref<128xf32, #tpu.memory_space<vmem_shared>>) target(%dma_start3A_514 : memref<128xf32, #tpu.memory_space<vmem>>) target_semaphore(%run_scoped3A_510 : memref<!tpu.dma_semaphore, #tpu.memory_space<semaphore_mem>>)
        %dma_wait3A = arith.constant 384 : i32
        %dma_wait3A_516 = tpu.memref_slice %arg23[%dma_wait3A] : memref<2048xf32, #tpu.memory_space<vmem>> -> memref<128xf32, #tpu.memory_space<vmem>>
        %dma_wait3A_517 = tpu.memref_slice %arg26[%add3A_69] : memref<16384xf32, #tpu.memory_space<vmem_shared>> -> memref<128xf32, #tpu.memory_space<vmem_shared>>
        %dma_wait3A_518 = arith.constant 384 : i32
        %dma_wait3A_519 = tpu.memref_slice %arg23[%dma_wait3A_518] : memref<2048xf32, #tpu.memory_space<vmem>> -> memref<128xf32, #tpu.memory_space<vmem>>
        %dma_wait3A_520 = tpu.memref_slice %arg26[%add3A_69] : memref<16384xf32, #tpu.memory_space<vmem_shared>> -> memref<128xf32, #tpu.memory_space<vmem_shared>>
        tpu.wait_dma2 semaphore(%run_scoped3A_510 : memref<!tpu.dma_semaphore, #tpu.memory_space<semaphore_mem>>) src(%dma_wait3A_520 : memref<128xf32, #tpu.memory_space<vmem_shared>>) dst(%dma_wait3A_519 : memref<128xf32, #tpu.memory_space<vmem>>)
        tpu.yield
      }) : () -> ()
      %mul3A_70 = arith.constant 128 : i32
      %mul3A_71 = arith.muli %mul3A_70, %sub3A_54 : i32
      %add3A_72 = arith.constant 4096 : i32
      %add3A_73 = arith.addi %add3A_72, %mul3A_71 : i32
      "tpu.region"() ({
        %run_scoped3A_510 = tpu.sem_alloc : memref<!tpu.dma_semaphore, #tpu.memory_space<semaphore_mem>>
        %dma_start3A = arith.constant 512 : i32
        %dma_start3A_511 = tpu.memref_slice %arg23[%dma_start3A] : memref<2048xf32, #tpu.memory_space<vmem>> -> memref<128xf32, #tpu.memory_space<vmem>>
        %dma_start3A_512 = tpu.memref_slice %arg26[%add3A_73] : memref<16384xf32, #tpu.memory_space<vmem_shared>> -> memref<128xf32, #tpu.memory_space<vmem_shared>>
        %dma_start3A_513 = arith.constant 512 : i32
        %dma_start3A_514 = tpu.memref_slice %arg23[%dma_start3A_513] : memref<2048xf32, #tpu.memory_space<vmem>> -> memref<128xf32, #tpu.memory_space<vmem>>
        %dma_start3A_515 = tpu.memref_slice %arg26[%add3A_73] : memref<16384xf32, #tpu.memory_space<vmem_shared>> -> memref<128xf32, #tpu.memory_space<vmem_shared>>
        tpu.enqueue_dma source(%dma_start3A_515 : memref<128xf32, #tpu.memory_space<vmem_shared>>) target(%dma_start3A_514 : memref<128xf32, #tpu.memory_space<vmem>>) target_semaphore(%run_scoped3A_510 : memref<!tpu.dma_semaphore, #tpu.memory_space<semaphore_mem>>)
        %dma_wait3A = arith.constant 512 : i32
        %dma_wait3A_516 = tpu.memref_slice %arg23[%dma_wait3A] : memref<2048xf32, #tpu.memory_space<vmem>> -> memref<128xf32, #tpu.memory_space<vmem>>
        %dma_wait3A_517 = tpu.memref_slice %arg26[%add3A_73] : memref<16384xf32, #tpu.memory_space<vmem_shared>> -> memref<128xf32, #tpu.memory_space<vmem_shared>>
        %dma_wait3A_518 = arith.constant 512 : i32
        %dma_wait3A_519 = tpu.memref_slice %arg23[%dma_wait3A_518] : memref<2048xf32, #tpu.memory_space<vmem>> -> memref<128xf32, #tpu.memory_space<vmem>>
        %dma_wait3A_520 = tpu.memref_slice %arg26[%add3A_73] : memref<16384xf32, #tpu.memory_space<vmem_shared>> -> memref<128xf32, #tpu.memory_space<vmem_shared>>
        tpu.wait_dma2 semaphore(%run_scoped3A_510 : memref<!tpu.dma_semaphore, #tpu.memory_space<semaphore_mem>>) src(%dma_wait3A_520 : memref<128xf32, #tpu.memory_space<vmem_shared>>) dst(%dma_wait3A_519 : memref<128xf32, #tpu.memory_space<vmem>>)
        tpu.yield
      }) : () -> ()
      %mul3A_74 = arith.constant 128 : i32
      %mul3A_75 = arith.muli %mul3A_74, %sub3A_54 : i32
      %add3A_76 = arith.constant 5120 : i32
      %add3A_77 = arith.addi %add3A_76, %mul3A_75 : i32
      "tpu.region"() ({
        %run_scoped3A_510 = tpu.sem_alloc : memref<!tpu.dma_semaphore, #tpu.memory_space<semaphore_mem>>
        %dma_start3A = arith.constant 640 : i32
        %dma_start3A_511 = tpu.memref_slice %arg23[%dma_start3A] : memref<2048xf32, #tpu.memory_space<vmem>> -> memref<128xf32, #tpu.memory_space<vmem>>
        %dma_start3A_512 = tpu.memref_slice %arg26[%add3A_77] : memref<16384xf32, #tpu.memory_space<vmem_shared>> -> memref<128xf32, #tpu.memory_space<vmem_shared>>
        %dma_start3A_513 = arith.constant 640 : i32
        %dma_start3A_514 = tpu.memref_slice %arg23[%dma_start3A_513] : memref<2048xf32, #tpu.memory_space<vmem>> -> memref<128xf32, #tpu.memory_space<vmem>>
        %dma_start3A_515 = tpu.memref_slice %arg26[%add3A_77] : memref<16384xf32, #tpu.memory_space<vmem_shared>> -> memref<128xf32, #tpu.memory_space<vmem_shared>>
        tpu.enqueue_dma source(%dma_start3A_515 : memref<128xf32, #tpu.memory_space<vmem_shared>>) target(%dma_start3A_514 : memref<128xf32, #tpu.memory_space<vmem>>) target_semaphore(%run_scoped3A_510 : memref<!tpu.dma_semaphore, #tpu.memory_space<semaphore_mem>>)
        %dma_wait3A = arith.constant 640 : i32
        %dma_wait3A_516 = tpu.memref_slice %arg23[%dma_wait3A] : memref<2048xf32, #tpu.memory_space<vmem>> -> memref<128xf32, #tpu.memory_space<vmem>>
        %dma_wait3A_517 = tpu.memref_slice %arg26[%add3A_77] : memref<16384xf32, #tpu.memory_space<vmem_shared>> -> memref<128xf32, #tpu.memory_space<vmem_shared>>
        %dma_wait3A_518 = arith.constant 640 : i32
        %dma_wait3A_519 = tpu.memref_slice %arg23[%dma_wait3A_518] : memref<2048xf32, #tpu.memory_space<vmem>> -> memref<128xf32, #tpu.memory_space<vmem>>
        %dma_wait3A_520 = tpu.memref_slice %arg26[%add3A_77] : memref<16384xf32, #tpu.memory_space<vmem_shared>> -> memref<128xf32, #tpu.memory_space<vmem_shared>>
        tpu.wait_dma2 semaphore(%run_scoped3A_510 : memref<!tpu.dma_semaphore, #tpu.memory_space<semaphore_mem>>) src(%dma_wait3A_520 : memref<128xf32, #tpu.memory_space<vmem_shared>>) dst(%dma_wait3A_519 : memref<128xf32, #tpu.memory_space<vmem>>)
        tpu.yield
      }) : () -> ()
      %mul3A_78 = arith.constant 128 : i32
      %mul3A_79 = arith.muli %mul3A_78, %sub3A_54 : i32
      %add3A_80 = arith.constant 6144 : i32
      %add3A_81 = arith.addi %add3A_80, %mul3A_79 : i32
      "tpu.region"() ({
        %run_scoped3A_510 = tpu.sem_alloc : memref<!tpu.dma_semaphore, #tpu.memory_space<semaphore_mem>>
        %dma_start3A = arith.constant 768 : i32
        %dma_start3A_511 = tpu.memref_slice %arg23[%dma_start3A] : memref<2048xf32, #tpu.memory_space<vmem>> -> memref<128xf32, #tpu.memory_space<vmem>>
        %dma_start3A_512 = tpu.memref_slice %arg26[%add3A_81] : memref<16384xf32, #tpu.memory_space<vmem_shared>> -> memref<128xf32, #tpu.memory_space<vmem_shared>>
        %dma_start3A_513 = arith.constant 768 : i32
        %dma_start3A_514 = tpu.memref_slice %arg23[%dma_start3A_513] : memref<2048xf32, #tpu.memory_space<vmem>> -> memref<128xf32, #tpu.memory_space<vmem>>
        %dma_start3A_515 = tpu.memref_slice %arg26[%add3A_81] : memref<16384xf32, #tpu.memory_space<vmem_shared>> -> memref<128xf32, #tpu.memory_space<vmem_shared>>
        tpu.enqueue_dma source(%dma_start3A_515 : memref<128xf32, #tpu.memory_space<vmem_shared>>) target(%dma_start3A_514 : memref<128xf32, #tpu.memory_space<vmem>>) target_semaphore(%run_scoped3A_510 : memref<!tpu.dma_semaphore, #tpu.memory_space<semaphore_mem>>)
        %dma_wait3A = arith.constant 768 : i32
        %dma_wait3A_516 = tpu.memref_slice %arg23[%dma_wait3A] : memref<2048xf32, #tpu.memory_space<vmem>> -> memref<128xf32, #tpu.memory_space<vmem>>
        %dma_wait3A_517 = tpu.memref_slice %arg26[%add3A_81] : memref<16384xf32, #tpu.memory_space<vmem_shared>> -> memref<128xf32, #tpu.memory_space<vmem_shared>>
        %dma_wait3A_518 = arith.constant 768 : i32
        %dma_wait3A_519 = tpu.memref_slice %arg23[%dma_wait3A_518] : memref<2048xf32, #tpu.memory_space<vmem>> -> memref<128xf32, #tpu.memory_space<vmem>>
        %dma_wait3A_520 = tpu.memref_slice %arg26[%add3A_81] : memref<16384xf32, #tpu.memory_space<vmem_shared>> -> memref<128xf32, #tpu.memory_space<vmem_shared>>
        tpu.wait_dma2 semaphore(%run_scoped3A_510 : memref<!tpu.dma_semaphore, #tpu.memory_space<semaphore_mem>>) src(%dma_wait3A_520 : memref<128xf32, #tpu.memory_space<vmem_shared>>) dst(%dma_wait3A_519 : memref<128xf32, #tpu.memory_space<vmem>>)
        tpu.yield
      }) : () -> ()
      %mul3A_82 = arith.constant 128 : i32
      %mul3A_83 = arith.muli %mul3A_82, %sub3A_54 : i32
      %add3A_84 = arith.constant 7168 : i32
      %add3A_85 = arith.addi %add3A_84, %mul3A_83 : i32
      "tpu.region"() ({
        %run_scoped3A_510 = tpu.sem_alloc : memref<!tpu.dma_semaphore, #tpu.memory_space<semaphore_mem>>
        %dma_start3A = arith.constant 896 : i32
        %dma_start3A_511 = tpu.memref_slice %arg23[%dma_start3A] : memref<2048xf32, #tpu.memory_space<vmem>> -> memref<128xf32, #tpu.memory_space<vmem>>
        %dma_start3A_512 = tpu.memref_slice %arg26[%add3A_85] : memref<16384xf32, #tpu.memory_space<vmem_shared>> -> memref<128xf32, #tpu.memory_space<vmem_shared>>
        %dma_start3A_513 = arith.constant 896 : i32
        %dma_start3A_514 = tpu.memref_slice %arg23[%dma_start3A_513] : memref<2048xf32, #tpu.memory_space<vmem>> -> memref<128xf32, #tpu.memory_space<vmem>>
        %dma_start3A_515 = tpu.memref_slice %arg26[%add3A_85] : memref<16384xf32, #tpu.memory_space<vmem_shared>> -> memref<128xf32, #tpu.memory_space<vmem_shared>>
        tpu.enqueue_dma source(%dma_start3A_515 : memref<128xf32, #tpu.memory_space<vmem_shared>>) target(%dma_start3A_514 : memref<128xf32, #tpu.memory_space<vmem>>) target_semaphore(%run_scoped3A_510 : memref<!tpu.dma_semaphore, #tpu.memory_space<semaphore_mem>>)
        %dma_wait3A = arith.constant 896 : i32
        %dma_wait3A_516 = tpu.memref_slice %arg23[%dma_wait3A] : memref<2048xf32, #tpu.memory_space<vmem>> -> memref<128xf32, #tpu.memory_space<vmem>>
        %dma_wait3A_517 = tpu.memref_slice %arg26[%add3A_85] : memref<16384xf32, #tpu.memory_space<vmem_shared>> -> memref<128xf32, #tpu.memory_space<vmem_shared>>
        %dma_wait3A_518 = arith.constant 896 : i32
        %dma_wait3A_519 = tpu.memref_slice %arg23[%dma_wait3A_518] : memref<2048xf32, #tpu.memory_space<vmem>> -> memref<128xf32, #tpu.memory_space<vmem>>
        %dma_wait3A_520 = tpu.memref_slice %arg26[%add3A_85] : memref<16384xf32, #tpu.memory_space<vmem_shared>> -> memref<128xf32, #tpu.memory_space<vmem_shared>>
        tpu.wait_dma2 semaphore(%run_scoped3A_510 : memref<!tpu.dma_semaphore, #tpu.memory_space<semaphore_mem>>) src(%dma_wait3A_520 : memref<128xf32, #tpu.memory_space<vmem_shared>>) dst(%dma_wait3A_519 : memref<128xf32, #tpu.memory_space<vmem>>)
        tpu.yield
      }) : () -> ()
      %mul3A_86 = arith.constant 128 : i32
      %mul3A_87 = arith.muli %mul3A_86, %sub3A_54 : i32
      %add3A_88 = arith.constant 8192 : i32
      %add3A_89 = arith.addi %add3A_88, %mul3A_87 : i32
      "tpu.region"() ({
        %run_scoped3A_510 = tpu.sem_alloc : memref<!tpu.dma_semaphore, #tpu.memory_space<semaphore_mem>>
        %dma_start3A = arith.constant 1024 : i32
        %dma_start3A_511 = tpu.memref_slice %arg23[%dma_start3A] : memref<2048xf32, #tpu.memory_space<vmem>> -> memref<128xf32, #tpu.memory_space<vmem>>
        %dma_start3A_512 = tpu.memref_slice %arg26[%add3A_89] : memref<16384xf32, #tpu.memory_space<vmem_shared>> -> memref<128xf32, #tpu.memory_space<vmem_shared>>
        %dma_start3A_513 = arith.constant 1024 : i32
        %dma_start3A_514 = tpu.memref_slice %arg23[%dma_start3A_513] : memref<2048xf32, #tpu.memory_space<vmem>> -> memref<128xf32, #tpu.memory_space<vmem>>
        %dma_start3A_515 = tpu.memref_slice %arg26[%add3A_89] : memref<16384xf32, #tpu.memory_space<vmem_shared>> -> memref<128xf32, #tpu.memory_space<vmem_shared>>
        tpu.enqueue_dma source(%dma_start3A_515 : memref<128xf32, #tpu.memory_space<vmem_shared>>) target(%dma_start3A_514 : memref<128xf32, #tpu.memory_space<vmem>>) target_semaphore(%run_scoped3A_510 : memref<!tpu.dma_semaphore, #tpu.memory_space<semaphore_mem>>)
        %dma_wait3A = arith.constant 1024 : i32
        %dma_wait3A_516 = tpu.memref_slice %arg23[%dma_wait3A] : memref<2048xf32, #tpu.memory_space<vmem>> -> memref<128xf32, #tpu.memory_space<vmem>>
        %dma_wait3A_517 = tpu.memref_slice %arg26[%add3A_89] : memref<16384xf32, #tpu.memory_space<vmem_shared>> -> memref<128xf32, #tpu.memory_space<vmem_shared>>
        %dma_wait3A_518 = arith.constant 1024 : i32
        %dma_wait3A_519 = tpu.memref_slice %arg23[%dma_wait3A_518] : memref<2048xf32, #tpu.memory_space<vmem>> -> memref<128xf32, #tpu.memory_space<vmem>>
        %dma_wait3A_520 = tpu.memref_slice %arg26[%add3A_89] : memref<16384xf32, #tpu.memory_space<vmem_shared>> -> memref<128xf32, #tpu.memory_space<vmem_shared>>
        tpu.wait_dma2 semaphore(%run_scoped3A_510 : memref<!tpu.dma_semaphore, #tpu.memory_space<semaphore_mem>>) src(%dma_wait3A_520 : memref<128xf32, #tpu.memory_space<vmem_shared>>) dst(%dma_wait3A_519 : memref<128xf32, #tpu.memory_space<vmem>>)
        tpu.yield
      }) : () -> ()
      %mul3A_90 = arith.constant 128 : i32
      %mul3A_91 = arith.muli %mul3A_90, %sub3A_54 : i32
      %add3A_92 = arith.constant 9216 : i32
      %add3A_93 = arith.addi %add3A_92, %mul3A_91 : i32
      "tpu.region"() ({
        %run_scoped3A_510 = tpu.sem_alloc : memref<!tpu.dma_semaphore, #tpu.memory_space<semaphore_mem>>
        %dma_start3A = arith.constant 1152 : i32
        %dma_start3A_511 = tpu.memref_slice %arg23[%dma_start3A] : memref<2048xf32, #tpu.memory_space<vmem>> -> memref<128xf32, #tpu.memory_space<vmem>>
        %dma_start3A_512 = tpu.memref_slice %arg26[%add3A_93] : memref<16384xf32, #tpu.memory_space<vmem_shared>> -> memref<128xf32, #tpu.memory_space<vmem_shared>>
        %dma_start3A_513 = arith.constant 1152 : i32
        %dma_start3A_514 = tpu.memref_slice %arg23[%dma_start3A_513] : memref<2048xf32, #tpu.memory_space<vmem>> -> memref<128xf32, #tpu.memory_space<vmem>>
        %dma_start3A_515 = tpu.memref_slice %arg26[%add3A_93] : memref<16384xf32, #tpu.memory_space<vmem_shared>> -> memref<128xf32, #tpu.memory_space<vmem_shared>>
        tpu.enqueue_dma source(%dma_start3A_515 : memref<128xf32, #tpu.memory_space<vmem_shared>>) target(%dma_start3A_514 : memref<128xf32, #tpu.memory_space<vmem>>) target_semaphore(%run_scoped3A_510 : memref<!tpu.dma_semaphore, #tpu.memory_space<semaphore_mem>>)
        %dma_wait3A = arith.constant 1152 : i32
        %dma_wait3A_516 = tpu.memref_slice %arg23[%dma_wait3A] : memref<2048xf32, #tpu.memory_space<vmem>> -> memref<128xf32, #tpu.memory_space<vmem>>
        %dma_wait3A_517 = tpu.memref_slice %arg26[%add3A_93] : memref<16384xf32, #tpu.memory_space<vmem_shared>> -> memref<128xf32, #tpu.memory_space<vmem_shared>>
        %dma_wait3A_518 = arith.constant 1152 : i32
        %dma_wait3A_519 = tpu.memref_slice %arg23[%dma_wait3A_518] : memref<2048xf32, #tpu.memory_space<vmem>> -> memref<128xf32, #tpu.memory_space<vmem>>
        %dma_wait3A_520 = tpu.memref_slice %arg26[%add3A_93] : memref<16384xf32, #tpu.memory_space<vmem_shared>> -> memref<128xf32, #tpu.memory_space<vmem_shared>>
        tpu.wait_dma2 semaphore(%run_scoped3A_510 : memref<!tpu.dma_semaphore, #tpu.memory_space<semaphore_mem>>) src(%dma_wait3A_520 : memref<128xf32, #tpu.memory_space<vmem_shared>>) dst(%dma_wait3A_519 : memref<128xf32, #tpu.memory_space<vmem>>)
        tpu.yield
      }) : () -> ()
      %mul3A_94 = arith.constant 128 : i32
      %mul3A_95 = arith.muli %mul3A_94, %sub3A_54 : i32
      %add3A_96 = arith.constant 10240 : i32
      %add3A_97 = arith.addi %add3A_96, %mul3A_95 : i32
      "tpu.region"() ({
        %run_scoped3A_510 = tpu.sem_alloc : memref<!tpu.dma_semaphore, #tpu.memory_space<semaphore_mem>>
        %dma_start3A = arith.constant 1280 : i32
        %dma_start3A_511 = tpu.memref_slice %arg23[%dma_start3A] : memref<2048xf32, #tpu.memory_space<vmem>> -> memref<128xf32, #tpu.memory_space<vmem>>
        %dma_start3A_512 = tpu.memref_slice %arg26[%add3A_97] : memref<16384xf32, #tpu.memory_space<vmem_shared>> -> memref<128xf32, #tpu.memory_space<vmem_shared>>
        %dma_start3A_513 = arith.constant 1280 : i32
        %dma_start3A_514 = tpu.memref_slice %arg23[%dma_start3A_513] : memref<2048xf32, #tpu.memory_space<vmem>> -> memref<128xf32, #tpu.memory_space<vmem>>
        %dma_start3A_515 = tpu.memref_slice %arg26[%add3A_97] : memref<16384xf32, #tpu.memory_space<vmem_shared>> -> memref<128xf32, #tpu.memory_space<vmem_shared>>
        tpu.enqueue_dma source(%dma_start3A_515 : memref<128xf32, #tpu.memory_space<vmem_shared>>) target(%dma_start3A_514 : memref<128xf32, #tpu.memory_space<vmem>>) target_semaphore(%run_scoped3A_510 : memref<!tpu.dma_semaphore, #tpu.memory_space<semaphore_mem>>)
        %dma_wait3A = arith.constant 1280 : i32
        %dma_wait3A_516 = tpu.memref_slice %arg23[%dma_wait3A] : memref<2048xf32, #tpu.memory_space<vmem>> -> memref<128xf32, #tpu.memory_space<vmem>>
        %dma_wait3A_517 = tpu.memref_slice %arg26[%add3A_97] : memref<16384xf32, #tpu.memory_space<vmem_shared>> -> memref<128xf32, #tpu.memory_space<vmem_shared>>
        %dma_wait3A_518 = arith.constant 1280 : i32
        %dma_wait3A_519 = tpu.memref_slice %arg23[%dma_wait3A_518] : memref<2048xf32, #tpu.memory_space<vmem>> -> memref<128xf32, #tpu.memory_space<vmem>>
        %dma_wait3A_520 = tpu.memref_slice %arg26[%add3A_97] : memref<16384xf32, #tpu.memory_space<vmem_shared>> -> memref<128xf32, #tpu.memory_space<vmem_shared>>
        tpu.wait_dma2 semaphore(%run_scoped3A_510 : memref<!tpu.dma_semaphore, #tpu.memory_space<semaphore_mem>>) src(%dma_wait3A_520 : memref<128xf32, #tpu.memory_space<vmem_shared>>) dst(%dma_wait3A_519 : memref<128xf32, #tpu.memory_space<vmem>>)
        tpu.yield
      }) : () -> ()
      %mul3A_98 = arith.constant 128 : i32
      %mul3A_99 = arith.muli %mul3A_98, %sub3A_54 : i32
      %add3A_100 = arith.constant 11264 : i32
      %add3A_101 = arith.addi %add3A_100, %mul3A_99 : i32
      "tpu.region"() ({
        %run_scoped3A_510 = tpu.sem_alloc : memref<!tpu.dma_semaphore, #tpu.memory_space<semaphore_mem>>
        %dma_start3A = arith.constant 1408 : i32
        %dma_start3A_511 = tpu.memref_slice %arg23[%dma_start3A] : memref<2048xf32, #tpu.memory_space<vmem>> -> memref<128xf32, #tpu.memory_space<vmem>>
        %dma_start3A_512 = tpu.memref_slice %arg26[%add3A_101] : memref<16384xf32, #tpu.memory_space<vmem_shared>> -> memref<128xf32, #tpu.memory_space<vmem_shared>>
        %dma_start3A_513 = arith.constant 1408 : i32
        %dma_start3A_514 = tpu.memref_slice %arg23[%dma_start3A_513] : memref<2048xf32, #tpu.memory_space<vmem>> -> memref<128xf32, #tpu.memory_space<vmem>>
        %dma_start3A_515 = tpu.memref_slice %arg26[%add3A_101] : memref<16384xf32, #tpu.memory_space<vmem_shared>> -> memref<128xf32, #tpu.memory_space<vmem_shared>>
        tpu.enqueue_dma source(%dma_start3A_515 : memref<128xf32, #tpu.memory_space<vmem_shared>>) target(%dma_start3A_514 : memref<128xf32, #tpu.memory_space<vmem>>) target_semaphore(%run_scoped3A_510 : memref<!tpu.dma_semaphore, #tpu.memory_space<semaphore_mem>>)
        %dma_wait3A = arith.constant 1408 : i32
        %dma_wait3A_516 = tpu.memref_slice %arg23[%dma_wait3A] : memref<2048xf32, #tpu.memory_space<vmem>> -> memref<128xf32, #tpu.memory_space<vmem>>
        %dma_wait3A_517 = tpu.memref_slice %arg26[%add3A_101] : memref<16384xf32, #tpu.memory_space<vmem_shared>> -> memref<128xf32, #tpu.memory_space<vmem_shared>>
        %dma_wait3A_518 = arith.constant 1408 : i32
        %dma_wait3A_519 = tpu.memref_slice %arg23[%dma_wait3A_518] : memref<2048xf32, #tpu.memory_space<vmem>> -> memref<128xf32, #tpu.memory_space<vmem>>
        %dma_wait3A_520 = tpu.memref_slice %arg26[%add3A_101] : memref<16384xf32, #tpu.memory_space<vmem_shared>> -> memref<128xf32, #tpu.memory_space<vmem_shared>>
        tpu.wait_dma2 semaphore(%run_scoped3A_510 : memref<!tpu.dma_semaphore, #tpu.memory_space<semaphore_mem>>) src(%dma_wait3A_520 : memref<128xf32, #tpu.memory_space<vmem_shared>>) dst(%dma_wait3A_519 : memref<128xf32, #tpu.memory_space<vmem>>)
        tpu.yield
      }) : () -> ()
      %mul3A_102 = arith.constant 128 : i32
      %mul3A_103 = arith.muli %mul3A_102, %sub3A_54 : i32
      %add3A_104 = arith.constant 12288 : i32
      %add3A_105 = arith.addi %add3A_104, %mul3A_103 : i32
      "tpu.region"() ({
        %run_scoped3A_510 = tpu.sem_alloc : memref<!tpu.dma_semaphore, #tpu.memory_space<semaphore_mem>>
        %dma_start3A = arith.constant 1536 : i32
        %dma_start3A_511 = tpu.memref_slice %arg23[%dma_start3A] : memref<2048xf32, #tpu.memory_space<vmem>> -> memref<128xf32, #tpu.memory_space<vmem>>
        %dma_start3A_512 = tpu.memref_slice %arg26[%add3A_105] : memref<16384xf32, #tpu.memory_space<vmem_shared>> -> memref<128xf32, #tpu.memory_space<vmem_shared>>
        %dma_start3A_513 = arith.constant 1536 : i32
        %dma_start3A_514 = tpu.memref_slice %arg23[%dma_start3A_513] : memref<2048xf32, #tpu.memory_space<vmem>> -> memref<128xf32, #tpu.memory_space<vmem>>
        %dma_start3A_515 = tpu.memref_slice %arg26[%add3A_105] : memref<16384xf32, #tpu.memory_space<vmem_shared>> -> memref<128xf32, #tpu.memory_space<vmem_shared>>
        tpu.enqueue_dma source(%dma_start3A_515 : memref<128xf32, #tpu.memory_space<vmem_shared>>) target(%dma_start3A_514 : memref<128xf32, #tpu.memory_space<vmem>>) target_semaphore(%run_scoped3A_510 : memref<!tpu.dma_semaphore, #tpu.memory_space<semaphore_mem>>)
        %dma_wait3A = arith.constant 1536 : i32
        %dma_wait3A_516 = tpu.memref_slice %arg23[%dma_wait3A] : memref<2048xf32, #tpu.memory_space<vmem>> -> memref<128xf32, #tpu.memory_space<vmem>>
        %dma_wait3A_517 = tpu.memref_slice %arg26[%add3A_105] : memref<16384xf32, #tpu.memory_space<vmem_shared>> -> memref<128xf32, #tpu.memory_space<vmem_shared>>
        %dma_wait3A_518 = arith.constant 1536 : i32
        %dma_wait3A_519 = tpu.memref_slice %arg23[%dma_wait3A_518] : memref<2048xf32, #tpu.memory_space<vmem>> -> memref<128xf32, #tpu.memory_space<vmem>>
        %dma_wait3A_520 = tpu.memref_slice %arg26[%add3A_105] : memref<16384xf32, #tpu.memory_space<vmem_shared>> -> memref<128xf32, #tpu.memory_space<vmem_shared>>
        tpu.wait_dma2 semaphore(%run_scoped3A_510 : memref<!tpu.dma_semaphore, #tpu.memory_space<semaphore_mem>>) src(%dma_wait3A_520 : memref<128xf32, #tpu.memory_space<vmem_shared>>) dst(%dma_wait3A_519 : memref<128xf32, #tpu.memory_space<vmem>>)
        tpu.yield
      }) : () -> ()
      %mul3A_106 = arith.constant 128 : i32
      %mul3A_107 = arith.muli %mul3A_106, %sub3A_54 : i32
      %add3A_108 = arith.constant 13312 : i32
      %add3A_109 = arith.addi %add3A_108, %mul3A_107 : i32
      "tpu.region"() ({
        %run_scoped3A_510 = tpu.sem_alloc : memref<!tpu.dma_semaphore, #tpu.memory_space<semaphore_mem>>
        %dma_start3A = arith.constant 1664 : i32
        %dma_start3A_511 = tpu.memref_slice %arg23[%dma_start3A] : memref<2048xf32, #tpu.memory_space<vmem>> -> memref<128xf32, #tpu.memory_space<vmem>>
        %dma_start3A_512 = tpu.memref_slice %arg26[%add3A_109] : memref<16384xf32, #tpu.memory_space<vmem_shared>> -> memref<128xf32, #tpu.memory_space<vmem_shared>>
        %dma_start3A_513 = arith.constant 1664 : i32
        %dma_start3A_514 = tpu.memref_slice %arg23[%dma_start3A_513] : memref<2048xf32, #tpu.memory_space<vmem>> -> memref<128xf32, #tpu.memory_space<vmem>>
        %dma_start3A_515 = tpu.memref_slice %arg26[%add3A_109] : memref<16384xf32, #tpu.memory_space<vmem_shared>> -> memref<128xf32, #tpu.memory_space<vmem_shared>>
        tpu.enqueue_dma source(%dma_start3A_515 : memref<128xf32, #tpu.memory_space<vmem_shared>>) target(%dma_start3A_514 : memref<128xf32, #tpu.memory_space<vmem>>) target_semaphore(%run_scoped3A_510 : memref<!tpu.dma_semaphore, #tpu.memory_space<semaphore_mem>>)
        %dma_wait3A = arith.constant 1664 : i32
        %dma_wait3A_516 = tpu.memref_slice %arg23[%dma_wait3A] : memref<2048xf32, #tpu.memory_space<vmem>> -> memref<128xf32, #tpu.memory_space<vmem>>
        %dma_wait3A_517 = tpu.memref_slice %arg26[%add3A_109] : memref<16384xf32, #tpu.memory_space<vmem_shared>> -> memref<128xf32, #tpu.memory_space<vmem_shared>>
        %dma_wait3A_518 = arith.constant 1664 : i32
        %dma_wait3A_519 = tpu.memref_slice %arg23[%dma_wait3A_518] : memref<2048xf32, #tpu.memory_space<vmem>> -> memref<128xf32, #tpu.memory_space<vmem>>
        %dma_wait3A_520 = tpu.memref_slice %arg26[%add3A_109] : memref<16384xf32, #tpu.memory_space<vmem_shared>> -> memref<128xf32, #tpu.memory_space<vmem_shared>>
        tpu.wait_dma2 semaphore(%run_scoped3A_510 : memref<!tpu.dma_semaphore, #tpu.memory_space<semaphore_mem>>) src(%dma_wait3A_520 : memref<128xf32, #tpu.memory_space<vmem_shared>>) dst(%dma_wait3A_519 : memref<128xf32, #tpu.memory_space<vmem>>)
        tpu.yield
      }) : () -> ()
      %mul3A_110 = arith.constant 128 : i32
      %mul3A_111 = arith.muli %mul3A_110, %sub3A_54 : i32
      %add3A_112 = arith.constant 14336 : i32
      %add3A_113 = arith.addi %add3A_112, %mul3A_111 : i32
      "tpu.region"() ({
        %run_scoped3A_510 = tpu.sem_alloc : memref<!tpu.dma_semaphore, #tpu.memory_space<semaphore_mem>>
        %dma_start3A = arith.constant 1792 : i32
        %dma_start3A_511 = tpu.memref_slice %arg23[%dma_start3A] : memref<2048xf32, #tpu.memory_space<vmem>> -> memref<128xf32, #tpu.memory_space<vmem>>
        %dma_start3A_512 = tpu.memref_slice %arg26[%add3A_113] : memref<16384xf32, #tpu.memory_space<vmem_shared>> -> memref<128xf32, #tpu.memory_space<vmem_shared>>
        %dma_start3A_513 = arith.constant 1792 : i32
        %dma_start3A_514 = tpu.memref_slice %arg23[%dma_start3A_513] : memref<2048xf32, #tpu.memory_space<vmem>> -> memref<128xf32, #tpu.memory_space<vmem>>
        %dma_start3A_515 = tpu.memref_slice %arg26[%add3A_113] : memref<16384xf32, #tpu.memory_space<vmem_shared>> -> memref<128xf32, #tpu.memory_space<vmem_shared>>
        tpu.enqueue_dma source(%dma_start3A_515 : memref<128xf32, #tpu.memory_space<vmem_shared>>) target(%dma_start3A_514 : memref<128xf32, #tpu.memory_space<vmem>>) target_semaphore(%run_scoped3A_510 : memref<!tpu.dma_semaphore, #tpu.memory_space<semaphore_mem>>)
        %dma_wait3A = arith.constant 1792 : i32
        %dma_wait3A_516 = tpu.memref_slice %arg23[%dma_wait3A] : memref<2048xf32, #tpu.memory_space<vmem>> -> memref<128xf32, #tpu.memory_space<vmem>>
        %dma_wait3A_517 = tpu.memref_slice %arg26[%add3A_113] : memref<16384xf32, #tpu.memory_space<vmem_shared>> -> memref<128xf32, #tpu.memory_space<vmem_shared>>
        %dma_wait3A_518 = arith.constant 1792 : i32
        %dma_wait3A_519 = tpu.memref_slice %arg23[%dma_wait3A_518] : memref<2048xf32, #tpu.memory_space<vmem>> -> memref<128xf32, #tpu.memory_space<vmem>>
        %dma_wait3A_520 = tpu.memref_slice %arg26[%add3A_113] : memref<16384xf32, #tpu.memory_space<vmem_shared>> -> memref<128xf32, #tpu.memory_space<vmem_shared>>
        tpu.wait_dma2 semaphore(%run_scoped3A_510 : memref<!tpu.dma_semaphore, #tpu.memory_space<semaphore_mem>>) src(%dma_wait3A_520 : memref<128xf32, #tpu.memory_space<vmem_shared>>) dst(%dma_wait3A_519 : memref<128xf32, #tpu.memory_space<vmem>>)
        tpu.yield
      }) : () -> ()
      %mul3A_114 = arith.constant 128 : i32
      %mul3A_115 = arith.muli %mul3A_114, %sub3A_54 : i32
      %add3A_116 = arith.constant 15360 : i32
      %add3A_117 = arith.addi %add3A_116, %mul3A_115 : i32
      "tpu.region"() ({
        %run_scoped3A_510 = tpu.sem_alloc : memref<!tpu.dma_semaphore, #tpu.memory_space<semaphore_mem>>
        %dma_start3A = arith.constant 1920 : i32
        %dma_start3A_511 = tpu.memref_slice %arg23[%dma_start3A] : memref<2048xf32, #tpu.memory_space<vmem>> -> memref<128xf32, #tpu.memory_space<vmem>>
        %dma_start3A_512 = tpu.memref_slice %arg26[%add3A_117] : memref<16384xf32, #tpu.memory_space<vmem_shared>> -> memref<128xf32, #tpu.memory_space<vmem_shared>>
        %dma_start3A_513 = arith.constant 1920 : i32
        %dma_start3A_514 = tpu.memref_slice %arg23[%dma_start3A_513] : memref<2048xf32, #tpu.memory_space<vmem>> -> memref<128xf32, #tpu.memory_space<vmem>>
        %dma_start3A_515 = tpu.memref_slice %arg26[%add3A_117] : memref<16384xf32, #tpu.memory_space<vmem_shared>> -> memref<128xf32, #tpu.memory_space<vmem_shared>>
        tpu.enqueue_dma source(%dma_start3A_515 : memref<128xf32, #tpu.memory_space<vmem_shared>>) target(%dma_start3A_514 : memref<128xf32, #tpu.memory_space<vmem>>) target_semaphore(%run_scoped3A_510 : memref<!tpu.dma_semaphore, #tpu.memory_space<semaphore_mem>>)
        %dma_wait3A = arith.constant 1920 : i32
        %dma_wait3A_516 = tpu.memref_slice %arg23[%dma_wait3A] : memref<2048xf32, #tpu.memory_space<vmem>> -> memref<128xf32, #tpu.memory_space<vmem>>
        %dma_wait3A_517 = tpu.memref_slice %arg26[%add3A_117] : memref<16384xf32, #tpu.memory_space<vmem_shared>> -> memref<128xf32, #tpu.memory_space<vmem_shared>>
        %dma_wait3A_518 = arith.constant 1920 : i32
        %dma_wait3A_519 = tpu.memref_slice %arg23[%dma_wait3A_518] : memref<2048xf32, #tpu.memory_space<vmem>> -> memref<128xf32, #tpu.memory_space<vmem>>
        %dma_wait3A_520 = tpu.memref_slice %arg26[%add3A_117] : memref<16384xf32, #tpu.memory_space<vmem_shared>> -> memref<128xf32, #tpu.memory_space<vmem_shared>>
        tpu.wait_dma2 semaphore(%run_scoped3A_510 : memref<!tpu.dma_semaphore, #tpu.memory_space<semaphore_mem>>) src(%dma_wait3A_520 : memref<128xf32, #tpu.memory_space<vmem_shared>>) dst(%dma_wait3A_519 : memref<128xf32, #tpu.memory_space<vmem>>)
        tpu.yield
      }) : () -> ()
      %get3A = arith.constant 0 : index
      %get3A_118 = tpu.vector_load %arg23[%get3A] {strides = array<i32>} : memref<2048xf32, #tpu.memory_space<vmem>>, vector<16xf32>,
      %get3A_119 = arith.constant 128 : index
      %get3A_120 = tpu.vector_load %arg23[%get3A_119] {strides = array<i32>} : memref<2048xf32, #tpu.memory_space<vmem>>, vector<16xf32>,
      %add3A_121 = arith.addf %get3A_118, %get3A_120 : vector<16xf32>
      %get3A_122 = arith.constant 256 : index
      %get3A_123 = tpu.vector_load %arg23[%get3A_122] {strides = array<i32>} : memref<2048xf32, #tpu.memory_space<vmem>>, vector<16xf32>,
      %add3A_124 = arith.addf %add3A_121, %get3A_123 : vector<16xf32>
      %get3A_125 = arith.constant 384 : index
      %get3A_126 = tpu.vector_load %arg23[%get3A_125] {strides = array<i32>} : memref<2048xf32, #tpu.memory_space<vmem>>, vector<16xf32>,
      %add3A_127 = arith.addf %add3A_124, %get3A_126 : vector<16xf32>
      %get3A_128 = arith.constant 512 : index
      %get3A_129 = tpu.vector_load %arg23[%get3A_128] {strides = array<i32>} : memref<2048xf32, #tpu.memory_space<vmem>>, vector<16xf32>,
      %add3A_130 = arith.addf %add3A_127, %get3A_129 : vector<16xf32>
      %get3A_131 = arith.constant 640 : index
      %get3A_132 = tpu.vector_load %arg23[%get3A_131] {strides = array<i32>} : memref<2048xf32, #tpu.memory_space<vmem>>, vector<16xf32>,
      %add3A_133 = arith.addf %add3A_130, %get3A_132 : vector<16xf32>
      %get3A_134 = arith.constant 768 : index
      %get3A_135 = tpu.vector_load %arg23[%get3A_134] {strides = array<i32>} : memref<2048xf32, #tpu.memory_space<vmem>>, vector<16xf32>,
      %add3A_136 = arith.addf %add3A_133, %get3A_135 : vector<16xf32>
      %get3A_137 = arith.constant 896 : index
      %get3A_138 = tpu.vector_load %arg23[%get3A_137] {strides = array<i32>} : memref<2048xf32, #tpu.memory_space<vmem>>, vector<16xf32>,
      %add3A_139 = arith.addf %add3A_136, %get3A_138 : vector<16xf32>
      %get3A_140 = arith.constant 1024 : index
      %get3A_141 = tpu.vector_load %arg23[%get3A_140] {strides = array<i32>} : memref<2048xf32, #tpu.memory_space<vmem>>, vector<16xf32>,
      %add3A_142 = arith.addf %add3A_139, %get3A_141 : vector<16xf32>
      %get3A_143 = arith.constant 1152 : index
      %get3A_144 = tpu.vector_load %arg23[%get3A_143] {strides = array<i32>} : memref<2048xf32, #tpu.memory_space<vmem>>, vector<16xf32>,
      %add3A_145 = arith.addf %add3A_142, %get3A_144 : vector<16xf32>
      %get3A_146 = arith.constant 1280 : index
      %get3A_147 = tpu.vector_load %arg23[%get3A_146] {strides = array<i32>} : memref<2048xf32, #tpu.memory_space<vmem>>, vector<16xf32>,
      %add3A_148 = arith.addf %add3A_145, %get3A_147 : vector<16xf32>
      %get3A_149 = arith.constant 1408 : index
      %get3A_150 = tpu.vector_load %arg23[%get3A_149] {strides = array<i32>} : memref<2048xf32, #tpu.memory_space<vmem>>, vector<16xf32>,
      %add3A_151 = arith.addf %add3A_148, %get3A_150 : vector<16xf32>
      %get3A_152 = arith.constant 1536 : index
      %get3A_153 = tpu.vector_load %arg23[%get3A_152] {strides = array<i32>} : memref<2048xf32, #tpu.memory_space<vmem>>, vector<16xf32>,
      %add3A_154 = arith.addf %add3A_151, %get3A_153 : vector<16xf32>
      %get3A_155 = arith.constant 1664 : index
      %get3A_156 = tpu.vector_load %arg23[%get3A_155] {strides = array<i32>} : memref<2048xf32, #tpu.memory_space<vmem>>, vector<16xf32>,
      %add3A_157 = arith.addf %add3A_154, %get3A_156 : vector<16xf32>
      %get3A_158 = arith.constant 1792 : index
      %get3A_159 = tpu.vector_load %arg23[%get3A_158] {strides = array<i32>} : memref<2048xf32, #tpu.memory_space<vmem>>, vector<16xf32>,
      %add3A_160 = arith.addf %add3A_157, %get3A_159 : vector<16xf32>
      %get3A_161 = arith.constant 1920 : index
      %get3A_162 = tpu.vector_load %arg23[%get3A_161] {strides = array<i32>} : memref<2048xf32, #tpu.memory_space<vmem>>, vector<16xf32>,
      %add3A_163 = arith.addf %add3A_160, %get3A_162 : vector<16xf32>
      %swap3A = arith.constant 0 : index
      %swap3A_164 = tpu.vector_load %arg24[%swap3A] {strides = array<i32>} : memref<128xf32, #tpu.memory_space<vmem>>, vector<16xf32>,
      tpu.vector_store %arg24[%swap3A], %add3A_163 {strides = array<i32>} : memref<128xf32, #tpu.memory_space<vmem>>, vector<16xf32>,
      %get3A_165 = arith.constant 16 : index
      %get3A_166 = tpu.vector_load %arg23[%get3A_165] {strides = array<i32>} : memref<2048xf32, #tpu.memory_space<vmem>>, vector<16xf32>,
      %get3A_167 = arith.constant 144 : index
      %get3A_168 = tpu.vector_load %arg23[%get3A_167] {strides = array<i32>} : memref<2048xf32, #tpu.memory_space<vmem>>, vector<16xf32>,
      %add3A_169 = arith.addf %get3A_166, %get3A_168 : vector<16xf32>
      %get3A_170 = arith.constant 272 : index
      %get3A_171 = tpu.vector_load %arg23[%get3A_170] {strides = array<i32>} : memref<2048xf32, #tpu.memory_space<vmem>>, vector<16xf32>,
      %add3A_172 = arith.addf %add3A_169, %get3A_171 : vector<16xf32>
      %get3A_173 = arith.constant 400 : index
      %get3A_174 = tpu.vector_load %arg23[%get3A_173] {strides = array<i32>} : memref<2048xf32, #tpu.memory_space<vmem>>, vector<16xf32>,
      %add3A_175 = arith.addf %add3A_172, %get3A_174 : vector<16xf32>
      %get3A_176 = arith.constant 528 : index
      %get3A_177 = tpu.vector_load %arg23[%get3A_176] {strides = array<i32>} : memref<2048xf32, #tpu.memory_space<vmem>>, vector<16xf32>,
      %add3A_178 = arith.addf %add3A_175, %get3A_177 : vector<16xf32>
      %get3A_179 = arith.constant 656 : index
      %get3A_180 = tpu.vector_load %arg23[%get3A_179] {strides = array<i32>} : memref<2048xf32, #tpu.memory_space<vmem>>, vector<16xf32>,
      %add3A_181 = arith.addf %add3A_178, %get3A_180 : vector<16xf32>
      %get3A_182 = arith.constant 784 : index
      %get3A_183 = tpu.vector_load %arg23[%get3A_182] {strides = array<i32>} : memref<2048xf32, #tpu.memory_space<vmem>>, vector<16xf32>,
      %add3A_184 = arith.addf %add3A_181, %get3A_183 : vector<16xf32>
      %get3A_185 = arith.constant 912 : index
      %get3A_186 = tpu.vector_load %arg23[%get3A_185] {strides = array<i32>} : memref<2048xf32, #tpu.memory_space<vmem>>, vector<16xf32>,
      %add3A_187 = arith.addf %add3A_184, %get3A_186 : vector<16xf32>
      %get3A_188 = arith.constant 1040 : index
      %get3A_189 = tpu.vector_load %arg23[%get3A_188] {strides = array<i32>} : memref<2048xf32, #tpu.memory_space<vmem>>, vector<16xf32>,
      %add3A_190 = arith.addf %add3A_187, %get3A_189 : vector<16xf32>
      %get3A_191 = arith.constant 1168 : index
      %get3A_192 = tpu.vector_load %arg23[%get3A_191] {strides = array<i32>} : memref<2048xf32, #tpu.memory_space<vmem>>, vector<16xf32>,
      %add3A_193 = arith.addf %add3A_190, %get3A_192 : vector<16xf32>
      %get3A_194 = arith.constant 1296 : index
      %get3A_195 = tpu.vector_load %arg23[%get3A_194] {strides = array<i32>} : memref<2048xf32, #tpu.memory_space<vmem>>, vector<16xf32>,
      %add3A_196 = arith.addf %add3A_193, %get3A_195 : vector<16xf32>
      %get3A_197 = arith.constant 1424 : index
      %get3A_198 = tpu.vector_load %arg23[%get3A_197] {strides = array<i32>} : memref<2048xf32, #tpu.memory_space<vmem>>, vector<16xf32>,
      %add3A_199 = arith.addf %add3A_196, %get3A_198 : vector<16xf32>
      %get3A_200 = arith.constant 1552 : index
      %get3A_201 = tpu.vector_load %arg23[%get3A_200] {strides = array<i32>} : memref<2048xf32, #tpu.memory_space<vmem>>, vector<16xf32>,
      %add3A_202 = arith.addf %add3A_199, %get3A_201 : vector<16xf32>
      %get3A_203 = arith.constant 1680 : index
      %get3A_204 = tpu.vector_load %arg23[%get3A_203] {strides = array<i32>} : memref<2048xf32, #tpu.memory_space<vmem>>, vector<16xf32>,
      %add3A_205 = arith.addf %add3A_202, %get3A_204 : vector<16xf32>
      %get3A_206 = arith.constant 1808 : index
      %get3A_207 = tpu.vector_load %arg23[%get3A_206] {strides = array<i32>} : memref<2048xf32, #tpu.memory_space<vmem>>, vector<16xf32>,
      %add3A_208 = arith.addf %add3A_205, %get3A_207 : vector<16xf32>
      %get3A_209 = arith.constant 1936 : index
      %get3A_210 = tpu.vector_load %arg23[%get3A_209] {strides = array<i32>} : memref<2048xf32, #tpu.memory_space<vmem>>, vector<16xf32>,
      %add3A_211 = arith.addf %add3A_208, %get3A_210 : vector<16xf32>
      %swap3A_212 = arith.constant 16 : index
      %swap3A_213 = tpu.vector_load %arg24[%swap3A_212] {strides = array<i32>} : memref<128xf32, #tpu.memory_space<vmem>>, vector<16xf32>,
      tpu.vector_store %arg24[%swap3A_212], %add3A_211 {strides = array<i32>} : memref<128xf32, #tpu.memory_space<vmem>>, vector<16xf32>,
      %get3A_214 = arith.constant 32 : index
      %get3A_215 = tpu.vector_load %arg23[%get3A_214] {strides = array<i32>} : memref<2048xf32, #tpu.memory_space<vmem>>, vector<16xf32>,
      %get3A_216 = arith.constant 160 : index
      %get3A_217 = tpu.vector_load %arg23[%get3A_216] {strides = array<i32>} : memref<2048xf32, #tpu.memory_space<vmem>>, vector<16xf32>,
      %add3A_218 = arith.addf %get3A_215, %get3A_217 : vector<16xf32>
      %get3A_219 = arith.constant 288 : index
      %get3A_220 = tpu.vector_load %arg23[%get3A_219] {strides = array<i32>} : memref<2048xf32, #tpu.memory_space<vmem>>, vector<16xf32>,
      %add3A_221 = arith.addf %add3A_218, %get3A_220 : vector<16xf32>
      %get3A_222 = arith.constant 416 : index
      %get3A_223 = tpu.vector_load %arg23[%get3A_222] {strides = array<i32>} : memref<2048xf32, #tpu.memory_space<vmem>>, vector<16xf32>,
      %add3A_224 = arith.addf %add3A_221, %get3A_223 : vector<16xf32>
      %get3A_225 = arith.constant 544 : index
      %get3A_226 = tpu.vector_load %arg23[%get3A_225] {strides = array<i32>} : memref<2048xf32, #tpu.memory_space<vmem>>, vector<16xf32>,
      %add3A_227 = arith.addf %add3A_224, %get3A_226 : vector<16xf32>
      %get3A_228 = arith.constant 672 : index
      %get3A_229 = tpu.vector_load %arg23[%get3A_228] {strides = array<i32>} : memref<2048xf32, #tpu.memory_space<vmem>>, vector<16xf32>,
      %add3A_230 = arith.addf %add3A_227, %get3A_229 : vector<16xf32>
      %get3A_231 = arith.constant 800 : index
      %get3A_232 = tpu.vector_load %arg23[%get3A_231] {strides = array<i32>} : memref<2048xf32, #tpu.memory_space<vmem>>, vector<16xf32>,
      %add3A_233 = arith.addf %add3A_230, %get3A_232 : vector<16xf32>
      %get3A_234 = arith.constant 928 : index
      %get3A_235 = tpu.vector_load %arg23[%get3A_234] {strides = array<i32>} : memref<2048xf32, #tpu.memory_space<vmem>>, vector<16xf32>,
      %add3A_236 = arith.addf %add3A_233, %get3A_235 : vector<16xf32>
      %get3A_237 = arith.constant 1056 : index
      %get3A_238 = tpu.vector_load %arg23[%get3A_237] {strides = array<i32>} : memref<2048xf32, #tpu.memory_space<vmem>>, vector<16xf32>,
      %add3A_239 = arith.addf %add3A_236, %get3A_238 : vector<16xf32>
      %get3A_240 = arith.constant 1184 : index
      %get3A_241 = tpu.vector_load %arg23[%get3A_240] {strides = array<i32>} : memref<2048xf32, #tpu.memory_space<vmem>>, vector<16xf32>,
      %add3A_242 = arith.addf %add3A_239, %get3A_241 : vector<16xf32>
      %get3A_243 = arith.constant 1312 : index
      %get3A_244 = tpu.vector_load %arg23[%get3A_243] {strides = array<i32>} : memref<2048xf32, #tpu.memory_space<vmem>>, vector<16xf32>,
      %add3A_245 = arith.addf %add3A_242, %get3A_244 : vector<16xf32>
      %get3A_246 = arith.constant 1440 : index
      %get3A_247 = tpu.vector_load %arg23[%get3A_246] {strides = array<i32>} : memref<2048xf32, #tpu.memory_space<vmem>>, vector<16xf32>,
      %add3A_248 = arith.addf %add3A_245, %get3A_247 : vector<16xf32>
      %get3A_249 = arith.constant 1568 : index
      %get3A_250 = tpu.vector_load %arg23[%get3A_249] {strides = array<i32>} : memref<2048xf32, #tpu.memory_space<vmem>>, vector<16xf32>,
      %add3A_251 = arith.addf %add3A_248, %get3A_250 : vector<16xf32>
      %get3A_252 = arith.constant 1696 : index
      %get3A_253 = tpu.vector_load %arg23[%get3A_252] {strides = array<i32>} : memref<2048xf32, #tpu.memory_space<vmem>>, vector<16xf32>,
      %add3A_254 = arith.addf %add3A_251, %get3A_253 : vector<16xf32>
      %get3A_255 = arith.constant 1824 : index
      %get3A_256 = tpu.vector_load %arg23[%get3A_255] {strides = array<i32>} : memref<2048xf32, #tpu.memory_space<vmem>>, vector<16xf32>,
      %add3A_257 = arith.addf %add3A_254, %get3A_256 : vector<16xf32>
      %get3A_258 = arith.constant 1952 : index
      %get3A_259 = tpu.vector_load %arg23[%get3A_258] {strides = array<i32>} : memref<2048xf32, #tpu.memory_space<vmem>>, vector<16xf32>,
      %add3A_260 = arith.addf %add3A_257, %get3A_259 : vector<16xf32>
      %swap3A_261 = arith.constant 32 : index
      %swap3A_262 = tpu.vector_load %arg24[%swap3A_261] {strides = array<i32>} : memref<128xf32, #tpu.memory_space<vmem>>, vector<16xf32>,
      tpu.vector_store %arg24[%swap3A_261], %add3A_260 {strides = array<i32>} : memref<128xf32, #tpu.memory_space<vmem>>, vector<16xf32>,
      %get3A_263 = arith.constant 48 : index
      %get3A_264 = tpu.vector_load %arg23[%get3A_263] {strides = array<i32>} : memref<2048xf32, #tpu.memory_space<vmem>>, vector<16xf32>,
      %get3A_265 = arith.constant 176 : index
      %get3A_266 = tpu.vector_load %arg23[%get3A_265] {strides = array<i32>} : memref<2048xf32, #tpu.memory_space<vmem>>, vector<16xf32>,
      %add3A_267 = arith.addf %get3A_264, %get3A_266 : vector<16xf32>
      %get3A_268 = arith.constant 304 : index
      %get3A_269 = tpu.vector_load %arg23[%get3A_268] {strides = array<i32>} : memref<2048xf32, #tpu.memory_space<vmem>>, vector<16xf32>,
      %add3A_270 = arith.addf %add3A_267, %get3A_269 : vector<16xf32>
      %get3A_271 = arith.constant 432 : index
      %get3A_272 = tpu.vector_load %arg23[%get3A_271] {strides = array<i32>} : memref<2048xf32, #tpu.memory_space<vmem>>, vector<16xf32>,
      %add3A_273 = arith.addf %add3A_270, %get3A_272 : vector<16xf32>
      %get3A_274 = arith.constant 560 : index
      %get3A_275 = tpu.vector_load %arg23[%get3A_274] {strides = array<i32>} : memref<2048xf32, #tpu.memory_space<vmem>>, vector<16xf32>,
      %add3A_276 = arith.addf %add3A_273, %get3A_275 : vector<16xf32>
      %get3A_277 = arith.constant 688 : index
      %get3A_278 = tpu.vector_load %arg23[%get3A_277] {strides = array<i32>} : memref<2048xf32, #tpu.memory_space<vmem>>, vector<16xf32>,
      %add3A_279 = arith.addf %add3A_276, %get3A_278 : vector<16xf32>
      %get3A_280 = arith.constant 816 : index
      %get3A_281 = tpu.vector_load %arg23[%get3A_280] {strides = array<i32>} : memref<2048xf32, #tpu.memory_space<vmem>>, vector<16xf32>,
      %add3A_282 = arith.addf %add3A_279, %get3A_281 : vector<16xf32>
      %get3A_283 = arith.constant 944 : index
      %get3A_284 = tpu.vector_load %arg23[%get3A_283] {strides = array<i32>} : memref<2048xf32, #tpu.memory_space<vmem>>, vector<16xf32>,
      %add3A_285 = arith.addf %add3A_282, %get3A_284 : vector<16xf32>
      %get3A_286 = arith.constant 1072 : index
      %get3A_287 = tpu.vector_load %arg23[%get3A_286] {strides = array<i32>} : memref<2048xf32, #tpu.memory_space<vmem>>, vector<16xf32>,
      %add3A_288 = arith.addf %add3A_285, %get3A_287 : vector<16xf32>
      %get3A_289 = arith.constant 1200 : index
      %get3A_290 = tpu.vector_load %arg23[%get3A_289] {strides = array<i32>} : memref<2048xf32, #tpu.memory_space<vmem>>, vector<16xf32>,
      %add3A_291 = arith.addf %add3A_288, %get3A_290 : vector<16xf32>
      %get3A_292 = arith.constant 1328 : index
      %get3A_293 = tpu.vector_load %arg23[%get3A_292] {strides = array<i32>} : memref<2048xf32, #tpu.memory_space<vmem>>, vector<16xf32>,
      %add3A_294 = arith.addf %add3A_291, %get3A_293 : vector<16xf32>
      %get3A_295 = arith.constant 1456 : index
      %get3A_296 = tpu.vector_load %arg23[%get3A_295] {strides = array<i32>} : memref<2048xf32, #tpu.memory_space<vmem>>, vector<16xf32>,
      %add3A_297 = arith.addf %add3A_294, %get3A_296 : vector<16xf32>
      %get3A_298 = arith.constant 1584 : index
      %get3A_299 = tpu.vector_load %arg23[%get3A_298] {strides = array<i32>} : memref<2048xf32, #tpu.memory_space<vmem>>, vector<16xf32>,
      %add3A_300 = arith.addf %add3A_297, %get3A_299 : vector<16xf32>
      %get3A_301 = arith.constant 1712 : index
      %get3A_302 = tpu.vector_load %arg23[%get3A_301] {strides = array<i32>} : memref<2048xf32, #tpu.memory_space<vmem>>, vector<16xf32>,
      %add3A_303 = arith.addf %add3A_300, %get3A_302 : vector<16xf32>
      %get3A_304 = arith.constant 1840 : index
      %get3A_305 = tpu.vector_load %arg23[%get3A_304] {strides = array<i32>} : memref<2048xf32, #tpu.memory_space<vmem>>, vector<16xf32>,
      %add3A_306 = arith.addf %add3A_303, %get3A_305 : vector<16xf32>
      %get3A_307 = arith.constant 1968 : index
      %get3A_308 = tpu.vector_load %arg23[%get3A_307] {strides = array<i32>} : memref<2048xf32, #tpu.memory_space<vmem>>, vector<16xf32>,
      %add3A_309 = arith.addf %add3A_306, %get3A_308 : vector<16xf32>
      %swap3A_310 = arith.constant 48 : index
      %swap3A_311 = tpu.vector_load %arg24[%swap3A_310] {strides = array<i32>} : memref<128xf32, #tpu.memory_space<vmem>>, vector<16xf32>,
      tpu.vector_store %arg24[%swap3A_310], %add3A_309 {strides = array<i32>} : memref<128xf32, #tpu.memory_space<vmem>>, vector<16xf32>,
      %get3A_312 = arith.constant 64 : index
      %get3A_313 = tpu.vector_load %arg23[%get3A_312] {strides = array<i32>} : memref<2048xf32, #tpu.memory_space<vmem>>, vector<16xf32>,
      %get3A_314 = arith.constant 192 : index
      %get3A_315 = tpu.vector_load %arg23[%get3A_314] {strides = array<i32>} : memref<2048xf32, #tpu.memory_space<vmem>>, vector<16xf32>,
      %add3A_316 = arith.addf %get3A_313, %get3A_315 : vector<16xf32>
      %get3A_317 = arith.constant 320 : index
      %get3A_318 = tpu.vector_load %arg23[%get3A_317] {strides = array<i32>} : memref<2048xf32, #tpu.memory_space<vmem>>, vector<16xf32>,
      %add3A_319 = arith.addf %add3A_316, %get3A_318 : vector<16xf32>
      %get3A_320 = arith.constant 448 : index
      %get3A_321 = tpu.vector_load %arg23[%get3A_320] {strides = array<i32>} : memref<2048xf32, #tpu.memory_space<vmem>>, vector<16xf32>,
      %add3A_322 = arith.addf %add3A_319, %get3A_321 : vector<16xf32>
      %get3A_323 = arith.constant 576 : index
      %get3A_324 = tpu.vector_load %arg23[%get3A_323] {strides = array<i32>} : memref<2048xf32, #tpu.memory_space<vmem>>, vector<16xf32>,
      %add3A_325 = arith.addf %add3A_322, %get3A_324 : vector<16xf32>
      %get3A_326 = arith.constant 704 : index
      %get3A_327 = tpu.vector_load %arg23[%get3A_326] {strides = array<i32>} : memref<2048xf32, #tpu.memory_space<vmem>>, vector<16xf32>,
      %add3A_328 = arith.addf %add3A_325, %get3A_327 : vector<16xf32>
      %get3A_329 = arith.constant 832 : index
      %get3A_330 = tpu.vector_load %arg23[%get3A_329] {strides = array<i32>} : memref<2048xf32, #tpu.memory_space<vmem>>, vector<16xf32>,
      %add3A_331 = arith.addf %add3A_328, %get3A_330 : vector<16xf32>
      %get3A_332 = arith.constant 960 : index
      %get3A_333 = tpu.vector_load %arg23[%get3A_332] {strides = array<i32>} : memref<2048xf32, #tpu.memory_space<vmem>>, vector<16xf32>,
      %add3A_334 = arith.addf %add3A_331, %get3A_333 : vector<16xf32>
      %get3A_335 = arith.constant 1088 : index
      %get3A_336 = tpu.vector_load %arg23[%get3A_335] {strides = array<i32>} : memref<2048xf32, #tpu.memory_space<vmem>>, vector<16xf32>,
      %add3A_337 = arith.addf %add3A_334, %get3A_336 : vector<16xf32>
      %get3A_338 = arith.constant 1216 : index
      %get3A_339 = tpu.vector_load %arg23[%get3A_338] {strides = array<i32>} : memref<2048xf32, #tpu.memory_space<vmem>>, vector<16xf32>,
      %add3A_340 = arith.addf %add3A_337, %get3A_339 : vector<16xf32>
      %get3A_341 = arith.constant 1344 : index
      %get3A_342 = tpu.vector_load %arg23[%get3A_341] {strides = array<i32>} : memref<2048xf32, #tpu.memory_space<vmem>>, vector<16xf32>,
      %add3A_343 = arith.addf %add3A_340, %get3A_342 : vector<16xf32>
      %get3A_344 = arith.constant 1472 : index
      %get3A_345 = tpu.vector_load %arg23[%get3A_344] {strides = array<i32>} : memref<2048xf32, #tpu.memory_space<vmem>>, vector<16xf32>,
      %add3A_346 = arith.addf %add3A_343, %get3A_345 : vector<16xf32>
      %get3A_347 = arith.constant 1600 : index
      %get3A_348 = tpu.vector_load %arg23[%get3A_347] {strides = array<i32>} : memref<2048xf32, #tpu.memory_space<vmem>>, vector<16xf32>,
      %add3A_349 = arith.addf %add3A_346, %get3A_348 : vector<16xf32>
      %get3A_350 = arith.constant 1728 : index
      %get3A_351 = tpu.vector_load %arg23[%get3A_350] {strides = array<i32>} : memref<2048xf32, #tpu.memory_space<vmem>>, vector<16xf32>,
      %add3A_352 = arith.addf %add3A_349, %get3A_351 : vector<16xf32>
      %get3A_353 = arith.constant 1856 : index
      %get3A_354 = tpu.vector_load %arg23[%get3A_353] {strides = array<i32>} : memref<2048xf32, #tpu.memory_space<vmem>>, vector<16xf32>,
      %add3A_355 = arith.addf %add3A_352, %get3A_354 : vector<16xf32>
      %get3A_356 = arith.constant 1984 : index
      %get3A_357 = tpu.vector_load %arg23[%get3A_356] {strides = array<i32>} : memref<2048xf32, #tpu.memory_space<vmem>>, vector<16xf32>,
      %add3A_358 = arith.addf %add3A_355, %get3A_357 : vector<16xf32>
      %swap3A_359 = arith.constant 64 : index
      %swap3A_360 = tpu.vector_load %arg24[%swap3A_359] {strides = array<i32>} : memref<128xf32, #tpu.memory_space<vmem>>, vector<16xf32>,
      tpu.vector_store %arg24[%swap3A_359], %add3A_358 {strides = array<i32>} : memref<128xf32, #tpu.memory_space<vmem>>, vector<16xf32>,
      %get3A_361 = arith.constant 80 : index
      %get3A_362 = tpu.vector_load %arg23[%get3A_361] {strides = array<i32>} : memref<2048xf32, #tpu.memory_space<vmem>>, vector<16xf32>,
      %get3A_363 = arith.constant 208 : index
      %get3A_364 = tpu.vector_load %arg23[%get3A_363] {strides = array<i32>} : memref<2048xf32, #tpu.memory_space<vmem>>, vector<16xf32>,
      %add3A_365 = arith.addf %get3A_362, %get3A_364 : vector<16xf32>
      %get3A_366 = arith.constant 336 : index
      %get3A_367 = tpu.vector_load %arg23[%get3A_366] {strides = array<i32>} : memref<2048xf32, #tpu.memory_space<vmem>>, vector<16xf32>,
      %add3A_368 = arith.addf %add3A_365, %get3A_367 : vector<16xf32>
      %get3A_369 = arith.constant 464 : index
      %get3A_370 = tpu.vector_load %arg23[%get3A_369] {strides = array<i32>} : memref<2048xf32, #tpu.memory_space<vmem>>, vector<16xf32>,
      %add3A_371 = arith.addf %add3A_368, %get3A_370 : vector<16xf32>
      %get3A_372 = arith.constant 592 : index
      %get3A_373 = tpu.vector_load %arg23[%get3A_372] {strides = array<i32>} : memref<2048xf32, #tpu.memory_space<vmem>>, vector<16xf32>,
      %add3A_374 = arith.addf %add3A_371, %get3A_373 : vector<16xf32>
      %get3A_375 = arith.constant 720 : index
      %get3A_376 = tpu.vector_load %arg23[%get3A_375] {strides = array<i32>} : memref<2048xf32, #tpu.memory_space<vmem>>, vector<16xf32>,
      %add3A_377 = arith.addf %add3A_374, %get3A_376 : vector<16xf32>
      %get3A_378 = arith.constant 848 : index
      %get3A_379 = tpu.vector_load %arg23[%get3A_378] {strides = array<i32>} : memref<2048xf32, #tpu.memory_space<vmem>>, vector<16xf32>,
      %add3A_380 = arith.addf %add3A_377, %get3A_379 : vector<16xf32>
      %get3A_381 = arith.constant 976 : index
      %get3A_382 = tpu.vector_load %arg23[%get3A_381] {strides = array<i32>} : memref<2048xf32, #tpu.memory_space<vmem>>, vector<16xf32>,
      %add3A_383 = arith.addf %add3A_380, %get3A_382 : vector<16xf32>
      %get3A_384 = arith.constant 1104 : index
      %get3A_385 = tpu.vector_load %arg23[%get3A_384] {strides = array<i32>} : memref<2048xf32, #tpu.memory_space<vmem>>, vector<16xf32>,
      %add3A_386 = arith.addf %add3A_383, %get3A_385 : vector<16xf32>
      %get3A_387 = arith.constant 1232 : index
      %get3A_388 = tpu.vector_load %arg23[%get3A_387] {strides = array<i32>} : memref<2048xf32, #tpu.memory_space<vmem>>, vector<16xf32>,
      %add3A_389 = arith.addf %add3A_386, %get3A_388 : vector<16xf32>
      %get3A_390 = arith.constant 1360 : index
      %get3A_391 = tpu.vector_load %arg23[%get3A_390] {strides = array<i32>} : memref<2048xf32, #tpu.memory_space<vmem>>, vector<16xf32>,
      %add3A_392 = arith.addf %add3A_389, %get3A_391 : vector<16xf32>
      %get3A_393 = arith.constant 1488 : index
      %get3A_394 = tpu.vector_load %arg23[%get3A_393] {strides = array<i32>} : memref<2048xf32, #tpu.memory_space<vmem>>, vector<16xf32>,
      %add3A_395 = arith.addf %add3A_392, %get3A_394 : vector<16xf32>
      %get3A_396 = arith.constant 1616 : index
      %get3A_397 = tpu.vector_load %arg23[%get3A_396] {strides = array<i32>} : memref<2048xf32, #tpu.memory_space<vmem>>, vector<16xf32>,
      %add3A_398 = arith.addf %add3A_395, %get3A_397 : vector<16xf32>
      %get3A_399 = arith.constant 1744 : index
      %get3A_400 = tpu.vector_load %arg23[%get3A_399] {strides = array<i32>} : memref<2048xf32, #tpu.memory_space<vmem>>, vector<16xf32>,
      %add3A_401 = arith.addf %add3A_398, %get3A_400 : vector<16xf32>
      %get3A_402 = arith.constant 1872 : index
      %get3A_403 = tpu.vector_load %arg23[%get3A_402] {strides = array<i32>} : memref<2048xf32, #tpu.memory_space<vmem>>, vector<16xf32>,
      %add3A_404 = arith.addf %add3A_401, %get3A_403 : vector<16xf32>
      %get3A_405 = arith.constant 2000 : index
      %get3A_406 = tpu.vector_load %arg23[%get3A_405] {strides = array<i32>} : memref<2048xf32, #tpu.memory_space<vmem>>, vector<16xf32>,
      %add3A_407 = arith.addf %add3A_404, %get3A_406 : vector<16xf32>
      %swap3A_408 = arith.constant 80 : index
      %swap3A_409 = tpu.vector_load %arg24[%swap3A_408] {strides = array<i32>} : memref<128xf32, #tpu.memory_space<vmem>>, vector<16xf32>,
      tpu.vector_store %arg24[%swap3A_408], %add3A_407 {strides = array<i32>} : memref<128xf32, #tpu.memory_space<vmem>>, vector<16xf32>,
      %get3A_410 = arith.constant 96 : index
      %get3A_411 = tpu.vector_load %arg23[%get3A_410] {strides = array<i32>} : memref<2048xf32, #tpu.memory_space<vmem>>, vector<16xf32>,
      %get3A_412 = arith.constant 224 : index
      %get3A_413 = tpu.vector_load %arg23[%get3A_412] {strides = array<i32>} : memref<2048xf32, #tpu.memory_space<vmem>>, vector<16xf32>,
      %add3A_414 = arith.addf %get3A_411, %get3A_413 : vector<16xf32>
      %get3A_415 = arith.constant 352 : index
      %get3A_416 = tpu.vector_load %arg23[%get3A_415] {strides = array<i32>} : memref<2048xf32, #tpu.memory_space<vmem>>, vector<16xf32>,
      %add3A_417 = arith.addf %add3A_414, %get3A_416 : vector<16xf32>
      %get3A_418 = arith.constant 480 : index
      %get3A_419 = tpu.vector_load %arg23[%get3A_418] {strides = array<i32>} : memref<2048xf32, #tpu.memory_space<vmem>>, vector<16xf32>,
      %add3A_420 = arith.addf %add3A_417, %get3A_419 : vector<16xf32>
      %get3A_421 = arith.constant 608 : index
      %get3A_422 = tpu.vector_load %arg23[%get3A_421] {strides = array<i32>} : memref<2048xf32, #tpu.memory_space<vmem>>, vector<16xf32>,
      %add3A_423 = arith.addf %add3A_420, %get3A_422 : vector<16xf32>
      %get3A_424 = arith.constant 736 : index
      %get3A_425 = tpu.vector_load %arg23[%get3A_424] {strides = array<i32>} : memref<2048xf32, #tpu.memory_space<vmem>>, vector<16xf32>,
      %add3A_426 = arith.addf %add3A_423, %get3A_425 : vector<16xf32>
      %get3A_427 = arith.constant 864 : index
      %get3A_428 = tpu.vector_load %arg23[%get3A_427] {strides = array<i32>} : memref<2048xf32, #tpu.memory_space<vmem>>, vector<16xf32>,
      %add3A_429 = arith.addf %add3A_426, %get3A_428 : vector<16xf32>
      %get3A_430 = arith.constant 992 : index
      %get3A_431 = tpu.vector_load %arg23[%get3A_430] {strides = array<i32>} : memref<2048xf32, #tpu.memory_space<vmem>>, vector<16xf32>,
      %add3A_432 = arith.addf %add3A_429, %get3A_431 : vector<16xf32>
      %get3A_433 = arith.constant 1120 : index
      %get3A_434 = tpu.vector_load %arg23[%get3A_433] {strides = array<i32>} : memref<2048xf32, #tpu.memory_space<vmem>>, vector<16xf32>,
      %add3A_435 = arith.addf %add3A_432, %get3A_434 : vector<16xf32>
      %get3A_436 = arith.constant 1248 : index
      %get3A_437 = tpu.vector_load %arg23[%get3A_436] {strides = array<i32>} : memref<2048xf32, #tpu.memory_space<vmem>>, vector<16xf32>,
      %add3A_438 = arith.addf %add3A_435, %get3A_437 : vector<16xf32>
      %get3A_439 = arith.constant 1376 : index
      %get3A_440 = tpu.vector_load %arg23[%get3A_439] {strides = array<i32>} : memref<2048xf32, #tpu.memory_space<vmem>>, vector<16xf32>,
      %add3A_441 = arith.addf %add3A_438, %get3A_440 : vector<16xf32>
      %get3A_442 = arith.constant 1504 : index
      %get3A_443 = tpu.vector_load %arg23[%get3A_442] {strides = array<i32>} : memref<2048xf32, #tpu.memory_space<vmem>>, vector<16xf32>,
      %add3A_444 = arith.addf %add3A_441, %get3A_443 : vector<16xf32>
      %get3A_445 = arith.constant 1632 : index
      %get3A_446 = tpu.vector_load %arg23[%get3A_445] {strides = array<i32>} : memref<2048xf32, #tpu.memory_space<vmem>>, vector<16xf32>,
      %add3A_447 = arith.addf %add3A_444, %get3A_446 : vector<16xf32>
      %get3A_448 = arith.constant 1760 : index
      %get3A_449 = tpu.vector_load %arg23[%get3A_448] {strides = array<i32>} : memref<2048xf32, #tpu.memory_space<vmem>>, vector<16xf32>,
      %add3A_450 = arith.addf %add3A_447, %get3A_449 : vector<16xf32>
      %get3A_451 = arith.constant 1888 : index
      %get3A_452 = tpu.vector_load %arg23[%get3A_451] {strides = array<i32>} : memref<2048xf32, #tpu.memory_space<vmem>>, vector<16xf32>,
      %add3A_453 = arith.addf %add3A_450, %get3A_452 : vector<16xf32>
      %get3A_454 = arith.constant 2016 : index
      %get3A_455 = tpu.vector_load %arg23[%get3A_454] {strides = array<i32>} : memref<2048xf32, #tpu.memory_space<vmem>>, vector<16xf32>,
      %add3A_456 = arith.addf %add3A_453, %get3A_455 : vector<16xf32>
      %swap3A_457 = arith.constant 96 : index
      %swap3A_458 = tpu.vector_load %arg24[%swap3A_457] {strides = array<i32>} : memref<128xf32, #tpu.memory_space<vmem>>, vector<16xf32>,
      tpu.vector_store %arg24[%swap3A_457], %add3A_456 {strides = array<i32>} : memref<128xf32, #tpu.memory_space<vmem>>, vector<16xf32>,
      %get3A_459 = arith.constant 112 : index
      %get3A_460 = tpu.vector_load %arg23[%get3A_459] {strides = array<i32>} : memref<2048xf32, #tpu.memory_space<vmem>>, vector<16xf32>,
      %get3A_461 = arith.constant 240 : index
      %get3A_462 = tpu.vector_load %arg23[%get3A_461] {strides = array<i32>} : memref<2048xf32, #tpu.memory_space<vmem>>, vector<16xf32>,
      %add3A_463 = arith.addf %get3A_460, %get3A_462 : vector<16xf32>
      %get3A_464 = arith.constant 368 : index
      %get3A_465 = tpu.vector_load %arg23[%get3A_464] {strides = array<i32>} : memref<2048xf32, #tpu.memory_space<vmem>>, vector<16xf32>,
      %add3A_466 = arith.addf %add3A_463, %get3A_465 : vector<16xf32>
      %get3A_467 = arith.constant 496 : index
      %get3A_468 = tpu.vector_load %arg23[%get3A_467] {strides = array<i32>} : memref<2048xf32, #tpu.memory_space<vmem>>, vector<16xf32>,
      %add3A_469 = arith.addf %add3A_466, %get3A_468 : vector<16xf32>
      %get3A_470 = arith.constant 624 : index
      %get3A_471 = tpu.vector_load %arg23[%get3A_470] {strides = array<i32>} : memref<2048xf32, #tpu.memory_space<vmem>>, vector<16xf32>,
      %add3A_472 = arith.addf %add3A_469, %get3A_471 : vector<16xf32>
      %get3A_473 = arith.constant 752 : index
      %get3A_474 = tpu.vector_load %arg23[%get3A_473] {strides = array<i32>} : memref<2048xf32, #tpu.memory_space<vmem>>, vector<16xf32>,
      %add3A_475 = arith.addf %add3A_472, %get3A_474 : vector<16xf32>
      %get3A_476 = arith.constant 880 : index
      %get3A_477 = tpu.vector_load %arg23[%get3A_476] {strides = array<i32>} : memref<2048xf32, #tpu.memory_space<vmem>>, vector<16xf32>,
      %add3A_478 = arith.addf %add3A_475, %get3A_477 : vector<16xf32>
      %get3A_479 = arith.constant 1008 : index
      %get3A_480 = tpu.vector_load %arg23[%get3A_479] {strides = array<i32>} : memref<2048xf32, #tpu.memory_space<vmem>>, vector<16xf32>,
      %add3A_481 = arith.addf %add3A_478, %get3A_480 : vector<16xf32>
      %get3A_482 = arith.constant 1136 : index
      %get3A_483 = tpu.vector_load %arg23[%get3A_482] {strides = array<i32>} : memref<2048xf32, #tpu.memory_space<vmem>>, vector<16xf32>,
      %add3A_484 = arith.addf %add3A_481, %get3A_483 : vector<16xf32>
      %get3A_485 = arith.constant 1264 : index
      %get3A_486 = tpu.vector_load %arg23[%get3A_485] {strides = array<i32>} : memref<2048xf32, #tpu.memory_space<vmem>>, vector<16xf32>,
      %add3A_487 = arith.addf %add3A_484, %get3A_486 : vector<16xf32>
      %get3A_488 = arith.constant 1392 : index
      %get3A_489 = tpu.vector_load %arg23[%get3A_488] {strides = array<i32>} : memref<2048xf32, #tpu.memory_space<vmem>>, vector<16xf32>,
      %add3A_490 = arith.addf %add3A_487, %get3A_489 : vector<16xf32>
      %get3A_491 = arith.constant 1520 : index
      %get3A_492 = tpu.vector_load %arg23[%get3A_491] {strides = array<i32>} : memref<2048xf32, #tpu.memory_space<vmem>>, vector<16xf32>,
      %add3A_493 = arith.addf %add3A_490, %get3A_492 : vector<16xf32>
      %get3A_494 = arith.constant 1648 : index
      %get3A_495 = tpu.vector_load %arg23[%get3A_494] {strides = array<i32>} : memref<2048xf32, #tpu.memory_space<vmem>>, vector<16xf32>,
      %add3A_496 = arith.addf %add3A_493, %get3A_495 : vector<16xf32>
      %get3A_497 = arith.constant 1776 : index
      %get3A_498 = tpu.vector_load %arg23[%get3A_497] {strides = array<i32>} : memref<2048xf32, #tpu.memory_space<vmem>>, vector<16xf32>,
      %add3A_499 = arith.addf %add3A_496, %get3A_498 : vector<16xf32>
      %get3A_500 = arith.constant 1904 : index
      %get3A_501 = tpu.vector_load %arg23[%get3A_500] {strides = array<i32>} : memref<2048xf32, #tpu.memory_space<vmem>>, vector<16xf32>,
      %add3A_502 = arith.addf %add3A_499, %get3A_501 : vector<16xf32>
      %get3A_503 = arith.constant 2032 : index
      %get3A_504 = tpu.vector_load %arg23[%get3A_503] {strides = array<i32>} : memref<2048xf32, #tpu.memory_space<vmem>>, vector<16xf32>,
      %add3A_505 = arith.addf %add3A_502, %get3A_504 : vector<16xf32>
      %swap3A_506 = arith.constant 112 : index
      %swap3A_507 = tpu.vector_load %arg24[%swap3A_506] {strides = array<i32>} : memref<128xf32, #tpu.memory_space<vmem>>, vector<16xf32>,
      tpu.vector_store %arg24[%swap3A_506], %add3A_505 {strides = array<i32>} : memref<128xf32, #tpu.memory_space<vmem>>, vector<16xf32>,
      %mul3A_508 = arith.constant 128 : i32
      %mul3A_509 = arith.muli %mul3A_508, %sub3A_54 : i32
      "tpu.region"() ({
        %run_scoped3A_510 = tpu.sem_alloc : memref<!tpu.dma_semaphore, #tpu.memory_space<semaphore_mem>>
        %dma_start3A = tpu.memref_slice %arg30[%mul3A_509] : memref<1024xf32, #tpu.memory_space<vmem_shared>> -> memref<128xf32, #tpu.memory_space<vmem_shared>>
        %dma_start3A_511 = tpu.memref_slice %arg30[%mul3A_509] : memref<1024xf32, #tpu.memory_space<vmem_shared>> -> memref<128xf32, #tpu.memory_space<vmem_shared>>
        tpu.enqueue_dma source(%arg24 : memref<128xf32, #tpu.memory_space<vmem>>) target(%dma_start3A_511 : memref<128xf32, #tpu.memory_space<vmem_shared>>) target_semaphore(%run_scoped3A_510 : memref<!tpu.dma_semaphore, #tpu.memory_space<semaphore_mem>>)
        %dma_wait3A = tpu.memref_slice %arg30[%mul3A_509] : memref<1024xf32, #tpu.memory_space<vmem_shared>> -> memref<128xf32, #tpu.memory_space<vmem_shared>>
        %dma_wait3A_512 = tpu.memref_slice %arg30[%mul3A_509] : memref<1024xf32, #tpu.memory_space<vmem_shared>> -> memref<128xf32, #tpu.memory_space<vmem_shared>>
        tpu.wait_dma2 semaphore(%run_scoped3A_510 : memref<!tpu.dma_semaphore, #tpu.memory_space<semaphore_mem>>) src(%arg24 : memref<128xf32, #tpu.memory_space<vmem>>) dst(%dma_wait3A_512 : memref<128xf32, #tpu.memory_space<vmem_shared>>)
        tpu.yield
      }) : () -> ()
    } else {
    }
    %barrier3A_29 = arith.constant 0 : index
    tpu.barrier barrier_id(%barrier3A_29)
    "tpu.region"() ({
      %run_scoped3A_54 = tpu.sem_alloc : memref<!tpu.dma_semaphore, #tpu.memory_space<semaphore_mem>>
      tpu.enqueue_dma source(%arg29 : memref<1024xf32, #tpu.memory_space<vmem_shared>>) target(%arg17 : memref<1024xf32, #tpu.memory_space<vmem>>) target_semaphore(%run_scoped3A_54 : memref<!tpu.dma_semaphore, #tpu.memory_space<semaphore_mem>>)
      tpu.wait_dma2 semaphore(%run_scoped3A_54 : memref<!tpu.dma_semaphore, #tpu.memory_space<semaphore_mem>>) src(%arg29 : memref<1024xf32, #tpu.memory_space<vmem_shared>>) dst(%arg17 : memref<1024xf32, #tpu.memory_space<vmem>>)
      tpu.yield
    }) : () -> ()
    "tpu.region"() ({
      %run_scoped3A_54 = tpu.sem_alloc : memref<!tpu.dma_semaphore, #tpu.memory_space<semaphore_mem>>
      tpu.enqueue_dma source(%arg30 : memref<1024xf32, #tpu.memory_space<vmem_shared>>) target(%arg18 : memref<1024xf32, #tpu.memory_space<vmem>>) target_semaphore(%run_scoped3A_54 : memref<!tpu.dma_semaphore, #tpu.memory_space<semaphore_mem>>)
      tpu.wait_dma2 semaphore(%run_scoped3A_54 : memref<!tpu.dma_semaphore, #tpu.memory_space<semaphore_mem>>) src(%arg30 : memref<1024xf32, #tpu.memory_space<vmem_shared>>) dst(%arg18 : memref<1024xf32, #tpu.memory_space<vmem>>)
      tpu.yield
    }) : () -> ()
    "tpu.region"() ({
      %run_scoped3A_54 = tpu.sem_alloc : memref<!tpu.dma_semaphore, #tpu.memory_space<semaphore_mem>>
      tpu.enqueue_dma source(%arg31 : memref<1024xf32, #tpu.memory_space<vmem_shared>>) target(%arg19 : memref<1024xf32, #tpu.memory_space<vmem>>) target_semaphore(%run_scoped3A_54 : memref<!tpu.dma_semaphore, #tpu.memory_space<semaphore_mem>>)
      tpu.wait_dma2 semaphore(%run_scoped3A_54 : memref<!tpu.dma_semaphore, #tpu.memory_space<semaphore_mem>>) src(%arg31 : memref<1024xf32, #tpu.memory_space<vmem_shared>>) dst(%arg19 : memref<1024xf32, #tpu.memory_space<vmem>>)
      tpu.yield
    }) : () -> ()
    %scan3A_30 = arith.constant 0 : i32
    %scan3A_31 = arith.constant 0 : i32
    %scan3A_32 = arith.constant 392 : i32
    %scan3A_33 = arith.addi %scan3A_31, %scan3A_32 : i32
    %scan3A_34 = arith.constant 1 : i32
    %scan3A_35 = scf.for %scan3A_54 = %scan3A_31 to %scan3A_33 step %scan3A_34 iter_args(%scan3A_55 = %scan3A_30) -> (i32)  : i32 {
      %mul3A_56 = arith.constant 16 : i32
      %mul3A_57 = arith.muli %scan3A_54, %mul3A_56 : i32
      %get3A = arith.index_cast %mul3A_57 : i32 to index
      %get3A_58 = tpu.vector_load %arg11[%get3A] {strides = array<i32>} : memref<6272xi32, #tpu.memory_space<vmem>>, vector<16xi32>,
      %gather3A = tpu.vector_load_idx %arg18[%get3A_58] : memref<1024xf32, #tpu.memory_space<vmem>>[vector<16xi32>], vector<16xf32>,
      %get3A_59 = arith.index_cast %mul3A_57 : i32 to index
      %get3A_60 = tpu.vector_load %arg9[%get3A_59] {strides = array<i32>} : memref<6272xf32, #tpu.memory_space<vmem>>, vector<16xf32>,
      %sub3A = arith.subf %gather3A, %get3A_60 : vector<16xf32>
      %abs3A = math.absf %sub3A : vector<16xf32>
      %get3A_61 = arith.index_cast %mul3A_57 : i32 to index
      %get3A_62 = tpu.vector_load %arg10[%get3A_61] {strides = array<i32>} : memref<6272xf32, #tpu.memory_space<vmem>>, vector<16xf32>,
      %add3A = arith.constant 1.000000e+00 : f32
      %add3A_63 = vector.broadcast %add3A : f32 to vector<16xf32>
      %add3A_64 = arith.addf %get3A_62, %add3A_63 : vector<16xf32>
      %div3A = arith.divf %abs3A, %add3A_64 : vector<16xf32>
      %swap3A = arith.index_cast %mul3A_57 : i32 to index
      %swap3A_65 = tpu.vector_load %arg12[%swap3A] {strides = array<i32>} : memref<6272xf32, #tpu.memory_space<vmem>>, vector<16xf32>,
      tpu.vector_store %arg12[%swap3A], %div3A {strides = array<i32>} : memref<6272xf32, #tpu.memory_space<vmem>>, vector<16xf32>,
      tpu.vector_store_idx %arg16[%get3A_58], %div3A {add = true} : memref<1024xf32, #tpu.memory_space<vmem>>[vector<16xi32>], vector<16xf32>,
      %scan3A_66 = arith.constant 0 : i32
      scf.yield %scan3A_66 : i32
    }
    %scan3A_36 = arith.constant 392 : i32
    %mul3A_37 = arith.constant 1024 : i32
    %mul3A_38 = arith.muli %mul3A_37, %arg1 : i32
    "tpu.region"() ({
      %run_scoped3A_54 = tpu.sem_alloc : memref<!tpu.dma_semaphore, #tpu.memory_space<semaphore_mem>>
      %dma_start3A = tpu.memref_slice %arg28[%mul3A_38] : memref<16384xf32, #tpu.memory_space<vmem_shared>> -> memref<1024xf32, #tpu.memory_space<vmem_shared>>
      %dma_start3A_55 = tpu.memref_slice %arg28[%mul3A_38] : memref<16384xf32, #tpu.memory_space<vmem_shared>> -> memref<1024xf32, #tpu.memory_space<vmem_shared>>
      tpu.enqueue_dma source(%arg16 : memref<1024xf32, #tpu.memory_space<vmem>>) target(%dma_start3A_55 : memref<1024xf32, #tpu.memory_space<vmem_shared>>) target_semaphore(%run_scoped3A_54 : memref<!tpu.dma_semaphore, #tpu.memory_space<semaphore_mem>>)
      %dma_wait3A = tpu.memref_slice %arg28[%mul3A_38] : memref<16384xf32, #tpu.memory_space<vmem_shared>> -> memref<1024xf32, #tpu.memory_space<vmem_shared>>
      %dma_wait3A_56 = tpu.memref_slice %arg28[%mul3A_38] : memref<16384xf32, #tpu.memory_space<vmem_shared>> -> memref<1024xf32, #tpu.memory_space<vmem_shared>>
      tpu.wait_dma2 semaphore(%run_scoped3A_54 : memref<!tpu.dma_semaphore, #tpu.memory_space<semaphore_mem>>) src(%arg16 : memref<1024xf32, #tpu.memory_space<vmem>>) dst(%dma_wait3A_56 : memref<1024xf32, #tpu.memory_space<vmem_shared>>)
      tpu.yield
    }) : () -> ()
    %barrier3A_39 = arith.constant 0 : index
    tpu.barrier barrier_id(%barrier3A_39)
    %lt3A_40 = arith.constant 8 : i32
    %lt3A_41 = arith.cmpi slt, %arg1, %lt3A_40 : i32
    %convert_element_type3A_42 = arith.extui %lt3A_41 : i1 to i32
    %cond3A_43 = arith.constant 0 : i32
    %cond3A_44 = arith.cmpi ne, %convert_element_type3A_42, %cond3A_43 : i32
    scf.if %cond3A_44 {
      %mul3A_54 = arith.constant 128 : i32
      %mul3A_55 = arith.muli %mul3A_54, %arg1 : i32
      %add3A = arith.constant 0 : i32
      %add3A_56 = arith.addi %add3A, %mul3A_55 : i32
      "tpu.region"() ({
        %run_scoped3A_509 = tpu.sem_alloc : memref<!tpu.dma_semaphore, #tpu.memory_space<semaphore_mem>>
        %dma_start3A = arith.constant 0 : i32
        %dma_start3A_510 = tpu.memref_slice %arg23[%dma_start3A] : memref<2048xf32, #tpu.memory_space<vmem>> -> memref<128xf32, #tpu.memory_space<vmem>>
        %dma_start3A_511 = tpu.memref_slice %arg28[%add3A_56] : memref<16384xf32, #tpu.memory_space<vmem_shared>> -> memref<128xf32, #tpu.memory_space<vmem_shared>>
        %dma_start3A_512 = arith.constant 0 : i32
        %dma_start3A_513 = tpu.memref_slice %arg23[%dma_start3A_512] : memref<2048xf32, #tpu.memory_space<vmem>> -> memref<128xf32, #tpu.memory_space<vmem>>
        %dma_start3A_514 = tpu.memref_slice %arg28[%add3A_56] : memref<16384xf32, #tpu.memory_space<vmem_shared>> -> memref<128xf32, #tpu.memory_space<vmem_shared>>
        tpu.enqueue_dma source(%dma_start3A_514 : memref<128xf32, #tpu.memory_space<vmem_shared>>) target(%dma_start3A_513 : memref<128xf32, #tpu.memory_space<vmem>>) target_semaphore(%run_scoped3A_509 : memref<!tpu.dma_semaphore, #tpu.memory_space<semaphore_mem>>)
        %dma_wait3A = arith.constant 0 : i32
        %dma_wait3A_515 = tpu.memref_slice %arg23[%dma_wait3A] : memref<2048xf32, #tpu.memory_space<vmem>> -> memref<128xf32, #tpu.memory_space<vmem>>
        %dma_wait3A_516 = tpu.memref_slice %arg28[%add3A_56] : memref<16384xf32, #tpu.memory_space<vmem_shared>> -> memref<128xf32, #tpu.memory_space<vmem_shared>>
        %dma_wait3A_517 = arith.constant 0 : i32
        %dma_wait3A_518 = tpu.memref_slice %arg23[%dma_wait3A_517] : memref<2048xf32, #tpu.memory_space<vmem>> -> memref<128xf32, #tpu.memory_space<vmem>>
        %dma_wait3A_519 = tpu.memref_slice %arg28[%add3A_56] : memref<16384xf32, #tpu.memory_space<vmem_shared>> -> memref<128xf32, #tpu.memory_space<vmem_shared>>
        tpu.wait_dma2 semaphore(%run_scoped3A_509 : memref<!tpu.dma_semaphore, #tpu.memory_space<semaphore_mem>>) src(%dma_wait3A_519 : memref<128xf32, #tpu.memory_space<vmem_shared>>) dst(%dma_wait3A_518 : memref<128xf32, #tpu.memory_space<vmem>>)
        tpu.yield
      }) : () -> ()
      %mul3A_57 = arith.constant 128 : i32
      %mul3A_58 = arith.muli %mul3A_57, %arg1 : i32
      %add3A_59 = arith.constant 1024 : i32
      %add3A_60 = arith.addi %add3A_59, %mul3A_58 : i32
      "tpu.region"() ({
        %run_scoped3A_509 = tpu.sem_alloc : memref<!tpu.dma_semaphore, #tpu.memory_space<semaphore_mem>>
        %dma_start3A = arith.constant 128 : i32
        %dma_start3A_510 = tpu.memref_slice %arg23[%dma_start3A] : memref<2048xf32, #tpu.memory_space<vmem>> -> memref<128xf32, #tpu.memory_space<vmem>>
        %dma_start3A_511 = tpu.memref_slice %arg28[%add3A_60] : memref<16384xf32, #tpu.memory_space<vmem_shared>> -> memref<128xf32, #tpu.memory_space<vmem_shared>>
        %dma_start3A_512 = arith.constant 128 : i32
        %dma_start3A_513 = tpu.memref_slice %arg23[%dma_start3A_512] : memref<2048xf32, #tpu.memory_space<vmem>> -> memref<128xf32, #tpu.memory_space<vmem>>
        %dma_start3A_514 = tpu.memref_slice %arg28[%add3A_60] : memref<16384xf32, #tpu.memory_space<vmem_shared>> -> memref<128xf32, #tpu.memory_space<vmem_shared>>
        tpu.enqueue_dma source(%dma_start3A_514 : memref<128xf32, #tpu.memory_space<vmem_shared>>) target(%dma_start3A_513 : memref<128xf32, #tpu.memory_space<vmem>>) target_semaphore(%run_scoped3A_509 : memref<!tpu.dma_semaphore, #tpu.memory_space<semaphore_mem>>)
        %dma_wait3A = arith.constant 128 : i32
        %dma_wait3A_515 = tpu.memref_slice %arg23[%dma_wait3A] : memref<2048xf32, #tpu.memory_space<vmem>> -> memref<128xf32, #tpu.memory_space<vmem>>
        %dma_wait3A_516 = tpu.memref_slice %arg28[%add3A_60] : memref<16384xf32, #tpu.memory_space<vmem_shared>> -> memref<128xf32, #tpu.memory_space<vmem_shared>>
        %dma_wait3A_517 = arith.constant 128 : i32
        %dma_wait3A_518 = tpu.memref_slice %arg23[%dma_wait3A_517] : memref<2048xf32, #tpu.memory_space<vmem>> -> memref<128xf32, #tpu.memory_space<vmem>>
        %dma_wait3A_519 = tpu.memref_slice %arg28[%add3A_60] : memref<16384xf32, #tpu.memory_space<vmem_shared>> -> memref<128xf32, #tpu.memory_space<vmem_shared>>
        tpu.wait_dma2 semaphore(%run_scoped3A_509 : memref<!tpu.dma_semaphore, #tpu.memory_space<semaphore_mem>>) src(%dma_wait3A_519 : memref<128xf32, #tpu.memory_space<vmem_shared>>) dst(%dma_wait3A_518 : memref<128xf32, #tpu.memory_space<vmem>>)
        tpu.yield
      }) : () -> ()
      %mul3A_61 = arith.constant 128 : i32
      %mul3A_62 = arith.muli %mul3A_61, %arg1 : i32
      %add3A_63 = arith.constant 2048 : i32
      %add3A_64 = arith.addi %add3A_63, %mul3A_62 : i32
      "tpu.region"() ({
        %run_scoped3A_509 = tpu.sem_alloc : memref<!tpu.dma_semaphore, #tpu.memory_space<semaphore_mem>>
        %dma_start3A = arith.constant 256 : i32
        %dma_start3A_510 = tpu.memref_slice %arg23[%dma_start3A] : memref<2048xf32, #tpu.memory_space<vmem>> -> memref<128xf32, #tpu.memory_space<vmem>>
        %dma_start3A_511 = tpu.memref_slice %arg28[%add3A_64] : memref<16384xf32, #tpu.memory_space<vmem_shared>> -> memref<128xf32, #tpu.memory_space<vmem_shared>>
        %dma_start3A_512 = arith.constant 256 : i32
        %dma_start3A_513 = tpu.memref_slice %arg23[%dma_start3A_512] : memref<2048xf32, #tpu.memory_space<vmem>> -> memref<128xf32, #tpu.memory_space<vmem>>
        %dma_start3A_514 = tpu.memref_slice %arg28[%add3A_64] : memref<16384xf32, #tpu.memory_space<vmem_shared>> -> memref<128xf32, #tpu.memory_space<vmem_shared>>
        tpu.enqueue_dma source(%dma_start3A_514 : memref<128xf32, #tpu.memory_space<vmem_shared>>) target(%dma_start3A_513 : memref<128xf32, #tpu.memory_space<vmem>>) target_semaphore(%run_scoped3A_509 : memref<!tpu.dma_semaphore, #tpu.memory_space<semaphore_mem>>)
        %dma_wait3A = arith.constant 256 : i32
        %dma_wait3A_515 = tpu.memref_slice %arg23[%dma_wait3A] : memref<2048xf32, #tpu.memory_space<vmem>> -> memref<128xf32, #tpu.memory_space<vmem>>
        %dma_wait3A_516 = tpu.memref_slice %arg28[%add3A_64] : memref<16384xf32, #tpu.memory_space<vmem_shared>> -> memref<128xf32, #tpu.memory_space<vmem_shared>>
        %dma_wait3A_517 = arith.constant 256 : i32
        %dma_wait3A_518 = tpu.memref_slice %arg23[%dma_wait3A_517] : memref<2048xf32, #tpu.memory_space<vmem>> -> memref<128xf32, #tpu.memory_space<vmem>>
        %dma_wait3A_519 = tpu.memref_slice %arg28[%add3A_64] : memref<16384xf32, #tpu.memory_space<vmem_shared>> -> memref<128xf32, #tpu.memory_space<vmem_shared>>
        tpu.wait_dma2 semaphore(%run_scoped3A_509 : memref<!tpu.dma_semaphore, #tpu.memory_space<semaphore_mem>>) src(%dma_wait3A_519 : memref<128xf32, #tpu.memory_space<vmem_shared>>) dst(%dma_wait3A_518 : memref<128xf32, #tpu.memory_space<vmem>>)
        tpu.yield
      }) : () -> ()
      %mul3A_65 = arith.constant 128 : i32
      %mul3A_66 = arith.muli %mul3A_65, %arg1 : i32
      %add3A_67 = arith.constant 3072 : i32
      %add3A_68 = arith.addi %add3A_67, %mul3A_66 : i32
      "tpu.region"() ({
        %run_scoped3A_509 = tpu.sem_alloc : memref<!tpu.dma_semaphore, #tpu.memory_space<semaphore_mem>>
        %dma_start3A = arith.constant 384 : i32
        %dma_start3A_510 = tpu.memref_slice %arg23[%dma_start3A] : memref<2048xf32, #tpu.memory_space<vmem>> -> memref<128xf32, #tpu.memory_space<vmem>>
        %dma_start3A_511 = tpu.memref_slice %arg28[%add3A_68] : memref<16384xf32, #tpu.memory_space<vmem_shared>> -> memref<128xf32, #tpu.memory_space<vmem_shared>>
        %dma_start3A_512 = arith.constant 384 : i32
        %dma_start3A_513 = tpu.memref_slice %arg23[%dma_start3A_512] : memref<2048xf32, #tpu.memory_space<vmem>> -> memref<128xf32, #tpu.memory_space<vmem>>
        %dma_start3A_514 = tpu.memref_slice %arg28[%add3A_68] : memref<16384xf32, #tpu.memory_space<vmem_shared>> -> memref<128xf32, #tpu.memory_space<vmem_shared>>
        tpu.enqueue_dma source(%dma_start3A_514 : memref<128xf32, #tpu.memory_space<vmem_shared>>) target(%dma_start3A_513 : memref<128xf32, #tpu.memory_space<vmem>>) target_semaphore(%run_scoped3A_509 : memref<!tpu.dma_semaphore, #tpu.memory_space<semaphore_mem>>)
        %dma_wait3A = arith.constant 384 : i32
        %dma_wait3A_515 = tpu.memref_slice %arg23[%dma_wait3A] : memref<2048xf32, #tpu.memory_space<vmem>> -> memref<128xf32, #tpu.memory_space<vmem>>
        %dma_wait3A_516 = tpu.memref_slice %arg28[%add3A_68] : memref<16384xf32, #tpu.memory_space<vmem_shared>> -> memref<128xf32, #tpu.memory_space<vmem_shared>>
        %dma_wait3A_517 = arith.constant 384 : i32
        %dma_wait3A_518 = tpu.memref_slice %arg23[%dma_wait3A_517] : memref<2048xf32, #tpu.memory_space<vmem>> -> memref<128xf32, #tpu.memory_space<vmem>>
        %dma_wait3A_519 = tpu.memref_slice %arg28[%add3A_68] : memref<16384xf32, #tpu.memory_space<vmem_shared>> -> memref<128xf32, #tpu.memory_space<vmem_shared>>
        tpu.wait_dma2 semaphore(%run_scoped3A_509 : memref<!tpu.dma_semaphore, #tpu.memory_space<semaphore_mem>>) src(%dma_wait3A_519 : memref<128xf32, #tpu.memory_space<vmem_shared>>) dst(%dma_wait3A_518 : memref<128xf32, #tpu.memory_space<vmem>>)
        tpu.yield
      }) : () -> ()
      %mul3A_69 = arith.constant 128 : i32
      %mul3A_70 = arith.muli %mul3A_69, %arg1 : i32
      %add3A_71 = arith.constant 4096 : i32
      %add3A_72 = arith.addi %add3A_71, %mul3A_70 : i32
      "tpu.region"() ({
        %run_scoped3A_509 = tpu.sem_alloc : memref<!tpu.dma_semaphore, #tpu.memory_space<semaphore_mem>>
        %dma_start3A = arith.constant 512 : i32
        %dma_start3A_510 = tpu.memref_slice %arg23[%dma_start3A] : memref<2048xf32, #tpu.memory_space<vmem>> -> memref<128xf32, #tpu.memory_space<vmem>>
        %dma_start3A_511 = tpu.memref_slice %arg28[%add3A_72] : memref<16384xf32, #tpu.memory_space<vmem_shared>> -> memref<128xf32, #tpu.memory_space<vmem_shared>>
        %dma_start3A_512 = arith.constant 512 : i32
        %dma_start3A_513 = tpu.memref_slice %arg23[%dma_start3A_512] : memref<2048xf32, #tpu.memory_space<vmem>> -> memref<128xf32, #tpu.memory_space<vmem>>
        %dma_start3A_514 = tpu.memref_slice %arg28[%add3A_72] : memref<16384xf32, #tpu.memory_space<vmem_shared>> -> memref<128xf32, #tpu.memory_space<vmem_shared>>
        tpu.enqueue_dma source(%dma_start3A_514 : memref<128xf32, #tpu.memory_space<vmem_shared>>) target(%dma_start3A_513 : memref<128xf32, #tpu.memory_space<vmem>>) target_semaphore(%run_scoped3A_509 : memref<!tpu.dma_semaphore, #tpu.memory_space<semaphore_mem>>)
        %dma_wait3A = arith.constant 512 : i32
        %dma_wait3A_515 = tpu.memref_slice %arg23[%dma_wait3A] : memref<2048xf32, #tpu.memory_space<vmem>> -> memref<128xf32, #tpu.memory_space<vmem>>
        %dma_wait3A_516 = tpu.memref_slice %arg28[%add3A_72] : memref<16384xf32, #tpu.memory_space<vmem_shared>> -> memref<128xf32, #tpu.memory_space<vmem_shared>>
        %dma_wait3A_517 = arith.constant 512 : i32
        %dma_wait3A_518 = tpu.memref_slice %arg23[%dma_wait3A_517] : memref<2048xf32, #tpu.memory_space<vmem>> -> memref<128xf32, #tpu.memory_space<vmem>>
        %dma_wait3A_519 = tpu.memref_slice %arg28[%add3A_72] : memref<16384xf32, #tpu.memory_space<vmem_shared>> -> memref<128xf32, #tpu.memory_space<vmem_shared>>
        tpu.wait_dma2 semaphore(%run_scoped3A_509 : memref<!tpu.dma_semaphore, #tpu.memory_space<semaphore_mem>>) src(%dma_wait3A_519 : memref<128xf32, #tpu.memory_space<vmem_shared>>) dst(%dma_wait3A_518 : memref<128xf32, #tpu.memory_space<vmem>>)
        tpu.yield
      }) : () -> ()
      %mul3A_73 = arith.constant 128 : i32
      %mul3A_74 = arith.muli %mul3A_73, %arg1 : i32
      %add3A_75 = arith.constant 5120 : i32
      %add3A_76 = arith.addi %add3A_75, %mul3A_74 : i32
      "tpu.region"() ({
        %run_scoped3A_509 = tpu.sem_alloc : memref<!tpu.dma_semaphore, #tpu.memory_space<semaphore_mem>>
        %dma_start3A = arith.constant 640 : i32
        %dma_start3A_510 = tpu.memref_slice %arg23[%dma_start3A] : memref<2048xf32, #tpu.memory_space<vmem>> -> memref<128xf32, #tpu.memory_space<vmem>>
        %dma_start3A_511 = tpu.memref_slice %arg28[%add3A_76] : memref<16384xf32, #tpu.memory_space<vmem_shared>> -> memref<128xf32, #tpu.memory_space<vmem_shared>>
        %dma_start3A_512 = arith.constant 640 : i32
        %dma_start3A_513 = tpu.memref_slice %arg23[%dma_start3A_512] : memref<2048xf32, #tpu.memory_space<vmem>> -> memref<128xf32, #tpu.memory_space<vmem>>
        %dma_start3A_514 = tpu.memref_slice %arg28[%add3A_76] : memref<16384xf32, #tpu.memory_space<vmem_shared>> -> memref<128xf32, #tpu.memory_space<vmem_shared>>
        tpu.enqueue_dma source(%dma_start3A_514 : memref<128xf32, #tpu.memory_space<vmem_shared>>) target(%dma_start3A_513 : memref<128xf32, #tpu.memory_space<vmem>>) target_semaphore(%run_scoped3A_509 : memref<!tpu.dma_semaphore, #tpu.memory_space<semaphore_mem>>)
        %dma_wait3A = arith.constant 640 : i32
        %dma_wait3A_515 = tpu.memref_slice %arg23[%dma_wait3A] : memref<2048xf32, #tpu.memory_space<vmem>> -> memref<128xf32, #tpu.memory_space<vmem>>
        %dma_wait3A_516 = tpu.memref_slice %arg28[%add3A_76] : memref<16384xf32, #tpu.memory_space<vmem_shared>> -> memref<128xf32, #tpu.memory_space<vmem_shared>>
        %dma_wait3A_517 = arith.constant 640 : i32
        %dma_wait3A_518 = tpu.memref_slice %arg23[%dma_wait3A_517] : memref<2048xf32, #tpu.memory_space<vmem>> -> memref<128xf32, #tpu.memory_space<vmem>>
        %dma_wait3A_519 = tpu.memref_slice %arg28[%add3A_76] : memref<16384xf32, #tpu.memory_space<vmem_shared>> -> memref<128xf32, #tpu.memory_space<vmem_shared>>
        tpu.wait_dma2 semaphore(%run_scoped3A_509 : memref<!tpu.dma_semaphore, #tpu.memory_space<semaphore_mem>>) src(%dma_wait3A_519 : memref<128xf32, #tpu.memory_space<vmem_shared>>) dst(%dma_wait3A_518 : memref<128xf32, #tpu.memory_space<vmem>>)
        tpu.yield
      }) : () -> ()
      %mul3A_77 = arith.constant 128 : i32
      %mul3A_78 = arith.muli %mul3A_77, %arg1 : i32
      %add3A_79 = arith.constant 6144 : i32
      %add3A_80 = arith.addi %add3A_79, %mul3A_78 : i32
      "tpu.region"() ({
        %run_scoped3A_509 = tpu.sem_alloc : memref<!tpu.dma_semaphore, #tpu.memory_space<semaphore_mem>>
        %dma_start3A = arith.constant 768 : i32
        %dma_start3A_510 = tpu.memref_slice %arg23[%dma_start3A] : memref<2048xf32, #tpu.memory_space<vmem>> -> memref<128xf32, #tpu.memory_space<vmem>>
        %dma_start3A_511 = tpu.memref_slice %arg28[%add3A_80] : memref<16384xf32, #tpu.memory_space<vmem_shared>> -> memref<128xf32, #tpu.memory_space<vmem_shared>>
        %dma_start3A_512 = arith.constant 768 : i32
        %dma_start3A_513 = tpu.memref_slice %arg23[%dma_start3A_512] : memref<2048xf32, #tpu.memory_space<vmem>> -> memref<128xf32, #tpu.memory_space<vmem>>
        %dma_start3A_514 = tpu.memref_slice %arg28[%add3A_80] : memref<16384xf32, #tpu.memory_space<vmem_shared>> -> memref<128xf32, #tpu.memory_space<vmem_shared>>
        tpu.enqueue_dma source(%dma_start3A_514 : memref<128xf32, #tpu.memory_space<vmem_shared>>) target(%dma_start3A_513 : memref<128xf32, #tpu.memory_space<vmem>>) target_semaphore(%run_scoped3A_509 : memref<!tpu.dma_semaphore, #tpu.memory_space<semaphore_mem>>)
        %dma_wait3A = arith.constant 768 : i32
        %dma_wait3A_515 = tpu.memref_slice %arg23[%dma_wait3A] : memref<2048xf32, #tpu.memory_space<vmem>> -> memref<128xf32, #tpu.memory_space<vmem>>
        %dma_wait3A_516 = tpu.memref_slice %arg28[%add3A_80] : memref<16384xf32, #tpu.memory_space<vmem_shared>> -> memref<128xf32, #tpu.memory_space<vmem_shared>>
        %dma_wait3A_517 = arith.constant 768 : i32
        %dma_wait3A_518 = tpu.memref_slice %arg23[%dma_wait3A_517] : memref<2048xf32, #tpu.memory_space<vmem>> -> memref<128xf32, #tpu.memory_space<vmem>>
        %dma_wait3A_519 = tpu.memref_slice %arg28[%add3A_80] : memref<16384xf32, #tpu.memory_space<vmem_shared>> -> memref<128xf32, #tpu.memory_space<vmem_shared>>
        tpu.wait_dma2 semaphore(%run_scoped3A_509 : memref<!tpu.dma_semaphore, #tpu.memory_space<semaphore_mem>>) src(%dma_wait3A_519 : memref<128xf32, #tpu.memory_space<vmem_shared>>) dst(%dma_wait3A_518 : memref<128xf32, #tpu.memory_space<vmem>>)
        tpu.yield
      }) : () -> ()
      %mul3A_81 = arith.constant 128 : i32
      %mul3A_82 = arith.muli %mul3A_81, %arg1 : i32
      %add3A_83 = arith.constant 7168 : i32
      %add3A_84 = arith.addi %add3A_83, %mul3A_82 : i32
      "tpu.region"() ({
        %run_scoped3A_509 = tpu.sem_alloc : memref<!tpu.dma_semaphore, #tpu.memory_space<semaphore_mem>>
        %dma_start3A = arith.constant 896 : i32
        %dma_start3A_510 = tpu.memref_slice %arg23[%dma_start3A] : memref<2048xf32, #tpu.memory_space<vmem>> -> memref<128xf32, #tpu.memory_space<vmem>>
        %dma_start3A_511 = tpu.memref_slice %arg28[%add3A_84] : memref<16384xf32, #tpu.memory_space<vmem_shared>> -> memref<128xf32, #tpu.memory_space<vmem_shared>>
        %dma_start3A_512 = arith.constant 896 : i32
        %dma_start3A_513 = tpu.memref_slice %arg23[%dma_start3A_512] : memref<2048xf32, #tpu.memory_space<vmem>> -> memref<128xf32, #tpu.memory_space<vmem>>
        %dma_start3A_514 = tpu.memref_slice %arg28[%add3A_84] : memref<16384xf32, #tpu.memory_space<vmem_shared>> -> memref<128xf32, #tpu.memory_space<vmem_shared>>
        tpu.enqueue_dma source(%dma_start3A_514 : memref<128xf32, #tpu.memory_space<vmem_shared>>) target(%dma_start3A_513 : memref<128xf32, #tpu.memory_space<vmem>>) target_semaphore(%run_scoped3A_509 : memref<!tpu.dma_semaphore, #tpu.memory_space<semaphore_mem>>)
        %dma_wait3A = arith.constant 896 : i32
        %dma_wait3A_515 = tpu.memref_slice %arg23[%dma_wait3A] : memref<2048xf32, #tpu.memory_space<vmem>> -> memref<128xf32, #tpu.memory_space<vmem>>
        %dma_wait3A_516 = tpu.memref_slice %arg28[%add3A_84] : memref<16384xf32, #tpu.memory_space<vmem_shared>> -> memref<128xf32, #tpu.memory_space<vmem_shared>>
        %dma_wait3A_517 = arith.constant 896 : i32
        %dma_wait3A_518 = tpu.memref_slice %arg23[%dma_wait3A_517] : memref<2048xf32, #tpu.memory_space<vmem>> -> memref<128xf32, #tpu.memory_space<vmem>>
        %dma_wait3A_519 = tpu.memref_slice %arg28[%add3A_84] : memref<16384xf32, #tpu.memory_space<vmem_shared>> -> memref<128xf32, #tpu.memory_space<vmem_shared>>
        tpu.wait_dma2 semaphore(%run_scoped3A_509 : memref<!tpu.dma_semaphore, #tpu.memory_space<semaphore_mem>>) src(%dma_wait3A_519 : memref<128xf32, #tpu.memory_space<vmem_shared>>) dst(%dma_wait3A_518 : memref<128xf32, #tpu.memory_space<vmem>>)
        tpu.yield
      }) : () -> ()
      %mul3A_85 = arith.constant 128 : i32
      %mul3A_86 = arith.muli %mul3A_85, %arg1 : i32
      %add3A_87 = arith.constant 8192 : i32
      %add3A_88 = arith.addi %add3A_87, %mul3A_86 : i32
      "tpu.region"() ({
        %run_scoped3A_509 = tpu.sem_alloc : memref<!tpu.dma_semaphore, #tpu.memory_space<semaphore_mem>>
        %dma_start3A = arith.constant 1024 : i32
        %dma_start3A_510 = tpu.memref_slice %arg23[%dma_start3A] : memref<2048xf32, #tpu.memory_space<vmem>> -> memref<128xf32, #tpu.memory_space<vmem>>
        %dma_start3A_511 = tpu.memref_slice %arg28[%add3A_88] : memref<16384xf32, #tpu.memory_space<vmem_shared>> -> memref<128xf32, #tpu.memory_space<vmem_shared>>
        %dma_start3A_512 = arith.constant 1024 : i32
        %dma_start3A_513 = tpu.memref_slice %arg23[%dma_start3A_512] : memref<2048xf32, #tpu.memory_space<vmem>> -> memref<128xf32, #tpu.memory_space<vmem>>
        %dma_start3A_514 = tpu.memref_slice %arg28[%add3A_88] : memref<16384xf32, #tpu.memory_space<vmem_shared>> -> memref<128xf32, #tpu.memory_space<vmem_shared>>
        tpu.enqueue_dma source(%dma_start3A_514 : memref<128xf32, #tpu.memory_space<vmem_shared>>) target(%dma_start3A_513 : memref<128xf32, #tpu.memory_space<vmem>>) target_semaphore(%run_scoped3A_509 : memref<!tpu.dma_semaphore, #tpu.memory_space<semaphore_mem>>)
        %dma_wait3A = arith.constant 1024 : i32
        %dma_wait3A_515 = tpu.memref_slice %arg23[%dma_wait3A] : memref<2048xf32, #tpu.memory_space<vmem>> -> memref<128xf32, #tpu.memory_space<vmem>>
        %dma_wait3A_516 = tpu.memref_slice %arg28[%add3A_88] : memref<16384xf32, #tpu.memory_space<vmem_shared>> -> memref<128xf32, #tpu.memory_space<vmem_shared>>
        %dma_wait3A_517 = arith.constant 1024 : i32
        %dma_wait3A_518 = tpu.memref_slice %arg23[%dma_wait3A_517] : memref<2048xf32, #tpu.memory_space<vmem>> -> memref<128xf32, #tpu.memory_space<vmem>>
        %dma_wait3A_519 = tpu.memref_slice %arg28[%add3A_88] : memref<16384xf32, #tpu.memory_space<vmem_shared>> -> memref<128xf32, #tpu.memory_space<vmem_shared>>
        tpu.wait_dma2 semaphore(%run_scoped3A_509 : memref<!tpu.dma_semaphore, #tpu.memory_space<semaphore_mem>>) src(%dma_wait3A_519 : memref<128xf32, #tpu.memory_space<vmem_shared>>) dst(%dma_wait3A_518 : memref<128xf32, #tpu.memory_space<vmem>>)
        tpu.yield
      }) : () -> ()
      %mul3A_89 = arith.constant 128 : i32
      %mul3A_90 = arith.muli %mul3A_89, %arg1 : i32
      %add3A_91 = arith.constant 9216 : i32
      %add3A_92 = arith.addi %add3A_91, %mul3A_90 : i32
      "tpu.region"() ({
        %run_scoped3A_509 = tpu.sem_alloc : memref<!tpu.dma_semaphore, #tpu.memory_space<semaphore_mem>>
        %dma_start3A = arith.constant 1152 : i32
        %dma_start3A_510 = tpu.memref_slice %arg23[%dma_start3A] : memref<2048xf32, #tpu.memory_space<vmem>> -> memref<128xf32, #tpu.memory_space<vmem>>
        %dma_start3A_511 = tpu.memref_slice %arg28[%add3A_92] : memref<16384xf32, #tpu.memory_space<vmem_shared>> -> memref<128xf32, #tpu.memory_space<vmem_shared>>
        %dma_start3A_512 = arith.constant 1152 : i32
        %dma_start3A_513 = tpu.memref_slice %arg23[%dma_start3A_512] : memref<2048xf32, #tpu.memory_space<vmem>> -> memref<128xf32, #tpu.memory_space<vmem>>
        %dma_start3A_514 = tpu.memref_slice %arg28[%add3A_92] : memref<16384xf32, #tpu.memory_space<vmem_shared>> -> memref<128xf32, #tpu.memory_space<vmem_shared>>
        tpu.enqueue_dma source(%dma_start3A_514 : memref<128xf32, #tpu.memory_space<vmem_shared>>) target(%dma_start3A_513 : memref<128xf32, #tpu.memory_space<vmem>>) target_semaphore(%run_scoped3A_509 : memref<!tpu.dma_semaphore, #tpu.memory_space<semaphore_mem>>)
        %dma_wait3A = arith.constant 1152 : i32
        %dma_wait3A_515 = tpu.memref_slice %arg23[%dma_wait3A] : memref<2048xf32, #tpu.memory_space<vmem>> -> memref<128xf32, #tpu.memory_space<vmem>>
        %dma_wait3A_516 = tpu.memref_slice %arg28[%add3A_92] : memref<16384xf32, #tpu.memory_space<vmem_shared>> -> memref<128xf32, #tpu.memory_space<vmem_shared>>
        %dma_wait3A_517 = arith.constant 1152 : i32
        %dma_wait3A_518 = tpu.memref_slice %arg23[%dma_wait3A_517] : memref<2048xf32, #tpu.memory_space<vmem>> -> memref<128xf32, #tpu.memory_space<vmem>>
        %dma_wait3A_519 = tpu.memref_slice %arg28[%add3A_92] : memref<16384xf32, #tpu.memory_space<vmem_shared>> -> memref<128xf32, #tpu.memory_space<vmem_shared>>
        tpu.wait_dma2 semaphore(%run_scoped3A_509 : memref<!tpu.dma_semaphore, #tpu.memory_space<semaphore_mem>>) src(%dma_wait3A_519 : memref<128xf32, #tpu.memory_space<vmem_shared>>) dst(%dma_wait3A_518 : memref<128xf32, #tpu.memory_space<vmem>>)
        tpu.yield
      }) : () -> ()
      %mul3A_93 = arith.constant 128 : i32
      %mul3A_94 = arith.muli %mul3A_93, %arg1 : i32
      %add3A_95 = arith.constant 10240 : i32
      %add3A_96 = arith.addi %add3A_95, %mul3A_94 : i32
      "tpu.region"() ({
        %run_scoped3A_509 = tpu.sem_alloc : memref<!tpu.dma_semaphore, #tpu.memory_space<semaphore_mem>>
        %dma_start3A = arith.constant 1280 : i32
        %dma_start3A_510 = tpu.memref_slice %arg23[%dma_start3A] : memref<2048xf32, #tpu.memory_space<vmem>> -> memref<128xf32, #tpu.memory_space<vmem>>
        %dma_start3A_511 = tpu.memref_slice %arg28[%add3A_96] : memref<16384xf32, #tpu.memory_space<vmem_shared>> -> memref<128xf32, #tpu.memory_space<vmem_shared>>
        %dma_start3A_512 = arith.constant 1280 : i32
        %dma_start3A_513 = tpu.memref_slice %arg23[%dma_start3A_512] : memref<2048xf32, #tpu.memory_space<vmem>> -> memref<128xf32, #tpu.memory_space<vmem>>
        %dma_start3A_514 = tpu.memref_slice %arg28[%add3A_96] : memref<16384xf32, #tpu.memory_space<vmem_shared>> -> memref<128xf32, #tpu.memory_space<vmem_shared>>
        tpu.enqueue_dma source(%dma_start3A_514 : memref<128xf32, #tpu.memory_space<vmem_shared>>) target(%dma_start3A_513 : memref<128xf32, #tpu.memory_space<vmem>>) target_semaphore(%run_scoped3A_509 : memref<!tpu.dma_semaphore, #tpu.memory_space<semaphore_mem>>)
        %dma_wait3A = arith.constant 1280 : i32
        %dma_wait3A_515 = tpu.memref_slice %arg23[%dma_wait3A] : memref<2048xf32, #tpu.memory_space<vmem>> -> memref<128xf32, #tpu.memory_space<vmem>>
        %dma_wait3A_516 = tpu.memref_slice %arg28[%add3A_96] : memref<16384xf32, #tpu.memory_space<vmem_shared>> -> memref<128xf32, #tpu.memory_space<vmem_shared>>
        %dma_wait3A_517 = arith.constant 1280 : i32
        %dma_wait3A_518 = tpu.memref_slice %arg23[%dma_wait3A_517] : memref<2048xf32, #tpu.memory_space<vmem>> -> memref<128xf32, #tpu.memory_space<vmem>>
        %dma_wait3A_519 = tpu.memref_slice %arg28[%add3A_96] : memref<16384xf32, #tpu.memory_space<vmem_shared>> -> memref<128xf32, #tpu.memory_space<vmem_shared>>
        tpu.wait_dma2 semaphore(%run_scoped3A_509 : memref<!tpu.dma_semaphore, #tpu.memory_space<semaphore_mem>>) src(%dma_wait3A_519 : memref<128xf32, #tpu.memory_space<vmem_shared>>) dst(%dma_wait3A_518 : memref<128xf32, #tpu.memory_space<vmem>>)
        tpu.yield
      }) : () -> ()
      %mul3A_97 = arith.constant 128 : i32
      %mul3A_98 = arith.muli %mul3A_97, %arg1 : i32
      %add3A_99 = arith.constant 11264 : i32
      %add3A_100 = arith.addi %add3A_99, %mul3A_98 : i32
      "tpu.region"() ({
        %run_scoped3A_509 = tpu.sem_alloc : memref<!tpu.dma_semaphore, #tpu.memory_space<semaphore_mem>>
        %dma_start3A = arith.constant 1408 : i32
        %dma_start3A_510 = tpu.memref_slice %arg23[%dma_start3A] : memref<2048xf32, #tpu.memory_space<vmem>> -> memref<128xf32, #tpu.memory_space<vmem>>
        %dma_start3A_511 = tpu.memref_slice %arg28[%add3A_100] : memref<16384xf32, #tpu.memory_space<vmem_shared>> -> memref<128xf32, #tpu.memory_space<vmem_shared>>
        %dma_start3A_512 = arith.constant 1408 : i32
        %dma_start3A_513 = tpu.memref_slice %arg23[%dma_start3A_512] : memref<2048xf32, #tpu.memory_space<vmem>> -> memref<128xf32, #tpu.memory_space<vmem>>
        %dma_start3A_514 = tpu.memref_slice %arg28[%add3A_100] : memref<16384xf32, #tpu.memory_space<vmem_shared>> -> memref<128xf32, #tpu.memory_space<vmem_shared>>
        tpu.enqueue_dma source(%dma_start3A_514 : memref<128xf32, #tpu.memory_space<vmem_shared>>) target(%dma_start3A_513 : memref<128xf32, #tpu.memory_space<vmem>>) target_semaphore(%run_scoped3A_509 : memref<!tpu.dma_semaphore, #tpu.memory_space<semaphore_mem>>)
        %dma_wait3A = arith.constant 1408 : i32
        %dma_wait3A_515 = tpu.memref_slice %arg23[%dma_wait3A] : memref<2048xf32, #tpu.memory_space<vmem>> -> memref<128xf32, #tpu.memory_space<vmem>>
        %dma_wait3A_516 = tpu.memref_slice %arg28[%add3A_100] : memref<16384xf32, #tpu.memory_space<vmem_shared>> -> memref<128xf32, #tpu.memory_space<vmem_shared>>
        %dma_wait3A_517 = arith.constant 1408 : i32
        %dma_wait3A_518 = tpu.memref_slice %arg23[%dma_wait3A_517] : memref<2048xf32, #tpu.memory_space<vmem>> -> memref<128xf32, #tpu.memory_space<vmem>>
        %dma_wait3A_519 = tpu.memref_slice %arg28[%add3A_100] : memref<16384xf32, #tpu.memory_space<vmem_shared>> -> memref<128xf32, #tpu.memory_space<vmem_shared>>
        tpu.wait_dma2 semaphore(%run_scoped3A_509 : memref<!tpu.dma_semaphore, #tpu.memory_space<semaphore_mem>>) src(%dma_wait3A_519 : memref<128xf32, #tpu.memory_space<vmem_shared>>) dst(%dma_wait3A_518 : memref<128xf32, #tpu.memory_space<vmem>>)
        tpu.yield
      }) : () -> ()
      %mul3A_101 = arith.constant 128 : i32
      %mul3A_102 = arith.muli %mul3A_101, %arg1 : i32
      %add3A_103 = arith.constant 12288 : i32
      %add3A_104 = arith.addi %add3A_103, %mul3A_102 : i32
      "tpu.region"() ({
        %run_scoped3A_509 = tpu.sem_alloc : memref<!tpu.dma_semaphore, #tpu.memory_space<semaphore_mem>>
        %dma_start3A = arith.constant 1536 : i32
        %dma_start3A_510 = tpu.memref_slice %arg23[%dma_start3A] : memref<2048xf32, #tpu.memory_space<vmem>> -> memref<128xf32, #tpu.memory_space<vmem>>
        %dma_start3A_511 = tpu.memref_slice %arg28[%add3A_104] : memref<16384xf32, #tpu.memory_space<vmem_shared>> -> memref<128xf32, #tpu.memory_space<vmem_shared>>
        %dma_start3A_512 = arith.constant 1536 : i32
        %dma_start3A_513 = tpu.memref_slice %arg23[%dma_start3A_512] : memref<2048xf32, #tpu.memory_space<vmem>> -> memref<128xf32, #tpu.memory_space<vmem>>
        %dma_start3A_514 = tpu.memref_slice %arg28[%add3A_104] : memref<16384xf32, #tpu.memory_space<vmem_shared>> -> memref<128xf32, #tpu.memory_space<vmem_shared>>
        tpu.enqueue_dma source(%dma_start3A_514 : memref<128xf32, #tpu.memory_space<vmem_shared>>) target(%dma_start3A_513 : memref<128xf32, #tpu.memory_space<vmem>>) target_semaphore(%run_scoped3A_509 : memref<!tpu.dma_semaphore, #tpu.memory_space<semaphore_mem>>)
        %dma_wait3A = arith.constant 1536 : i32
        %dma_wait3A_515 = tpu.memref_slice %arg23[%dma_wait3A] : memref<2048xf32, #tpu.memory_space<vmem>> -> memref<128xf32, #tpu.memory_space<vmem>>
        %dma_wait3A_516 = tpu.memref_slice %arg28[%add3A_104] : memref<16384xf32, #tpu.memory_space<vmem_shared>> -> memref<128xf32, #tpu.memory_space<vmem_shared>>
        %dma_wait3A_517 = arith.constant 1536 : i32
        %dma_wait3A_518 = tpu.memref_slice %arg23[%dma_wait3A_517] : memref<2048xf32, #tpu.memory_space<vmem>> -> memref<128xf32, #tpu.memory_space<vmem>>
        %dma_wait3A_519 = tpu.memref_slice %arg28[%add3A_104] : memref<16384xf32, #tpu.memory_space<vmem_shared>> -> memref<128xf32, #tpu.memory_space<vmem_shared>>
        tpu.wait_dma2 semaphore(%run_scoped3A_509 : memref<!tpu.dma_semaphore, #tpu.memory_space<semaphore_mem>>) src(%dma_wait3A_519 : memref<128xf32, #tpu.memory_space<vmem_shared>>) dst(%dma_wait3A_518 : memref<128xf32, #tpu.memory_space<vmem>>)
        tpu.yield
      }) : () -> ()
      %mul3A_105 = arith.constant 128 : i32
      %mul3A_106 = arith.muli %mul3A_105, %arg1 : i32
      %add3A_107 = arith.constant 13312 : i32
      %add3A_108 = arith.addi %add3A_107, %mul3A_106 : i32
      "tpu.region"() ({
        %run_scoped3A_509 = tpu.sem_alloc : memref<!tpu.dma_semaphore, #tpu.memory_space<semaphore_mem>>
        %dma_start3A = arith.constant 1664 : i32
        %dma_start3A_510 = tpu.memref_slice %arg23[%dma_start3A] : memref<2048xf32, #tpu.memory_space<vmem>> -> memref<128xf32, #tpu.memory_space<vmem>>
        %dma_start3A_511 = tpu.memref_slice %arg28[%add3A_108] : memref<16384xf32, #tpu.memory_space<vmem_shared>> -> memref<128xf32, #tpu.memory_space<vmem_shared>>
        %dma_start3A_512 = arith.constant 1664 : i32
        %dma_start3A_513 = tpu.memref_slice %arg23[%dma_start3A_512] : memref<2048xf32, #tpu.memory_space<vmem>> -> memref<128xf32, #tpu.memory_space<vmem>>
        %dma_start3A_514 = tpu.memref_slice %arg28[%add3A_108] : memref<16384xf32, #tpu.memory_space<vmem_shared>> -> memref<128xf32, #tpu.memory_space<vmem_shared>>
        tpu.enqueue_dma source(%dma_start3A_514 : memref<128xf32, #tpu.memory_space<vmem_shared>>) target(%dma_start3A_513 : memref<128xf32, #tpu.memory_space<vmem>>) target_semaphore(%run_scoped3A_509 : memref<!tpu.dma_semaphore, #tpu.memory_space<semaphore_mem>>)
        %dma_wait3A = arith.constant 1664 : i32
        %dma_wait3A_515 = tpu.memref_slice %arg23[%dma_wait3A] : memref<2048xf32, #tpu.memory_space<vmem>> -> memref<128xf32, #tpu.memory_space<vmem>>
        %dma_wait3A_516 = tpu.memref_slice %arg28[%add3A_108] : memref<16384xf32, #tpu.memory_space<vmem_shared>> -> memref<128xf32, #tpu.memory_space<vmem_shared>>
        %dma_wait3A_517 = arith.constant 1664 : i32
        %dma_wait3A_518 = tpu.memref_slice %arg23[%dma_wait3A_517] : memref<2048xf32, #tpu.memory_space<vmem>> -> memref<128xf32, #tpu.memory_space<vmem>>
        %dma_wait3A_519 = tpu.memref_slice %arg28[%add3A_108] : memref<16384xf32, #tpu.memory_space<vmem_shared>> -> memref<128xf32, #tpu.memory_space<vmem_shared>>
        tpu.wait_dma2 semaphore(%run_scoped3A_509 : memref<!tpu.dma_semaphore, #tpu.memory_space<semaphore_mem>>) src(%dma_wait3A_519 : memref<128xf32, #tpu.memory_space<vmem_shared>>) dst(%dma_wait3A_518 : memref<128xf32, #tpu.memory_space<vmem>>)
        tpu.yield
      }) : () -> ()
      %mul3A_109 = arith.constant 128 : i32
      %mul3A_110 = arith.muli %mul3A_109, %arg1 : i32
      %add3A_111 = arith.constant 14336 : i32
      %add3A_112 = arith.addi %add3A_111, %mul3A_110 : i32
      "tpu.region"() ({
        %run_scoped3A_509 = tpu.sem_alloc : memref<!tpu.dma_semaphore, #tpu.memory_space<semaphore_mem>>
        %dma_start3A = arith.constant 1792 : i32
        %dma_start3A_510 = tpu.memref_slice %arg23[%dma_start3A] : memref<2048xf32, #tpu.memory_space<vmem>> -> memref<128xf32, #tpu.memory_space<vmem>>
        %dma_start3A_511 = tpu.memref_slice %arg28[%add3A_112] : memref<16384xf32, #tpu.memory_space<vmem_shared>> -> memref<128xf32, #tpu.memory_space<vmem_shared>>
        %dma_start3A_512 = arith.constant 1792 : i32
        %dma_start3A_513 = tpu.memref_slice %arg23[%dma_start3A_512] : memref<2048xf32, #tpu.memory_space<vmem>> -> memref<128xf32, #tpu.memory_space<vmem>>
        %dma_start3A_514 = tpu.memref_slice %arg28[%add3A_112] : memref<16384xf32, #tpu.memory_space<vmem_shared>> -> memref<128xf32, #tpu.memory_space<vmem_shared>>
        tpu.enqueue_dma source(%dma_start3A_514 : memref<128xf32, #tpu.memory_space<vmem_shared>>) target(%dma_start3A_513 : memref<128xf32, #tpu.memory_space<vmem>>) target_semaphore(%run_scoped3A_509 : memref<!tpu.dma_semaphore, #tpu.memory_space<semaphore_mem>>)
        %dma_wait3A = arith.constant 1792 : i32
        %dma_wait3A_515 = tpu.memref_slice %arg23[%dma_wait3A] : memref<2048xf32, #tpu.memory_space<vmem>> -> memref<128xf32, #tpu.memory_space<vmem>>
        %dma_wait3A_516 = tpu.memref_slice %arg28[%add3A_112] : memref<16384xf32, #tpu.memory_space<vmem_shared>> -> memref<128xf32, #tpu.memory_space<vmem_shared>>
        %dma_wait3A_517 = arith.constant 1792 : i32
        %dma_wait3A_518 = tpu.memref_slice %arg23[%dma_wait3A_517] : memref<2048xf32, #tpu.memory_space<vmem>> -> memref<128xf32, #tpu.memory_space<vmem>>
        %dma_wait3A_519 = tpu.memref_slice %arg28[%add3A_112] : memref<16384xf32, #tpu.memory_space<vmem_shared>> -> memref<128xf32, #tpu.memory_space<vmem_shared>>
        tpu.wait_dma2 semaphore(%run_scoped3A_509 : memref<!tpu.dma_semaphore, #tpu.memory_space<semaphore_mem>>) src(%dma_wait3A_519 : memref<128xf32, #tpu.memory_space<vmem_shared>>) dst(%dma_wait3A_518 : memref<128xf32, #tpu.memory_space<vmem>>)
        tpu.yield
      }) : () -> ()
      %mul3A_113 = arith.constant 128 : i32
      %mul3A_114 = arith.muli %mul3A_113, %arg1 : i32
      %add3A_115 = arith.constant 15360 : i32
      %add3A_116 = arith.addi %add3A_115, %mul3A_114 : i32
      "tpu.region"() ({
        %run_scoped3A_509 = tpu.sem_alloc : memref<!tpu.dma_semaphore, #tpu.memory_space<semaphore_mem>>
        %dma_start3A = arith.constant 1920 : i32
        %dma_start3A_510 = tpu.memref_slice %arg23[%dma_start3A] : memref<2048xf32, #tpu.memory_space<vmem>> -> memref<128xf32, #tpu.memory_space<vmem>>
        %dma_start3A_511 = tpu.memref_slice %arg28[%add3A_116] : memref<16384xf32, #tpu.memory_space<vmem_shared>> -> memref<128xf32, #tpu.memory_space<vmem_shared>>
        %dma_start3A_512 = arith.constant 1920 : i32
        %dma_start3A_513 = tpu.memref_slice %arg23[%dma_start3A_512] : memref<2048xf32, #tpu.memory_space<vmem>> -> memref<128xf32, #tpu.memory_space<vmem>>
        %dma_start3A_514 = tpu.memref_slice %arg28[%add3A_116] : memref<16384xf32, #tpu.memory_space<vmem_shared>> -> memref<128xf32, #tpu.memory_space<vmem_shared>>
        tpu.enqueue_dma source(%dma_start3A_514 : memref<128xf32, #tpu.memory_space<vmem_shared>>) target(%dma_start3A_513 : memref<128xf32, #tpu.memory_space<vmem>>) target_semaphore(%run_scoped3A_509 : memref<!tpu.dma_semaphore, #tpu.memory_space<semaphore_mem>>)
        %dma_wait3A = arith.constant 1920 : i32
        %dma_wait3A_515 = tpu.memref_slice %arg23[%dma_wait3A] : memref<2048xf32, #tpu.memory_space<vmem>> -> memref<128xf32, #tpu.memory_space<vmem>>
        %dma_wait3A_516 = tpu.memref_slice %arg28[%add3A_116] : memref<16384xf32, #tpu.memory_space<vmem_shared>> -> memref<128xf32, #tpu.memory_space<vmem_shared>>
        %dma_wait3A_517 = arith.constant 1920 : i32
        %dma_wait3A_518 = tpu.memref_slice %arg23[%dma_wait3A_517] : memref<2048xf32, #tpu.memory_space<vmem>> -> memref<128xf32, #tpu.memory_space<vmem>>
        %dma_wait3A_519 = tpu.memref_slice %arg28[%add3A_116] : memref<16384xf32, #tpu.memory_space<vmem_shared>> -> memref<128xf32, #tpu.memory_space<vmem_shared>>
        tpu.wait_dma2 semaphore(%run_scoped3A_509 : memref<!tpu.dma_semaphore, #tpu.memory_space<semaphore_mem>>) src(%dma_wait3A_519 : memref<128xf32, #tpu.memory_space<vmem_shared>>) dst(%dma_wait3A_518 : memref<128xf32, #tpu.memory_space<vmem>>)
        tpu.yield
      }) : () -> ()
      %get3A = arith.constant 0 : index
      %get3A_117 = tpu.vector_load %arg23[%get3A] {strides = array<i32>} : memref<2048xf32, #tpu.memory_space<vmem>>, vector<16xf32>,
      %get3A_118 = arith.constant 128 : index
      %get3A_119 = tpu.vector_load %arg23[%get3A_118] {strides = array<i32>} : memref<2048xf32, #tpu.memory_space<vmem>>, vector<16xf32>,
      %add3A_120 = arith.addf %get3A_117, %get3A_119 : vector<16xf32>
      %get3A_121 = arith.constant 256 : index
      %get3A_122 = tpu.vector_load %arg23[%get3A_121] {strides = array<i32>} : memref<2048xf32, #tpu.memory_space<vmem>>, vector<16xf32>,
      %add3A_123 = arith.addf %add3A_120, %get3A_122 : vector<16xf32>
      %get3A_124 = arith.constant 384 : index
      %get3A_125 = tpu.vector_load %arg23[%get3A_124] {strides = array<i32>} : memref<2048xf32, #tpu.memory_space<vmem>>, vector<16xf32>,
      %add3A_126 = arith.addf %add3A_123, %get3A_125 : vector<16xf32>
      %get3A_127 = arith.constant 512 : index
      %get3A_128 = tpu.vector_load %arg23[%get3A_127] {strides = array<i32>} : memref<2048xf32, #tpu.memory_space<vmem>>, vector<16xf32>,
      %add3A_129 = arith.addf %add3A_126, %get3A_128 : vector<16xf32>
      %get3A_130 = arith.constant 640 : index
      %get3A_131 = tpu.vector_load %arg23[%get3A_130] {strides = array<i32>} : memref<2048xf32, #tpu.memory_space<vmem>>, vector<16xf32>,
      %add3A_132 = arith.addf %add3A_129, %get3A_131 : vector<16xf32>
      %get3A_133 = arith.constant 768 : index
      %get3A_134 = tpu.vector_load %arg23[%get3A_133] {strides = array<i32>} : memref<2048xf32, #tpu.memory_space<vmem>>, vector<16xf32>,
      %add3A_135 = arith.addf %add3A_132, %get3A_134 : vector<16xf32>
      %get3A_136 = arith.constant 896 : index
      %get3A_137 = tpu.vector_load %arg23[%get3A_136] {strides = array<i32>} : memref<2048xf32, #tpu.memory_space<vmem>>, vector<16xf32>,
      %add3A_138 = arith.addf %add3A_135, %get3A_137 : vector<16xf32>
      %get3A_139 = arith.constant 1024 : index
      %get3A_140 = tpu.vector_load %arg23[%get3A_139] {strides = array<i32>} : memref<2048xf32, #tpu.memory_space<vmem>>, vector<16xf32>,
      %add3A_141 = arith.addf %add3A_138, %get3A_140 : vector<16xf32>
      %get3A_142 = arith.constant 1152 : index
      %get3A_143 = tpu.vector_load %arg23[%get3A_142] {strides = array<i32>} : memref<2048xf32, #tpu.memory_space<vmem>>, vector<16xf32>,
      %add3A_144 = arith.addf %add3A_141, %get3A_143 : vector<16xf32>
      %get3A_145 = arith.constant 1280 : index
      %get3A_146 = tpu.vector_load %arg23[%get3A_145] {strides = array<i32>} : memref<2048xf32, #tpu.memory_space<vmem>>, vector<16xf32>,
      %add3A_147 = arith.addf %add3A_144, %get3A_146 : vector<16xf32>
      %get3A_148 = arith.constant 1408 : index
      %get3A_149 = tpu.vector_load %arg23[%get3A_148] {strides = array<i32>} : memref<2048xf32, #tpu.memory_space<vmem>>, vector<16xf32>,
      %add3A_150 = arith.addf %add3A_147, %get3A_149 : vector<16xf32>
      %get3A_151 = arith.constant 1536 : index
      %get3A_152 = tpu.vector_load %arg23[%get3A_151] {strides = array<i32>} : memref<2048xf32, #tpu.memory_space<vmem>>, vector<16xf32>,
      %add3A_153 = arith.addf %add3A_150, %get3A_152 : vector<16xf32>
      %get3A_154 = arith.constant 1664 : index
      %get3A_155 = tpu.vector_load %arg23[%get3A_154] {strides = array<i32>} : memref<2048xf32, #tpu.memory_space<vmem>>, vector<16xf32>,
      %add3A_156 = arith.addf %add3A_153, %get3A_155 : vector<16xf32>
      %get3A_157 = arith.constant 1792 : index
      %get3A_158 = tpu.vector_load %arg23[%get3A_157] {strides = array<i32>} : memref<2048xf32, #tpu.memory_space<vmem>>, vector<16xf32>,
      %add3A_159 = arith.addf %add3A_156, %get3A_158 : vector<16xf32>
      %get3A_160 = arith.constant 1920 : index
      %get3A_161 = tpu.vector_load %arg23[%get3A_160] {strides = array<i32>} : memref<2048xf32, #tpu.memory_space<vmem>>, vector<16xf32>,
      %add3A_162 = arith.addf %add3A_159, %get3A_161 : vector<16xf32>
      %swap3A = arith.constant 0 : index
      %swap3A_163 = tpu.vector_load %arg24[%swap3A] {strides = array<i32>} : memref<128xf32, #tpu.memory_space<vmem>>, vector<16xf32>,
      tpu.vector_store %arg24[%swap3A], %add3A_162 {strides = array<i32>} : memref<128xf32, #tpu.memory_space<vmem>>, vector<16xf32>,
      %get3A_164 = arith.constant 16 : index
      %get3A_165 = tpu.vector_load %arg23[%get3A_164] {strides = array<i32>} : memref<2048xf32, #tpu.memory_space<vmem>>, vector<16xf32>,
      %get3A_166 = arith.constant 144 : index
      %get3A_167 = tpu.vector_load %arg23[%get3A_166] {strides = array<i32>} : memref<2048xf32, #tpu.memory_space<vmem>>, vector<16xf32>,
      %add3A_168 = arith.addf %get3A_165, %get3A_167 : vector<16xf32>
      %get3A_169 = arith.constant 272 : index
      %get3A_170 = tpu.vector_load %arg23[%get3A_169] {strides = array<i32>} : memref<2048xf32, #tpu.memory_space<vmem>>, vector<16xf32>,
      %add3A_171 = arith.addf %add3A_168, %get3A_170 : vector<16xf32>
      %get3A_172 = arith.constant 400 : index
      %get3A_173 = tpu.vector_load %arg23[%get3A_172] {strides = array<i32>} : memref<2048xf32, #tpu.memory_space<vmem>>, vector<16xf32>,
      %add3A_174 = arith.addf %add3A_171, %get3A_173 : vector<16xf32>
      %get3A_175 = arith.constant 528 : index
      %get3A_176 = tpu.vector_load %arg23[%get3A_175] {strides = array<i32>} : memref<2048xf32, #tpu.memory_space<vmem>>, vector<16xf32>,
      %add3A_177 = arith.addf %add3A_174, %get3A_176 : vector<16xf32>
      %get3A_178 = arith.constant 656 : index
      %get3A_179 = tpu.vector_load %arg23[%get3A_178] {strides = array<i32>} : memref<2048xf32, #tpu.memory_space<vmem>>, vector<16xf32>,
      %add3A_180 = arith.addf %add3A_177, %get3A_179 : vector<16xf32>
      %get3A_181 = arith.constant 784 : index
      %get3A_182 = tpu.vector_load %arg23[%get3A_181] {strides = array<i32>} : memref<2048xf32, #tpu.memory_space<vmem>>, vector<16xf32>,
      %add3A_183 = arith.addf %add3A_180, %get3A_182 : vector<16xf32>
      %get3A_184 = arith.constant 912 : index
      %get3A_185 = tpu.vector_load %arg23[%get3A_184] {strides = array<i32>} : memref<2048xf32, #tpu.memory_space<vmem>>, vector<16xf32>,
      %add3A_186 = arith.addf %add3A_183, %get3A_185 : vector<16xf32>
      %get3A_187 = arith.constant 1040 : index
      %get3A_188 = tpu.vector_load %arg23[%get3A_187] {strides = array<i32>} : memref<2048xf32, #tpu.memory_space<vmem>>, vector<16xf32>,
      %add3A_189 = arith.addf %add3A_186, %get3A_188 : vector<16xf32>
      %get3A_190 = arith.constant 1168 : index
      %get3A_191 = tpu.vector_load %arg23[%get3A_190] {strides = array<i32>} : memref<2048xf32, #tpu.memory_space<vmem>>, vector<16xf32>,
      %add3A_192 = arith.addf %add3A_189, %get3A_191 : vector<16xf32>
      %get3A_193 = arith.constant 1296 : index
      %get3A_194 = tpu.vector_load %arg23[%get3A_193] {strides = array<i32>} : memref<2048xf32, #tpu.memory_space<vmem>>, vector<16xf32>,
      %add3A_195 = arith.addf %add3A_192, %get3A_194 : vector<16xf32>
      %get3A_196 = arith.constant 1424 : index
      %get3A_197 = tpu.vector_load %arg23[%get3A_196] {strides = array<i32>} : memref<2048xf32, #tpu.memory_space<vmem>>, vector<16xf32>,
      %add3A_198 = arith.addf %add3A_195, %get3A_197 : vector<16xf32>
      %get3A_199 = arith.constant 1552 : index
      %get3A_200 = tpu.vector_load %arg23[%get3A_199] {strides = array<i32>} : memref<2048xf32, #tpu.memory_space<vmem>>, vector<16xf32>,
      %add3A_201 = arith.addf %add3A_198, %get3A_200 : vector<16xf32>
      %get3A_202 = arith.constant 1680 : index
      %get3A_203 = tpu.vector_load %arg23[%get3A_202] {strides = array<i32>} : memref<2048xf32, #tpu.memory_space<vmem>>, vector<16xf32>,
      %add3A_204 = arith.addf %add3A_201, %get3A_203 : vector<16xf32>
      %get3A_205 = arith.constant 1808 : index
      %get3A_206 = tpu.vector_load %arg23[%get3A_205] {strides = array<i32>} : memref<2048xf32, #tpu.memory_space<vmem>>, vector<16xf32>,
      %add3A_207 = arith.addf %add3A_204, %get3A_206 : vector<16xf32>
      %get3A_208 = arith.constant 1936 : index
      %get3A_209 = tpu.vector_load %arg23[%get3A_208] {strides = array<i32>} : memref<2048xf32, #tpu.memory_space<vmem>>, vector<16xf32>,
      %add3A_210 = arith.addf %add3A_207, %get3A_209 : vector<16xf32>
      %swap3A_211 = arith.constant 16 : index
      %swap3A_212 = tpu.vector_load %arg24[%swap3A_211] {strides = array<i32>} : memref<128xf32, #tpu.memory_space<vmem>>, vector<16xf32>,
      tpu.vector_store %arg24[%swap3A_211], %add3A_210 {strides = array<i32>} : memref<128xf32, #tpu.memory_space<vmem>>, vector<16xf32>,
      %get3A_213 = arith.constant 32 : index
      %get3A_214 = tpu.vector_load %arg23[%get3A_213] {strides = array<i32>} : memref<2048xf32, #tpu.memory_space<vmem>>, vector<16xf32>,
      %get3A_215 = arith.constant 160 : index
      %get3A_216 = tpu.vector_load %arg23[%get3A_215] {strides = array<i32>} : memref<2048xf32, #tpu.memory_space<vmem>>, vector<16xf32>,
      %add3A_217 = arith.addf %get3A_214, %get3A_216 : vector<16xf32>
      %get3A_218 = arith.constant 288 : index
      %get3A_219 = tpu.vector_load %arg23[%get3A_218] {strides = array<i32>} : memref<2048xf32, #tpu.memory_space<vmem>>, vector<16xf32>,
      %add3A_220 = arith.addf %add3A_217, %get3A_219 : vector<16xf32>
      %get3A_221 = arith.constant 416 : index
      %get3A_222 = tpu.vector_load %arg23[%get3A_221] {strides = array<i32>} : memref<2048xf32, #tpu.memory_space<vmem>>, vector<16xf32>,
      %add3A_223 = arith.addf %add3A_220, %get3A_222 : vector<16xf32>
      %get3A_224 = arith.constant 544 : index
      %get3A_225 = tpu.vector_load %arg23[%get3A_224] {strides = array<i32>} : memref<2048xf32, #tpu.memory_space<vmem>>, vector<16xf32>,
      %add3A_226 = arith.addf %add3A_223, %get3A_225 : vector<16xf32>
      %get3A_227 = arith.constant 672 : index
      %get3A_228 = tpu.vector_load %arg23[%get3A_227] {strides = array<i32>} : memref<2048xf32, #tpu.memory_space<vmem>>, vector<16xf32>,
      %add3A_229 = arith.addf %add3A_226, %get3A_228 : vector<16xf32>
      %get3A_230 = arith.constant 800 : index
      %get3A_231 = tpu.vector_load %arg23[%get3A_230] {strides = array<i32>} : memref<2048xf32, #tpu.memory_space<vmem>>, vector<16xf32>,
      %add3A_232 = arith.addf %add3A_229, %get3A_231 : vector<16xf32>
      %get3A_233 = arith.constant 928 : index
      %get3A_234 = tpu.vector_load %arg23[%get3A_233] {strides = array<i32>} : memref<2048xf32, #tpu.memory_space<vmem>>, vector<16xf32>,
      %add3A_235 = arith.addf %add3A_232, %get3A_234 : vector<16xf32>
      %get3A_236 = arith.constant 1056 : index
      %get3A_237 = tpu.vector_load %arg23[%get3A_236] {strides = array<i32>} : memref<2048xf32, #tpu.memory_space<vmem>>, vector<16xf32>,
      %add3A_238 = arith.addf %add3A_235, %get3A_237 : vector<16xf32>
      %get3A_239 = arith.constant 1184 : index
      %get3A_240 = tpu.vector_load %arg23[%get3A_239] {strides = array<i32>} : memref<2048xf32, #tpu.memory_space<vmem>>, vector<16xf32>,
      %add3A_241 = arith.addf %add3A_238, %get3A_240 : vector<16xf32>
      %get3A_242 = arith.constant 1312 : index
      %get3A_243 = tpu.vector_load %arg23[%get3A_242] {strides = array<i32>} : memref<2048xf32, #tpu.memory_space<vmem>>, vector<16xf32>,
      %add3A_244 = arith.addf %add3A_241, %get3A_243 : vector<16xf32>
      %get3A_245 = arith.constant 1440 : index
      %get3A_246 = tpu.vector_load %arg23[%get3A_245] {strides = array<i32>} : memref<2048xf32, #tpu.memory_space<vmem>>, vector<16xf32>,
      %add3A_247 = arith.addf %add3A_244, %get3A_246 : vector<16xf32>
      %get3A_248 = arith.constant 1568 : index
      %get3A_249 = tpu.vector_load %arg23[%get3A_248] {strides = array<i32>} : memref<2048xf32, #tpu.memory_space<vmem>>, vector<16xf32>,
      %add3A_250 = arith.addf %add3A_247, %get3A_249 : vector<16xf32>
      %get3A_251 = arith.constant 1696 : index
      %get3A_252 = tpu.vector_load %arg23[%get3A_251] {strides = array<i32>} : memref<2048xf32, #tpu.memory_space<vmem>>, vector<16xf32>,
      %add3A_253 = arith.addf %add3A_250, %get3A_252 : vector<16xf32>
      %get3A_254 = arith.constant 1824 : index
      %get3A_255 = tpu.vector_load %arg23[%get3A_254] {strides = array<i32>} : memref<2048xf32, #tpu.memory_space<vmem>>, vector<16xf32>,
      %add3A_256 = arith.addf %add3A_253, %get3A_255 : vector<16xf32>
      %get3A_257 = arith.constant 1952 : index
      %get3A_258 = tpu.vector_load %arg23[%get3A_257] {strides = array<i32>} : memref<2048xf32, #tpu.memory_space<vmem>>, vector<16xf32>,
      %add3A_259 = arith.addf %add3A_256, %get3A_258 : vector<16xf32>
      %swap3A_260 = arith.constant 32 : index
      %swap3A_261 = tpu.vector_load %arg24[%swap3A_260] {strides = array<i32>} : memref<128xf32, #tpu.memory_space<vmem>>, vector<16xf32>,
      tpu.vector_store %arg24[%swap3A_260], %add3A_259 {strides = array<i32>} : memref<128xf32, #tpu.memory_space<vmem>>, vector<16xf32>,
      %get3A_262 = arith.constant 48 : index
      %get3A_263 = tpu.vector_load %arg23[%get3A_262] {strides = array<i32>} : memref<2048xf32, #tpu.memory_space<vmem>>, vector<16xf32>,
      %get3A_264 = arith.constant 176 : index
      %get3A_265 = tpu.vector_load %arg23[%get3A_264] {strides = array<i32>} : memref<2048xf32, #tpu.memory_space<vmem>>, vector<16xf32>,
      %add3A_266 = arith.addf %get3A_263, %get3A_265 : vector<16xf32>
      %get3A_267 = arith.constant 304 : index
      %get3A_268 = tpu.vector_load %arg23[%get3A_267] {strides = array<i32>} : memref<2048xf32, #tpu.memory_space<vmem>>, vector<16xf32>,
      %add3A_269 = arith.addf %add3A_266, %get3A_268 : vector<16xf32>
      %get3A_270 = arith.constant 432 : index
      %get3A_271 = tpu.vector_load %arg23[%get3A_270] {strides = array<i32>} : memref<2048xf32, #tpu.memory_space<vmem>>, vector<16xf32>,
      %add3A_272 = arith.addf %add3A_269, %get3A_271 : vector<16xf32>
      %get3A_273 = arith.constant 560 : index
      %get3A_274 = tpu.vector_load %arg23[%get3A_273] {strides = array<i32>} : memref<2048xf32, #tpu.memory_space<vmem>>, vector<16xf32>,
      %add3A_275 = arith.addf %add3A_272, %get3A_274 : vector<16xf32>
      %get3A_276 = arith.constant 688 : index
      %get3A_277 = tpu.vector_load %arg23[%get3A_276] {strides = array<i32>} : memref<2048xf32, #tpu.memory_space<vmem>>, vector<16xf32>,
      %add3A_278 = arith.addf %add3A_275, %get3A_277 : vector<16xf32>
      %get3A_279 = arith.constant 816 : index
      %get3A_280 = tpu.vector_load %arg23[%get3A_279] {strides = array<i32>} : memref<2048xf32, #tpu.memory_space<vmem>>, vector<16xf32>,
      %add3A_281 = arith.addf %add3A_278, %get3A_280 : vector<16xf32>
      %get3A_282 = arith.constant 944 : index
      %get3A_283 = tpu.vector_load %arg23[%get3A_282] {strides = array<i32>} : memref<2048xf32, #tpu.memory_space<vmem>>, vector<16xf32>,
      %add3A_284 = arith.addf %add3A_281, %get3A_283 : vector<16xf32>
      %get3A_285 = arith.constant 1072 : index
      %get3A_286 = tpu.vector_load %arg23[%get3A_285] {strides = array<i32>} : memref<2048xf32, #tpu.memory_space<vmem>>, vector<16xf32>,
      %add3A_287 = arith.addf %add3A_284, %get3A_286 : vector<16xf32>
      %get3A_288 = arith.constant 1200 : index
      %get3A_289 = tpu.vector_load %arg23[%get3A_288] {strides = array<i32>} : memref<2048xf32, #tpu.memory_space<vmem>>, vector<16xf32>,
      %add3A_290 = arith.addf %add3A_287, %get3A_289 : vector<16xf32>
      %get3A_291 = arith.constant 1328 : index
      %get3A_292 = tpu.vector_load %arg23[%get3A_291] {strides = array<i32>} : memref<2048xf32, #tpu.memory_space<vmem>>, vector<16xf32>,
      %add3A_293 = arith.addf %add3A_290, %get3A_292 : vector<16xf32>
      %get3A_294 = arith.constant 1456 : index
      %get3A_295 = tpu.vector_load %arg23[%get3A_294] {strides = array<i32>} : memref<2048xf32, #tpu.memory_space<vmem>>, vector<16xf32>,
      %add3A_296 = arith.addf %add3A_293, %get3A_295 : vector<16xf32>
      %get3A_297 = arith.constant 1584 : index
      %get3A_298 = tpu.vector_load %arg23[%get3A_297] {strides = array<i32>} : memref<2048xf32, #tpu.memory_space<vmem>>, vector<16xf32>,
      %add3A_299 = arith.addf %add3A_296, %get3A_298 : vector<16xf32>
      %get3A_300 = arith.constant 1712 : index
      %get3A_301 = tpu.vector_load %arg23[%get3A_300] {strides = array<i32>} : memref<2048xf32, #tpu.memory_space<vmem>>, vector<16xf32>,
      %add3A_302 = arith.addf %add3A_299, %get3A_301 : vector<16xf32>
      %get3A_303 = arith.constant 1840 : index
      %get3A_304 = tpu.vector_load %arg23[%get3A_303] {strides = array<i32>} : memref<2048xf32, #tpu.memory_space<vmem>>, vector<16xf32>,
      %add3A_305 = arith.addf %add3A_302, %get3A_304 : vector<16xf32>
      %get3A_306 = arith.constant 1968 : index
      %get3A_307 = tpu.vector_load %arg23[%get3A_306] {strides = array<i32>} : memref<2048xf32, #tpu.memory_space<vmem>>, vector<16xf32>,
      %add3A_308 = arith.addf %add3A_305, %get3A_307 : vector<16xf32>
      %swap3A_309 = arith.constant 48 : index
      %swap3A_310 = tpu.vector_load %arg24[%swap3A_309] {strides = array<i32>} : memref<128xf32, #tpu.memory_space<vmem>>, vector<16xf32>,
      tpu.vector_store %arg24[%swap3A_309], %add3A_308 {strides = array<i32>} : memref<128xf32, #tpu.memory_space<vmem>>, vector<16xf32>,
      %get3A_311 = arith.constant 64 : index
      %get3A_312 = tpu.vector_load %arg23[%get3A_311] {strides = array<i32>} : memref<2048xf32, #tpu.memory_space<vmem>>, vector<16xf32>,
      %get3A_313 = arith.constant 192 : index
      %get3A_314 = tpu.vector_load %arg23[%get3A_313] {strides = array<i32>} : memref<2048xf32, #tpu.memory_space<vmem>>, vector<16xf32>,
      %add3A_315 = arith.addf %get3A_312, %get3A_314 : vector<16xf32>
      %get3A_316 = arith.constant 320 : index
      %get3A_317 = tpu.vector_load %arg23[%get3A_316] {strides = array<i32>} : memref<2048xf32, #tpu.memory_space<vmem>>, vector<16xf32>,
      %add3A_318 = arith.addf %add3A_315, %get3A_317 : vector<16xf32>
      %get3A_319 = arith.constant 448 : index
      %get3A_320 = tpu.vector_load %arg23[%get3A_319] {strides = array<i32>} : memref<2048xf32, #tpu.memory_space<vmem>>, vector<16xf32>,
      %add3A_321 = arith.addf %add3A_318, %get3A_320 : vector<16xf32>
      %get3A_322 = arith.constant 576 : index
      %get3A_323 = tpu.vector_load %arg23[%get3A_322] {strides = array<i32>} : memref<2048xf32, #tpu.memory_space<vmem>>, vector<16xf32>,
      %add3A_324 = arith.addf %add3A_321, %get3A_323 : vector<16xf32>
      %get3A_325 = arith.constant 704 : index
      %get3A_326 = tpu.vector_load %arg23[%get3A_325] {strides = array<i32>} : memref<2048xf32, #tpu.memory_space<vmem>>, vector<16xf32>,
      %add3A_327 = arith.addf %add3A_324, %get3A_326 : vector<16xf32>
      %get3A_328 = arith.constant 832 : index
      %get3A_329 = tpu.vector_load %arg23[%get3A_328] {strides = array<i32>} : memref<2048xf32, #tpu.memory_space<vmem>>, vector<16xf32>,
      %add3A_330 = arith.addf %add3A_327, %get3A_329 : vector<16xf32>
      %get3A_331 = arith.constant 960 : index
      %get3A_332 = tpu.vector_load %arg23[%get3A_331] {strides = array<i32>} : memref<2048xf32, #tpu.memory_space<vmem>>, vector<16xf32>,
      %add3A_333 = arith.addf %add3A_330, %get3A_332 : vector<16xf32>
      %get3A_334 = arith.constant 1088 : index
      %get3A_335 = tpu.vector_load %arg23[%get3A_334] {strides = array<i32>} : memref<2048xf32, #tpu.memory_space<vmem>>, vector<16xf32>,
      %add3A_336 = arith.addf %add3A_333, %get3A_335 : vector<16xf32>
      %get3A_337 = arith.constant 1216 : index
      %get3A_338 = tpu.vector_load %arg23[%get3A_337] {strides = array<i32>} : memref<2048xf32, #tpu.memory_space<vmem>>, vector<16xf32>,
      %add3A_339 = arith.addf %add3A_336, %get3A_338 : vector<16xf32>
      %get3A_340 = arith.constant 1344 : index
      %get3A_341 = tpu.vector_load %arg23[%get3A_340] {strides = array<i32>} : memref<2048xf32, #tpu.memory_space<vmem>>, vector<16xf32>,
      %add3A_342 = arith.addf %add3A_339, %get3A_341 : vector<16xf32>
      %get3A_343 = arith.constant 1472 : index
      %get3A_344 = tpu.vector_load %arg23[%get3A_343] {strides = array<i32>} : memref<2048xf32, #tpu.memory_space<vmem>>, vector<16xf32>,
      %add3A_345 = arith.addf %add3A_342, %get3A_344 : vector<16xf32>
      %get3A_346 = arith.constant 1600 : index
      %get3A_347 = tpu.vector_load %arg23[%get3A_346] {strides = array<i32>} : memref<2048xf32, #tpu.memory_space<vmem>>, vector<16xf32>,
      %add3A_348 = arith.addf %add3A_345, %get3A_347 : vector<16xf32>
      %get3A_349 = arith.constant 1728 : index
      %get3A_350 = tpu.vector_load %arg23[%get3A_349] {strides = array<i32>} : memref<2048xf32, #tpu.memory_space<vmem>>, vector<16xf32>,
      %add3A_351 = arith.addf %add3A_348, %get3A_350 : vector<16xf32>
      %get3A_352 = arith.constant 1856 : index
      %get3A_353 = tpu.vector_load %arg23[%get3A_352] {strides = array<i32>} : memref<2048xf32, #tpu.memory_space<vmem>>, vector<16xf32>,
      %add3A_354 = arith.addf %add3A_351, %get3A_353 : vector<16xf32>
      %get3A_355 = arith.constant 1984 : index
      %get3A_356 = tpu.vector_load %arg23[%get3A_355] {strides = array<i32>} : memref<2048xf32, #tpu.memory_space<vmem>>, vector<16xf32>,
      %add3A_357 = arith.addf %add3A_354, %get3A_356 : vector<16xf32>
      %swap3A_358 = arith.constant 64 : index
      %swap3A_359 = tpu.vector_load %arg24[%swap3A_358] {strides = array<i32>} : memref<128xf32, #tpu.memory_space<vmem>>, vector<16xf32>,
      tpu.vector_store %arg24[%swap3A_358], %add3A_357 {strides = array<i32>} : memref<128xf32, #tpu.memory_space<vmem>>, vector<16xf32>,
      %get3A_360 = arith.constant 80 : index
      %get3A_361 = tpu.vector_load %arg23[%get3A_360] {strides = array<i32>} : memref<2048xf32, #tpu.memory_space<vmem>>, vector<16xf32>,
      %get3A_362 = arith.constant 208 : index
      %get3A_363 = tpu.vector_load %arg23[%get3A_362] {strides = array<i32>} : memref<2048xf32, #tpu.memory_space<vmem>>, vector<16xf32>,
      %add3A_364 = arith.addf %get3A_361, %get3A_363 : vector<16xf32>
      %get3A_365 = arith.constant 336 : index
      %get3A_366 = tpu.vector_load %arg23[%get3A_365] {strides = array<i32>} : memref<2048xf32, #tpu.memory_space<vmem>>, vector<16xf32>,
      %add3A_367 = arith.addf %add3A_364, %get3A_366 : vector<16xf32>
      %get3A_368 = arith.constant 464 : index
      %get3A_369 = tpu.vector_load %arg23[%get3A_368] {strides = array<i32>} : memref<2048xf32, #tpu.memory_space<vmem>>, vector<16xf32>,
      %add3A_370 = arith.addf %add3A_367, %get3A_369 : vector<16xf32>
      %get3A_371 = arith.constant 592 : index
      %get3A_372 = tpu.vector_load %arg23[%get3A_371] {strides = array<i32>} : memref<2048xf32, #tpu.memory_space<vmem>>, vector<16xf32>,
      %add3A_373 = arith.addf %add3A_370, %get3A_372 : vector<16xf32>
      %get3A_374 = arith.constant 720 : index
      %get3A_375 = tpu.vector_load %arg23[%get3A_374] {strides = array<i32>} : memref<2048xf32, #tpu.memory_space<vmem>>, vector<16xf32>,
      %add3A_376 = arith.addf %add3A_373, %get3A_375 : vector<16xf32>
      %get3A_377 = arith.constant 848 : index
      %get3A_378 = tpu.vector_load %arg23[%get3A_377] {strides = array<i32>} : memref<2048xf32, #tpu.memory_space<vmem>>, vector<16xf32>,
      %add3A_379 = arith.addf %add3A_376, %get3A_378 : vector<16xf32>
      %get3A_380 = arith.constant 976 : index
      %get3A_381 = tpu.vector_load %arg23[%get3A_380] {strides = array<i32>} : memref<2048xf32, #tpu.memory_space<vmem>>, vector<16xf32>,
      %add3A_382 = arith.addf %add3A_379, %get3A_381 : vector<16xf32>
      %get3A_383 = arith.constant 1104 : index
      %get3A_384 = tpu.vector_load %arg23[%get3A_383] {strides = array<i32>} : memref<2048xf32, #tpu.memory_space<vmem>>, vector<16xf32>,
      %add3A_385 = arith.addf %add3A_382, %get3A_384 : vector<16xf32>
      %get3A_386 = arith.constant 1232 : index
      %get3A_387 = tpu.vector_load %arg23[%get3A_386] {strides = array<i32>} : memref<2048xf32, #tpu.memory_space<vmem>>, vector<16xf32>,
      %add3A_388 = arith.addf %add3A_385, %get3A_387 : vector<16xf32>
      %get3A_389 = arith.constant 1360 : index
      %get3A_390 = tpu.vector_load %arg23[%get3A_389] {strides = array<i32>} : memref<2048xf32, #tpu.memory_space<vmem>>, vector<16xf32>,
      %add3A_391 = arith.addf %add3A_388, %get3A_390 : vector<16xf32>
      %get3A_392 = arith.constant 1488 : index
      %get3A_393 = tpu.vector_load %arg23[%get3A_392] {strides = array<i32>} : memref<2048xf32, #tpu.memory_space<vmem>>, vector<16xf32>,
      %add3A_394 = arith.addf %add3A_391, %get3A_393 : vector<16xf32>
      %get3A_395 = arith.constant 1616 : index
      %get3A_396 = tpu.vector_load %arg23[%get3A_395] {strides = array<i32>} : memref<2048xf32, #tpu.memory_space<vmem>>, vector<16xf32>,
      %add3A_397 = arith.addf %add3A_394, %get3A_396 : vector<16xf32>
      %get3A_398 = arith.constant 1744 : index
      %get3A_399 = tpu.vector_load %arg23[%get3A_398] {strides = array<i32>} : memref<2048xf32, #tpu.memory_space<vmem>>, vector<16xf32>,
      %add3A_400 = arith.addf %add3A_397, %get3A_399 : vector<16xf32>
      %get3A_401 = arith.constant 1872 : index
      %get3A_402 = tpu.vector_load %arg23[%get3A_401] {strides = array<i32>} : memref<2048xf32, #tpu.memory_space<vmem>>, vector<16xf32>,
      %add3A_403 = arith.addf %add3A_400, %get3A_402 : vector<16xf32>
      %get3A_404 = arith.constant 2000 : index
      %get3A_405 = tpu.vector_load %arg23[%get3A_404] {strides = array<i32>} : memref<2048xf32, #tpu.memory_space<vmem>>, vector<16xf32>,
      %add3A_406 = arith.addf %add3A_403, %get3A_405 : vector<16xf32>
      %swap3A_407 = arith.constant 80 : index
      %swap3A_408 = tpu.vector_load %arg24[%swap3A_407] {strides = array<i32>} : memref<128xf32, #tpu.memory_space<vmem>>, vector<16xf32>,
      tpu.vector_store %arg24[%swap3A_407], %add3A_406 {strides = array<i32>} : memref<128xf32, #tpu.memory_space<vmem>>, vector<16xf32>,
      %get3A_409 = arith.constant 96 : index
      %get3A_410 = tpu.vector_load %arg23[%get3A_409] {strides = array<i32>} : memref<2048xf32, #tpu.memory_space<vmem>>, vector<16xf32>,
      %get3A_411 = arith.constant 224 : index
      %get3A_412 = tpu.vector_load %arg23[%get3A_411] {strides = array<i32>} : memref<2048xf32, #tpu.memory_space<vmem>>, vector<16xf32>,
      %add3A_413 = arith.addf %get3A_410, %get3A_412 : vector<16xf32>
      %get3A_414 = arith.constant 352 : index
      %get3A_415 = tpu.vector_load %arg23[%get3A_414] {strides = array<i32>} : memref<2048xf32, #tpu.memory_space<vmem>>, vector<16xf32>,
      %add3A_416 = arith.addf %add3A_413, %get3A_415 : vector<16xf32>
      %get3A_417 = arith.constant 480 : index
      %get3A_418 = tpu.vector_load %arg23[%get3A_417] {strides = array<i32>} : memref<2048xf32, #tpu.memory_space<vmem>>, vector<16xf32>,
      %add3A_419 = arith.addf %add3A_416, %get3A_418 : vector<16xf32>
      %get3A_420 = arith.constant 608 : index
      %get3A_421 = tpu.vector_load %arg23[%get3A_420] {strides = array<i32>} : memref<2048xf32, #tpu.memory_space<vmem>>, vector<16xf32>,
      %add3A_422 = arith.addf %add3A_419, %get3A_421 : vector<16xf32>
      %get3A_423 = arith.constant 736 : index
      %get3A_424 = tpu.vector_load %arg23[%get3A_423] {strides = array<i32>} : memref<2048xf32, #tpu.memory_space<vmem>>, vector<16xf32>,
      %add3A_425 = arith.addf %add3A_422, %get3A_424 : vector<16xf32>
      %get3A_426 = arith.constant 864 : index
      %get3A_427 = tpu.vector_load %arg23[%get3A_426] {strides = array<i32>} : memref<2048xf32, #tpu.memory_space<vmem>>, vector<16xf32>,
      %add3A_428 = arith.addf %add3A_425, %get3A_427 : vector<16xf32>
      %get3A_429 = arith.constant 992 : index
      %get3A_430 = tpu.vector_load %arg23[%get3A_429] {strides = array<i32>} : memref<2048xf32, #tpu.memory_space<vmem>>, vector<16xf32>,
      %add3A_431 = arith.addf %add3A_428, %get3A_430 : vector<16xf32>
      %get3A_432 = arith.constant 1120 : index
      %get3A_433 = tpu.vector_load %arg23[%get3A_432] {strides = array<i32>} : memref<2048xf32, #tpu.memory_space<vmem>>, vector<16xf32>,
      %add3A_434 = arith.addf %add3A_431, %get3A_433 : vector<16xf32>
      %get3A_435 = arith.constant 1248 : index
      %get3A_436 = tpu.vector_load %arg23[%get3A_435] {strides = array<i32>} : memref<2048xf32, #tpu.memory_space<vmem>>, vector<16xf32>,
      %add3A_437 = arith.addf %add3A_434, %get3A_436 : vector<16xf32>
      %get3A_438 = arith.constant 1376 : index
      %get3A_439 = tpu.vector_load %arg23[%get3A_438] {strides = array<i32>} : memref<2048xf32, #tpu.memory_space<vmem>>, vector<16xf32>,
      %add3A_440 = arith.addf %add3A_437, %get3A_439 : vector<16xf32>
      %get3A_441 = arith.constant 1504 : index
      %get3A_442 = tpu.vector_load %arg23[%get3A_441] {strides = array<i32>} : memref<2048xf32, #tpu.memory_space<vmem>>, vector<16xf32>,
      %add3A_443 = arith.addf %add3A_440, %get3A_442 : vector<16xf32>
      %get3A_444 = arith.constant 1632 : index
      %get3A_445 = tpu.vector_load %arg23[%get3A_444] {strides = array<i32>} : memref<2048xf32, #tpu.memory_space<vmem>>, vector<16xf32>,
      %add3A_446 = arith.addf %add3A_443, %get3A_445 : vector<16xf32>
      %get3A_447 = arith.constant 1760 : index
      %get3A_448 = tpu.vector_load %arg23[%get3A_447] {strides = array<i32>} : memref<2048xf32, #tpu.memory_space<vmem>>, vector<16xf32>,
      %add3A_449 = arith.addf %add3A_446, %get3A_448 : vector<16xf32>
      %get3A_450 = arith.constant 1888 : index
      %get3A_451 = tpu.vector_load %arg23[%get3A_450] {strides = array<i32>} : memref<2048xf32, #tpu.memory_space<vmem>>, vector<16xf32>,
      %add3A_452 = arith.addf %add3A_449, %get3A_451 : vector<16xf32>
      %get3A_453 = arith.constant 2016 : index
      %get3A_454 = tpu.vector_load %arg23[%get3A_453] {strides = array<i32>} : memref<2048xf32, #tpu.memory_space<vmem>>, vector<16xf32>,
      %add3A_455 = arith.addf %add3A_452, %get3A_454 : vector<16xf32>
      %swap3A_456 = arith.constant 96 : index
      %swap3A_457 = tpu.vector_load %arg24[%swap3A_456] {strides = array<i32>} : memref<128xf32, #tpu.memory_space<vmem>>, vector<16xf32>,
      tpu.vector_store %arg24[%swap3A_456], %add3A_455 {strides = array<i32>} : memref<128xf32, #tpu.memory_space<vmem>>, vector<16xf32>,
      %get3A_458 = arith.constant 112 : index
      %get3A_459 = tpu.vector_load %arg23[%get3A_458] {strides = array<i32>} : memref<2048xf32, #tpu.memory_space<vmem>>, vector<16xf32>,
      %get3A_460 = arith.constant 240 : index
      %get3A_461 = tpu.vector_load %arg23[%get3A_460] {strides = array<i32>} : memref<2048xf32, #tpu.memory_space<vmem>>, vector<16xf32>,
      %add3A_462 = arith.addf %get3A_459, %get3A_461 : vector<16xf32>
      %get3A_463 = arith.constant 368 : index
      %get3A_464 = tpu.vector_load %arg23[%get3A_463] {strides = array<i32>} : memref<2048xf32, #tpu.memory_space<vmem>>, vector<16xf32>,
      %add3A_465 = arith.addf %add3A_462, %get3A_464 : vector<16xf32>
      %get3A_466 = arith.constant 496 : index
      %get3A_467 = tpu.vector_load %arg23[%get3A_466] {strides = array<i32>} : memref<2048xf32, #tpu.memory_space<vmem>>, vector<16xf32>,
      %add3A_468 = arith.addf %add3A_465, %get3A_467 : vector<16xf32>
      %get3A_469 = arith.constant 624 : index
      %get3A_470 = tpu.vector_load %arg23[%get3A_469] {strides = array<i32>} : memref<2048xf32, #tpu.memory_space<vmem>>, vector<16xf32>,
      %add3A_471 = arith.addf %add3A_468, %get3A_470 : vector<16xf32>
      %get3A_472 = arith.constant 752 : index
      %get3A_473 = tpu.vector_load %arg23[%get3A_472] {strides = array<i32>} : memref<2048xf32, #tpu.memory_space<vmem>>, vector<16xf32>,
      %add3A_474 = arith.addf %add3A_471, %get3A_473 : vector<16xf32>
      %get3A_475 = arith.constant 880 : index
      %get3A_476 = tpu.vector_load %arg23[%get3A_475] {strides = array<i32>} : memref<2048xf32, #tpu.memory_space<vmem>>, vector<16xf32>,
      %add3A_477 = arith.addf %add3A_474, %get3A_476 : vector<16xf32>
      %get3A_478 = arith.constant 1008 : index
      %get3A_479 = tpu.vector_load %arg23[%get3A_478] {strides = array<i32>} : memref<2048xf32, #tpu.memory_space<vmem>>, vector<16xf32>,
      %add3A_480 = arith.addf %add3A_477, %get3A_479 : vector<16xf32>
      %get3A_481 = arith.constant 1136 : index
      %get3A_482 = tpu.vector_load %arg23[%get3A_481] {strides = array<i32>} : memref<2048xf32, #tpu.memory_space<vmem>>, vector<16xf32>,
      %add3A_483 = arith.addf %add3A_480, %get3A_482 : vector<16xf32>
      %get3A_484 = arith.constant 1264 : index
      %get3A_485 = tpu.vector_load %arg23[%get3A_484] {strides = array<i32>} : memref<2048xf32, #tpu.memory_space<vmem>>, vector<16xf32>,
      %add3A_486 = arith.addf %add3A_483, %get3A_485 : vector<16xf32>
      %get3A_487 = arith.constant 1392 : index
      %get3A_488 = tpu.vector_load %arg23[%get3A_487] {strides = array<i32>} : memref<2048xf32, #tpu.memory_space<vmem>>, vector<16xf32>,
      %add3A_489 = arith.addf %add3A_486, %get3A_488 : vector<16xf32>
      %get3A_490 = arith.constant 1520 : index
      %get3A_491 = tpu.vector_load %arg23[%get3A_490] {strides = array<i32>} : memref<2048xf32, #tpu.memory_space<vmem>>, vector<16xf32>,
      %add3A_492 = arith.addf %add3A_489, %get3A_491 : vector<16xf32>
      %get3A_493 = arith.constant 1648 : index
      %get3A_494 = tpu.vector_load %arg23[%get3A_493] {strides = array<i32>} : memref<2048xf32, #tpu.memory_space<vmem>>, vector<16xf32>,
      %add3A_495 = arith.addf %add3A_492, %get3A_494 : vector<16xf32>
      %get3A_496 = arith.constant 1776 : index
      %get3A_497 = tpu.vector_load %arg23[%get3A_496] {strides = array<i32>} : memref<2048xf32, #tpu.memory_space<vmem>>, vector<16xf32>,
      %add3A_498 = arith.addf %add3A_495, %get3A_497 : vector<16xf32>
      %get3A_499 = arith.constant 1904 : index
      %get3A_500 = tpu.vector_load %arg23[%get3A_499] {strides = array<i32>} : memref<2048xf32, #tpu.memory_space<vmem>>, vector<16xf32>,
      %add3A_501 = arith.addf %add3A_498, %get3A_500 : vector<16xf32>
      %get3A_502 = arith.constant 2032 : index
      %get3A_503 = tpu.vector_load %arg23[%get3A_502] {strides = array<i32>} : memref<2048xf32, #tpu.memory_space<vmem>>, vector<16xf32>,
      %add3A_504 = arith.addf %add3A_501, %get3A_503 : vector<16xf32>
      %swap3A_505 = arith.constant 112 : index
      %swap3A_506 = tpu.vector_load %arg24[%swap3A_505] {strides = array<i32>} : memref<128xf32, #tpu.memory_space<vmem>>, vector<16xf32>,
      tpu.vector_store %arg24[%swap3A_505], %add3A_504 {strides = array<i32>} : memref<128xf32, #tpu.memory_space<vmem>>, vector<16xf32>,
      %mul3A_507 = arith.constant 128 : i32
      %mul3A_508 = arith.muli %mul3A_507, %arg1 : i32
      "tpu.region"() ({
        %run_scoped3A_509 = tpu.sem_alloc : memref<!tpu.dma_semaphore, #tpu.memory_space<semaphore_mem>>
        %dma_start3A = tpu.memref_slice %arg32[%mul3A_508] : memref<1024xf32, #tpu.memory_space<vmem_shared>> -> memref<128xf32, #tpu.memory_space<vmem_shared>>
        %dma_start3A_510 = tpu.memref_slice %arg32[%mul3A_508] : memref<1024xf32, #tpu.memory_space<vmem_shared>> -> memref<128xf32, #tpu.memory_space<vmem_shared>>
        tpu.enqueue_dma source(%arg24 : memref<128xf32, #tpu.memory_space<vmem>>) target(%dma_start3A_510 : memref<128xf32, #tpu.memory_space<vmem_shared>>) target_semaphore(%run_scoped3A_509 : memref<!tpu.dma_semaphore, #tpu.memory_space<semaphore_mem>>)
        %dma_wait3A = tpu.memref_slice %arg32[%mul3A_508] : memref<1024xf32, #tpu.memory_space<vmem_shared>> -> memref<128xf32, #tpu.memory_space<vmem_shared>>
        %dma_wait3A_511 = tpu.memref_slice %arg32[%mul3A_508] : memref<1024xf32, #tpu.memory_space<vmem_shared>> -> memref<128xf32, #tpu.memory_space<vmem_shared>>
        tpu.wait_dma2 semaphore(%run_scoped3A_509 : memref<!tpu.dma_semaphore, #tpu.memory_space<semaphore_mem>>) src(%arg24 : memref<128xf32, #tpu.memory_space<vmem>>) dst(%dma_wait3A_511 : memref<128xf32, #tpu.memory_space<vmem_shared>>)
        tpu.yield
      }) : () -> ()
    } else {
    }
    %barrier3A_45 = arith.constant 0 : index
    tpu.barrier barrier_id(%barrier3A_45)
    "tpu.region"() ({
      %run_scoped3A_54 = tpu.sem_alloc : memref<!tpu.dma_semaphore, #tpu.memory_space<semaphore_mem>>
      tpu.enqueue_dma source(%arg32 : memref<1024xf32, #tpu.memory_space<vmem_shared>>) target(%arg20 : memref<1024xf32, #tpu.memory_space<vmem>>) target_semaphore(%run_scoped3A_54 : memref<!tpu.dma_semaphore, #tpu.memory_space<semaphore_mem>>)
      tpu.wait_dma2 semaphore(%run_scoped3A_54 : memref<!tpu.dma_semaphore, #tpu.memory_space<semaphore_mem>>) src(%arg32 : memref<1024xf32, #tpu.memory_space<vmem_shared>>) dst(%arg20 : memref<1024xf32, #tpu.memory_space<vmem>>)
      tpu.yield
    }) : () -> ()
    %scan3A_46 = arith.constant 0 : i32
    %scan3A_47 = arith.constant 0 : i32
    %scan3A_48 = arith.constant 392 : i32
    %scan3A_49 = arith.addi %scan3A_47, %scan3A_48 : i32
    %scan3A_50 = arith.constant 1 : i32
    %scan3A_51 = scf.for %scan3A_54 = %scan3A_47 to %scan3A_49 step %scan3A_50 iter_args(%scan3A_55 = %scan3A_46) -> (i32)  : i32 {
      %mul3A_56 = arith.constant 16 : i32
      %mul3A_57 = arith.muli %scan3A_54, %mul3A_56 : i32
      %get3A = arith.index_cast %mul3A_57 : i32 to index
      %get3A_58 = tpu.vector_load %arg11[%get3A] {strides = array<i32>} : memref<6272xi32, #tpu.memory_space<vmem>>, vector<16xi32>,
      %gather3A = tpu.vector_load_idx %arg17[%get3A_58] : memref<1024xf32, #tpu.memory_space<vmem>>[vector<16xi32>], vector<16xf32>,
      %gather3A_59 = tpu.vector_load_idx %arg19[%get3A_58] : memref<1024xf32, #tpu.memory_space<vmem>>[vector<16xi32>], vector<16xf32>,
      %gather3A_60 = tpu.vector_load_idx %arg20[%get3A_58] : memref<1024xf32, #tpu.memory_space<vmem>>[vector<16xi32>], vector<16xf32>,
      %get3A_61 = arith.index_cast %mul3A_57 : i32 to index
      %get3A_62 = tpu.vector_load %arg8[%get3A_61] {strides = array<i32>} : memref<6272xf32, #tpu.memory_space<vmem>>, vector<16xf32>,
      %div3A = arith.divf %get3A_62, %gather3A : vector<16xf32>
      %max3A = arith.constant 1.000000e+00 : f32
      %max3A_63 = vector.broadcast %max3A : f32 to vector<16xf32>
      %max3A_64 = arith.maximumf %gather3A_59, %max3A_63 : vector<16xf32>
      %div3A_65 = arith.divf %gather3A_60, %max3A_64 : vector<16xf32>
      %get3A_66 = arith.index_cast %mul3A_57 : i32 to index
      %get3A_67 = tpu.vector_load %arg12[%get3A_66] {strides = array<i32>} : memref<6272xf32, #tpu.memory_space<vmem>>, vector<16xf32>,
      %swap3A = arith.index_cast %mul3A_57 : i32 to index
      %swap3A_68 = tpu.vector_load %arg21[%swap3A] {strides = array<i32>} : memref<6272xf32, #tpu.memory_space<vmem>>, vector<16xf32>,
      tpu.vector_store %arg21[%swap3A], %div3A {strides = array<i32>} : memref<6272xf32, #tpu.memory_space<vmem>>, vector<16xf32>,
      %ge3A_69 = arith.cmpf oge, %get3A_67, %div3A_65 : vector<16xf32>
      %jit3A = arith.constant 1.000000e+00 : f32
      %jit3A_70 = arith.constant 0.000000e+00 : f32
      %broadcast_in_dim3A_71 = vector.broadcast %jit3A : f32 to vector<16xf32>
      %broadcast_in_dim3A_72 = vector.broadcast %jit3A_70 : f32 to vector<16xf32>
      %select_n3A = arith.select %ge3A_69, %broadcast_in_dim3A_71, %broadcast_in_dim3A_72 : vector<16xi1>, vector<16xf32>
      %swap3A_73 = arith.index_cast %mul3A_57 : i32 to index
      %swap3A_74 = tpu.vector_load %arg22[%swap3A_73] {strides = array<i32>} : memref<6272xf32, #tpu.memory_space<vmem>>, vector<16xf32>,
      tpu.vector_store %arg22[%swap3A_73], %select_n3A {strides = array<i32>} : memref<6272xf32, #tpu.memory_space<vmem>>, vector<16xf32>,
      %scan3A_75 = arith.constant 0 : i32
      scf.yield %scan3A_75 : i32
    }
    %scan3A_52 = arith.constant 392 : i32
    %run_scoped3A = arith.constant 0 : i32
    "tpu.region"() ({
      %run_scoped3A_54 = tpu.sem_alloc : memref<!tpu.dma_semaphore, #tpu.memory_space<semaphore_mem>>
      %dma_start3A = tpu.memref_slice %arg6[%run_scoped3A, %mul3A_0] : memref<2x100352xf32, #tpu.memory_space<hbm>> -> memref<1x6272xf32, #tpu.memory_space<hbm>>
      %dma_start3A_55 = tpu.memref_squeeze %dma_start3A : memref<1x6272xf32, #tpu.memory_space<hbm>> -> memref<6272xf32, #tpu.memory_space<hbm>>
      %dma_start3A_56 = tpu.memref_slice %arg6[%run_scoped3A, %mul3A_0] : memref<2x100352xf32, #tpu.memory_space<hbm>> -> memref<1x6272xf32, #tpu.memory_space<hbm>>
      %dma_start3A_57 = tpu.memref_squeeze %dma_start3A_56 : memref<1x6272xf32, #tpu.memory_space<hbm>> -> memref<6272xf32, #tpu.memory_space<hbm>>
      tpu.enqueue_dma source(%arg21 : memref<6272xf32, #tpu.memory_space<vmem>>) target(%dma_start3A_57 : memref<6272xf32, #tpu.memory_space<hbm>>) target_semaphore(%run_scoped3A_54 : memref<!tpu.dma_semaphore, #tpu.memory_space<semaphore_mem>>)
      %dma_wait3A = tpu.memref_slice %arg6[%run_scoped3A, %mul3A_0] : memref<2x100352xf32, #tpu.memory_space<hbm>> -> memref<1x6272xf32, #tpu.memory_space<hbm>>
      %dma_wait3A_58 = tpu.memref_squeeze %dma_wait3A : memref<1x6272xf32, #tpu.memory_space<hbm>> -> memref<6272xf32, #tpu.memory_space<hbm>>
      %dma_wait3A_59 = tpu.memref_slice %arg6[%run_scoped3A, %mul3A_0] : memref<2x100352xf32, #tpu.memory_space<hbm>> -> memref<1x6272xf32, #tpu.memory_space<hbm>>
      %dma_wait3A_60 = tpu.memref_squeeze %dma_wait3A_59 : memref<1x6272xf32, #tpu.memory_space<hbm>> -> memref<6272xf32, #tpu.memory_space<hbm>>
      tpu.wait_dma2 semaphore(%run_scoped3A_54 : memref<!tpu.dma_semaphore, #tpu.memory_space<semaphore_mem>>) src(%arg21 : memref<6272xf32, #tpu.memory_space<vmem>>) dst(%dma_wait3A_60 : memref<6272xf32, #tpu.memory_space<hbm>>)
      tpu.yield
    }) : () -> ()
    %run_scoped3A_53 = arith.constant 1 : i32
    "tpu.region"() ({
      %run_scoped3A_54 = tpu.sem_alloc : memref<!tpu.dma_semaphore, #tpu.memory_space<semaphore_mem>>
      %dma_start3A = tpu.memref_slice %arg6[%run_scoped3A_53, %mul3A_0] : memref<2x100352xf32, #tpu.memory_space<hbm>> -> memref<1x6272xf32, #tpu.memory_space<hbm>>
      %dma_start3A_55 = tpu.memref_squeeze %dma_start3A : memref<1x6272xf32, #tpu.memory_space<hbm>> -> memref<6272xf32, #tpu.memory_space<hbm>>
      %dma_start3A_56 = tpu.memref_slice %arg6[%run_scoped3A_53, %mul3A_0] : memref<2x100352xf32, #tpu.memory_space<hbm>> -> memref<1x6272xf32, #tpu.memory_space<hbm>>
      %dma_start3A_57 = tpu.memref_squeeze %dma_start3A_56 : memref<1x6272xf32, #tpu.memory_space<hbm>> -> memref<6272xf32, #tpu.memory_space<hbm>>
      tpu.enqueue_dma source(%arg22 : memref<6272xf32, #tpu.memory_space<vmem>>) target(%dma_start3A_57 : memref<6272xf32, #tpu.memory_space<hbm>>) target_semaphore(%run_scoped3A_54 : memref<!tpu.dma_semaphore, #tpu.memory_space<semaphore_mem>>)
      %dma_wait3A = tpu.memref_slice %arg6[%run_scoped3A_53, %mul3A_0] : memref<2x100352xf32, #tpu.memory_space<hbm>> -> memref<1x6272xf32, #tpu.memory_space<hbm>>
      %dma_wait3A_58 = tpu.memref_squeeze %dma_wait3A : memref<1x6272xf32, #tpu.memory_space<hbm>> -> memref<6272xf32, #tpu.memory_space<hbm>>
      %dma_wait3A_59 = tpu.memref_slice %arg6[%run_scoped3A_53, %mul3A_0] : memref<2x100352xf32, #tpu.memory_space<hbm>> -> memref<1x6272xf32, #tpu.memory_space<hbm>>
      %dma_wait3A_60 = tpu.memref_squeeze %dma_wait3A_59 : memref<1x6272xf32, #tpu.memory_space<hbm>> -> memref<6272xf32, #tpu.memory_space<hbm>>
      tpu.wait_dma2 semaphore(%run_scoped3A_54 : memref<!tpu.dma_semaphore, #tpu.memory_space<semaphore_mem>>) src(%arg22 : memref<6272xf32, #tpu.memory_space<vmem>>) dst(%dma_wait3A_60 : memref<6272xf32, #tpu.memory_space<hbm>>)
      tpu.yield
    }) : () -> ()
    return
  }
}

module attributes {stable_mosaic.version = 14 : i64} {
  func.func @_mlp_body(%arg0: i32, %arg1: memref<2048x128xf32, #tpu.memory_space<vmem>>, %arg2: memref<128x64xf32, #tpu.memory_space<vmem>>, %arg3: memref<1x64xf32, #tpu.memory_space<vmem>>, %arg4: memref<64x64xf32, #tpu.memory_space<vmem>>, %arg5: memref<1x64xf32, #tpu.memory_space<vmem>>, %arg6: memref<2x64xf32, #tpu.memory_space<vmem>>, %arg7: memref<2x1xf32, #tpu.memory_space<vmem>>, %arg8: memref<2x2048xf32, #tpu.memory_space<vmem>>) attributes {dimension_semantics = [#tpu.dimension_semantics<arbitrary>], iteration_bounds = array<i64: 49>, scalar_prefetch = 0 : i64, scratch_operands = 0 : i64, tpu.core_type = #tpu.core_type<tc>, window_params = [{transform_indices = @transform_0, window_bounds = array<i64: 2048, 128>}, {pipeline_mode = #tpu.pipeline_mode<synchronous>, transform_indices = @transform_1, window_bounds = array<i64: 128, 64>}, {pipeline_mode = #tpu.pipeline_mode<synchronous>, transform_indices = @transform_2, window_bounds = array<i64: 1, 64>}, {pipeline_mode = #tpu.pipeline_mode<synchronous>, transform_indices = @transform_3, window_bounds = array<i64: 64, 64>}, {pipeline_mode = #tpu.pipeline_mode<synchronous>, transform_indices = @transform_4, window_bounds = array<i64: 1, 64>}, {pipeline_mode = #tpu.pipeline_mode<synchronous>, transform_indices = @transform_5, window_bounds = array<i64: 2, 64>}, {pipeline_mode = #tpu.pipeline_mode<synchronous>, transform_indices = @transform_6, window_bounds = array<i64: 2, 1>}, {transform_indices = @transform_7, window_bounds = array<i64: 2, 2048>}]} {
    %get3A = arith.constant 0 : index
    %get3A_0 = arith.constant 0 : index
    %get3A_1 = vector.load %arg1[%get3A, %get3A_0] : memref<2048x128xf32, #tpu.memory_space<vmem>>, vector<2048x128xf32>
    %get3A_2 = arith.constant 0 : index
    %get3A_3 = arith.constant 0 : index
    %get3A_4 = vector.load %arg2[%get3A_2, %get3A_3] : memref<128x64xf32, #tpu.memory_space<vmem>>, vector<128x64xf32>
    %dot_general3A = arith.constant dense<0.000000e+00> : vector<2048x64xf32>
    %dot_general3A_5 = tpu.matmul %get3A_1, %get3A_4, %dot_general3A {dimension_numbers = #tpu.dot_dimension_numbers<[1], [0], [0], [1], [0, 0, 1, 1], [], []>, transpose_lhs_hint = false} : vector<2048x128xf32>, vector<128x64xf32>, vector<2048x64xf32> -> vector<2048x64xf32>
    %get3A_6 = arith.constant 0 : index
    %get3A_7 = arith.constant 0 : index
    %get3A_8 = vector.load %arg3[%get3A_6, %get3A_7] : memref<1x64xf32, #tpu.memory_space<vmem>>, vector<1x64xf32>
    %add3A = vector.broadcast %get3A_8 : vector<1x64xf32> to vector<2048x64xf32>
    %add3A_9 = arith.addf %dot_general3A_5, %add3A : vector<2048x64xf32>
    %max3A = arith.constant 0.000000e+00 : f32
    %max3A_10 = vector.broadcast %max3A : f32 to vector<2048x64xf32>
    %max3A_11 = arith.maximumf %add3A_9, %max3A_10 : vector<2048x64xf32>
    %get3A_12 = arith.constant 0 : index
    %get3A_13 = arith.constant 0 : index
    %get3A_14 = vector.load %arg4[%get3A_12, %get3A_13] : memref<64x64xf32, #tpu.memory_space<vmem>>, vector<64x64xf32>
    %dot_general3A_15 = arith.constant dense<0.000000e+00> : vector<2048x64xf32>
    %dot_general3A_16 = tpu.matmul %max3A_11, %get3A_14, %dot_general3A_15 {dimension_numbers = #tpu.dot_dimension_numbers<[1], [0], [0], [1], [0, 0, 1, 1], [], []>, transpose_lhs_hint = false} : vector<2048x64xf32>, vector<64x64xf32>, vector<2048x64xf32> -> vector<2048x64xf32>
    %get3A_17 = arith.constant 0 : index
    %get3A_18 = arith.constant 0 : index
    %get3A_19 = vector.load %arg5[%get3A_17, %get3A_18] : memref<1x64xf32, #tpu.memory_space<vmem>>, vector<1x64xf32>
    %add3A_20 = vector.broadcast %get3A_19 : vector<1x64xf32> to vector<2048x64xf32>
    %add3A_21 = arith.addf %dot_general3A_16, %add3A_20 : vector<2048x64xf32>
    %max3A_22 = arith.constant 0.000000e+00 : f32
    %max3A_23 = vector.broadcast %max3A_22 : f32 to vector<2048x64xf32>
    %max3A_24 = arith.maximumf %add3A_21, %max3A_23 : vector<2048x64xf32>
    %get3A_25 = arith.constant 0 : index
    %get3A_26 = arith.constant 0 : index
    %get3A_27 = vector.load %arg6[%get3A_25, %get3A_26] : memref<2x64xf32, #tpu.memory_space<vmem>>, vector<2x64xf32>
    %dot_general3A_28 = arith.constant dense<0.000000e+00> : vector<2x2048xf32>
    %dot_general3A_29 = tpu.matmul %get3A_27, %max3A_24, %dot_general3A_28 {dimension_numbers = #tpu.dot_dimension_numbers<[1], [1], [0], [0], [0, 0, 1, 0], [], []>, transpose_lhs_hint = false} : vector<2x64xf32>, vector<2048x64xf32>, vector<2x2048xf32> -> vector<2x2048xf32>
    %get3A_30 = arith.constant 0 : index
    %get3A_31 = arith.constant 0 : index
    %get3A_32 = vector.load %arg7[%get3A_30, %get3A_31] : memref<2x1xf32, #tpu.memory_space<vmem>>, vector<2x1xf32>
    %add3A_33 = vector.broadcast %get3A_32 : vector<2x1xf32> to vector<2x2048xf32>
    %add3A_34 = arith.addf %dot_general3A_29, %add3A_33 : vector<2x2048xf32>
    %swap3A = arith.constant 0 : index
    %swap3A_35 = arith.constant 0 : index
    %swap3A_36 = vector.load %arg8[%swap3A, %swap3A_35] : memref<2x2048xf32, #tpu.memory_space<vmem>>, vector<2x2048xf32>
    tpu.vector_store %arg8[%swap3A, %swap3A_35], %add3A_34 {strides = array<i32>} : memref<2x2048xf32, #tpu.memory_space<vmem>>, vector<2x2048xf32>,
    return
  }
  func.func @transform_0(%arg0: i32) -> (i32, i32) {
    %c0_i32 = arith.constant 0 : i32
    %c0_i32_0 = arith.constant 0 : i32
    return %arg0, %c0_i32 : i32, i32
  }
  func.func @transform_1(%arg0: i32) -> (i32, i32) {
    %c0_i32 = arith.constant 0 : i32
    %c0_i32_0 = arith.constant 0 : i32
    %c0_i32_1 = arith.constant 0 : i32
    return %c0_i32, %c0_i32_0 : i32, i32
  }
  func.func @transform_2(%arg0: i32) -> (i32, i32) {
    %c0_i32 = arith.constant 0 : i32
    %c0_i32_0 = arith.constant 0 : i32
    %c0_i32_1 = arith.constant 0 : i32
    return %c0_i32, %c0_i32_0 : i32, i32
  }
  func.func @transform_3(%arg0: i32) -> (i32, i32) {
    %c0_i32 = arith.constant 0 : i32
    %c0_i32_0 = arith.constant 0 : i32
    %c0_i32_1 = arith.constant 0 : i32
    return %c0_i32, %c0_i32_0 : i32, i32
  }
  func.func @transform_4(%arg0: i32) -> (i32, i32) {
    %c0_i32 = arith.constant 0 : i32
    %c0_i32_0 = arith.constant 0 : i32
    %c0_i32_1 = arith.constant 0 : i32
    return %c0_i32, %c0_i32_0 : i32, i32
  }
  func.func @transform_5(%arg0: i32) -> (i32, i32) {
    %c0_i32 = arith.constant 0 : i32
    %c0_i32_0 = arith.constant 0 : i32
    %c0_i32_1 = arith.constant 0 : i32
    return %c0_i32, %c0_i32_0 : i32, i32
  }
  func.func @transform_6(%arg0: i32) -> (i32, i32) {
    %c0_i32 = arith.constant 0 : i32
    %c0_i32_0 = arith.constant 0 : i32
    %c0_i32_1 = arith.constant 0 : i32
    return %c0_i32, %c0_i32_0 : i32, i32
  }
  func.func @transform_7(%arg0: i32) -> (i32, i32) {
    %c0_i32 = arith.constant 0 : i32
    %c0_i32_0 = arith.constant 0 : i32
    return %c0_i32, %arg0 : i32, i32
  }
}

</mosaic_0001>

<sc_bundles>
// kernel: kernel.4.cloned.1.call-start
scs
__scs_entry_jumppad:
0x0: {  	(pc) =	sbr.rel $0x88, $3  }
0x1: {  	(tag) =	ssettag $0x0;
	lr =	simm.s32 $0x1  }
0x2: {  	[smem:$0x3F96] =	sst lr;
	_ =	strace $0xD0000000  }
0x3: {  	_ = 	snop  }
0x4: {  	_ = 	snop  }
0x5: {  	_ = 	snop  }
0x6: {  	_ = 	snop  }
0x7: {  	_ = 	snop  }
__scs_overlays_trampoline_lowered:
0x8: {  	[smem:$0x3FA5] =	sst s0  }
0x9: {  	[smem:$0x3FA6] =	sst s1  }
0xa: {  	[smem:$0x3FA7] =	sst s2  }
0xb: {  	[smem:$0x3FA8] =	sst s3  }
0xc: {  	[smem:$0x3FA9] =	sst s4  }
0xd: {  	[smem:$0x3FAA] =	sst s5  }
0xe: {  	[smem:$0x3FAB] =	sst s6  }
0xf: {  	[smem:$0x3FAC] =	sst s7  }
0x10: {  	[smem:$0x3FAD] =	sst s8  }
0x11: {  	[smem:$0x3FAE] =	sst s9;
	s0 =	simm.s32 @!p0 $0x0  }
0x12: {  	s1 =	sld [smem:$0x3F94];
	s0 =	simm.s32 @p0 $0x1  }
0x13: {  	[smem:$0x3FAF] =	sst s0;
	s0 =	simm.s32 @!p1 $0x0  }
0x14: {  	s2 =	sld [smem:$0x3F93];
	s0 =	simm.s32 @p1 $0x1  }
0x15: {  	[smem:$0x3FB0] =	sst s0;
	s0 =	simm.s32 @!p2 $0x0  }
0x16: {  	s3 =	sld [smem:$0x3FDB];
	s0 =	simm.s32 @p2 $0x1  }
0x17: {  	s4 =	simm.s32 $0x1BF5;
	[smem:$0x3FB2] =	sst s0  }
0x18: {  	s0 =	sld [smem:$0x3F95];
	_ =	swait.ge [sflag:s4], $0x0  }
0x19: {  	s7 =	sld [smem:$0x3F96]  }
0x1a: {  	s8 =	sadd.s32 $0xFFFFE003, lr  }
0x1b: {  	s9 =	sadd.s32 $0xFFFFFEF7, lr;
	s5 =	simm.s32 $0xFFFFFFFF;
	p2 =	slt.u32 s8, $0xFFFFF086  }
0x1c: {  	p1 =	slt.u32 s9, $0xF7A;
	s5 =	simm.s32 @!p2 $0x0  }
0x1d: {  	s5 =	simm.s32 @p1 $0x1;
	p0 =	seq.s32 s7, s2  }
0x1e: {  	s7 =	smul.u32 @!p0 $0xF7A, s2;
	p2 =	seq.s32 @!p0 s5, $0x0  }
0x1f: {  	s9 =	smul.u32 $0xF7A, s1;
	s8 =	simm.s32 @!p0 $0x1BF5;
	p2 =	por !p2, p0  }
0x20: {  	[sflag:s8] =	ssyncset.s32 @!p0 $0xFFFFF086;
	s6 =	sadd.s32 @!p0 s3, s7;
	s7 =	simm.s32 @!p0 $0x108  }
0x21: {  	s3 =	sadd.s32 s3, s9;
	s6 =	sadd.s32 @!p0 $0x88, s6;
	s7 =	simm.s32 @p2 $0x1082  }
0x22: {  	[simem:s7], [sflag:s8] =	dma.local @!p0 [hbm:s6], $0xF7A  }
0x23: {  	s9 =	sor.u32 $0xD0000000, s2;
	s6 =	simm.s32 $0x108;
	_ =	swait.ge @!p0 [sflag:s8], $0x0  }
0x24: {  	s3 =	sadd.s32 $0x88, s3;
	s6 =	simm.s32 @!p1 $0x1082;
	[sflag:s4] =	ssyncset.s32 $0xFFFFF086  }
0x25: {  	[simem:s6], [sflag:s4] =	dma.local [hbm:s3], $0xF7A  }
0x26: {  	[smem:$0x3F96] =	sst s1;
	(tag) =	ssettag s2;
	_ =	strace s9  }
0x27: {  	s1 =	sld [smem:$0x3FA6]  }
0x28: {  	s2 =	sld [smem:$0x3FA7]  }
0x29: {  	s4 =	sld [smem:$0x3FA9]  }
0x2a: {  	p0 =	seq.s32 s5, $0x0;
	s5 =	sld [smem:$0x3FAA]  }
0x2b: {  	s6 =	sld [smem:$0x3FAB]  }
0x2c: {  	s7 =	sld [smem:$0x3FAC]  }
0x2d: {  	s3 =	simm.s32 $0x108;
	s8 =	sld [smem:$0x3FAD]  }
0x2e: {  	s3 =	simm.s32 @!p0 $0x1082;
	s9 =	sld [smem:$0x3FAE]  }
0x2f: {  	lr =	sadd.s32 s0, s3;
	s0 =	sld [smem:$0x3FA5]  }
0x30: {  	s3 =	sld [smem:$0x3FA8]  }
0x31: {  	[smem:$0x3FB1] =	sst s10  }
0x32: {  	s10 =	sld [smem:$0x3FAF];
	_ =	sdelay $0x3  }
0x33: {  	p0 =	seq.s32 s10, $0x1;
	s10 =	sld [smem:$0x3FB1];
	_ =	sdelay $0x3  }
0x34: {  	[smem:$0x3FB1] =	sst s10  }
0x35: {  	s10 =	sld [smem:$0x3FB0];
	_ =	sdelay $0x3  }
0x36: {  	p1 =	seq.s32 s10, $0x1;
	s10 =	sld [smem:$0x3FB1];
	_ =	sdelay $0x3  }
0x37: {  	[smem:$0x3FB1] =	sst s10  }
0x38: {  	s10 =	sld [smem:$0x3FB2]  }
0x39: {  	_ = 	snop;
	(pc) =	sbr.ind lr, $3  }
0x3a: {  	_ = 	snop  }
0x3b: {  	_ = 	snop  }
0x3c: {  	p2 =	seq.s32 s10, $0x1;
	s10 =	sld [smem:$0x3FB1]  }
0x3d: {  	_ =	shalt  }
0x3e: {  	_ =	shalt  }
0x3f: {  	_ =	shalt  }
0x40: {  	_ =	shalt  }
0x41: {  	_ =	shalt  }
0x42: {  	_ =	shalt  }
0x43: {  	_ =	shalt  }
0x44: {  	_ =	shalt  }
0x45: {  	_ =	shalt  }
0x46: {  	_ =	shalt  }
0x47: {  	_ =	shalt  }
0x48: {  	_ =	shalt  }
0x49: {  	_ =	shalt  }
0x4a: {  	_ =	shalt  }
0x4b: {  	_ =	shalt  }
0x4c: {  	_ =	shalt  }
0x4d: {  	_ =	shalt  }
0x4e: {  	_ =	shalt  }
0x4f: {  	_ =	shalt  }
0x50: {  	_ =	shalt  }
0x51: {  	_ =	shalt  }
0x52: {  	_ =	shalt  }
0x53: {  	_ =	shalt  }
0x54: {  	_ =	shalt  }
0x55: {  	_ =	shalt  }
0x56: {  	_ =	shalt  }
0x57: {  	_ =	shalt  }
0x58: {  	_ =	shalt  }
0x59: {  	_ =	shalt  }
0x5a: {  	_ =	shalt  }
0x5b: {  	_ =	shalt  }
0x5c: {  	_ =	shalt  }
0x5d: {  	_ =	shalt  }
0x5e: {  	_ =	shalt  }
0x5f: {  	_ =	shalt  }
0x60: {  	_ =	shalt  }
0x61: {  	_ =	shalt  }
0x62: {  	_ =	shalt  }
0x63: {  	_ =	shalt  }
0x64: {  	_ =	shalt  }
0x65: {  	_ =	shalt  }
0x66: {  	_ =	shalt  }
0x67: {  	_ =	shalt  }
0x68: {  	_ =	shalt  }
0x69: {  	_ =	shalt  }
0x6a: {  	_ =	shalt  }
0x6b: {  	_ =	shalt  }
0x6c: {  	_ =	shalt  }
0x6d: {  	_ =	shalt  }
0x6e: {  	_ =	shalt  }
0x6f: {  	_ =	shalt  }
0x70: {  	_ =	shalt  }
0x71: {  	_ =	shalt  }
0x72: {  	_ =	shalt  }
0x73: {  	_ =	shalt  }
0x74: {  	_ =	shalt  }
0x75: {  	_ =	shalt  }
0x76: {  	_ =	shalt  }
0x77: {  	_ =	shalt  }
0x78: {  	_ =	shalt  }
0x79: {  	_ =	shalt  }
0x7a: {  	_ =	shalt  }
0x7b: {  	_ =	shalt  }
0x7c: {  	_ =	shalt  }
0x7d: {  	_ =	shalt  }
0x7e: {  	_ =	shalt  }
0x7f: {  	_ =	shalt  }
0x80: {  	_ =	shalt  }
0x81: {  	_ =	shalt  }
0x82: {  	_ =	shalt  }
0x83: {  	_ =	shalt  }
0x84: {  	_ =	shalt  }
0x85: {  	_ =	shalt  }
0x86: {  	_ =	shalt  }
0x87: {  	_ =	shalt  }
.Lfunc_end0:
.L_simem_size_0:
called_computation_lowered:
.L_overlay_start_0:
0x88: {  	s0 =	sld [smem:$0x3FD9]  }
0x89: {  	s1 =	sld [smem:$0x3FFE];
	_ =	sdelay $0x3  }
0x8a: {  	s0 =	sadd.s32 s1, s0  }
0x8b: {  	[smem:$0x3FBD] =	sst s0  }
0x8c: {  	_ = 	snop  }
0x8d: {  	s0 =	sld [smem:$0x3FD0];
	(tm) =	ssettm $0x1  }
0x8e: {  	s16 =	sld [smem:$0x3FFB];
	_ =	sdelay $0x3  }
0x8f: {  	_ =	strace s16  }
0x90: {  	s1 =	sld [smem:$0x3FFC];
	_ =	sdelay $0x3  }
0x91: {  	_ =	strace s1  }
0x92: {  	s1 =	sld [smem:$0x3FFD];
	_ =	sdelay $0x3  }
0x93: {  	_ =	strace s1  }
0x94: {  	_ =	strace $0x8FFFFFFF  }
0x95: {  	s17 =	sld [smem:$0x3FDB];
	_ =	sdelay $0x1  }
0x96: {  	s2 =	simm.s32 $_scs_section_size  }
0x97: {  	s3 =	simm.s32 $_size__tile_overlayer_lowered;
	s4 =	simm.s32 $_tile_overlayer_lowered  }
0x98: {  	s20 =	simm.s32 $0x1BFF;
	s19 =	sshll.u32 s4, $0x1;
	s1 =	sadd.s32 s2, s17  }
0x99: {  	s5 =	simm.s32 $0x0;
	s18 =	sshll.u32 s3, $0x1;
	s3 =	sadd.s32 s19, s1  }
0x9a: {  	[timem:s5], [sflag:s20] =	dma.local [hbm:s3], s18  }
0x9b: {  	_ =	swait.ge [sflag:s20], s18  }
0x9c: {  	s2 =	ssub.s32 $0x0, s18;
	[sflag:s20] =	ssyncset.done $0x0  }
0x9d: {  	[sflag:s20] =	ssyncadd.s32 s2;
	_ =	sdelay $0x1  }
0x9e: {  	s21 =	simm.s32 $0x1B8B  }
0x9f: {  	_ =	swait.ge [sflag:s21], $0x1  }
0xa0: {  	[sflag:s21] =	ssyncset.done $0x0  }
0xa1: {  	s23 =	simm.s32 $0x1B8E;
	s22 =	sld [smem:$0x3FFE];
	[sflag:s21] =	ssyncadd.s32 $0xFFFFFFFF  }
0xa2: {  	s24 =	simm.s32 $execute0_lowered;
	[smem:$0x3FD2] =	sst s23  }
0xa3: {  	s3 =	sshll.u32 s24, $0x1;
	_ =	strace $0x80000046;
	[dreg:$0x1] =	wrdreg $0xFFFFFFFF  }
0xa4: {  	s25 =	simm.s32 $_size_execute0_lowered;
	s1 =	sadd.s32 s1, s3;
	[dreg:$0x0] =	wrdreg $0x0  }
0xa5: {  	s3 =	sshll.u32 s25, $0x1;
	[dreg:$0x2] =	wrdreg s1  }
0xa6: {  	[dreg:$0x3] =	wrdreg s3  }
0xa7: {  	[dreg:$0x4] =	wrdreg $0xC0  }
0xa8: {  	_ =	task [dreg:s5], $0x5FFFF  }
0xa9: {  	[dreg:$0x1] =	wrdreg $0xFFFFFFFF  }
0xaa: {  	[dreg:$0x0] =	wrdreg $0x60  }
0xab: {  	[dreg:$0x2] =	wrdreg s22  }
0xac: {  	[dreg:$0x3] =	wrdreg s0  }
0xad: {  	[dreg:$0x4] =	wrdreg $0xEC800  }
0xae: {  	[dreg:$0x5] =	wrdreg $0xF0800  }
0xaf: {  	[dreg:$0x6] =	wrdreg $0xF4800  }
0xb0: {  	[dreg:$0x7] =	wrdreg $0xFC800  }
0xb1: {  	[dreg:$0x8] =	wrdreg $0xFD000  }
0xb2: {  	[dreg:$0x9] =	wrdreg $0xFCC00  }
0xb3: {  	[dreg:$0xa] =	wrdreg $0xF8800  }
0xb4: {  	[dreg:$0xb] =	wrdreg $0xFD400  }
0xb5: {  	[dreg:$0xc] =	wrdreg $0x9  }
0xb6: {  	_ =	task.clear_ibuf [dreg:s5], $0xDFFFF;
	_ =	strace $0x90000046  }
0xb7: {  	s26 =	simm.s32 $0x9;
	_ =	strace $0x80000048  }
0xb8: {  	_ =	swait.ge [sflag:s26], $0x1  }
0xb9: {  	[sflag:s26] =	ssyncadd.s32 $0xFFFFFFFF  }
0xba: {  	_ =	strace $0x90000048  }
0xbb: {  	_ =	sfence  }
0xbc: {  	s28 =	sld [smem:$0x0];
	_ =	sdelay $0x1  }
0xbd: {  	s29 =	srdreg.scid  }
0xbe: {  	s30 =	sshll.u32 s29, $0xD;
	s31 =	sshrl.u32 s29, $0x2  }
0xbf: {  	s2 =	sand.u32 $0x4000, s30;
	s1 =	sand.u32 $0x1, s29;
	s0 =	sadd.s32 s31, s28  }
0xc0: {  	s1 =	sor.u32 s2, s1;
	s0 =	sshll.u32 s0, $0x11  }
0xc1: {  	s0 =	sor.u32 s0, s1  }
0xc2: {  	s0 =	sadd.s32 $0x8F2B, s0  }
0xc3: {  	[sflag:s0] =	ssyncadd.remote.s32 $0x1  }
0xc4: {  	_ =	sfence.sel $0xFFFF  }
0xc5: {  	[dreg:$0x0] =	wrdreg $0xFFFFFFFF;
	(pc) =	sbr.abs _section_cstart, $3  }
0xc6: {  	[dreg:$0x1] =	wrdreg $0xFFFFFFFF  }
0xc7: {  	_ =	task.clear_ibuf [dreg:s5], $0x2FFFF;
	_ =	strace $0x9FFFFFFF  }
0xc8: {  	(tm) =	ssettm $0x7FFFFFFF  }
0xc9: {  	_ =	shalt  }
tec
execute0_lowered:
.L_overlay_start_1:
0x0: {  	(tag) =	ssettag $0x1  }
0x1: {  	s8 =	rddreg [dreg:$0x0]  }
0x2: {  	s9 =	rddreg [dreg:$0x1]  }
0x3: {  	s29 =	rddreg [dreg:$0x2]  }
0x4: {  	s13 =	rddreg [dreg:$0x3]  }
0x5: {  	s11 =	rddreg [dreg:$0x4]  }
0x6: {  	s6 =	rddreg [dreg:$0x5]  }
0x7: {  	s4 =	rddreg [dreg:$0x6]  }
0x8: {  	s5 =	rddreg [dreg:$0x7];
	s0 =	stileid.u32  }
0x9: {  	s7 =	rddreg [dreg:$0x8];
	s3 =	smul.u32 $0x1880, s0  }
0xa: {  	s2 =	rddreg [dreg:$0x9]  }
0xb: {  	s1 =	rddreg [dreg:$0xa];
	s10 =	simm.s32 $0x0;
	s3 =	sshrl.u32 s3, $0x3  }
0xc: {  	[smem:$0x7FF] =	sst s10;
	s12 =	sadd.s32 s3, s8  }
0xd: {  	s15 =	simm.s32 $0x1;
	_ =	strace $0x80000047;
	s14 =	sadd.s32 $0x1000, s12  }
0xe: {  	[tilespmem:s10], [sflag:$0x1] =	stream.linear.gather [hbm4b:s14+s10], $0x1880, $0x38;
	[tilespmem:$0xFD80] =	vst v63  }
0xf: {  	_ =	swait.ge [sflag:s15], $0x1880  }
0x10: {  	[sflag:s15] =	ssyncset.done $0x0  }
0x11: {  	s25 =	simm.s32 $0x3100;
	s9 =	sadd.s32 s9, s3;
	[sflag:s15] =	ssyncadd.s32 $0xFFFFE780  }
0x12: {  	[tilespmem:s25], [sflag:$0x1] =	stream.linear.gather [hbm4b:s9+s10], $0x1880, $0x38;
	[tilespmem:$0xFD80] =	vst v63  }
0x13: {  	_ =	swait.ge [sflag:s15], $0x1880  }
0x14: {  	[sflag:s15] =	ssyncset.done $0x0  }
0x15: {  	s28 =	simm.s32 $0x4980;
	s26 =	sadd.s32 $0x7400, s12;
	[sflag:s15] =	ssyncadd.s32 $0xFFFFE780  }
0x16: {  	[tilespmem:s28], [sflag:$0x1] =	stream.linear.gather [hbm4b:s26+s10], $0x1880, $0x38;
	[tilespmem:$0xFD80] =	vst v63  }
0x17: {  	_ =	swait.ge [sflag:s15], $0x1880  }
0x18: {  	[sflag:s15] =	ssyncset.done $0x0  }
0x19: {  	s31 =	simm.s32 $0x6200;
	s30 =	sadd.s32 $0x4200, s12;
	[sflag:s15] =	ssyncadd.s32 $0xFFFFE780  }
0x1a: {  	[tilespmem:s31], [sflag:$0x1] =	stream.linear.gather [hbm4b:s30+s10], $0x1880, $0x38;
	[tilespmem:$0xFD80] =	vst v63  }
0x1b: {  	_ =	swait.ge [sflag:s15], $0x1880  }
0x1c: {  	s14 =	sadd.s32 $0xA600, s8;
	[sflag:s15] =	ssyncset.done $0x0  }
0x1d: {  	v0 =	vimm.f32 $0.0e+00;
	s8 =	simm.s32 $0x0;
	s9 =	simm.s32 $0x40;
	[sflag:s15] =	ssyncadd.s32 $0xFFFFE780  }
.LBB2_1:
0x1e: {  	p0 =	sne.s32 s9, $0xFC0;
	[tilespmem:s8+$0x9F00] =	vst v0;
	s10 =	smov.u32 s9;
	s9 =	sadd.s32 $0x40, s9  }
.Ltmp0:
0x1f: {  	[tilespmem:s8+$0x9B00] =	vst v0;
	(pc) =	sbr.rel @p0 .LBB2_1-.Ltmp0, $3  }
0x20: {  	[tilespmem:s8+$0x9300] =	vst v0  }
0x21: {  	[tilespmem:s8+$0x9700] =	vst v0;
	_ =	sdelay $0x1  }
0x22: {  	s8 =	sshra.s32 s10, $0x2  }
0x23: {  	v1 =	vimm.f32 $5.000000000e+00  }
0x24: {  	(erf) = vrcp.f32 v1;
	_ =	sdelay $0x2  }
0x25: {  	[tilespmem:s8+$0x9F00] =	vst v0  }
0x26: {  	[tilespmem:s8+$0x9B00] =	vst v0  }
0x27: {  	[tilespmem:s8+$0x9300] =	vst v0  }
0x28: {  	[tilespmem:s8+$0x9700] =	vst v0;
	s10 =	simm.s32 $0x0  }
0x29: {  	v1 =	vld [tilespmem:s10+$0x0]  }
0x2a: {  	s8 =	simm.s32 $0x9300  }
0x2b: {  	s9 =	simm.s32 $0x9700;
	v0 =	vimm.f32 $1.000000000e+00;
	s12 =	simm.s32 $0x9B00;
	s15 =	simm.s32 $0x40;
	v3 =	vld [tilespmem:s10+$0x6200];
	v2 =	vpop (erf)  }
.LBB2_3:
0x2c: {  	p0 =	sne.s32 s15, $0x61C0;
	_ =	sdelay $0x1  }
0x2d: {  	v4 =	vmul.f32 v1, v2;
	_ =	sdelay $0x1  }
0x2e: {  	v4 =	vmul.f32 $1.442695020e+00, v4;
	_ =	sdelay $0x1  }
0x2f: {  	(erf) = vpow2.f32 v4;
	_ =	sdelay $0x8  }
0x30: {  	v4 =	vpop (erf)  }
0x31: {  	[tilespmem:s10+$0x1880] =	vst v4  }
0x32: {  	[tilespmem:v3+s8+$0x0] =	vst.idx.add.f32.msk $0xffff, v4  }
.Ltmp1:
0x33: {  	[tilespmem:v3+s9+$0x0] =	vst.idx.add.f32.msk $0xffff, v1;
	(pc) =	sbr.rel @p0 .LBB2_3-.Ltmp1, $4  }
0x34: {  	s10 =	sshra.s32 s15, $0x2;
	[tilespmem:v3+s12+$0x0] =	vst.idx.add.f32.msk $0xffff, v0  }
0x35: {  	v1 =	vld [tilespmem:s10+$0x0]  }
0x36: {  	v3 =	vld [tilespmem:s10+$0x6200]  }
0x37: {  	s15 =	sadd.s32 $0x40, s15  }
0x38: {  	_ =	sdelay $0x1  }
0x39: {  	v2 =	vmul.f32 v1, v2;
	_ =	sdelay $0x1  }
0x3a: {  	v2 =	vmul.f32 $1.442695020e+00, v2;
	_ =	sdelay $0x1  }
0x3b: {  	(erf) = vpow2.f32 v2;
	_ =	sdelay $0x8  }
0x3c: {  	v2 =	vpop (erf)  }
0x3d: {  	[tilespmem:s10+$0x1880] =	vst v2  }
0x3e: {  	[tilespmem:v3+s8+$0x0] =	vst.idx.add.f32.msk $0xffff, v2  }
0x3f: {  	s10 =	sshll.u32 s0, $0xA;
	[tilespmem:v3+s9+$0x0] =	vst.idx.add.f32.msk $0xffff, v1  }
0x40: {  	s25 =	simm.s32 $0x9300;
	s24 =	sadd.s32 s10, s29;
	[tilespmem:v3+s12+$0x0] =	vst.idx.add.f32.msk $0xffff, v0;
	s12 =	simm.s32 $0x1  }
0x41: {  	[spmem:s24] =	stream.linear.scatter [tilespmem:s25], [sflag:$0x1], $0x400, $0x38;
	[tilespmem:$0xFD80] =	vst v63  }
0x42: {  	_ =	swait.ge [sflag:s12], $0x400  }
0x43: {  	[sflag:s12] =	ssyncset.done $0x0  }
0x44: {  	s28 =	simm.s32 $0x9700;
	s26 =	sadd.s32 s10, s13;
	[sflag:s12] =	ssyncadd.s32 $0xFFFFFC00  }
0x45: {  	[spmem:s26] =	stream.linear.scatter [tilespmem:s28], [sflag:$0x1], $0x400, $0x38;
	[tilespmem:$0xFD80] =	vst v63  }
0x46: {  	_ =	swait.ge [sflag:s12], $0x400  }
0x47: {  	s31 =	simm.s32 $0x9B00;
	[sflag:s12] =	ssyncset.done $0x0  }
0x48: {  	p0 =	sgt.u32 s0, $0x7;
	s30 =	sadd.s32 s10, s11;
	[sflag:s12] =	ssyncadd.s32 $0xFFFFFC00  }
0x49: {  	[spmem:s30] =	stream.linear.scatter [tilespmem:s31], [sflag:$0x1], $0x400, $0x38;
	[tilespmem:$0xFD80] =	vst v63  }
.Ltmp2:
0x4a: {  	_ =	swait.ge [sflag:s12], $0x400;
	(pc) =	sbr.rel @p0 .LBB2_6-.Ltmp2, $4  }
0x4b: {  	[sflag:s12] =	ssyncset.done $0x0  }
0x4c: {  	[sflag:s12] =	ssyncadd.s32 $0xFFFFFC00  }
0x4d: {  	s9 =	sshll.u32 s0, $0x7;
	[bflag:$0x0] =	sbarrier.arrive $0xFFFF  }
0x4e: {  	s3 =	sadd.s32 s14, s3;
	s8 =	sadd.s32 s9, s7  }
0x4f: {  	s13 =	sadd.s32 s9, s29;
	s14 =	simm.s32 $0xE400  }
0x50: {  	[tilespmem:s14], [sflag:$0x1] =	stream.linear.gather [spmem:s13], $0x80, $0x38;
	[tilespmem:$0xFD80] =	vst v63  }
0x51: {  	_ =	swait.ge [sflag:s12], $0x80  }
0x52: {  	s13 =	sor.u32 $0x400, s9;
	[sflag:s12] =	ssyncset.done $0x0  }
0x53: {  	s15 =	simm.s32 $0xE480;
	s17 =	sadd.s32 s13, s29;
	[sflag:s12] =	ssyncadd.s32 $0xFFFFFF80  }
0x54: {  	[tilespmem:s15], [sflag:$0x1] =	stream.linear.gather [spmem:s17], $0x80, $0x38;
	[tilespmem:$0xFD80] =	vst v63  }
0x55: {  	_ =	swait.ge [sflag:s12], $0x80  }
0x56: {  	s14 =	sor.u32 $0x800, s9;
	[sflag:s12] =	ssyncset.done $0x0  }
0x57: {  	s16 =	simm.s32 $0xE500;
	s18 =	sadd.s32 s14, s29;
	[sflag:s12] =	ssyncadd.s32 $0xFFFFFF80  }
0x58: {  	[tilespmem:s16], [sflag:$0x1] =	stream.linear.gather [spmem:s18], $0x80, $0x38;
	[tilespmem:$0xFD80] =	vst v63  }
0x59: {  	_ =	swait.ge [sflag:s12], $0x80  }
0x5a: {  	s15 =	sor.u32 $0xC00, s9;
	[sflag:s12] =	ssyncset.done $0x0  }
0x5b: {  	s17 =	simm.s32 $0xE580;
	s19 =	sadd.s32 s15, s29;
	[sflag:s12] =	ssyncadd.s32 $0xFFFFFF80  }
0x5c: {  	[tilespmem:s17], [sflag:$0x1] =	stream.linear.gather [spmem:s19], $0x80, $0x38;
	[tilespmem:$0xFD80] =	vst v63  }
0x5d: {  	_ =	swait.ge [sflag:s12], $0x80  }
0x5e: {  	s16 =	sor.u32 $0x1000, s9;
	[sflag:s12] =	ssyncset.done $0x0  }
0x5f: {  	s18 =	simm.s32 $0xE600;
	s20 =	sadd.s32 s16, s29;
	[sflag:s12] =	ssyncadd.s32 $0xFFFFFF80  }
0x60: {  	[tilespmem:s18], [sflag:$0x1] =	stream.linear.gather [spmem:s20], $0x80, $0x38;
	[tilespmem:$0xFD80] =	vst v63  }
0x61: {  	_ =	swait.ge [sflag:s12], $0x80  }
0x62: {  	s17 =	sor.u32 $0x1400, s9;
	[sflag:s12] =	ssyncset.done $0x0  }
0x63: {  	s19 =	simm.s32 $0xE680;
	s21 =	sadd.s32 s17, s29;
	[sflag:s12] =	ssyncadd.s32 $0xFFFFFF80  }
0x64: {  	[tilespmem:s19], [sflag:$0x1] =	stream.linear.gather [spmem:s21], $0x80, $0x38;
	[tilespmem:$0xFD80] =	vst v63  }
0x65: {  	_ =	swait.ge [sflag:s12], $0x80  }
0x66: {  	s18 =	sor.u32 $0x1800, s9;
	[sflag:s12] =	ssyncset.done $0x0  }
0x67: {  	s20 =	simm.s32 $0xE700;
	s22 =	sadd.s32 s18, s29;
	[sflag:s12] =	ssyncadd.s32 $0xFFFFFF80  }
0x68: {  	[tilespmem:s20], [sflag:$0x1] =	stream.linear.gather [spmem:s22], $0x80, $0x38;
	[tilespmem:$0xFD80] =	vst v63  }
0x69: {  	_ =	swait.ge [sflag:s12], $0x80  }
0x6a: {  	s19 =	sor.u32 $0x1C00, s9;
	[sflag:s12] =	ssyncset.done $0x0  }
0x6b: {  	s21 =	simm.s32 $0xE780;
	s23 =	sadd.s32 s19, s29;
	[sflag:s12] =	ssyncadd.s32 $0xFFFFFF80  }
0x6c: {  	[tilespmem:s21], [sflag:$0x1] =	stream.linear.gather [spmem:s23], $0x80, $0x38;
	[tilespmem:$0xFD80] =	vst v63  }
0x6d: {  	_ =	swait.ge [sflag:s12], $0x80  }
0x6e: {  	s20 =	sor.u32 $0x2000, s9;
	[sflag:s12] =	ssyncset.done $0x0  }
0x6f: {  	s22 =	simm.s32 $0xE800;
	s24 =	sadd.s32 s20, s29;
	[sflag:s12] =	ssyncadd.s32 $0xFFFFFF80  }
0x70: {  	[tilespmem:s22], [sflag:$0x1] =	stream.linear.gather [spmem:s24], $0x80, $0x38;
	[tilespmem:$0xFD80] =	vst v63  }
0x71: {  	_ =	swait.ge [sflag:s12], $0x80  }
0x72: {  	s21 =	sor.u32 $0x2400, s9;
	[sflag:s12] =	ssyncset.done $0x0  }
0x73: {  	s23 =	simm.s32 $0xE880;
	s25 =	sadd.s32 s21, s29;
	[sflag:s12] =	ssyncadd.s32 $0xFFFFFF80  }
0x74: {  	[tilespmem:s23], [sflag:$0x1] =	stream.linear.gather [spmem:s25], $0x80, $0x38;
	[tilespmem:$0xFD80] =	vst v63  }
0x75: {  	_ =	swait.ge [sflag:s12], $0x80  }
0x76: {  	s22 =	sor.u32 $0x2800, s9;
	[sflag:s12] =	ssyncset.done $0x0  }
0x77: {  	s24 =	simm.s32 $0xE900;
	s26 =	sadd.s32 s22, s29;
	[sflag:s12] =	ssyncadd.s32 $0xFFFFFF80  }
0x78: {  	[tilespmem:s24], [sflag:$0x1] =	stream.linear.gather [spmem:s26], $0x80, $0x38;
	[tilespmem:$0xFD80] =	vst v63  }
0x79: {  	_ =	swait.ge [sflag:s12], $0x80  }
0x7a: {  	s23 =	sor.u32 $0x2C00, s9;
	[sflag:s12] =	ssyncset.done $0x0  }
0x7b: {  	s25 =	simm.s32 $0xE980;
	s30 =	sadd.s32 s23, s29;
	[sflag:s12] =	ssyncadd.s32 $0xFFFFFF80  }
0x7c: {  	[tilespmem:s25], [sflag:$0x1] =	stream.linear.gather [spmem:s30], $0x80, $0x38;
	[tilespmem:$0xFD80] =	vst v63  }
0x7d: {  	_ =	swait.ge [sflag:s12], $0x80  }
0x7e: {  	s24 =	sor.u32 $0x3000, s9;
	[sflag:s12] =	ssyncset.done $0x0  }
0x7f: {  	s26 =	simm.s32 $0xEA00;
	s31 =	sadd.s32 s24, s29;
	[sflag:s12] =	ssyncadd.s32 $0xFFFFFF80  }
0x80: {  	[tilespmem:s26], [sflag:$0x1] =	stream.linear.gather [spmem:s31], $0x80, $0x38;
	[tilespmem:$0xFD80] =	vst v63  }
0x81: {  	_ =	swait.ge [sflag:s12], $0x80  }
0x82: {  	s25 =	sor.u32 $0x3400, s9;
	[sflag:s12] =	ssyncset.done $0x0  }
0x83: {  	s28 =	simm.s32 $0xEA80;
	s30 =	sadd.s32 s25, s29;
	[sflag:s12] =	ssyncadd.s32 $0xFFFFFF80  }
0x84: {  	[tilespmem:s28], [sflag:$0x1] =	stream.linear.gather [spmem:s30], $0x80, $0x38;
	[tilespmem:$0xFD80] =	vst v63  }
0x85: {  	_ =	swait.ge [sflag:s12], $0x80  }
0x86: {  	s26 =	sor.u32 $0x3800, s9;
	[sflag:s12] =	ssyncset.done $0x0  }
0x87: {  	s28 =	sadd.s32 s26, s29;
	s30 =	simm.s32 $0xEB00;
	[sflag:s12] =	ssyncadd.s32 $0xFFFFFF80  }
0x88: {  	[tilespmem:s30], [sflag:$0x1] =	stream.linear.gather [spmem:s28], $0x80, $0x38;
	[tilespmem:$0xFD80] =	vst v63  }
0x89: {  	_ =	swait.ge [sflag:s12], $0x80  }
0x8a: {  	s28 =	sor.u32 $0x3C00, s9;
	[sflag:s12] =	ssyncset.done $0x0  }
0x8b: {  	s31 =	simm.s32 $0xEB80;
	s29 =	sadd.s32 s28, s29;
	[sflag:s12] =	ssyncadd.s32 $0xFFFFFF80  }
0x8c: {  	[tilespmem:s31], [sflag:$0x1] =	stream.linear.gather [spmem:s29], $0x80, $0x38;
	[tilespmem:$0xFD80] =	vst v63  }
0x8d: {  	_ =	swait.ge [sflag:s12], $0x80  }
0x8e: {  	[sflag:s12] =	ssyncset.done $0x0  }
0x8f: {  	[sflag:s12] =	ssyncadd.s32 $0xFFFFFF80  }
0x90: {  	v0 =	vld [tilespmem:$0xE400]  }
0x91: {  	v1 =	vld [tilespmem:$0xE480]  }
0x92: {  	v2 =	vld [tilespmem:$0xE500]  }
0x93: {  	v3 =	vld [tilespmem:$0xE580]  }
0x94: {  	v9 =	vld [tilespmem:$0xE600]  }
0x95: {  	v10 =	vld [tilespmem:$0xE680]  }
0x96: {  	v11 =	vld [tilespmem:$0xE700]  }
0x97: {  	v12 =	vld [tilespmem:$0xE780]  }
0x98: {  	v14 =	vld [tilespmem:$0xE800]  }
0x99: {  	v16 =	vld [tilespmem:$0xE880]  }
0x9a: {  	v18 =	vld [tilespmem:$0xE900]  }
0x9b: {  	v4 =	vld [tilespmem:$0xE980]  }
0x9c: {  	v44 =	vld [tilespmem:$0xEA00]  }
0x9d: {  	v45 =	vld [tilespmem:$0xEA80]  }
0x9e: {  	v46 =	vld [tilespmem:$0xEB00]  }
0x9f: {  	v47 =	vld [tilespmem:$0xEB80]  }
0xa0: {  	v5 =	vld [tilespmem:$0xE410]  }
0xa1: {  	v7 =	vld [tilespmem:$0xE490]  }
0xa2: {  	v19 =	vld [tilespmem:$0xE510]  }
0xa3: {  	v20 =	vld [tilespmem:$0xE590]  }
0xa4: {  	v21 =	vld [tilespmem:$0xE610]  }
0xa5: {  	v22 =	vld [tilespmem:$0xE690]  }
0xa6: {  	v23 =	vld [tilespmem:$0xE710]  }
0xa7: {  	v24 =	vld [tilespmem:$0xE790]  }
0xa8: {  	v25 =	vld [tilespmem:$0xE810]  }
0xa9: {  	v26 =	vld [tilespmem:$0xE890]  }
0xaa: {  	v27 =	vld [tilespmem:$0xE910]  }
0xab: {  	v28 =	vld [tilespmem:$0xE990]  }
0xac: {  	v29 =	vld [tilespmem:$0xEA10]  }
0xad: {  	v31 =	vld [tilespmem:$0xEA90]  }
0xae: {  	v48 =	vld [tilespmem:$0xEB10]  }
0xaf: {  	v49 =	vld [tilespmem:$0xEB90]  }
0xb0: {  	v8 =	vld [tilespmem:$0xE420]  }
0xb1: {  	v33 =	vld [tilespmem:$0xE4A0]  }
0xb2: {  	v34 =	vld [tilespmem:$0xE520]  }
0xb3: {  	v35 =	vld [tilespmem:$0xE5A0]  }
0xb4: {  	v36 =	vld [tilespmem:$0xE620]  }
0xb5: {  	v37 =	vld [tilespmem:$0xE6A0]  }
0xb6: {  	v38 =	vld [tilespmem:$0xE720]  }
0xb7: {  	v39 =	vld [tilespmem:$0xE7A0]  }
0xb8: {  	v40 =	vld [tilespmem:$0xE820]  }
0xb9: {  	v41 =	vld [tilespmem:$0xE8A0]  }
0xba: {  	v42 =	vld [tilespmem:$0xE920]  }
0xbb: {  	v43 =	vld [tilespmem:$0xE9A0]  }
0xbc: {  	v50 =	vld [tilespmem:$0xE530]  }
0xbd: {  	v51 =	vld [tilespmem:$0xE5B0]  }
0xbe: {  	v52 =	vld [tilespmem:$0xE630]  }
0xbf: {  	v53 =	vld [tilespmem:$0xE6B0]  }
0xc0: {  	v54 =	vld [tilespmem:$0xE730]  }
0xc1: {  	v55 =	vld [tilespmem:$0xE7B0]  }
0xc2: {  	v56 =	vld [tilespmem:$0xE830]  }
0xc3: {  	v57 =	vld [tilespmem:$0xE8B0]  }
0xc4: {  	v58 =	vld [tilespmem:$0xE930]  }
0xc5: {  	v59 =	vld [tilespmem:$0xE9B0]  }
0xc6: {  	v60 =	vld [tilespmem:$0xEA30]  }
0xc7: {  	v61 =	vld [tilespmem:$0xEAB0]  }
0xc8: {  	v62 =	vld [tilespmem:$0xEB30]  }
0xc9: {  	v63 =	vld [tilespmem:$0xEBB0]  }
0xca: {  	v6 =	vld [tilespmem:$0xE440]  }
0xcb: {  	v13 =	vld [tilespmem:$0xE540]  }
0xcc: {  	v15 =	vld [tilespmem:$0xE5C0]  }
0xcd: {  	v17 =	vld [tilespmem:$0xE640]  }
0xce: {  	v30 =	vld [tilespmem:$0xE6C0]  }
0xcf: {  	v32 =	vld [tilespmem:$0xE740]  }
0xd0: {  	[tilespmem:$0x1FF90] =	vst v44;
	v44 =	vld [tilespmem:$0xEA20]  }
0xd1: {  	[tilespmem:$0x1FFA0] =	vst v45;
	v45 =	vld [tilespmem:$0xEAA0]  }
0xd2: {  	[tilespmem:$0x1FFB0] =	vst v46;
	v46 =	vld [tilespmem:$0xEB20]  }
0xd3: {  	[tilespmem:$0x1FFD0] =	vst v47;
	v47 =	vld [tilespmem:$0xEBA0]  }
0xd4: {  	[tilespmem:$0x1FFC0] =	vst v48;
	v48 =	vld [tilespmem:$0xE430]  }
0xd5: {  	[tilespmem:$0x1FFE0] =	vst v49;
	v49 =	vld [tilespmem:$0xE4B0]  }
0xd6: {  	[tilespmem:$0x1FF80] =	vst v4;
	v4 =	vld [tilespmem:$0xE4C0]  }
0xd7: {  	v0 =	vadd.f32 v1, v0;
	v1 =	vld [tilespmem:$0xE7C0]  }
0xd8: {  	v5 =	vadd.f32 v7, v5;
	v7 =	vld [tilespmem:$0xE840]  }
0xd9: {  	[tilespmem:$0x1FFF0] =	vst v32;
	v32 =	vld [tilespmem:$0xE9D0]  }
0xda: {  	v0 =	vadd.f32 v2, v0;
	v2 =	vadd.f32 v33, v8;
	v8 =	vld [tilespmem:$0xE8C0]  }
0xdb: {  	v33 =	vadd.f32 v19, v5;
	v19 =	vld [tilespmem:$0xE940]  }
0xdc: {  	v5 =	vld [tilespmem:$0xE9C0]  }
0xdd: {  	v0 =	vadd.f32 v3, v0;
	v3 =	vld [tilespmem:$0xEA40]  }
0xde: {  	v2 =	vadd.f32 v34, v2;
	v20 =	vadd.f32 v20, v33;
	v33 =	vld [tilespmem:$0xE4D0]  }
0xdf: {  	v48 =	vadd.f32 v49, v48;
	v49 =	vld [tilespmem:$0x1FFC0]  }
0xe0: {  	v34 =	vadd.f32 v35, v2;
	v2 =	vld [tilespmem:$0xEAC0]  }
0xe1: {  	v0 =	vadd.f32 v9, v0;
	v9 =	vld [tilespmem:$0xEB40]  }
0xe2: {  	v35 =	vld [tilespmem:$0xEBD0]  }
0xe3: {  	v20 =	vadd.f32 v21, v20;
	v50 =	vadd.f32 v50, v48;
	v48 =	vld [tilespmem:$0xE4E0]  }
0xe4: {  	v10 =	vadd.f32 v10, v0;
	v0 =	vld [tilespmem:$0xEBC0]  }
0xe5: {  	v4 =	vadd.f32 v4, v6;
	v20 =	vadd.f32 v22, v20;
	v22 =	vld [tilespmem:$0xE450]  }
0xe6: {  	v36 =	vadd.f32 v36, v34;
	v34 =	vld [tilespmem:$0xEAD0]  }
0xe7: {  	v4 =	vadd.f32 v13, v4;
	v51 =	vadd.f32 v51, v50;
	v50 =	vld [tilespmem:$0xE470]  }
0xe8: {  	v20 =	vadd.f32 v23, v20;
	v23 =	vld [tilespmem:$0xE550]  }
0xe9: {  	v4 =	vadd.f32 v15, v4;
	v37 =	vadd.f32 v37, v36;
	v36 =	vld [tilespmem:$0xE770]  }
0xea: {  	v10 =	vadd.f32 v11, v10;
	v21 =	vadd.f32 v52, v51;
	v51 =	vld [tilespmem:$0x1FFD0]  }
0xeb: {  	v52 =	vld [tilespmem:$0xE4F0]  }
0xec: {  	v4 =	vadd.f32 v17, v4;
	v10 =	vadd.f32 v12, v10;
	v12 =	vld [tilespmem:$0xE5D0]  }
0xed: {  	v11 =	vadd.f32 v38, v37;
	v20 =	vadd.f32 v24, v20;
	v24 =	vld [tilespmem:$0xE650]  }
0xee: {  	v37 =	vld [tilespmem:$0xE7E0];
	v21 =	vadd.f32 v53, v21;
	v22 =	vadd.f32 v33, v22  }
0xef: {  	v38 =	vld [tilespmem:$0x1FFF0];
	v4 =	vadd.f32 v30, v4;
	v10 =	vadd.f32 v14, v10  }
0xf0: {  	v53 =	vld [tilespmem:$0x1FFE0];
	v11 =	vadd.f32 v39, v11;
	v20 =	vadd.f32 v25, v20  }
0xf1: {  	v33 =	vld [tilespmem:$0xE760];
	v21 =	vadd.f32 v54, v21;
	v22 =	vadd.f32 v23, v22  }
0xf2: {  	v14 =	vld [tilespmem:$0xE6D0];
	v10 =	vadd.f32 v16, v10;
	v11 =	vadd.f32 v40, v11  }
0xf3: {  	v25 =	vld [tilespmem:$0xE750];
	v20 =	vadd.f32 v26, v20;
	v21 =	vadd.f32 v55, v21  }
0xf4: {  	v39 =	vld [tilespmem:$0xE7F0];
	v12 =	vadd.f32 v12, v22;
	v4 =	vadd.f32 v38, v4  }
0xf5: {  	v40 =	vld [tilespmem:$0x1FF80];
	v10 =	vadd.f32 v18, v10;
	v21 =	vadd.f32 v56, v21  }
0xf6: {  	v54 =	vld [tilespmem:$0xE560];
	v11 =	vadd.f32 v41, v11;
	v20 =	vadd.f32 v27, v20  }
0xf7: {  	v16 =	vld [tilespmem:$0xE7D0];
	v12 =	vadd.f32 v24, v12;
	v21 =	vadd.f32 v57, v21  }
0xf8: {  	v41 =	vld [tilespmem:$0x1FF90];
	v1 =	vadd.f32 v1, v4;
	v11 =	vadd.f32 v42, v11  }
0xf9: {  	v26 =	vld [tilespmem:$0xE850];
	v20 =	vadd.f32 v28, v20;
	v21 =	vadd.f32 v58, v21  }
0xfa: {  	v10 =	vadd.f32 v40, v10;
	v11 =	vadd.f32 v43, v11;
	v43 =	vld [tilespmem:$0xE460]  }
0xfb: {  	v55 =	vld [tilespmem:$0xE570];
	v12 =	vadd.f32 v14, v12;
	v21 =	vadd.f32 v59, v21  }
0xfc: {  	v18 =	vld [tilespmem:$0xE8D0];
	v1 =	vadd.f32 v7, v1;
	v20 =	vadd.f32 v29, v20  }
0xfd: {  	v56 =	vld [tilespmem:$0xE5E0];
	v10 =	vadd.f32 v41, v10;
	v21 =	vadd.f32 v60, v21  }
0xfe: {  	v42 =	vld [tilespmem:$0x1FFA0];
	v12 =	vadd.f32 v25, v12;
	v1 =	vadd.f32 v8, v1  }
0xff: {  	v58 =	vld [tilespmem:$0xE5F0];
	v57 =	vadd.f32 v48, v43;
	v21 =	vadd.f32 v61, v21  }
0x100: {  	v11 =	vadd.f32 v44, v11;
	v59 =	vadd.f32 v52, v50;
	v60 =	vld [tilespmem:$0xE660]  }
0x101: {  	v13 =	vadd.f32 v54, v57;
	v61 =	vld [tilespmem:$0xE670];
	v21 =	vadd.f32 v62, v21  }
0x102: {  	v20 =	vadd.f32 v31, v20;
	v6 =	vadd.f32 v55, v59;
	v62 =	vld [tilespmem:$0xE6E0]  }
0x103: {  	v13 =	vadd.f32 v56, v13;
	v21 =	vadd.f32 v63, v21;
	v63 =	vld [tilespmem:$0xE6F0]  }
0x104: {  	v27 =	vld [tilespmem:$0xE950];
	v10 =	vadd.f32 v42, v10;
	v6 =	vadd.f32 v58, v6  }
0x105: {  	v28 =	vld [tilespmem:$0xEA50];
	v12 =	vadd.f32 v16, v12;
	v13 =	vadd.f32 v60, v13  }
0x106: {  	v44 =	vld [tilespmem:$0x1FFB0];
	v1 =	vadd.f32 v19, v1;
	v6 =	vadd.f32 v61, v6  }
0x107: {  	v40 =	vld [tilespmem:$0xE860];
	v11 =	vadd.f32 v45, v11;
	v13 =	vadd.f32 v62, v13  }
0x108: {  	v29 =	vld [tilespmem:$0xEB50];
	v20 =	vadd.f32 v49, v20;
	v6 =	vadd.f32 v63, v6  }
0x109: {  	v42 =	vld [tilespmem:$0xE870];
	v12 =	vadd.f32 v26, v12;
	v41 =	vadd.f32 v33, v13  }
0x10a: {  	v43 =	vld [tilespmem:$0xE8E0];
	v1 =	vadd.f32 v5, v1;
	v6 =	vadd.f32 v36, v6  }
0x10b: {  	v10 =	vadd.f32 v44, v10;
	v44 =	vld [tilespmem:$0xE8F0];
	v4 =	vadd.f32 v37, v41  }
0x10c: {  	v45 =	vld [tilespmem:$0xE960];
	v11 =	vadd.f32 v46, v11;
	v6 =	vadd.f32 v39, v6  }
0x10d: {  	v46 =	vld [tilespmem:$0xE970];
	v12 =	vadd.f32 v18, v12;
	v4 =	vadd.f32 v40, v4  }
0x10e: {  	v11 =	vadd.f32 v47, v11;
	v47 =	vld [tilespmem:$0xE9E0];
	v6 =	vadd.f32 v42, v6  }
0x10f: {  	v48 =	vld [tilespmem:$0xE9F0];
	v20 =	vadd.f32 v53, v20;
	v4 =	vadd.f32 v43, v4  }
0x110: {  	v49 =	vld [tilespmem:$0xEA60];
	v12 =	vadd.f32 v27, v12;
	v6 =	vadd.f32 v44, v6  }
0x111: {  	v50 =	vld [tilespmem:$0xEA70];
	v10 =	vadd.f32 v51, v10;
	v4 =	vadd.f32 v45, v4  }
0x112: {  	v51 =	vld [tilespmem:$0xEAE0];
	v12 =	vadd.f32 v32, v12;
	v6 =	vadd.f32 v46, v6  }
0x113: {  	v53 =	vld [tilespmem:$0xEAF0];
	v1 =	vadd.f32 v3, v1;
	v52 =	vadd.f32 v47, v4  }
0x114: {  	v54 =	vld [tilespmem:$0xEB60];
	v12 =	vadd.f32 v28, v12;
	v6 =	vadd.f32 v48, v6  }
0x115: {  	v1 =	vadd.f32 v2, v1;
	v56 =	vld [tilespmem:$0xEB70];
	v55 =	vadd.f32 v49, v52  }
0x116: {  	v58 =	vld [tilespmem:$0xEBE0];
	v57 =	vadd.f32 v34, v12;
	v5 =	vadd.f32 v50, v6  }
0x117: {  	v59 =	vld [tilespmem:$0xEBF0];
	[tilespmem:$0xEC10] =	vst v20;
	v1 =	vadd.f32 v9, v1;
	v2 =	vadd.f32 v51, v55  }
0x118: {  	[tilespmem:$0xEC20] =	vst v11;
	v7 =	vadd.f32 v29, v57;
	v4 =	vadd.f32 v53, v5  }
0x119: {  	[tilespmem:$0xEC00] =	vst v10;
	v0 =	vadd.f32 v0, v1;
	v60 =	vadd.f32 v54, v2  }
0x11a: {  	s15 =	sadd.s32 s15, s11;
	s16 =	sadd.s32 s16, s11;
	[tilespmem:$0xEC30] =	vst v21;
	v61 =	vadd.f32 v35, v7;
	v3 =	vadd.f32 v56, v4  }
0x11b: {  	s17 =	sadd.s32 s17, s11;
	s18 =	sadd.s32 s18, s11;
	s19 =	sadd.s32 s19, s11;
	[tilespmem:$0xEC40] =	vst v0;
	v62 =	vadd.f32 v58, v60  }
0x11c: {  	s20 =	sadd.s32 s20, s11;
	s21 =	sadd.s32 s21, s11;
	s22 =	sadd.s32 s22, s11;
	[tilespmem:$0xEC50] =	vst v61;
	v63 =	vadd.f32 v59, v3  }
0x11d: {  	s23 =	sadd.s32 s23, s11;
	s24 =	sadd.s32 s24, s11;
	s25 =	sadd.s32 s25, s11;
	[tilespmem:$0xEC60] =	vst v62  }
.Ltmp3:
0x11e: {  	s29 =	sadd.s32 s9, s6;
	s31 =	simm.s32 $0xEC00;
	[tilespmem:$0xEC70] =	vst v63;
	(pc) =	sbr.rel .LBB2_7-.Ltmp3, $4  }
0x11f: {  	[spmem:s29] =	stream.linear.scatter [tilespmem:s31], [sflag:$0x1], $0x80, $0x38;
	[tilespmem:$0xFD80] =	vst v63  }
0x120: {  	s26 =	sadd.s32 s26, s11;
	s28 =	sadd.s32 s28, s11;
	_ =	swait.ge [sflag:s12], $0x80  }
0x121: {  	s29 =	sadd.s32 s14, s11;
	s14 =	sadd.s32 s13, s11;
	[sflag:s12] =	ssyncset.done $0x0  }
0x122: {  	s11 =	sadd.s32 s9, s11;
	[sflag:s12] =	ssyncadd.s32 $0xFFFFFF80;
	s12 =	sadd.s32 s9, s4  }
.LBB2_6:
0x123: {  	s11 =	sadd.s32 $0xFFFFFC00, s9  }
0x124: {  	s14 =	sadd.s32 s9, s13;
	s12 =	sadd.s32 s11, s5  }
0x125: {  	s28 =	sadd.s32 $0x3800, s14;
	s26 =	sadd.s32 $0x3400, s14;
	s25 =	sadd.s32 $0x3000, s14  }
0x126: {  	s24 =	sadd.s32 $0x2C00, s14;
	s23 =	sadd.s32 $0x2800, s14;
	s22 =	sadd.s32 $0x2400, s14  }
0x127: {  	s21 =	sadd.s32 $0x2000, s14;
	s20 =	sadd.s32 $0x1C00, s14;
	s19 =	sadd.s32 $0x1800, s14  }
0x128: {  	s18 =	sadd.s32 $0x1400, s14;
	s17 =	sadd.s32 $0x1000, s14;
	s16 =	sadd.s32 $0xC00, s14  }
0x129: {  	s15 =	sadd.s32 $0x800, s14;
	s29 =	sadd.s32 $0x400, s14;
	s11 =	sadd.s32 s11, s13  }
.LBB2_7:
0x12a: {  	s13 =	simm.s32 $0xE400  }
0x12b: {  	[tilespmem:s13], [sflag:$0x1] =	stream.linear.gather [spmem:s11], $0x80, $0x38;
	[tilespmem:$0xFD80] =	vst v63  }
0x12c: {  	s11 =	simm.s32 $0x1  }
0x12d: {  	_ =	swait.ge [sflag:s11], $0x80  }
0x12e: {  	[sflag:s11] =	ssyncset.done $0x0  }
0x12f: {  	s30 =	simm.s32 $0xE480;
	[sflag:s11] =	ssyncadd.s32 $0xFFFFFF80  }
0x130: {  	[tilespmem:s30], [sflag:$0x1] =	stream.linear.gather [spmem:s14], $0x80, $0x38;
	[tilespmem:$0xFD80] =	vst v63  }
0x131: {  	_ =	swait.ge [sflag:s11], $0x80  }
0x132: {  	[sflag:s11] =	ssyncset.done $0x0  }
0x133: {  	s31 =	simm.s32 $0xE500;
	[sflag:s11] =	ssyncadd.s32 $0xFFFFFF80  }
0x134: {  	[tilespmem:s31], [sflag:$0x1] =	stream.linear.gather [spmem:s29], $0x80, $0x38;
	[tilespmem:$0xFD80] =	vst v63  }
0x135: {  	_ =	swait.ge [sflag:s11], $0x80  }
0x136: {  	[sflag:s11] =	ssyncset.done $0x0  }
0x137: {  	s14 =	simm.s32 $0xE580;
	[sflag:s11] =	ssyncadd.s32 $0xFFFFFF80  }
0x138: {  	[tilespmem:s14], [sflag:$0x1] =	stream.linear.gather [spmem:s15], $0x80, $0x38;
	[tilespmem:$0xFD80] =	vst v63  }
0x139: {  	_ =	swait.ge [sflag:s11], $0x80  }
0x13a: {  	[sflag:s11] =	ssyncset.done $0x0  }
0x13b: {  	s15 =	simm.s32 $0xE600;
	[sflag:s11] =	ssyncadd.s32 $0xFFFFFF80  }
0x13c: {  	[tilespmem:s15], [sflag:$0x1] =	stream.linear.gather [spmem:s16], $0x80, $0x38;
	[tilespmem:$0xFD80] =	vst v63  }
0x13d: {  	_ =	swait.ge [sflag:s11], $0x80  }
0x13e: {  	[sflag:s11] =	ssyncset.done $0x0  }
0x13f: {  	s16 =	simm.s32 $0xE680;
	[sflag:s11] =	ssyncadd.s32 $0xFFFFFF80  }
0x140: {  	[tilespmem:s16], [sflag:$0x1] =	stream.linear.gather [spmem:s17], $0x80, $0x38;
	[tilespmem:$0xFD80] =	vst v63  }
0x141: {  	_ =	swait.ge [sflag:s11], $0x80  }
0x142: {  	[sflag:s11] =	ssyncset.done $0x0  }
0x143: {  	s17 =	simm.s32 $0xE700;
	[sflag:s11] =	ssyncadd.s32 $0xFFFFFF80  }
0x144: {  	[tilespmem:s17], [sflag:$0x1] =	stream.linear.gather [spmem:s18], $0x80, $0x38;
	[tilespmem:$0xFD80] =	vst v63  }
0x145: {  	_ =	swait.ge [sflag:s11], $0x80  }
0x146: {  	[sflag:s11] =	ssyncset.done $0x0  }
0x147: {  	s18 =	simm.s32 $0xE780;
	[sflag:s11] =	ssyncadd.s32 $0xFFFFFF80  }
0x148: {  	[tilespmem:s18], [sflag:$0x1] =	stream.linear.gather [spmem:s19], $0x80, $0x38;
	[tilespmem:$0xFD80] =	vst v63  }
0x149: {  	_ =	swait.ge [sflag:s11], $0x80  }
0x14a: {  	[sflag:s11] =	ssyncset.done $0x0  }
0x14b: {  	s19 =	simm.s32 $0xE800;
	[sflag:s11] =	ssyncadd.s32 $0xFFFFFF80  }
0x14c: {  	[tilespmem:s19], [sflag:$0x1] =	stream.linear.gather [spmem:s20], $0x80, $0x38;
	[tilespmem:$0xFD80] =	vst v63  }
0x14d: {  	_ =	swait.ge [sflag:s11], $0x80  }
0x14e: {  	[sflag:s11] =	ssyncset.done $0x0  }
0x14f: {  	s20 =	simm.s32 $0xE880;
	[sflag:s11] =	ssyncadd.s32 $0xFFFFFF80  }
0x150: {  	[tilespmem:s20], [sflag:$0x1] =	stream.linear.gather [spmem:s21], $0x80, $0x38;
	[tilespmem:$0xFD80] =	vst v63  }
0x151: {  	_ =	swait.ge [sflag:s11], $0x80  }
0x152: {  	[sflag:s11] =	ssyncset.done $0x0  }
0x153: {  	s21 =	simm.s32 $0xE900;
	[sflag:s11] =	ssyncadd.s32 $0xFFFFFF80  }
0x154: {  	[tilespmem:s21], [sflag:$0x1] =	stream.linear.gather [spmem:s22], $0x80, $0x38;
	[tilespmem:$0xFD80] =	vst v63  }
0x155: {  	_ =	swait.ge [sflag:s11], $0x80  }
0x156: {  	[sflag:s11] =	ssyncset.done $0x0  }
0x157: {  	s22 =	simm.s32 $0xE980;
	[sflag:s11] =	ssyncadd.s32 $0xFFFFFF80  }
0x158: {  	[tilespmem:s22], [sflag:$0x1] =	stream.linear.gather [spmem:s23], $0x80, $0x38;
	[tilespmem:$0xFD80] =	vst v63  }
0x159: {  	_ =	swait.ge [sflag:s11], $0x80  }
0x15a: {  	[sflag:s11] =	ssyncset.done $0x0  }
0x15b: {  	s23 =	simm.s32 $0xEA00;
	[sflag:s11] =	ssyncadd.s32 $0xFFFFFF80  }
0x15c: {  	[tilespmem:s23], [sflag:$0x1] =	stream.linear.gather [spmem:s24], $0x80, $0x38;
	[tilespmem:$0xFD80] =	vst v63  }
0x15d: {  	_ =	swait.ge [sflag:s11], $0x80  }
0x15e: {  	[sflag:s11] =	ssyncset.done $0x0  }
0x15f: {  	s24 =	simm.s32 $0xEA80;
	[sflag:s11] =	ssyncadd.s32 $0xFFFFFF80  }
0x160: {  	[tilespmem:s24], [sflag:$0x1] =	stream.linear.gather [spmem:s25], $0x80, $0x38;
	[tilespmem:$0xFD80] =	vst v63  }
0x161: {  	_ =	swait.ge [sflag:s11], $0x80  }
0x162: {  	[sflag:s11] =	ssyncset.done $0x0  }
0x163: {  	s25 =	simm.s32 $0xEB00;
	[sflag:s11] =	ssyncadd.s32 $0xFFFFFF80  }
0x164: {  	[tilespmem:s25], [sflag:$0x1] =	stream.linear.gather [spmem:s26], $0x80, $0x38;
	[tilespmem:$0xFD80] =	vst v63  }
0x165: {  	_ =	swait.ge [sflag:s11], $0x80  }
0x166: {  	[sflag:s11] =	ssyncset.done $0x0  }
0x167: {  	s26 =	simm.s32 $0xEB80;
	[sflag:s11] =	ssyncadd.s32 $0xFFFFFF80  }
0x168: {  	[tilespmem:s26], [sflag:$0x1] =	stream.linear.gather [spmem:s28], $0x80, $0x38;
	[tilespmem:$0xFD80] =	vst v63  }
0x169: {  	_ =	swait.ge [sflag:s11], $0x80  }
0x16a: {  	[sflag:s11] =	ssyncset.done $0x0  }
0x16b: {  	[sflag:s11] =	ssyncadd.s32 $0xFFFFFF80  }
0x16c: {  	v0 =	vld [tilespmem:$0xE400]  }
0x16d: {  	v1 =	vld [tilespmem:$0xE480]  }
0x16e: {  	v2 =	vld [tilespmem:$0xE500]  }
0x16f: {  	v3 =	vld [tilespmem:$0xE580]  }
0x170: {  	v9 =	vld [tilespmem:$0xE600]  }
0x171: {  	v10 =	vld [tilespmem:$0xE680]  }
0x172: {  	v11 =	vld [tilespmem:$0xE700]  }
0x173: {  	v12 =	vld [tilespmem:$0xE780]  }
0x174: {  	v14 =	vld [tilespmem:$0xE800]  }
0x175: {  	v16 =	vld [tilespmem:$0xE880]  }
0x176: {  	v18 =	vld [tilespmem:$0xE900]  }
0x177: {  	v4 =	vld [tilespmem:$0xE980]  }
0x178: {  	v44 =	vld [tilespmem:$0xEA00]  }
0x179: {  	v45 =	vld [tilespmem:$0xEA80]  }
0x17a: {  	v46 =	vld [tilespmem:$0xEB00]  }
0x17b: {  	v47 =	vld [tilespmem:$0xEB80]  }
0x17c: {  	v5 =	vld [tilespmem:$0xE410]  }
0x17d: {  	v7 =	vld [tilespmem:$0xE490]  }
0x17e: {  	v19 =	vld [tilespmem:$0xE510]  }
0x17f: {  	v20 =	vld [tilespmem:$0xE590]  }
0x180: {  	v21 =	vld [tilespmem:$0xE610]  }
0x181: {  	v22 =	vld [tilespmem:$0xE690]  }
0x182: {  	v23 =	vld [tilespmem:$0xE710]  }
0x183: {  	v24 =	vld [tilespmem:$0xE790]  }
0x184: {  	v25 =	vld [tilespmem:$0xE810]  }
0x185: {  	v26 =	vld [tilespmem:$0xE890]  }
0x186: {  	v27 =	vld [tilespmem:$0xE910]  }
0x187: {  	v28 =	vld [tilespmem:$0xE990]  }
0x188: {  	v29 =	vld [tilespmem:$0xEA10]  }
0x189: {  	v31 =	vld [tilespmem:$0xEA90]  }
0x18a: {  	v48 =	vld [tilespmem:$0xEB10]  }
0x18b: {  	v49 =	vld [tilespmem:$0xEB90]  }
0x18c: {  	v8 =	vld [tilespmem:$0xE420]  }
0x18d: {  	v33 =	vld [tilespmem:$0xE4A0]  }
0x18e: {  	v34 =	vld [tilespmem:$0xE520]  }
0x18f: {  	v35 =	vld [tilespmem:$0xE5A0]  }
0x190: {  	v36 =	vld [tilespmem:$0xE620]  }
0x191: {  	v37 =	vld [tilespmem:$0xE6A0]  }
0x192: {  	v38 =	vld [tilespmem:$0xE720]  }
0x193: {  	v39 =	vld [tilespmem:$0xE7A0]  }
0x194: {  	v40 =	vld [tilespmem:$0xE820]  }
0x195: {  	v41 =	vld [tilespmem:$0xE8A0]  }
0x196: {  	v42 =	vld [tilespmem:$0xE920]  }
0x197: {  	v43 =	vld [tilespmem:$0xE9A0]  }
0x198: {  	v50 =	vld [tilespmem:$0xE530]  }
0x199: {  	v51 =	vld [tilespmem:$0xE5B0]  }
0x19a: {  	v52 =	vld [tilespmem:$0xE630]  }
0x19b: {  	v53 =	vld [tilespmem:$0xE6B0]  }
0x19c: {  	v54 =	vld [tilespmem:$0xE730]  }
0x19d: {  	v55 =	vld [tilespmem:$0xE7B0]  }
0x19e: {  	v56 =	vld [tilespmem:$0xE830]  }
0x19f: {  	v57 =	vld [tilespmem:$0xE8B0]  }
0x1a0: {  	v58 =	vld [tilespmem:$0xE930]  }
0x1a1: {  	v59 =	vld [tilespmem:$0xE9B0]  }
0x1a2: {  	v60 =	vld [tilespmem:$0xEA30]  }
0x1a3: {  	v61 =	vld [tilespmem:$0xEAB0]  }
0x1a4: {  	v62 =	vld [tilespmem:$0xEB30]  }
0x1a5: {  	v63 =	vld [tilespmem:$0xEBB0]  }
0x1a6: {  	v6 =	vld [tilespmem:$0xE440]  }
0x1a7: {  	v13 =	vld [tilespmem:$0xE540]  }
0x1a8: {  	v15 =	vld [tilespmem:$0xE5C0]  }
0x1a9: {  	v17 =	vld [tilespmem:$0xE640]  }
0x1aa: {  	v30 =	vld [tilespmem:$0xE6C0]  }
0x1ab: {  	v32 =	vld [tilespmem:$0xE740]  }
0x1ac: {  	[tilespmem:$0x1FF10] =	vst v44;
	v44 =	vld [tilespmem:$0xEA20]  }
0x1ad: {  	[tilespmem:$0x1FF20] =	vst v45;
	v45 =	vld [tilespmem:$0xEAA0]  }
0x1ae: {  	[tilespmem:$0x1FF30] =	vst v46;
	v46 =	vld [tilespmem:$0xEB20]  }
0x1af: {  	[tilespmem:$0x1FF50] =	vst v47;
	v47 =	vld [tilespmem:$0xEBA0]  }
0x1b0: {  	[tilespmem:$0x1FF40] =	vst v48;
	v48 =	vld [tilespmem:$0xE430]  }
0x1b1: {  	[tilespmem:$0x1FF60] =	vst v49;
	v49 =	vld [tilespmem:$0xE4B0]  }
0x1b2: {  	[tilespmem:$0x1FF00] =	vst v4;
	v4 =	vld [tilespmem:$0xE4C0]  }
0x1b3: {  	v0 =	vadd.f32 v1, v0;
	v1 =	vld [tilespmem:$0xE7C0]  }
0x1b4: {  	v5 =	vadd.f32 v7, v5;
	v7 =	vld [tilespmem:$0xE840]  }
0x1b5: {  	[tilespmem:$0x1FF70] =	vst v32;
	v32 =	vld [tilespmem:$0xE9D0]  }
0x1b6: {  	v0 =	vadd.f32 v2, v0;
	v2 =	vadd.f32 v33, v8;
	v8 =	vld [tilespmem:$0xE8C0]  }
0x1b7: {  	v33 =	vadd.f32 v19, v5;
	v19 =	vld [tilespmem:$0xE940]  }
0x1b8: {  	v5 =	vld [tilespmem:$0xE9C0]  }
0x1b9: {  	v0 =	vadd.f32 v3, v0;
	v3 =	vld [tilespmem:$0xEA40]  }
0x1ba: {  	v2 =	vadd.f32 v34, v2;
	v20 =	vadd.f32 v20, v33;
	v33 =	vld [tilespmem:$0xE4D0]  }
0x1bb: {  	v48 =	vadd.f32 v49, v48;
	v49 =	vld [tilespmem:$0xE460]  }
0x1bc: {  	v34 =	vadd.f32 v35, v2;
	v2 =	vld [tilespmem:$0xEAC0]  }
0x1bd: {  	v0 =	vadd.f32 v9, v0;
	v9 =	vld [tilespmem:$0xEB40]  }
0x1be: {  	v35 =	vld [tilespmem:$0xEBD0]  }
0x1bf: {  	v20 =	vadd.f32 v21, v20;
	v50 =	vadd.f32 v50, v48;
	v48 =	vld [tilespmem:$0x1FF20]  }
0x1c0: {  	v10 =	vadd.f32 v10, v0;
	v0 =	vld [tilespmem:$0xEBC0]  }
0x1c1: {  	v20 =	vadd.f32 v22, v20;
	v22 =	vld [tilespmem:$0xE450]  }
0x1c2: {  	v36 =	vadd.f32 v36, v34;
	v34 =	vld [tilespmem:$0xEAD0]  }
0x1c3: {  	v51 =	vadd.f32 v51, v50;
	v50 =	vld [tilespmem:$0x1FF30]  }
0x1c4: {  	v4 =	vadd.f32 v4, v6;
	v20 =	vadd.f32 v23, v20;
	v23 =	vld [tilespmem:$0xE550]  }
0x1c5: {  	v10 =	vadd.f32 v11, v10;
	v21 =	vadd.f32 v52, v51;
	v51 =	vld [tilespmem:$0xE4E0]  }
0x1c6: {  	v4 =	vadd.f32 v13, v4;
	v52 =	vld [tilespmem:$0x1FF40]  }
0x1c7: {  	v37 =	vadd.f32 v37, v36;
	v10 =	vadd.f32 v12, v10;
	v12 =	vld [tilespmem:$0xE5D0]  }
0x1c8: {  	v20 =	vadd.f32 v24, v20;
	v24 =	vld [tilespmem:$0xE650];
	v21 =	vadd.f32 v53, v21  }
0x1c9: {  	v4 =	vadd.f32 v15, v4;
	v11 =	vadd.f32 v38, v37;
	v53 =	vld [tilespmem:$0xE470]  }
0x1ca: {  	v10 =	vadd.f32 v14, v10;
	v14 =	vld [tilespmem:$0xE6D0];
	v21 =	vadd.f32 v54, v21  }
0x1cb: {  	v4 =	vadd.f32 v17, v4;
	v20 =	vadd.f32 v25, v20;
	v25 =	vld [tilespmem:$0xE750]  }
0x1cc: {  	v11 =	vadd.f32 v39, v11;
	v39 =	vld [tilespmem:$0xE670];
	v21 =	vadd.f32 v55, v21  }
0x1cd: {  	v22 =	vadd.f32 v33, v22;
	v4 =	vadd.f32 v30, v4;
	v54 =	vld [tilespmem:$0x1FF50]  }
0x1ce: {  	v10 =	vadd.f32 v16, v10;
	v16 =	vld [tilespmem:$0xE7D0];
	v21 =	vadd.f32 v56, v21  }
0x1cf: {  	v22 =	vadd.f32 v23, v22;
	v20 =	vadd.f32 v26, v20;
	v26 =	vld [tilespmem:$0xE850]  }
0x1d0: {  	v11 =	vadd.f32 v40, v11;
	v40 =	vld [tilespmem:$0xE6E0];
	v21 =	vadd.f32 v57, v21  }
0x1d1: {  	v55 =	vld [tilespmem:$0xE4F0];
	v12 =	vadd.f32 v12, v22;
	v10 =	vadd.f32 v18, v10  }
0x1d2: {  	v11 =	vadd.f32 v41, v11;
	v41 =	vld [tilespmem:$0x1FF00];
	v21 =	vadd.f32 v58, v21  }
0x1d3: {  	v18 =	vld [tilespmem:$0xE8D0];
	v20 =	vadd.f32 v27, v20;
	v12 =	vadd.f32 v24, v12  }
0x1d4: {  	v27 =	vld [tilespmem:$0xE950];
	v11 =	vadd.f32 v42, v11;
	v21 =	vadd.f32 v59, v21  }
0x1d5: {  	v20 =	vadd.f32 v28, v20;
	v42 =	vld [tilespmem:$0x1FF10];
	v12 =	vadd.f32 v14, v12  }
0x1d6: {  	v56 =	vld [tilespmem:$0x1FF60];
	v11 =	vadd.f32 v43, v11;
	v21 =	vadd.f32 v60, v21  }
0x1d7: {  	v28 =	vld [tilespmem:$0xEA50];
	v20 =	vadd.f32 v29, v20;
	v10 =	vadd.f32 v41, v10  }
0x1d8: {  	v57 =	vld [tilespmem:$0xE560];
	v12 =	vadd.f32 v25, v12;
	v21 =	vadd.f32 v61, v21  }
0x1d9: {  	v58 =	vld [tilespmem:$0xE570];
	v11 =	vadd.f32 v44, v11;
	v20 =	vadd.f32 v31, v20  }
0x1da: {  	v10 =	vadd.f32 v42, v10;
	v59 =	vld [tilespmem:$0xE5E0];
	v21 =	vadd.f32 v62, v21  }
0x1db: {  	v12 =	vadd.f32 v16, v12;
	v60 =	vadd.f32 v51, v49;
	v61 =	vld [tilespmem:$0xE5F0]  }
0x1dc: {  	v62 =	vadd.f32 v55, v53;
	v21 =	vadd.f32 v63, v21;
	v63 =	vld [tilespmem:$0xE660]  }
0x1dd: {  	v29 =	vld [tilespmem:$0xEB50];
	v11 =	vadd.f32 v45, v11;
	v13 =	vadd.f32 v57, v60  }
0x1de: {  	v20 =	vadd.f32 v52, v20;
	v45 =	vld [tilespmem:$0x1FF70];
	v6 =	vadd.f32 v58, v62  }
0x1df: {  	v41 =	vld [tilespmem:$0xE6F0];
	v10 =	vadd.f32 v48, v10;
	v13 =	vadd.f32 v59, v13  }
0x1e0: {  	v42 =	vld [tilespmem:$0xE760];
	v12 =	vadd.f32 v26, v12;
	v6 =	vadd.f32 v61, v6  }
0x1e1: {  	v43 =	vld [tilespmem:$0xE770];
	v11 =	vadd.f32 v46, v11;
	v13 =	vadd.f32 v63, v13  }
0x1e2: {  	v44 =	vld [tilespmem:$0xE7E0];
	v20 =	vadd.f32 v56, v20;
	v6 =	vadd.f32 v39, v6  }
0x1e3: {  	v46 =	vld [tilespmem:$0xE7F0];
	v4 =	vadd.f32 v45, v4;
	v13 =	vadd.f32 v40, v13  }
0x1e4: {  	v11 =	vadd.f32 v47, v11;
	v47 =	vld [tilespmem:$0xE860];
	v6 =	vadd.f32 v41, v6  }
0x1e5: {  	v49 =	vld [tilespmem:$0xE870];
	v1 =	vadd.f32 v1, v4;
	v48 =	vadd.f32 v42, v13  }
0x1e6: {  	v10 =	vadd.f32 v50, v10;
	v50 =	vld [tilespmem:$0xE8E0];
	v6 =	vadd.f32 v43, v6  }
0x1e7: {  	v51 =	vld [tilespmem:$0xE8F0];
	v1 =	vadd.f32 v7, v1;
	v4 =	vadd.f32 v44, v48  }
0x1e8: {  	v52 =	vld [tilespmem:$0xE960];
	v12 =	vadd.f32 v18, v12;
	v6 =	vadd.f32 v46, v6  }
0x1e9: {  	v53 =	vld [tilespmem:$0xE970];
	v1 =	vadd.f32 v8, v1;
	v4 =	vadd.f32 v47, v4  }
0x1ea: {  	v10 =	vadd.f32 v54, v10;
	v54 =	vld [tilespmem:$0xE9E0];
	v6 =	vadd.f32 v49, v6  }
0x1eb: {  	v55 =	vld [tilespmem:$0xE9F0];
	v1 =	vadd.f32 v19, v1;
	v4 =	vadd.f32 v50, v4  }
0x1ec: {  	v56 =	vld [tilespmem:$0xEA60];
	v12 =	vadd.f32 v27, v12;
	v6 =	vadd.f32 v51, v6  }
0x1ed: {  	v57 =	vld [tilespmem:$0xEA70];
	v1 =	vadd.f32 v5, v1;
	v4 =	vadd.f32 v52, v4  }
0x1ee: {  	v12 =	vadd.f32 v32, v12;
	v58 =	vld [tilespmem:$0xEAE0];
	v6 =	vadd.f32 v53, v6  }
0x1ef: {  	v59 =	vld [tilespmem:$0xEAF0];
	v1 =	vadd.f32 v3, v1;
	v3 =	vadd.f32 v54, v4  }
0x1f0: {  	v60 =	vld [tilespmem:$0xEB60];
	v12 =	vadd.f32 v28, v12;
	v6 =	vadd.f32 v55, v6  }
0x1f1: {  	v1 =	vadd.f32 v2, v1;
	v2 =	vadd.f32 v56, v3;
	v3 =	vld [tilespmem:$0xEB70]  }
0x1f2: {  	v62 =	vld [tilespmem:$0xEBE0];
	v61 =	vadd.f32 v34, v12;
	v5 =	vadd.f32 v57, v6  }
0x1f3: {  	[tilespmem:$0xEC10] =	vst v20;
	v63 =	vld [tilespmem:$0xEBF0];
	v1 =	vadd.f32 v9, v1;
	v2 =	vadd.f32 v58, v2  }
0x1f4: {  	[tilespmem:$0xEC20] =	vst v11;
	v7 =	vadd.f32 v29, v61;
	v4 =	vadd.f32 v59, v5  }
0x1f5: {  	[tilespmem:$0xEC00] =	vst v10;
	v0 =	vadd.f32 v0, v1;
	v1 =	vadd.f32 v60, v2  }
0x1f6: {  	[tilespmem:$0xEC30] =	vst v21;
	v2 =	vadd.f32 v35, v7;
	v3 =	vadd.f32 v3, v4  }
0x1f7: {  	[tilespmem:$0xEC40] =	vst v0;
	v0 =	vadd.f32 v62, v1  }
0x1f8: {  	[tilespmem:$0xEC50] =	vst v2;
	v1 =	vadd.f32 v63, v3  }
0x1f9: {  	[tilespmem:$0xEC60] =	vst v0  }
0x1fa: {  	s29 =	simm.s32 $0xEC00;
	[tilespmem:$0xEC70] =	vst v1  }
0x1fb: {  	[spmem:s12] =	stream.linear.scatter [tilespmem:s29], [sflag:$0x1], $0x80, $0x38;
	[tilespmem:$0xFD80] =	vst v63  }
0x1fc: {  	_ =	swait.ge [sflag:s11], $0x80  }
0x1fd: {  	[sflag:s11] =	ssyncset.done $0x0  }
0x1fe: {  	[sflag:s11] =	ssyncadd.s32 $0xFFFFFF80  }
0x1ff: {  	s30 =	simm.s32 $0xA300;
	[bflag:$0x0] =	sbarrier.arrive $0xFFFF  }
0x200: {  	[tilespmem:s30], [sflag:$0x1] =	stream.linear.gather [spmem:s6], $0x400, $0x38;
	[tilespmem:$0xFD80] =	vst v63  }
0x201: {  	s13 =	sadd.s32 $0x3000, s8;
	_ =	swait.ge [sflag:s11], $0x400  }
0x202: {  	s31 =	simm.s32 $0xAB00;
	s14 =	sadd.s32 $0x2C00, s8;
	[sflag:s11] =	ssyncset.done $0x0  }
0x203: {  	s15 =	sadd.s32 $0x2800, s8;
	s25 =	simm.s32 $0xA700;
	[sflag:s11] =	ssyncadd.s32 $0xFFFFFC00  }
0x204: {  	[tilespmem:s25], [sflag:$0x1] =	stream.linear.gather [spmem:s5], $0x400, $0x38;
	[tilespmem:$0xFD80] =	vst v63  }
0x205: {  	s16 =	sadd.s32 $0x2400, s8;
	s17 =	sadd.s32 $0x2000, s8;
	_ =	swait.ge [sflag:s11], $0x400  }
0x206: {  	s18 =	sadd.s32 $0x1C00, s8;
	s19 =	sadd.s32 $0x1800, s8;
	[sflag:s11] =	ssyncset.done $0x0  }
0x207: {  	s20 =	sadd.s32 $0x1400, s8;
	s21 =	sadd.s32 $0x1000, s8;
	[sflag:s11] =	ssyncadd.s32 $0xFFFFFC00  }
0x208: {  	[tilespmem:s31], [sflag:$0x1] =	stream.linear.gather [spmem:s4], $0x400, $0x38;
	[tilespmem:$0xFD80] =	vst v63  }
0x209: {  	s22 =	sadd.s32 $0xC00, s8;
	s23 =	sadd.s32 $0x800, s8;
	_ =	swait.ge [sflag:s11], $0x400  }
0x20a: {  	s24 =	sadd.s32 $0x400, s8;
	s26 =	simm.s32 $0x40;
	[sflag:s11] =	ssyncset.done $0x0  }
0x20b: {  	s12 =	sadd.s32 $0x3400, s8;
	[sflag:s11] =	ssyncadd.s32 $0xFFFFFC00;
	s11 =	simm.s32 $0x0  }
0x20c: {  	s6 =	sadd.s32 s10, s7;
	s10 =	sadd.s32 $0x3800, s8;
	s7 =	sadd.s32 $0x3C00, s8;
	v1 =	vld [tilespmem:s11+$0x4980]  }
0x20d: {  	s5 =	sadd.s32 s9, s2;
	s9 =	simm.s32 $0x9F00;
	s4 =	sadd.s32 $0x3100, s3;
	v0 =	vld [tilespmem:s11+$0x6200]  }
.LBB2_8:
0x20e: {  	p1 =	sne.s32 s26, $0x61C0;
	_ =	sdelay $0x3  }
0x20f: {  	v1 =	vadd.f32 $1.000000000e+00, v1;
	_ =	sdelay $0x1  }
0x210: {  	(erf) = vrcp.f32 v1  }
0x211: {  	v1 =	vld.idx.msk [tilespmem:v0+s25+$0x0], $0xffff  }
0x212: {  	v2 =	vld [tilespmem:s11+$0x3100];
	_ =	sdelay $0x4  }
0x213: {  	v1 =	vsub.f32 v1, v2;
	_ =	sdelay $0x1  }
0x214: {  	v1 =	vand.u32 $0x7FFFFFFF, v1;
	v2 =	vpop (erf)  }
0x215: {  	v1 =	vmul.f32 v2, v1  }
.Ltmp4:
0x216: {  	(pc) =	sbr.rel @p1 .LBB2_8-.Ltmp4, $4  }
0x217: {  	[tilespmem:s11+$0x7A80] =	vst v1  }
0x218: {  	s11 =	sshra.s32 s26, $0x2;
	[tilespmem:v0+s9+$0x0] =	vst.idx.add.f32.msk $0xffff, v1  }
0x219: {  	v1 =	vld [tilespmem:s11+$0x4980]  }
0x21a: {  	s26 =	sadd.s32 $0x40, s26;
	v0 =	vld [tilespmem:s11+$0x6200]  }
0x21b: {  	_ =	sdelay $0x3  }
0x21c: {  	v1 =	vadd.f32 $1.000000000e+00, v1;
	_ =	sdelay $0x1  }
0x21d: {  	(erf) = vrcp.f32 v1  }
0x21e: {  	v2 =	vld [tilespmem:s11+$0x3100]  }
0x21f: {  	v62 =	vld.idx.msk [tilespmem:v0+s25+$0x0], $0xffff;
	_ =	sdelay $0x4  }
0x220: {  	v1 =	vsub.f32 v62, v2;
	_ =	sdelay $0x1  }
0x221: {  	v1 =	vand.u32 $0x7FFFFFFF, v1;
	v63 =	vpop (erf)  }
0x222: {  	v1 =	vmul.f32 v63, v1;
	_ =	sdelay $0x1  }
0x223: {  	[tilespmem:s11+$0x7A80] =	vst v1  }
0x224: {  	s31 =	simm.s32 $0x9F00;
	[tilespmem:v0+s9+$0x0] =	vst.idx.add.f32.msk $0xffff, v1  }
0x225: {  	[spmem:s6] =	stream.linear.scatter [tilespmem:s31], [sflag:$0x1], $0x400, $0x38;
	[tilespmem:$0xFD80] =	vst v63  }
0x226: {  	s6 =	simm.s32 $0x1  }
.Ltmp5:
0x227: {  	_ =	swait.ge [sflag:s6], $0x400;
	(pc) =	sbr.rel @p0 .LBB2_11-.Ltmp5, $3  }
0x228: {  	[sflag:s6] =	ssyncset.done $0x0  }
0x229: {  	[sflag:s6] =	ssyncadd.s32 $0xFFFFFC00  }
0x22a: {  	[bflag:$0x0] =	sbarrier.arrive $0xFFFF;
	_ =	sdelay $0x1  }
0x22b: {  	s9 =	simm.s32 $0xE400  }
0x22c: {  	[tilespmem:s9], [sflag:$0x1] =	stream.linear.gather [spmem:s8], $0x80, $0x38;
	[tilespmem:$0xFD80] =	vst v63  }
0x22d: {  	_ =	swait.ge [sflag:s6], $0x80  }
0x22e: {  	[sflag:s6] =	ssyncset.done $0x0  }
0x22f: {  	s29 =	simm.s32 $0xE480;
	[sflag:s6] =	ssyncadd.s32 $0xFFFFFF80  }
0x230: {  	[tilespmem:s29], [sflag:$0x1] =	stream.linear.gather [spmem:s24], $0x80, $0x38;
	[tilespmem:$0xFD80] =	vst v63  }
0x231: {  	_ =	swait.ge [sflag:s6], $0x80  }
0x232: {  	[sflag:s6] =	ssyncset.done $0x0  }
0x233: {  	s30 =	simm.s32 $0xE500;
	[sflag:s6] =	ssyncadd.s32 $0xFFFFFF80  }
0x234: {  	[tilespmem:s30], [sflag:$0x1] =	stream.linear.gather [spmem:s23], $0x80, $0x38;
	[tilespmem:$0xFD80] =	vst v63  }
0x235: {  	_ =	swait.ge [sflag:s6], $0x80  }
0x236: {  	[sflag:s6] =	ssyncset.done $0x0  }
0x237: {  	s31 =	simm.s32 $0xE580;
	[sflag:s6] =	ssyncadd.s32 $0xFFFFFF80  }
0x238: {  	[tilespmem:s31], [sflag:$0x1] =	stream.linear.gather [spmem:s22], $0x80, $0x38;
	[tilespmem:$0xFD80] =	vst v63  }
0x239: {  	_ =	swait.ge [sflag:s6], $0x80  }
0x23a: {  	[sflag:s6] =	ssyncset.done $0x0  }
0x23b: {  	s9 =	simm.s32 $0xE600;
	[sflag:s6] =	ssyncadd.s32 $0xFFFFFF80  }
0x23c: {  	[tilespmem:s9], [sflag:$0x1] =	stream.linear.gather [spmem:s21], $0x80, $0x38;
	[tilespmem:$0xFD80] =	vst v63  }
0x23d: {  	_ =	swait.ge [sflag:s6], $0x80  }
0x23e: {  	[sflag:s6] =	ssyncset.done $0x0  }
0x23f: {  	s11 =	simm.s32 $0xE680;
	[sflag:s6] =	ssyncadd.s32 $0xFFFFFF80  }
0x240: {  	[tilespmem:s11], [sflag:$0x1] =	stream.linear.gather [spmem:s20], $0x80, $0x38;
	[tilespmem:$0xFD80] =	vst v63  }
0x241: {  	_ =	swait.ge [sflag:s6], $0x80  }
0x242: {  	[sflag:s6] =	ssyncset.done $0x0  }
0x243: {  	s20 =	simm.s32 $0xE700;
	[sflag:s6] =	ssyncadd.s32 $0xFFFFFF80  }
0x244: {  	[tilespmem:s20], [sflag:$0x1] =	stream.linear.gather [spmem:s19], $0x80, $0x38;
	[tilespmem:$0xFD80] =	vst v63  }
0x245: {  	_ =	swait.ge [sflag:s6], $0x80  }
0x246: {  	[sflag:s6] =	ssyncset.done $0x0  }
0x247: {  	s21 =	simm.s32 $0xE780;
	[sflag:s6] =	ssyncadd.s32 $0xFFFFFF80  }
0x248: {  	[tilespmem:s21], [sflag:$0x1] =	stream.linear.gather [spmem:s18], $0x80, $0x38;
	[tilespmem:$0xFD80] =	vst v63  }
0x249: {  	_ =	swait.ge [sflag:s6], $0x80  }
0x24a: {  	[sflag:s6] =	ssyncset.done $0x0  }
0x24b: {  	s22 =	simm.s32 $0xE800;
	[sflag:s6] =	ssyncadd.s32 $0xFFFFFF80  }
0x24c: {  	[tilespmem:s22], [sflag:$0x1] =	stream.linear.gather [spmem:s17], $0x80, $0x38;
	[tilespmem:$0xFD80] =	vst v63  }
0x24d: {  	_ =	swait.ge [sflag:s6], $0x80  }
0x24e: {  	[sflag:s6] =	ssyncset.done $0x0  }
0x24f: {  	s23 =	simm.s32 $0xE880;
	[sflag:s6] =	ssyncadd.s32 $0xFFFFFF80  }
0x250: {  	[tilespmem:s23], [sflag:$0x1] =	stream.linear.gather [spmem:s16], $0x80, $0x38;
	[tilespmem:$0xFD80] =	vst v63  }
0x251: {  	_ =	swait.ge [sflag:s6], $0x80  }
0x252: {  	[sflag:s6] =	ssyncset.done $0x0  }
0x253: {  	s24 =	simm.s32 $0xE900;
	[sflag:s6] =	ssyncadd.s32 $0xFFFFFF80  }
0x254: {  	[tilespmem:s24], [sflag:$0x1] =	stream.linear.gather [spmem:s15], $0x80, $0x38;
	[tilespmem:$0xFD80] =	vst v63  }
0x255: {  	_ =	swait.ge [sflag:s6], $0x80  }
0x256: {  	[sflag:s6] =	ssyncset.done $0x0  }
0x257: {  	s25 =	simm.s32 $0xE980;
	[sflag:s6] =	ssyncadd.s32 $0xFFFFFF80  }
0x258: {  	[tilespmem:s25], [sflag:$0x1] =	stream.linear.gather [spmem:s14], $0x80, $0x38;
	[tilespmem:$0xFD80] =	vst v63  }
0x259: {  	_ =	swait.ge [sflag:s6], $0x80  }
0x25a: {  	[sflag:s6] =	ssyncset.done $0x0  }
0x25b: {  	s26 =	simm.s32 $0xEA00;
	[sflag:s6] =	ssyncadd.s32 $0xFFFFFF80  }
0x25c: {  	[tilespmem:s26], [sflag:$0x1] =	stream.linear.gather [spmem:s13], $0x80, $0x38;
	[tilespmem:$0xFD80] =	vst v63  }
0x25d: {  	_ =	swait.ge [sflag:s6], $0x80  }
0x25e: {  	[sflag:s6] =	ssyncset.done $0x0  }
0x25f: {  	s28 =	simm.s32 $0xEA80;
	[sflag:s6] =	ssyncadd.s32 $0xFFFFFF80  }
0x260: {  	[tilespmem:s28], [sflag:$0x1] =	stream.linear.gather [spmem:s12], $0x80, $0x38;
	[tilespmem:$0xFD80] =	vst v63  }
0x261: {  	_ =	swait.ge [sflag:s6], $0x80  }
0x262: {  	[sflag:s6] =	ssyncset.done $0x0  }
0x263: {  	s29 =	simm.s32 $0xEB00;
	[sflag:s6] =	ssyncadd.s32 $0xFFFFFF80  }
0x264: {  	[tilespmem:s29], [sflag:$0x1] =	stream.linear.gather [spmem:s10], $0x80, $0x38;
	[tilespmem:$0xFD80] =	vst v63  }
0x265: {  	_ =	swait.ge [sflag:s6], $0x80  }
0x266: {  	[sflag:s6] =	ssyncset.done $0x0  }
0x267: {  	s30 =	simm.s32 $0xEB80;
	[sflag:s6] =	ssyncadd.s32 $0xFFFFFF80  }
0x268: {  	[tilespmem:s30], [sflag:$0x1] =	stream.linear.gather [spmem:s7], $0x80, $0x38;
	[tilespmem:$0xFD80] =	vst v63  }
0x269: {  	_ =	swait.ge [sflag:s6], $0x80  }
0x26a: {  	[sflag:s6] =	ssyncset.done $0x0  }
0x26b: {  	[sflag:s6] =	ssyncadd.s32 $0xFFFFFF80  }
0x26c: {  	v0 =	vld [tilespmem:$0xE400]  }
0x26d: {  	v1 =	vld [tilespmem:$0xE480]  }
0x26e: {  	v2 =	vld [tilespmem:$0xE500]  }
0x26f: {  	v3 =	vld [tilespmem:$0xE580]  }
0x270: {  	v9 =	vld [tilespmem:$0xE600]  }
0x271: {  	v10 =	vld [tilespmem:$0xE680]  }
0x272: {  	v11 =	vld [tilespmem:$0xE700]  }
0x273: {  	v12 =	vld [tilespmem:$0xE780]  }
0x274: {  	v14 =	vld [tilespmem:$0xE800]  }
0x275: {  	v16 =	vld [tilespmem:$0xE880]  }
0x276: {  	v18 =	vld [tilespmem:$0xE900]  }
0x277: {  	v4 =	vld [tilespmem:$0xE980]  }
0x278: {  	v44 =	vld [tilespmem:$0xEA00]  }
0x279: {  	v45 =	vld [tilespmem:$0xEA80]  }
0x27a: {  	v46 =	vld [tilespmem:$0xEB00]  }
0x27b: {  	v47 =	vld [tilespmem:$0xEB80]  }
0x27c: {  	v5 =	vld [tilespmem:$0xE410]  }
0x27d: {  	v7 =	vld [tilespmem:$0xE490]  }
0x27e: {  	v19 =	vld [tilespmem:$0xE510]  }
0x27f: {  	v20 =	vld [tilespmem:$0xE590]  }
0x280: {  	v21 =	vld [tilespmem:$0xE610]  }
0x281: {  	v22 =	vld [tilespmem:$0xE690]  }
0x282: {  	v23 =	vld [tilespmem:$0xE710]  }
0x283: {  	v24 =	vld [tilespmem:$0xE790]  }
0x284: {  	v25 =	vld [tilespmem:$0xE810]  }
0x285: {  	v26 =	vld [tilespmem:$0xE890]  }
0x286: {  	v27 =	vld [tilespmem:$0xE910]  }
0x287: {  	v28 =	vld [tilespmem:$0xE990]  }
0x288: {  	v29 =	vld [tilespmem:$0xEA10]  }
0x289: {  	v31 =	vld [tilespmem:$0xEA90]  }
0x28a: {  	v48 =	vld [tilespmem:$0xEB10]  }
0x28b: {  	v49 =	vld [tilespmem:$0xEB90]  }
0x28c: {  	v8 =	vld [tilespmem:$0xE420]  }
0x28d: {  	v33 =	vld [tilespmem:$0xE4A0]  }
0x28e: {  	v34 =	vld [tilespmem:$0xE520]  }
0x28f: {  	v35 =	vld [tilespmem:$0xE5A0]  }
0x290: {  	v36 =	vld [tilespmem:$0xE620]  }
0x291: {  	v37 =	vld [tilespmem:$0xE6A0]  }
0x292: {  	v38 =	vld [tilespmem:$0xE720]  }
0x293: {  	v39 =	vld [tilespmem:$0xE7A0]  }
0x294: {  	v40 =	vld [tilespmem:$0xE820]  }
0x295: {  	v41 =	vld [tilespmem:$0xE8A0]  }
0x296: {  	v42 =	vld [tilespmem:$0xE920]  }
0x297: {  	v43 =	vld [tilespmem:$0xE9A0]  }
0x298: {  	v50 =	vld [tilespmem:$0xE530]  }
0x299: {  	v51 =	vld [tilespmem:$0xE5B0]  }
0x29a: {  	v52 =	vld [tilespmem:$0xE630]  }
0x29b: {  	v53 =	vld [tilespmem:$0xE6B0]  }
0x29c: {  	v54 =	vld [tilespmem:$0xE730]  }
0x29d: {  	v55 =	vld [tilespmem:$0xE7B0]  }
0x29e: {  	v56 =	vld [tilespmem:$0xE830]  }
0x29f: {  	v57 =	vld [tilespmem:$0xE8B0]  }
0x2a0: {  	v58 =	vld [tilespmem:$0xE930]  }
0x2a1: {  	v59 =	vld [tilespmem:$0xE9B0]  }
0x2a2: {  	v60 =	vld [tilespmem:$0xEA30]  }
0x2a3: {  	v61 =	vld [tilespmem:$0xEAB0]  }
0x2a4: {  	v62 =	vld [tilespmem:$0xEB30]  }
0x2a5: {  	v63 =	vld [tilespmem:$0xEBB0]  }
0x2a6: {  	v6 =	vld [tilespmem:$0xE440]  }
0x2a7: {  	v13 =	vld [tilespmem:$0xE540]  }
0x2a8: {  	v15 =	vld [tilespmem:$0xE5C0]  }
0x2a9: {  	v17 =	vld [tilespmem:$0xE640]  }
0x2aa: {  	v30 =	vld [tilespmem:$0xE6C0]  }
0x2ab: {  	v32 =	vld [tilespmem:$0xE740]  }
0x2ac: {  	[tilespmem:$0x1FE90] =	vst v44;
	v44 =	vld [tilespmem:$0xEA20]  }
0x2ad: {  	[tilespmem:$0x1FEA0] =	vst v45;
	v45 =	vld [tilespmem:$0xEAA0]  }
0x2ae: {  	[tilespmem:$0x1FEB0] =	vst v46;
	v46 =	vld [tilespmem:$0xEB20]  }
0x2af: {  	[tilespmem:$0x1FED0] =	vst v47;
	v47 =	vld [tilespmem:$0xEBA0]  }
0x2b0: {  	[tilespmem:$0x1FEC0] =	vst v48;
	v48 =	vld [tilespmem:$0xE430]  }
0x2b1: {  	[tilespmem:$0x1FEE0] =	vst v49;
	v49 =	vld [tilespmem:$0xE4B0]  }
0x2b2: {  	[tilespmem:$0x1FE80] =	vst v4;
	v4 =	vld [tilespmem:$0xE4C0]  }
0x2b3: {  	v0 =	vadd.f32 v1, v0;
	v1 =	vld [tilespmem:$0xE7C0]  }
0x2b4: {  	v5 =	vadd.f32 v7, v5;
	v7 =	vld [tilespmem:$0xE840]  }
0x2b5: {  	[tilespmem:$0x1FEF0] =	vst v32;
	v32 =	vld [tilespmem:$0xE9D0]  }
0x2b6: {  	v0 =	vadd.f32 v2, v0;
	v2 =	vadd.f32 v33, v8;
	v8 =	vld [tilespmem:$0xE8C0]  }
0x2b7: {  	v33 =	vadd.f32 v19, v5;
	v19 =	vld [tilespmem:$0xE940]  }
0x2b8: {  	v5 =	vld [tilespmem:$0xE9C0]  }
0x2b9: {  	v0 =	vadd.f32 v3, v0;
	v3 =	vld [tilespmem:$0xEA40]  }
0x2ba: {  	v2 =	vadd.f32 v34, v2;
	v20 =	vadd.f32 v20, v33;
	v33 =	vld [tilespmem:$0xE4D0]  }
0x2bb: {  	v48 =	vadd.f32 v49, v48;
	v49 =	vld [tilespmem:$0x1FEC0]  }
0x2bc: {  	v34 =	vadd.f32 v35, v2;
	v2 =	vld [tilespmem:$0xEAC0]  }
0x2bd: {  	v0 =	vadd.f32 v9, v0;
	v9 =	vld [tilespmem:$0xEB40]  }
0x2be: {  	v35 =	vld [tilespmem:$0xEBD0]  }
0x2bf: {  	v20 =	vadd.f32 v21, v20;
	v50 =	vadd.f32 v50, v48;
	v48 =	vld [tilespmem:$0xE4E0]  }
0x2c0: {  	v10 =	vadd.f32 v10, v0;
	v0 =	vld [tilespmem:$0xEBC0]  }
0x2c1: {  	v4 =	vadd.f32 v4, v6;
	v20 =	vadd.f32 v22, v20;
	v22 =	vld [tilespmem:$0xE450]  }
0x2c2: {  	v36 =	vadd.f32 v36, v34;
	v34 =	vld [tilespmem:$0xEAD0]  }
0x2c3: {  	v4 =	vadd.f32 v13, v4;
	v51 =	vadd.f32 v51, v50;
	v50 =	vld [tilespmem:$0xE470]  }
0x2c4: {  	v20 =	vadd.f32 v23, v20;
	v23 =	vld [tilespmem:$0xE550]  }
0x2c5: {  	v4 =	vadd.f32 v15, v4;
	v37 =	vadd.f32 v37, v36;
	v36 =	vld [tilespmem:$0xE770]  }
0x2c6: {  	v10 =	vadd.f32 v11, v10;
	v21 =	vadd.f32 v52, v51;
	v51 =	vld [tilespmem:$0x1FED0]  }
0x2c7: {  	v52 =	vld [tilespmem:$0xE4F0]  }
0x2c8: {  	v4 =	vadd.f32 v17, v4;
	v10 =	vadd.f32 v12, v10;
	v12 =	vld [tilespmem:$0xE5D0]  }
0x2c9: {  	v11 =	vadd.f32 v38, v37;
	v20 =	vadd.f32 v24, v20;
	v24 =	vld [tilespmem:$0xE650]  }
0x2ca: {  	v37 =	vld [tilespmem:$0xE7E0];
	v21 =	vadd.f32 v53, v21;
	v22 =	vadd.f32 v33, v22  }
0x2cb: {  	v38 =	vld [tilespmem:$0x1FEF0];
	v4 =	vadd.f32 v30, v4;
	v10 =	vadd.f32 v14, v10  }
0x2cc: {  	v53 =	vld [tilespmem:$0x1FEE0];
	v11 =	vadd.f32 v39, v11;
	v20 =	vadd.f32 v25, v20  }
0x2cd: {  	v33 =	vld [tilespmem:$0xE760];
	v21 =	vadd.f32 v54, v21;
	v22 =	vadd.f32 v23, v22  }
0x2ce: {  	v14 =	vld [tilespmem:$0xE6D0];
	v10 =	vadd.f32 v16, v10;
	v11 =	vadd.f32 v40, v11  }
0x2cf: {  	v25 =	vld [tilespmem:$0xE750];
	v20 =	vadd.f32 v26, v20;
	v21 =	vadd.f32 v55, v21  }
0x2d0: {  	v39 =	vld [tilespmem:$0xE7F0];
	v12 =	vadd.f32 v12, v22;
	v4 =	vadd.f32 v38, v4  }
0x2d1: {  	v40 =	vld [tilespmem:$0x1FE80];
	v10 =	vadd.f32 v18, v10;
	v21 =	vadd.f32 v56, v21  }
0x2d2: {  	v54 =	vld [tilespmem:$0xE560];
	v11 =	vadd.f32 v41, v11;
	v20 =	vadd.f32 v27, v20  }
0x2d3: {  	v16 =	vld [tilespmem:$0xE7D0];
	v12 =	vadd.f32 v24, v12;
	v21 =	vadd.f32 v57, v21  }
0x2d4: {  	v41 =	vld [tilespmem:$0x1FE90];
	v1 =	vadd.f32 v1, v4;
	v11 =	vadd.f32 v42, v11  }
0x2d5: {  	v26 =	vld [tilespmem:$0xE850];
	v20 =	vadd.f32 v28, v20;
	v21 =	vadd.f32 v58, v21  }
0x2d6: {  	v10 =	vadd.f32 v40, v10;
	v11 =	vadd.f32 v43, v11;
	v43 =	vld [tilespmem:$0xE460]  }
0x2d7: {  	v55 =	vld [tilespmem:$0xE570];
	v12 =	vadd.f32 v14, v12;
	v21 =	vadd.f32 v59, v21  }
0x2d8: {  	v18 =	vld [tilespmem:$0xE8D0];
	v1 =	vadd.f32 v7, v1;
	v20 =	vadd.f32 v29, v20  }
0x2d9: {  	v56 =	vld [tilespmem:$0xE5E0];
	v10 =	vadd.f32 v41, v10;
	v21 =	vadd.f32 v60, v21  }
0x2da: {  	v42 =	vld [tilespmem:$0x1FEA0];
	v12 =	vadd.f32 v25, v12;
	v1 =	vadd.f32 v8, v1  }
0x2db: {  	v58 =	vld [tilespmem:$0xE5F0];
	v57 =	vadd.f32 v48, v43;
	v21 =	vadd.f32 v61, v21  }
0x2dc: {  	v11 =	vadd.f32 v44, v11;
	v59 =	vadd.f32 v52, v50;
	v60 =	vld [tilespmem:$0xE660]  }
0x2dd: {  	v13 =	vadd.f32 v54, v57;
	v61 =	vld [tilespmem:$0xE670];
	v21 =	vadd.f32 v62, v21  }
0x2de: {  	v20 =	vadd.f32 v31, v20;
	v6 =	vadd.f32 v55, v59;
	v62 =	vld [tilespmem:$0xE6E0]  }
0x2df: {  	v13 =	vadd.f32 v56, v13;
	v21 =	vadd.f32 v63, v21;
	v63 =	vld [tilespmem:$0xE6F0]  }
0x2e0: {  	v27 =	vld [tilespmem:$0xE950];
	v10 =	vadd.f32 v42, v10;
	v6 =	vadd.f32 v58, v6  }
0x2e1: {  	v28 =	vld [tilespmem:$0xEA50];
	v12 =	vadd.f32 v16, v12;
	v13 =	vadd.f32 v60, v13  }
0x2e2: {  	v44 =	vld [tilespmem:$0x1FEB0];
	v1 =	vadd.f32 v19, v1;
	v6 =	vadd.f32 v61, v6  }
0x2e3: {  	v40 =	vld [tilespmem:$0xE860];
	v11 =	vadd.f32 v45, v11;
	v13 =	vadd.f32 v62, v13  }
0x2e4: {  	v29 =	vld [tilespmem:$0xEB50];
	v20 =	vadd.f32 v49, v20;
	v6 =	vadd.f32 v63, v6  }
0x2e5: {  	v42 =	vld [tilespmem:$0xE870];
	v12 =	vadd.f32 v26, v12;
	v41 =	vadd.f32 v33, v13  }
0x2e6: {  	v43 =	vld [tilespmem:$0xE8E0];
	v1 =	vadd.f32 v5, v1;
	v6 =	vadd.f32 v36, v6  }
0x2e7: {  	v10 =	vadd.f32 v44, v10;
	v44 =	vld [tilespmem:$0xE8F0];
	v4 =	vadd.f32 v37, v41  }
0x2e8: {  	v45 =	vld [tilespmem:$0xE960];
	v11 =	vadd.f32 v46, v11;
	v6 =	vadd.f32 v39, v6  }
0x2e9: {  	v46 =	vld [tilespmem:$0xE970];
	v12 =	vadd.f32 v18, v12;
	v4 =	vadd.f32 v40, v4  }
0x2ea: {  	v11 =	vadd.f32 v47, v11;
	v47 =	vld [tilespmem:$0xE9E0];
	v6 =	vadd.f32 v42, v6  }
0x2eb: {  	v48 =	vld [tilespmem:$0xE9F0];
	v20 =	vadd.f32 v53, v20;
	v4 =	vadd.f32 v43, v4  }
0x2ec: {  	v49 =	vld [tilespmem:$0xEA60];
	v12 =	vadd.f32 v27, v12;
	v6 =	vadd.f32 v44, v6  }
0x2ed: {  	v50 =	vld [tilespmem:$0xEA70];
	v10 =	vadd.f32 v51, v10;
	v4 =	vadd.f32 v45, v4  }
0x2ee: {  	v51 =	vld [tilespmem:$0xEAE0];
	v12 =	vadd.f32 v32, v12;
	v6 =	vadd.f32 v46, v6  }
0x2ef: {  	v53 =	vld [tilespmem:$0xEAF0];
	v1 =	vadd.f32 v3, v1;
	v52 =	vadd.f32 v47, v4  }
0x2f0: {  	v54 =	vld [tilespmem:$0xEB60];
	v12 =	vadd.f32 v28, v12;
	v6 =	vadd.f32 v48, v6  }
0x2f1: {  	v1 =	vadd.f32 v2, v1;
	v56 =	vld [tilespmem:$0xEB70];
	v55 =	vadd.f32 v49, v52  }
0x2f2: {  	v58 =	vld [tilespmem:$0xEBE0];
	v57 =	vadd.f32 v34, v12;
	v5 =	vadd.f32 v50, v6  }
0x2f3: {  	v59 =	vld [tilespmem:$0xEBF0];
	[tilespmem:$0xEC10] =	vst v20;
	v1 =	vadd.f32 v9, v1;
	v2 =	vadd.f32 v51, v55  }
0x2f4: {  	[tilespmem:$0xEC20] =	vst v11;
	v7 =	vadd.f32 v29, v57;
	v4 =	vadd.f32 v53, v5  }
0x2f5: {  	[tilespmem:$0xEC00] =	vst v10;
	v0 =	vadd.f32 v0, v1;
	v60 =	vadd.f32 v54, v2  }
0x2f6: {  	[tilespmem:$0xEC30] =	vst v21;
	v61 =	vadd.f32 v35, v7;
	v3 =	vadd.f32 v56, v4  }
0x2f7: {  	[tilespmem:$0xEC40] =	vst v0;
	v62 =	vadd.f32 v58, v60  }
0x2f8: {  	[tilespmem:$0xEC50] =	vst v61;
	v63 =	vadd.f32 v59, v3  }
0x2f9: {  	[tilespmem:$0xEC60] =	vst v62  }
0x2fa: {  	s31 =	simm.s32 $0xEC00;
	[tilespmem:$0xEC70] =	vst v63  }
0x2fb: {  	[spmem:s5] =	stream.linear.scatter [tilespmem:s31], [sflag:$0x1], $0x80, $0x38;
	[tilespmem:$0xFD80] =	vst v63  }
0x2fc: {  	_ =	swait.ge [sflag:s6], $0x80  }
0x2fd: {  	[sflag:s6] =	ssyncset.done $0x0  }
0x2fe: {  	[sflag:s6] =	ssyncadd.s32 $0xFFFFFF80  }
.LBB2_11:
0x2ff: {  	[bflag:$0x0] =	sbarrier.arrive $0xFFFF;
	s5 =	simm.s32 $0xAF00  }
0x300: {  	[tilespmem:s5], [sflag:$0x1] =	stream.linear.gather [spmem:s2], $0x400, $0x38;
	[tilespmem:$0xFD80] =	vst v63  }
0x301: {  	_ =	swait.ge [sflag:s6], $0x400  }
0x302: {  	[sflag:s6] =	ssyncset.done $0x0  }
0x303: {  	s2 =	simm.s32 $0x0;
	[sflag:s6] =	ssyncadd.s32 $0xFFFFFC00  }
0x304: {  	v0 =	vld [tilespmem:s2+$0x6200];
	_ =	sdelay $0x6  }
0x305: {  	s6 =	simm.s32 $0xAB00  }
0x306: {  	v1 =	vld.idx.msk [tilespmem:v0+s6+$0x0], $0xffff;
	_ =	sdelay $0x3  }
0x307: {  	s7 =	simm.s32 $0xA300  }
0x308: {  	v2 =	vld.idx.msk [tilespmem:v0+s7+$0x0], $0xffff;
	v1 =	vmax.f32 v1, $1.000000000e+00  }
0x309: {  	(erf) = vrcp.f32 v1;
	_ =	sdelay $0x3  }
0x30a: {  	(erf) = vrcp.f32 v2  }
0x30b: {  	v0 =	vld.idx.msk [tilespmem:v0+s5+$0x0], $0xffff;
	_ =	sdelay $0x2  }
0x30c: {  	v3 =	vld [tilespmem:s2+$0x7A80]  }
0x30d: {  	s8 =	simm.s32 $0x10;
	v2 =	vld [tilespmem:s2+$0x1880];
	v1 =	vpop (erf)  }
0x30e: {  	v4 =	vmul.f32 v1, v0;
	v1 =	vld [tilespmem:s8+$0x6200];
	_ =	sdelay $0x2  }
0x30f: {  	v5 =	vpop (erf)  }
0x310: {  	v2 =	vmul.f32 v2, v5  }
0x311: {  	s9 =	simm.s32 $0x80;
	v0 =	vimm.f32 $0.0e+00;
	vm0 =	vge.f32 v3, v4  }
.LBB2_12:
0x312: {  	p0 =	sne.s32 s9, $0x61C0;
	[tilespmem:s2+$0xB300] =	vst v2;
	v2 =	vsel vm0, $0x3F800000, v0;
	s10 =	smov.u32 s9;
	s9 =	sadd.s32 $0x40, s9  }
0x313: {  	[tilespmem:s2+$0xCB80] =	vst v2;
	s2 =	smov.u32 s8  }
0x314: {  	v2 =	vld.idx.msk [tilespmem:v1+s6+$0x0], $0xffff;
	_ =	sdelay $0x1  }
0x315: {  	v3 =	vld.idx.msk [tilespmem:v1+s7+$0x0], $0xffff;
	_ =	sdelay $0x3  }
0x316: {  	v2 =	vmax.f32 v2, $1.000000000e+00  }
0x317: {  	(erf) = vrcp.f32 v2  }
0x318: {  	(erf) = vrcp.f32 v3;
	_ =	sdelay $0x2  }
0x319: {  	v2 =	vld.idx.msk [tilespmem:v1+s5+$0x0], $0xffff  }
0x31a: {  	s8 =	sshra.s32 s10, $0x2;
	v3 =	vld [tilespmem:s2+$0x1880]  }
0x31b: {  	v1 =	vld [tilespmem:s8+$0x6200]  }
0x31c: {  	v4 =	vld [tilespmem:s2+$0x7A80]  }
.Ltmp6:
0x31d: {  	(pc) =	sbr.rel @p0 .LBB2_12-.Ltmp6, $4  }
0x31e: {  	v5 =	vpop (erf)  }
0x31f: {  	v5 =	vmul.f32 v5, v2;
	v2 =	vpop (erf)  }
0x320: {  	v2 =	vmul.f32 v3, v2  }
0x321: {  	vm0 =	vge.f32 v4, v5  }
0x322: {  	_ =	sdelay $0x1  }
0x323: {  	[tilespmem:s2+$0xB300] =	vst v2;
	v58 =	vsel vm0, $0x3F800000, v0  }
0x324: {  	[tilespmem:s2+$0xCB80] =	vst v58  }
0x325: {  	v2 =	vld.idx.msk [tilespmem:v1+s6+$0x0], $0xffff;
	_ =	sdelay $0x1  }
0x326: {  	v3 =	vld.idx.msk [tilespmem:v1+s7+$0x0], $0xffff;
	_ =	sdelay $0x2  }
0x327: {  	v2 =	vmax.f32 v2, $1.000000000e+00  }
0x328: {  	(erf) = vrcp.f32 v2  }
0x329: {  	(erf) = vrcp.f32 v3;
	_ =	sdelay $0x3  }
0x32a: {  	v59 =	vld.idx.msk [tilespmem:v1+s5+$0x0], $0xffff  }
0x32b: {  	v60 =	vld [tilespmem:s8+$0x1880]  }
0x32c: {  	v61 =	vld [tilespmem:s8+$0x7A80];
	_ =	sdelay $0x1  }
0x32d: {  	v4 =	vpop (erf)  }
0x32e: {  	v1 =	vmul.f32 v4, v59;
	v62 =	vpop (erf)  }
0x32f: {  	v2 =	vmul.f32 v60, v62  }
0x330: {  	vm15 =	vge.f32 v61, v1  }
0x331: {  	[tilespmem:s8+$0xB300] =	vst v2;
	v63 =	vsel vm15, $0x3F800000, v0  }
0x332: {  	s28 =	simm.s32 $0x0;
	s29 =	simm.s32 $0xB300;
	s30 =	simm.s32 $0x1;
	[tilespmem:s8+$0xCB80] =	vst v63  }
0x333: {  	[hbm4b:s3+s28] =	stream.linear.scatter [tilespmem:s29], [sflag:$0x1], $0x1880, $0x38;
	[tilespmem:$0xFD80] =	vst v63  }
0x334: {  	_ =	swait.ge [sflag:s30], $0x1880  }
0x335: {  	[sflag:s30] =	ssyncset.done $0x0  }
0x336: {  	s31 =	simm.s32 $0xCB80;
	[sflag:s30] =	ssyncadd.s32 $0xFFFFE780  }
0x337: {  	[hbm4b:s4+s28] =	stream.linear.scatter [tilespmem:s31], [sflag:$0x1], $0x1880, $0x38;
	[tilespmem:$0xFD80] =	vst v63  }
0x338: {  	_ =	swait.ge [sflag:s30], $0x1880  }
0x339: {  	[sflag:s30] =	ssyncset.done $0x0  }
0x33a: {  	[sflag:s30] =	ssyncadd.s32 $0xFFFFE780  }
0x33b: {  	_ =	sfence.sel $0x180000  }
0x33c: {  	[bflag:$0x0] =	sbarrier.arrive $0xFFFF  }
0x33d: {  	p0 =	sne.s32 s0, $0x0;
	_ =	strace $0x90000047  }
0x33e: {  	s0 =	sadd.s32 @!p0 $0x100000, s1;
	[bflag:$0x2] =	sbarrier.arrive $0xFFFF  }
0x33f: {  	[sflag:s0] =	ssyncadd.tile.s32 @!p0 $0x1;
	_ =	shalt  }
.Lfunc_end2:
_tile_overlayer_lowered:
.L_overlay_start_2:
0x340: {  	(tag) =	ssettag $0x2  }
0x341: {  	s0 =	rddreg [dreg:$0x0];
	s2 =	stileid.u32  }
0x342: {  	s1 =	rddreg [dreg:$0x1];
	p0 =	sne.s32 s2, $0x0  }
0x343: {  	s3 =	rddreg [dreg:$0x2];
	[bflag:$0x3] =	sbarrier.arrive $0xFFFF;
	s2 =	simm.s32 @!p0 $0x1C01  }
0x344: {  	[timem:s3], [sflag:s2] =	dma.local @!p0 [hbm:s0], s1  }
0x345: {  	s0 =	simm.s32 @!p0 $0x1  }
0x346: {  	_ =	swait.ge @!p0 [sflag:s0], s1  }
0x347: {  	s1 =	ssub.s32 @!p0 $0x0, s1;
	[sflag:s0] =	ssyncset.done @!p0 $0x0  }
0x348: {  	[sflag:s0] =	ssyncadd.s32 @!p0 s1  }
0x349: {  	[bflag:$0x3] =	sbarrier.arrive $0xFFFF  }
0x34a: {  	_ =	shalt  }

</sc_bundles>
